<compile_context>
chip_gen: v7x
topology: tpu7x:2x2x1
jax: 0.10.2.dev20260603
libtpu: 0.0.44.dev20260713+nightly
codegen_flags: <defaults>
</compile_context>

<pallas_src>
import functools

import jax
import jax.numpy as jnp
from jax import lax
from jax.experimental import pallas as pl
from jax.experimental.pallas import tpu as pltpu
from jax.experimental.pallas import tpu_sc as plsc

_TN = 1024
_NC, _NS, _L = 2, 16, 16
_NW = _NC * _NS
_T_SC = 1024
_GRP = 2



def _tc_router_kernel(x_ref, w_ref, b_ref, vals_ref, idx_ref):
    x = x_ref[...]
    w = w_ref[...]
    b = b_ref[...]
    logits = jax.lax.dot_general(
        w, x, (((1,), (1,)), ((), ())),
        preferred_element_type=jnp.float32) + b
    m1 = jnp.max(logits, axis=0, keepdims=True)
    e16 = jax.lax.broadcasted_iota(jnp.int32, logits.shape, 0)
    i1 = jnp.min(jnp.where(logits == m1, e16, 16), axis=0, keepdims=True)
    masked = jnp.where(e16 == i1, -jnp.inf, logits)
    m2 = jnp.max(masked, axis=0, keepdims=True)
    i2 = jnp.min(jnp.where(masked == m2, e16, 16), axis=0, keepdims=True)
    s = jnp.sum(jnp.exp(logits - m1), axis=0, keepdims=True)
    vals_ref[...] = jnp.concatenate([1.0 / s, jnp.exp(m2 - m1) / s], axis=0)
    idx_ref[...] = jnp.concatenate([i1, i2], axis=0)


def _tc_route(x, W, b, n_tc):
    d_model = x.shape[1]
    n_experts = W.shape[0]
    return pl.pallas_call(
        _tc_router_kernel,
        grid=(n_tc // _TN,),
        in_specs=[
            pl.BlockSpec((_TN, d_model), lambda i: (i, 0)),
            pl.BlockSpec((n_experts, d_model), lambda i: (0, 0)),
            pl.BlockSpec((n_experts, 1), lambda i: (0, 0)),
        ],
        out_specs=[
            pl.BlockSpec((2, _TN), lambda i: (0, i)),
            pl.BlockSpec((2, _TN), lambda i: (0, i)),
        ],
        out_shape=[
            jax.ShapeDtypeStruct((2, n_tc), jnp.float32),
            jax.ShapeDtypeStruct((2, n_tc), jnp.int32),
        ],
    )(x, W, b.reshape(n_experts, 1))



def _round_bf16(v):
    u = plsc.bitcast(v, jnp.uint32)
    r = (u + jnp.uint32(0x7FFF) + ((u >> 16) & jnp.uint32(1))) \
        & jnp.uint32(0xFFFF0000)
    return plsc.bitcast(r, jnp.float32)


def _top2_write(ls, valv, idxv, sl):
    m1 = functools.reduce(jnp.maximum, ls)
    i1 = jnp.zeros((16,), jnp.int32)
    for e in range(15, -1, -1):
        i1 = jnp.where(ls[e] == m1, e, i1)
    neg_inf = jnp.full((16,), -jnp.inf, jnp.float32)
    l2 = [jnp.where(i1 == e, neg_inf, ls[e]) for e in range(16)]
    m2 = functools.reduce(jnp.maximum, l2)
    i2 = jnp.zeros((16,), jnp.int32)
    for e in range(15, -1, -1):
        i2 = jnp.where(l2[e] == m2, e, i2)
    s = None
    for e in range(16):
        t = jnp.exp(ls[e] - m1)
        s = t if s is None else s + t
    valv[0, sl] = 1.0 / s
    valv[1, sl] = jnp.exp(m2 - m1) / s
    idxv[0, sl] = i1
    idxv[1, sl] = i2


_UNROLL = 8


def _sc_router(x_hbm, w_hbm, b_hbm, vals_hbm, idx_hbm,
               xs, wvm, bv, valv, idxv, sem):
    n_tc = x_hbm.shape[0] - _T_SC
    d_model = x_hbm.shape[1]
    tpt = _T_SC // _NW
    wid = lax.axis_index("s") * _NC + lax.axis_index("c")
    base = n_tc + wid * tpt

    c1 = pltpu.async_copy(x_hbm.at[pl.ds(base, tpt)], xs, sem)
    c2 = pltpu.async_copy(w_hbm, wvm, sem)
    c3 = pltpu.async_copy(b_hbm, bv, sem)
    c1.wait(); c2.wait(); c3.wait()

    lane = lax.iota(jnp.int32, 16)
    bvec = bv[...]
    n_blk = tpt // (_GRP * _L)
    for blk in range(n_blk):
        tok0 = blk * _GRP * _L
        accs = []
        for grp in range(_GRP):
            accs.extend(jnp.full((16,), bvec[e]) for e in range(16))
        tokidx = [lane + (tok0 + grp * _L) for grp in range(_GRP)]

        def body(i, carry, tokidx=tokidx):
            dsplat = carry[0]
            accs = list(carry[1:])
            for _ in range(_UNROLL):
                wv = _round_bf16(plsc.load_gather(wvm, [lane, dsplat]))
                xcols = [
                    _round_bf16(plsc.load_gather(xs, [tokidx[g], dsplat]))
                    for g in range(_GRP)
                ]
                for e in range(16):
                    ws = jnp.full((16,), wv[e])
                    for g in range(_GRP):
                        accs[g * 16 + e] = accs[g * 16 + e] + xcols[g] * ws
                dsplat = dsplat + 1
            return (dsplat, *accs)

        carry = lax.fori_loop(
            0, d_model // _UNROLL, body,
            (jnp.zeros((16,), jnp.int32), *accs))
        accs = list(carry[1:])
        for grp in range(_GRP):
            ls = [accs[grp * 16 + e] for e in range(16)]
            _top2_write(ls, valv, idxv, pl.ds(tok0 + grp * _L, _L))

    tok = pl.ds(wid * tpt, tpt)
    pltpu.sync_copy(valv.at[0], vals_hbm.at[0, tok])
    pltpu.sync_copy(valv.at[1], vals_hbm.at[1, tok])
    pltpu.sync_copy(idxv.at[0], idx_hbm.at[0, tok])
    pltpu.sync_copy(idxv.at[1], idx_hbm.at[1, tok])


def _sc_route(x, W, b):
    d_model = x.shape[1]
    tpt = _T_SC // _NW
    mesh = plsc.VectorSubcoreMesh(
        core_axis_name="c", subcore_axis_name="s",
        num_cores=_NC, num_subcores=_NS)
    return pl.kernel(
        _sc_router,
        out_type=[
            jax.ShapeDtypeStruct((2, _T_SC), jnp.float32),
            jax.ShapeDtypeStruct((2, _T_SC), jnp.int32),
        ],
        mesh=mesh,
        compiler_params=pltpu.CompilerParams(
            use_tc_tiling_on_sc=False, needs_layout_passes=False),
        scratch_types=[
            pltpu.VMEM((tpt, d_model), jnp.float32),
            pltpu.VMEM((16, d_model), jnp.float32),
            pltpu.VMEM((16,), jnp.float32),
            pltpu.VMEM((2, tpt), jnp.float32),
            pltpu.VMEM((2, tpt), jnp.int32),
            pltpu.SemaphoreType.DMA,
        ],
    )(x, W, b)


def kernel(x, W, b):
    n_tokens = x.shape[0]
    n_tc = n_tokens - _T_SC
    vals_tc, idx_tc = _tc_route(x, W, b, n_tc)
    vals_sc, idx_sc = _sc_route(x, W, b)
    vals = jnp.concatenate([vals_tc, vals_sc], axis=1)
    idx = jnp.concatenate([idx_tc, idx_sc], axis=1)
    return (vals.T, idx.T)

# --- scband reference (transcript-rebuilt; emitter-appended) ---
"""Pipeline reference for scband-top2-router-4260607557959 (READ-ONLY COPY).

The authoritative reference and input builder live on the scoring server;
editing this copy changes nothing except your own understanding.
"""

import jax, jax.numpy as jnp
import numpy as np

D_MODEL = 2048
N_EXPERTS = 16
N_TOKENS = 8192

def setup_inputs(seed: int = 0) -> dict:
    key = jax.random.key(seed)
    kx, kw, kb = jax.random.split(key, 3)
    x = jax.random.normal(kx, (N_TOKENS, D_MODEL), dtype=jnp.float32)
    # nn.Linear(d_model, n_experts): weight [n_experts, d_model], bias [n_experts]
    bound = 1.0 / np.sqrt(D_MODEL)
    W = jax.random.uniform(kw, (N_EXPERTS, D_MODEL), dtype=jnp.float32, minval=-bound, maxval=bound)
    b = jax.random.uniform(kb, (N_EXPERTS,), dtype=jnp.float32, minval=-bound, maxval=bound)
    return {"x": x, "W": W, "b": b}

def reference(x, W, b):
    logits = x @ W.T + b
    probs = jax.nn.softmax(logits, axis=-1)
    values, indices = jax.lax.top_k(probs, 2)
    return (values, indices)

if __name__ == "__main__":
    import jax
    _d = setup_inputs()
    print(jax.jit(kernel)(*tuple(_d.values())))

</pallas_src>

<mosaic_0001>
#map = affine_map<(d0, d1) -> (0, 0)>
#map1 = affine_map<(d0, d1) -> (0)>
module attributes {stable_mosaic.version = 14 : i64} {
  func.func @_sc_router(%arg0: i32, %arg1: i32, %arg2: memref<8192x2048xf32, #tpu.memory_space<hbm>>, %arg3: memref<16x2048xf32, #tpu.memory_space<hbm>>, %arg4: memref<16xf32, #tpu.memory_space<hbm>>, %arg5: memref<2x1024xf32, #tpu.memory_space<hbm>>, %arg6: memref<2x1024xi32, #tpu.memory_space<hbm>>, %arg7: memref<32x2048xf32, #tpu.memory_space<vmem>>, %arg8: memref<16x2048xf32, #tpu.memory_space<vmem>>, %arg9: memref<16xf32, #tpu.memory_space<vmem>>, %arg10: memref<2x32xf32, #tpu.memory_space<vmem>>, %arg11: memref<2x32xi32, #tpu.memory_space<vmem>>, %arg12: memref<!tpu.dma_semaphore, #tpu.memory_space<semaphore_mem>>) attributes {dimension_semantics = [#tpu.dimension_semantics<core_parallel>, #tpu.dimension_semantics<subcore_parallel>], iteration_bounds = array<i64: 2, 16>, scalar_prefetch = 0 : i64, scratch_operands = 6 : i64, tpu.core_type = #tpu.core_type<sc_vector_subcore>, window_params = [{transform_indices = #map}, {transform_indices = #map}, {transform_indices = #map1}, {transform_indices = #map}, {transform_indices = #map}]} {
    %mul3A = arith.constant 2 : i32
    %mul3A_0 = arith.muli %arg1, %mul3A : i32
    %add3A = arith.addi %mul3A_0, %arg0 : i32
    %mul3A_1 = arith.constant 32 : i32
    %mul3A_2 = arith.muli %add3A, %mul3A_1 : i32
    %add3A_3 = arith.constant 7168 : i32
    %add3A_4 = arith.addi %add3A_3, %mul3A_2 : i32
    %dma_start3A = arith.constant 0 : i32
    %dma_start3A_5 = tpu.memref_slice %arg2[%add3A_4, %dma_start3A] : memref<8192x2048xf32, #tpu.memory_space<hbm>> -> memref<32x2048xf32, #tpu.memory_space<hbm>>
    %dma_start3A_6 = arith.constant 0 : i32
    %dma_start3A_7 = tpu.memref_slice %arg2[%add3A_4, %dma_start3A_6] : memref<8192x2048xf32, #tpu.memory_space<hbm>> -> memref<32x2048xf32, #tpu.memory_space<hbm>>
    tpu.enqueue_dma source(%dma_start3A_7 : memref<32x2048xf32, #tpu.memory_space<hbm>>) target(%arg7 : memref<32x2048xf32, #tpu.memory_space<vmem>>) target_semaphore(%arg12 : memref<!tpu.dma_semaphore, #tpu.memory_space<semaphore_mem>>)
    tpu.enqueue_dma source(%arg3 : memref<16x2048xf32, #tpu.memory_space<hbm>>) target(%arg8 : memref<16x2048xf32, #tpu.memory_space<vmem>>) target_semaphore(%arg12 : memref<!tpu.dma_semaphore, #tpu.memory_space<semaphore_mem>>)
    tpu.enqueue_dma source(%arg4 : memref<16xf32, #tpu.memory_space<hbm>>) target(%arg9 : memref<16xf32, #tpu.memory_space<vmem>>) target_semaphore(%arg12 : memref<!tpu.dma_semaphore, #tpu.memory_space<semaphore_mem>>)
    %dma_wait3A = arith.constant 0 : i32
    %dma_wait3A_8 = tpu.memref_slice %arg2[%add3A_4, %dma_wait3A] : memref<8192x2048xf32, #tpu.memory_space<hbm>> -> memref<32x2048xf32, #tpu.memory_space<hbm>>
    %dma_wait3A_9 = arith.constant 0 : i32
    %dma_wait3A_10 = tpu.memref_slice %arg2[%add3A_4, %dma_wait3A_9] : memref<8192x2048xf32, #tpu.memory_space<hbm>> -> memref<32x2048xf32, #tpu.memory_space<hbm>>
    tpu.wait_dma2 semaphore(%arg12 : memref<!tpu.dma_semaphore, #tpu.memory_space<semaphore_mem>>) src(%dma_wait3A_10 : memref<32x2048xf32, #tpu.memory_space<hbm>>) dst(%arg7 : memref<32x2048xf32, #tpu.memory_space<vmem>>)
    tpu.wait_dma2 semaphore(%arg12 : memref<!tpu.dma_semaphore, #tpu.memory_space<semaphore_mem>>) src(%arg3 : memref<16x2048xf32, #tpu.memory_space<hbm>>) dst(%arg8 : memref<16x2048xf32, #tpu.memory_space<vmem>>)
    tpu.wait_dma2 semaphore(%arg12 : memref<!tpu.dma_semaphore, #tpu.memory_space<semaphore_mem>>) src(%arg4 : memref<16xf32, #tpu.memory_space<hbm>>) dst(%arg9 : memref<16xf32, #tpu.memory_space<vmem>>)
    %iota3A = tpu.iota {dimensions = array<i32: 0>} : vector<16xi32>
    %get3A = arith.constant 0 : index
    %get3A_11 = tpu.vector_load %arg9[%get3A] {strides = array<i32>} : memref<16xf32, #tpu.memory_space<vmem>>, vector<16xf32>,
    %slice3A = vector.extract_strided_slice %get3A_11 {offsets = [0], sizes = [1], strides = [1]} : vector<16xf32> to vector<1xf32>
    %squeeze3A = vector.extract %slice3A[0] : f32 from vector<1xf32>
    %broadcast_in_dim3A = vector.broadcast %squeeze3A : f32 to vector<16xf32>
    %slice3A_12 = vector.extract_strided_slice %get3A_11 {offsets = [1], sizes = [1], strides = [1]} : vector<16xf32> to vector<1xf32>
    %squeeze3A_13 = vector.extract %slice3A_12[0] : f32 from vector<1xf32>
    %broadcast_in_dim3A_14 = vector.broadcast %squeeze3A_13 : f32 to vector<16xf32>
    %slice3A_15 = vector.extract_strided_slice %get3A_11 {offsets = [2], sizes = [1], strides = [1]} : vector<16xf32> to vector<1xf32>
    %squeeze3A_16 = vector.extract %slice3A_15[0] : f32 from vector<1xf32>
    %broadcast_in_dim3A_17 = vector.broadcast %squeeze3A_16 : f32 to vector<16xf32>
    %slice3A_18 = vector.extract_strided_slice %get3A_11 {offsets = [3], sizes = [1], strides = [1]} : vector<16xf32> to vector<1xf32>
    %squeeze3A_19 = vector.extract %slice3A_18[0] : f32 from vector<1xf32>
    %broadcast_in_dim3A_20 = vector.broadcast %squeeze3A_19 : f32 to vector<16xf32>
    %slice3A_21 = vector.extract_strided_slice %get3A_11 {offsets = [4], sizes = [1], strides = [1]} : vector<16xf32> to vector<1xf32>
    %squeeze3A_22 = vector.extract %slice3A_21[0] : f32 from vector<1xf32>
    %broadcast_in_dim3A_23 = vector.broadcast %squeeze3A_22 : f32 to vector<16xf32>
    %slice3A_24 = vector.extract_strided_slice %get3A_11 {offsets = [5], sizes = [1], strides = [1]} : vector<16xf32> to vector<1xf32>
    %squeeze3A_25 = vector.extract %slice3A_24[0] : f32 from vector<1xf32>
    %broadcast_in_dim3A_26 = vector.broadcast %squeeze3A_25 : f32 to vector<16xf32>
    %slice3A_27 = vector.extract_strided_slice %get3A_11 {offsets = [6], sizes = [1], strides = [1]} : vector<16xf32> to vector<1xf32>
    %squeeze3A_28 = vector.extract %slice3A_27[0] : f32 from vector<1xf32>
    %broadcast_in_dim3A_29 = vector.broadcast %squeeze3A_28 : f32 to vector<16xf32>
    %slice3A_30 = vector.extract_strided_slice %get3A_11 {offsets = [7], sizes = [1], strides = [1]} : vector<16xf32> to vector<1xf32>
    %squeeze3A_31 = vector.extract %slice3A_30[0] : f32 from vector<1xf32>
    %broadcast_in_dim3A_32 = vector.broadcast %squeeze3A_31 : f32 to vector<16xf32>
    %slice3A_33 = vector.extract_strided_slice %get3A_11 {offsets = [8], sizes = [1], strides = [1]} : vector<16xf32> to vector<1xf32>
    %squeeze3A_34 = vector.extract %slice3A_33[0] : f32 from vector<1xf32>
    %broadcast_in_dim3A_35 = vector.broadcast %squeeze3A_34 : f32 to vector<16xf32>
    %slice3A_36 = vector.extract_strided_slice %get3A_11 {offsets = [9], sizes = [1], strides = [1]} : vector<16xf32> to vector<1xf32>
    %squeeze3A_37 = vector.extract %slice3A_36[0] : f32 from vector<1xf32>
    %broadcast_in_dim3A_38 = vector.broadcast %squeeze3A_37 : f32 to vector<16xf32>
    %slice3A_39 = vector.extract_strided_slice %get3A_11 {offsets = [10], sizes = [1], strides = [1]} : vector<16xf32> to vector<1xf32>
    %squeeze3A_40 = vector.extract %slice3A_39[0] : f32 from vector<1xf32>
    %broadcast_in_dim3A_41 = vector.broadcast %squeeze3A_40 : f32 to vector<16xf32>
    %slice3A_42 = vector.extract_strided_slice %get3A_11 {offsets = [11], sizes = [1], strides = [1]} : vector<16xf32> to vector<1xf32>
    %squeeze3A_43 = vector.extract %slice3A_42[0] : f32 from vector<1xf32>
    %broadcast_in_dim3A_44 = vector.broadcast %squeeze3A_43 : f32 to vector<16xf32>
    %slice3A_45 = vector.extract_strided_slice %get3A_11 {offsets = [12], sizes = [1], strides = [1]} : vector<16xf32> to vector<1xf32>
    %squeeze3A_46 = vector.extract %slice3A_45[0] : f32 from vector<1xf32>
    %broadcast_in_dim3A_47 = vector.broadcast %squeeze3A_46 : f32 to vector<16xf32>
    %slice3A_48 = vector.extract_strided_slice %get3A_11 {offsets = [13], sizes = [1], strides = [1]} : vector<16xf32> to vector<1xf32>
    %squeeze3A_49 = vector.extract %slice3A_48[0] : f32 from vector<1xf32>
    %broadcast_in_dim3A_50 = vector.broadcast %squeeze3A_49 : f32 to vector<16xf32>
    %slice3A_51 = vector.extract_strided_slice %get3A_11 {offsets = [14], sizes = [1], strides = [1]} : vector<16xf32> to vector<1xf32>
    %squeeze3A_52 = vector.extract %slice3A_51[0] : f32 from vector<1xf32>
    %broadcast_in_dim3A_53 = vector.broadcast %squeeze3A_52 : f32 to vector<16xf32>
    %slice3A_54 = vector.extract_strided_slice %get3A_11 {offsets = [15], sizes = [1], strides = [1]} : vector<16xf32> to vector<1xf32>
    %squeeze3A_55 = vector.extract %slice3A_54[0] : f32 from vector<1xf32>
    %broadcast_in_dim3A_56 = vector.broadcast %squeeze3A_55 : f32 to vector<16xf32>
    %slice3A_57 = vector.extract_strided_slice %get3A_11 {offsets = [0], sizes = [1], strides = [1]} : vector<16xf32> to vector<1xf32>
    %squeeze3A_58 = vector.extract %slice3A_57[0] : f32 from vector<1xf32>
    %broadcast_in_dim3A_59 = vector.broadcast %squeeze3A_58 : f32 to vector<16xf32>
    %slice3A_60 = vector.extract_strided_slice %get3A_11 {offsets = [1], sizes = [1], strides = [1]} : vector<16xf32> to vector<1xf32>
    %squeeze3A_61 = vector.extract %slice3A_60[0] : f32 from vector<1xf32>
    %broadcast_in_dim3A_62 = vector.broadcast %squeeze3A_61 : f32 to vector<16xf32>
    %slice3A_63 = vector.extract_strided_slice %get3A_11 {offsets = [2], sizes = [1], strides = [1]} : vector<16xf32> to vector<1xf32>
    %squeeze3A_64 = vector.extract %slice3A_63[0] : f32 from vector<1xf32>
    %broadcast_in_dim3A_65 = vector.broadcast %squeeze3A_64 : f32 to vector<16xf32>
    %slice3A_66 = vector.extract_strided_slice %get3A_11 {offsets = [3], sizes = [1], strides = [1]} : vector<16xf32> to vector<1xf32>
    %squeeze3A_67 = vector.extract %slice3A_66[0] : f32 from vector<1xf32>
    %broadcast_in_dim3A_68 = vector.broadcast %squeeze3A_67 : f32 to vector<16xf32>
    %slice3A_69 = vector.extract_strided_slice %get3A_11 {offsets = [4], sizes = [1], strides = [1]} : vector<16xf32> to vector<1xf32>
    %squeeze3A_70 = vector.extract %slice3A_69[0] : f32 from vector<1xf32>
    %broadcast_in_dim3A_71 = vector.broadcast %squeeze3A_70 : f32 to vector<16xf32>
    %slice3A_72 = vector.extract_strided_slice %get3A_11 {offsets = [5], sizes = [1], strides = [1]} : vector<16xf32> to vector<1xf32>
    %squeeze3A_73 = vector.extract %slice3A_72[0] : f32 from vector<1xf32>
    %broadcast_in_dim3A_74 = vector.broadcast %squeeze3A_73 : f32 to vector<16xf32>
    %slice3A_75 = vector.extract_strided_slice %get3A_11 {offsets = [6], sizes = [1], strides = [1]} : vector<16xf32> to vector<1xf32>
    %squeeze3A_76 = vector.extract %slice3A_75[0] : f32 from vector<1xf32>
    %broadcast_in_dim3A_77 = vector.broadcast %squeeze3A_76 : f32 to vector<16xf32>
    %slice3A_78 = vector.extract_strided_slice %get3A_11 {offsets = [7], sizes = [1], strides = [1]} : vector<16xf32> to vector<1xf32>
    %squeeze3A_79 = vector.extract %slice3A_78[0] : f32 from vector<1xf32>
    %broadcast_in_dim3A_80 = vector.broadcast %squeeze3A_79 : f32 to vector<16xf32>
    %slice3A_81 = vector.extract_strided_slice %get3A_11 {offsets = [8], sizes = [1], strides = [1]} : vector<16xf32> to vector<1xf32>
    %squeeze3A_82 = vector.extract %slice3A_81[0] : f32 from vector<1xf32>
    %broadcast_in_dim3A_83 = vector.broadcast %squeeze3A_82 : f32 to vector<16xf32>
    %slice3A_84 = vector.extract_strided_slice %get3A_11 {offsets = [9], sizes = [1], strides = [1]} : vector<16xf32> to vector<1xf32>
    %squeeze3A_85 = vector.extract %slice3A_84[0] : f32 from vector<1xf32>
    %broadcast_in_dim3A_86 = vector.broadcast %squeeze3A_85 : f32 to vector<16xf32>
    %slice3A_87 = vector.extract_strided_slice %get3A_11 {offsets = [10], sizes = [1], strides = [1]} : vector<16xf32> to vector<1xf32>
    %squeeze3A_88 = vector.extract %slice3A_87[0] : f32 from vector<1xf32>
    %broadcast_in_dim3A_89 = vector.broadcast %squeeze3A_88 : f32 to vector<16xf32>
    %slice3A_90 = vector.extract_strided_slice %get3A_11 {offsets = [11], sizes = [1], strides = [1]} : vector<16xf32> to vector<1xf32>
    %squeeze3A_91 = vector.extract %slice3A_90[0] : f32 from vector<1xf32>
    %broadcast_in_dim3A_92 = vector.broadcast %squeeze3A_91 : f32 to vector<16xf32>
    %slice3A_93 = vector.extract_strided_slice %get3A_11 {offsets = [12], sizes = [1], strides = [1]} : vector<16xf32> to vector<1xf32>
    %squeeze3A_94 = vector.extract %slice3A_93[0] : f32 from vector<1xf32>
    %broadcast_in_dim3A_95 = vector.broadcast %squeeze3A_94 : f32 to vector<16xf32>
    %slice3A_96 = vector.extract_strided_slice %get3A_11 {offsets = [13], sizes = [1], strides = [1]} : vector<16xf32> to vector<1xf32>
    %squeeze3A_97 = vector.extract %slice3A_96[0] : f32 from vector<1xf32>
    %broadcast_in_dim3A_98 = vector.broadcast %squeeze3A_97 : f32 to vector<16xf32>
    %slice3A_99 = vector.extract_strided_slice %get3A_11 {offsets = [14], sizes = [1], strides = [1]} : vector<16xf32> to vector<1xf32>
    %squeeze3A_100 = vector.extract %slice3A_99[0] : f32 from vector<1xf32>
    %broadcast_in_dim3A_101 = vector.broadcast %squeeze3A_100 : f32 to vector<16xf32>
    %slice3A_102 = vector.extract_strided_slice %get3A_11 {offsets = [15], sizes = [1], strides = [1]} : vector<16xf32> to vector<1xf32>
    %squeeze3A_103 = vector.extract %slice3A_102[0] : f32 from vector<1xf32>
    %broadcast_in_dim3A_104 = vector.broadcast %squeeze3A_103 : f32 to vector<16xf32>
    %add3A_105 = arith.constant 0 : i32
    %add3A_106 = vector.broadcast %add3A_105 : i32 to vector<16xi32>
    %add3A_107 = arith.addi %iota3A, %add3A_106 : vector<16xi32>
    %add3A_108 = arith.constant 16 : i32
    %add3A_109 = vector.broadcast %add3A_108 : i32 to vector<16xi32>
    %add3A_110 = arith.addi %iota3A, %add3A_109 : vector<16xi32>
    %broadcast_in_dim3A_111 = arith.constant 0 : i32
    %broadcast_in_dim3A_112 = vector.broadcast %broadcast_in_dim3A_111 : i32 to vector<16xi32>
    %scan3A = arith.constant 0 : i32
    %scan3A_113 = arith.constant 256 : i32
    %scan3A_114 = arith.addi %scan3A, %scan3A_113 : i32
    %scan3A_115 = arith.constant 1 : i32
    %scan3A_116:33 = scf.for %scan3A_713 = %scan3A to %scan3A_114 step %scan3A_115 iter_args(%scan3A_714 = %broadcast_in_dim3A_112, %scan3A_715 = %broadcast_in_dim3A, %scan3A_716 = %broadcast_in_dim3A_14, %scan3A_717 = %broadcast_in_dim3A_17, %scan3A_718 = %broadcast_in_dim3A_20, %scan3A_719 = %broadcast_in_dim3A_23, %scan3A_720 = %broadcast_in_dim3A_26, %scan3A_721 = %broadcast_in_dim3A_29, %scan3A_722 = %broadcast_in_dim3A_32, %scan3A_723 = %broadcast_in_dim3A_35, %scan3A_724 = %broadcast_in_dim3A_38, %scan3A_725 = %broadcast_in_dim3A_41, %scan3A_726 = %broadcast_in_dim3A_44, %scan3A_727 = %broadcast_in_dim3A_47, %scan3A_728 = %broadcast_in_dim3A_50, %scan3A_729 = %broadcast_in_dim3A_53, %scan3A_730 = %broadcast_in_dim3A_56, %scan3A_731 = %broadcast_in_dim3A_59, %scan3A_732 = %broadcast_in_dim3A_62, %scan3A_733 = %broadcast_in_dim3A_65, %scan3A_734 = %broadcast_in_dim3A_68, %scan3A_735 = %broadcast_in_dim3A_71, %scan3A_736 = %broadcast_in_dim3A_74, %scan3A_737 = %broadcast_in_dim3A_77, %scan3A_738 = %broadcast_in_dim3A_80, %scan3A_739 = %broadcast_in_dim3A_83, %scan3A_740 = %broadcast_in_dim3A_86, %scan3A_741 = %broadcast_in_dim3A_89, %scan3A_742 = %broadcast_in_dim3A_92, %scan3A_743 = %broadcast_in_dim3A_95, %scan3A_744 = %broadcast_in_dim3A_98, %scan3A_745 = %broadcast_in_dim3A_101, %scan3A_746 = %broadcast_in_dim3A_104) -> (vector<16xi32>, vector<16xf32>, vector<16xf32>, vector<16xf32>, vector<16xf32>, vector<16xf32>, vector<16xf32>, vector<16xf32>, vector<16xf32>, vector<16xf32>, vector<16xf32>, vector<16xf32>, vector<16xf32>, vector<16xf32>, vector<16xf32>, vector<16xf32>, vector<16xf32>, vector<16xf32>, vector<16xf32>, vector<16xf32>, vector<16xf32>, vector<16xf32>, vector<16xf32>, vector<16xf32>, vector<16xf32>, vector<16xf32>, vector<16xf32>, vector<16xf32>, vector<16xf32>, vector<16xf32>, vector<16xf32>, vector<16xf32>, vector<16xf32>)  : i32 {
      %gather3A = tpu.vector_load_idx %arg8[%iota3A, %scan3A_714] : memref<16x2048xf32, #tpu.memory_space<vmem>>[vector<16xi32>, vector<16xi32>], vector<16xf32>,
      %bitcast3A = vector.bitcast %gather3A : vector<16xf32> to vector<16xi32>
      %add3A_747 = arith.constant 32767 : i32
      %add3A_748 = vector.broadcast %add3A_747 : i32 to vector<16xi32>
      %add3A_749 = arith.addi %bitcast3A, %add3A_748 : vector<16xi32>
      %shift_right_logical3A = arith.constant 16 : i32
      %shift_right_logical3A_750 = vector.broadcast %shift_right_logical3A : i32 to vector<16xi32>
      %shift_right_logical3A_751 = arith.shrui %bitcast3A, %shift_right_logical3A_750 : vector<16xi32>
      %and3A = arith.constant 1 : i32
      %and3A_752 = vector.broadcast %and3A : i32 to vector<16xi32>
      %and3A_753 = arith.andi %shift_right_logical3A_751, %and3A_752 : vector<16xi32>
      %add3A_754 = arith.addi %add3A_749, %and3A_753 : vector<16xi32>
      %and3A_755 = arith.constant -65536 : i32
      %and3A_756 = vector.broadcast %and3A_755 : i32 to vector<16xi32>
      %and3A_757 = arith.andi %add3A_754, %and3A_756 : vector<16xi32>
      %bitcast3A_758 = vector.bitcast %and3A_757 : vector<16xi32> to vector<16xf32>
      %gather3A_759 = tpu.vector_load_idx %arg7[%add3A_107, %scan3A_714] : memref<32x2048xf32, #tpu.memory_space<vmem>>[vector<16xi32>, vector<16xi32>], vector<16xf32>,
      %bitcast3A_760 = vector.bitcast %gather3A_759 : vector<16xf32> to vector<16xi32>
      %add3A_761 = arith.constant 32767 : i32
      %add3A_762 = vector.broadcast %add3A_761 : i32 to vector<16xi32>
      %add3A_763 = arith.addi %bitcast3A_760, %add3A_762 : vector<16xi32>
      %shift_right_logical3A_764 = arith.constant 16 : i32
      %shift_right_logical3A_765 = vector.broadcast %shift_right_logical3A_764 : i32 to vector<16xi32>
      %shift_right_logical3A_766 = arith.shrui %bitcast3A_760, %shift_right_logical3A_765 : vector<16xi32>
      %and3A_767 = arith.constant 1 : i32
      %and3A_768 = vector.broadcast %and3A_767 : i32 to vector<16xi32>
      %and3A_769 = arith.andi %shift_right_logical3A_766, %and3A_768 : vector<16xi32>
      %add3A_770 = arith.addi %add3A_763, %and3A_769 : vector<16xi32>
      %and3A_771 = arith.constant -65536 : i32
      %and3A_772 = vector.broadcast %and3A_771 : i32 to vector<16xi32>
      %and3A_773 = arith.andi %add3A_770, %and3A_772 : vector<16xi32>
      %bitcast3A_774 = vector.bitcast %and3A_773 : vector<16xi32> to vector<16xf32>
      %gather3A_775 = tpu.vector_load_idx %arg7[%add3A_110, %scan3A_714] : memref<32x2048xf32, #tpu.memory_space<vmem>>[vector<16xi32>, vector<16xi32>], vector<16xf32>,
      %bitcast3A_776 = vector.bitcast %gather3A_775 : vector<16xf32> to vector<16xi32>
      %add3A_777 = arith.constant 32767 : i32
      %add3A_778 = vector.broadcast %add3A_777 : i32 to vector<16xi32>
      %add3A_779 = arith.addi %bitcast3A_776, %add3A_778 : vector<16xi32>
      %shift_right_logical3A_780 = arith.constant 16 : i32
      %shift_right_logical3A_781 = vector.broadcast %shift_right_logical3A_780 : i32 to vector<16xi32>
      %shift_right_logical3A_782 = arith.shrui %bitcast3A_776, %shift_right_logical3A_781 : vector<16xi32>
      %and3A_783 = arith.constant 1 : i32
      %and3A_784 = vector.broadcast %and3A_783 : i32 to vector<16xi32>
      %and3A_785 = arith.andi %shift_right_logical3A_782, %and3A_784 : vector<16xi32>
      %add3A_786 = arith.addi %add3A_779, %and3A_785 : vector<16xi32>
      %and3A_787 = arith.constant -65536 : i32
      %and3A_788 = vector.broadcast %and3A_787 : i32 to vector<16xi32>
      %and3A_789 = arith.andi %add3A_786, %and3A_788 : vector<16xi32>
      %bitcast3A_790 = vector.bitcast %and3A_789 : vector<16xi32> to vector<16xf32>
      %slice3A_791 = vector.extract_strided_slice %bitcast3A_758 {offsets = [0], sizes = [1], strides = [1]} : vector<16xf32> to vector<1xf32>
      %squeeze3A_792 = vector.extract %slice3A_791[0] : f32 from vector<1xf32>
      %broadcast_in_dim3A_793 = vector.broadcast %squeeze3A_792 : f32 to vector<16xf32>
      %mul3A_794 = arith.mulf %bitcast3A_774, %broadcast_in_dim3A_793 : vector<16xf32>
      %add3A_795 = arith.addf %scan3A_715, %mul3A_794 : vector<16xf32>
      %mul3A_796 = arith.mulf %bitcast3A_790, %broadcast_in_dim3A_793 : vector<16xf32>
      %add3A_797 = arith.addf %scan3A_731, %mul3A_796 : vector<16xf32>
      %slice3A_798 = vector.extract_strided_slice %bitcast3A_758 {offsets = [1], sizes = [1], strides = [1]} : vector<16xf32> to vector<1xf32>
      %squeeze3A_799 = vector.extract %slice3A_798[0] : f32 from vector<1xf32>
      %broadcast_in_dim3A_800 = vector.broadcast %squeeze3A_799 : f32 to vector<16xf32>
      %mul3A_801 = arith.mulf %bitcast3A_774, %broadcast_in_dim3A_800 : vector<16xf32>
      %add3A_802 = arith.addf %scan3A_716, %mul3A_801 : vector<16xf32>
      %mul3A_803 = arith.mulf %bitcast3A_790, %broadcast_in_dim3A_800 : vector<16xf32>
      %add3A_804 = arith.addf %scan3A_732, %mul3A_803 : vector<16xf32>
      %slice3A_805 = vector.extract_strided_slice %bitcast3A_758 {offsets = [2], sizes = [1], strides = [1]} : vector<16xf32> to vector<1xf32>
      %squeeze3A_806 = vector.extract %slice3A_805[0] : f32 from vector<1xf32>
      %broadcast_in_dim3A_807 = vector.broadcast %squeeze3A_806 : f32 to vector<16xf32>
      %mul3A_808 = arith.mulf %bitcast3A_774, %broadcast_in_dim3A_807 : vector<16xf32>
      %add3A_809 = arith.addf %scan3A_717, %mul3A_808 : vector<16xf32>
      %mul3A_810 = arith.mulf %bitcast3A_790, %broadcast_in_dim3A_807 : vector<16xf32>
      %add3A_811 = arith.addf %scan3A_733, %mul3A_810 : vector<16xf32>
      %slice3A_812 = vector.extract_strided_slice %bitcast3A_758 {offsets = [3], sizes = [1], strides = [1]} : vector<16xf32> to vector<1xf32>
      %squeeze3A_813 = vector.extract %slice3A_812[0] : f32 from vector<1xf32>
      %broadcast_in_dim3A_814 = vector.broadcast %squeeze3A_813 : f32 to vector<16xf32>
      %mul3A_815 = arith.mulf %bitcast3A_774, %broadcast_in_dim3A_814 : vector<16xf32>
      %add3A_816 = arith.addf %scan3A_718, %mul3A_815 : vector<16xf32>
      %mul3A_817 = arith.mulf %bitcast3A_790, %broadcast_in_dim3A_814 : vector<16xf32>
      %add3A_818 = arith.addf %scan3A_734, %mul3A_817 : vector<16xf32>
      %slice3A_819 = vector.extract_strided_slice %bitcast3A_758 {offsets = [4], sizes = [1], strides = [1]} : vector<16xf32> to vector<1xf32>
      %squeeze3A_820 = vector.extract %slice3A_819[0] : f32 from vector<1xf32>
      %broadcast_in_dim3A_821 = vector.broadcast %squeeze3A_820 : f32 to vector<16xf32>
      %mul3A_822 = arith.mulf %bitcast3A_774, %broadcast_in_dim3A_821 : vector<16xf32>
      %add3A_823 = arith.addf %scan3A_719, %mul3A_822 : vector<16xf32>
      %mul3A_824 = arith.mulf %bitcast3A_790, %broadcast_in_dim3A_821 : vector<16xf32>
      %add3A_825 = arith.addf %scan3A_735, %mul3A_824 : vector<16xf32>
      %slice3A_826 = vector.extract_strided_slice %bitcast3A_758 {offsets = [5], sizes = [1], strides = [1]} : vector<16xf32> to vector<1xf32>
      %squeeze3A_827 = vector.extract %slice3A_826[0] : f32 from vector<1xf32>
      %broadcast_in_dim3A_828 = vector.broadcast %squeeze3A_827 : f32 to vector<16xf32>
      %mul3A_829 = arith.mulf %bitcast3A_774, %broadcast_in_dim3A_828 : vector<16xf32>
      %add3A_830 = arith.addf %scan3A_720, %mul3A_829 : vector<16xf32>
      %mul3A_831 = arith.mulf %bitcast3A_790, %broadcast_in_dim3A_828 : vector<16xf32>
      %add3A_832 = arith.addf %scan3A_736, %mul3A_831 : vector<16xf32>
      %slice3A_833 = vector.extract_strided_slice %bitcast3A_758 {offsets = [6], sizes = [1], strides = [1]} : vector<16xf32> to vector<1xf32>
      %squeeze3A_834 = vector.extract %slice3A_833[0] : f32 from vector<1xf32>
      %broadcast_in_dim3A_835 = vector.broadcast %squeeze3A_834 : f32 to vector<16xf32>
      %mul3A_836 = arith.mulf %bitcast3A_774, %broadcast_in_dim3A_835 : vector<16xf32>
      %add3A_837 = arith.addf %scan3A_721, %mul3A_836 : vector<16xf32>
      %mul3A_838 = arith.mulf %bitcast3A_790, %broadcast_in_dim3A_835 : vector<16xf32>
      %add3A_839 = arith.addf %scan3A_737, %mul3A_838 : vector<16xf32>
      %slice3A_840 = vector.extract_strided_slice %bitcast3A_758 {offsets = [7], sizes = [1], strides = [1]} : vector<16xf32> to vector<1xf32>
      %squeeze3A_841 = vector.extract %slice3A_840[0] : f32 from vector<1xf32>
      %broadcast_in_dim3A_842 = vector.broadcast %squeeze3A_841 : f32 to vector<16xf32>
      %mul3A_843 = arith.mulf %bitcast3A_774, %broadcast_in_dim3A_842 : vector<16xf32>
      %add3A_844 = arith.addf %scan3A_722, %mul3A_843 : vector<16xf32>
      %mul3A_845 = arith.mulf %bitcast3A_790, %broadcast_in_dim3A_842 : vector<16xf32>
      %add3A_846 = arith.addf %scan3A_738, %mul3A_845 : vector<16xf32>
      %slice3A_847 = vector.extract_strided_slice %bitcast3A_758 {offsets = [8], sizes = [1], strides = [1]} : vector<16xf32> to vector<1xf32>
      %squeeze3A_848 = vector.extract %slice3A_847[0] : f32 from vector<1xf32>
      %broadcast_in_dim3A_849 = vector.broadcast %squeeze3A_848 : f32 to vector<16xf32>
      %mul3A_850 = arith.mulf %bitcast3A_774, %broadcast_in_dim3A_849 : vector<16xf32>
      %add3A_851 = arith.addf %scan3A_723, %mul3A_850 : vector<16xf32>
      %mul3A_852 = arith.mulf %bitcast3A_790, %broadcast_in_dim3A_849 : vector<16xf32>
      %add3A_853 = arith.addf %scan3A_739, %mul3A_852 : vector<16xf32>
      %slice3A_854 = vector.extract_strided_slice %bitcast3A_758 {offsets = [9], sizes = [1], strides = [1]} : vector<16xf32> to vector<1xf32>
      %squeeze3A_855 = vector.extract %slice3A_854[0] : f32 from vector<1xf32>
      %broadcast_in_dim3A_856 = vector.broadcast %squeeze3A_855 : f32 to vector<16xf32>
      %mul3A_857 = arith.mulf %bitcast3A_774, %broadcast_in_dim3A_856 : vector<16xf32>
      %add3A_858 = arith.addf %scan3A_724, %mul3A_857 : vector<16xf32>
      %mul3A_859 = arith.mulf %bitcast3A_790, %broadcast_in_dim3A_856 : vector<16xf32>
      %add3A_860 = arith.addf %scan3A_740, %mul3A_859 : vector<16xf32>
      %slice3A_861 = vector.extract_strided_slice %bitcast3A_758 {offsets = [10], sizes = [1], strides = [1]} : vector<16xf32> to vector<1xf32>
      %squeeze3A_862 = vector.extract %slice3A_861[0] : f32 from vector<1xf32>
      %broadcast_in_dim3A_863 = vector.broadcast %squeeze3A_862 : f32 to vector<16xf32>
      %mul3A_864 = arith.mulf %bitcast3A_774, %broadcast_in_dim3A_863 : vector<16xf32>
      %add3A_865 = arith.addf %scan3A_725, %mul3A_864 : vector<16xf32>
      %mul3A_866 = arith.mulf %bitcast3A_790, %broadcast_in_dim3A_863 : vector<16xf32>
      %add3A_867 = arith.addf %scan3A_741, %mul3A_866 : vector<16xf32>
      %slice3A_868 = vector.extract_strided_slice %bitcast3A_758 {offsets = [11], sizes = [1], strides = [1]} : vector<16xf32> to vector<1xf32>
      %squeeze3A_869 = vector.extract %slice3A_868[0] : f32 from vector<1xf32>
      %broadcast_in_dim3A_870 = vector.broadcast %squeeze3A_869 : f32 to vector<16xf32>
      %mul3A_871 = arith.mulf %bitcast3A_774, %broadcast_in_dim3A_870 : vector<16xf32>
      %add3A_872 = arith.addf %scan3A_726, %mul3A_871 : vector<16xf32>
      %mul3A_873 = arith.mulf %bitcast3A_790, %broadcast_in_dim3A_870 : vector<16xf32>
      %add3A_874 = arith.addf %scan3A_742, %mul3A_873 : vector<16xf32>
      %slice3A_875 = vector.extract_strided_slice %bitcast3A_758 {offsets = [12], sizes = [1], strides = [1]} : vector<16xf32> to vector<1xf32>
      %squeeze3A_876 = vector.extract %slice3A_875[0] : f32 from vector<1xf32>
      %broadcast_in_dim3A_877 = vector.broadcast %squeeze3A_876 : f32 to vector<16xf32>
      %mul3A_878 = arith.mulf %bitcast3A_774, %broadcast_in_dim3A_877 : vector<16xf32>
      %add3A_879 = arith.addf %scan3A_727, %mul3A_878 : vector<16xf32>
      %mul3A_880 = arith.mulf %bitcast3A_790, %broadcast_in_dim3A_877 : vector<16xf32>
      %add3A_881 = arith.addf %scan3A_743, %mul3A_880 : vector<16xf32>
      %slice3A_882 = vector.extract_strided_slice %bitcast3A_758 {offsets = [13], sizes = [1], strides = [1]} : vector<16xf32> to vector<1xf32>
      %squeeze3A_883 = vector.extract %slice3A_882[0] : f32 from vector<1xf32>
      %broadcast_in_dim3A_884 = vector.broadcast %squeeze3A_883 : f32 to vector<16xf32>
      %mul3A_885 = arith.mulf %bitcast3A_774, %broadcast_in_dim3A_884 : vector<16xf32>
      %add3A_886 = arith.addf %scan3A_728, %mul3A_885 : vector<16xf32>
      %mul3A_887 = arith.mulf %bitcast3A_790, %broadcast_in_dim3A_884 : vector<16xf32>
      %add3A_888 = arith.addf %scan3A_744, %mul3A_887 : vector<16xf32>
      %slice3A_889 = vector.extract_strided_slice %bitcast3A_758 {offsets = [14], sizes = [1], strides = [1]} : vector<16xf32> to vector<1xf32>
      %squeeze3A_890 = vector.extract %slice3A_889[0] : f32 from vector<1xf32>
      %broadcast_in_dim3A_891 = vector.broadcast %squeeze3A_890 : f32 to vector<16xf32>
      %mul3A_892 = arith.mulf %bitcast3A_774, %broadcast_in_dim3A_891 : vector<16xf32>
      %add3A_893 = arith.addf %scan3A_729, %mul3A_892 : vector<16xf32>
      %mul3A_894 = arith.mulf %bitcast3A_790, %broadcast_in_dim3A_891 : vector<16xf32>
      %add3A_895 = arith.addf %scan3A_745, %mul3A_894 : vector<16xf32>
      %slice3A_896 = vector.extract_strided_slice %bitcast3A_758 {offsets = [15], sizes = [1], strides = [1]} : vector<16xf32> to vector<1xf32>
      %squeeze3A_897 = vector.extract %slice3A_896[0] : f32 from vector<1xf32>
      %broadcast_in_dim3A_898 = vector.broadcast %squeeze3A_897 : f32 to vector<16xf32>
      %mul3A_899 = arith.mulf %bitcast3A_774, %broadcast_in_dim3A_898 : vector<16xf32>
      %add3A_900 = arith.addf %scan3A_730, %mul3A_899 : vector<16xf32>
      %mul3A_901 = arith.mulf %bitcast3A_790, %broadcast_in_dim3A_898 : vector<16xf32>
      %add3A_902 = arith.addf %scan3A_746, %mul3A_901 : vector<16xf32>
      %add3A_903 = arith.constant 1 : i32
      %add3A_904 = vector.broadcast %add3A_903 : i32 to vector<16xi32>
      %add3A_905 = arith.addi %scan3A_714, %add3A_904 : vector<16xi32>
      %gather3A_906 = tpu.vector_load_idx %arg8[%iota3A, %add3A_905] : memref<16x2048xf32, #tpu.memory_space<vmem>>[vector<16xi32>, vector<16xi32>], vector<16xf32>,
      %bitcast3A_907 = vector.bitcast %gather3A_906 : vector<16xf32> to vector<16xi32>
      %add3A_908 = arith.constant 32767 : i32
      %add3A_909 = vector.broadcast %add3A_908 : i32 to vector<16xi32>
      %add3A_910 = arith.addi %bitcast3A_907, %add3A_909 : vector<16xi32>
      %shift_right_logical3A_911 = arith.constant 16 : i32
      %shift_right_logical3A_912 = vector.broadcast %shift_right_logical3A_911 : i32 to vector<16xi32>
      %shift_right_logical3A_913 = arith.shrui %bitcast3A_907, %shift_right_logical3A_912 : vector<16xi32>
      %and3A_914 = arith.constant 1 : i32
      %and3A_915 = vector.broadcast %and3A_914 : i32 to vector<16xi32>
      %and3A_916 = arith.andi %shift_right_logical3A_913, %and3A_915 : vector<16xi32>
      %add3A_917 = arith.addi %add3A_910, %and3A_916 : vector<16xi32>
      %and3A_918 = arith.constant -65536 : i32
      %and3A_919 = vector.broadcast %and3A_918 : i32 to vector<16xi32>
      %and3A_920 = arith.andi %add3A_917, %and3A_919 : vector<16xi32>
      %bitcast3A_921 = vector.bitcast %and3A_920 : vector<16xi32> to vector<16xf32>
      %gather3A_922 = tpu.vector_load_idx %arg7[%add3A_107, %add3A_905] : memref<32x2048xf32, #tpu.memory_space<vmem>>[vector<16xi32>, vector<16xi32>], vector<16xf32>,
      %bitcast3A_923 = vector.bitcast %gather3A_922 : vector<16xf32> to vector<16xi32>
      %add3A_924 = arith.constant 32767 : i32
      %add3A_925 = vector.broadcast %add3A_924 : i32 to vector<16xi32>
      %add3A_926 = arith.addi %bitcast3A_923, %add3A_925 : vector<16xi32>
      %shift_right_logical3A_927 = arith.constant 16 : i32
      %shift_right_logical3A_928 = vector.broadcast %shift_right_logical3A_927 : i32 to vector<16xi32>
      %shift_right_logical3A_929 = arith.shrui %bitcast3A_923, %shift_right_logical3A_928 : vector<16xi32>
      %and3A_930 = arith.constant 1 : i32
      %and3A_931 = vector.broadcast %and3A_930 : i32 to vector<16xi32>
      %and3A_932 = arith.andi %shift_right_logical3A_929, %and3A_931 : vector<16xi32>
      %add3A_933 = arith.addi %add3A_926, %and3A_932 : vector<16xi32>
      %and3A_934 = arith.constant -65536 : i32
      %and3A_935 = vector.broadcast %and3A_934 : i32 to vector<16xi32>
      %and3A_936 = arith.andi %add3A_933, %and3A_935 : vector<16xi32>
      %bitcast3A_937 = vector.bitcast %and3A_936 : vector<16xi32> to vector<16xf32>
      %gather3A_938 = tpu.vector_load_idx %arg7[%add3A_110, %add3A_905] : memref<32x2048xf32, #tpu.memory_space<vmem>>[vector<16xi32>, vector<16xi32>], vector<16xf32>,
      %bitcast3A_939 = vector.bitcast %gather3A_938 : vector<16xf32> to vector<16xi32>
      %add3A_940 = arith.constant 32767 : i32
      %add3A_941 = vector.broadcast %add3A_940 : i32 to vector<16xi32>
      %add3A_942 = arith.addi %bitcast3A_939, %add3A_941 : vector<16xi32>
      %shift_right_logical3A_943 = arith.constant 16 : i32
      %shift_right_logical3A_944 = vector.broadcast %shift_right_logical3A_943 : i32 to vector<16xi32>
      %shift_right_logical3A_945 = arith.shrui %bitcast3A_939, %shift_right_logical3A_944 : vector<16xi32>
      %and3A_946 = arith.constant 1 : i32
      %and3A_947 = vector.broadcast %and3A_946 : i32 to vector<16xi32>
      %and3A_948 = arith.andi %shift_right_logical3A_945, %and3A_947 : vector<16xi32>
      %add3A_949 = arith.addi %add3A_942, %and3A_948 : vector<16xi32>
      %and3A_950 = arith.constant -65536 : i32
      %and3A_951 = vector.broadcast %and3A_950 : i32 to vector<16xi32>
      %and3A_952 = arith.andi %add3A_949, %and3A_951 : vector<16xi32>
      %bitcast3A_953 = vector.bitcast %and3A_952 : vector<16xi32> to vector<16xf32>
      %slice3A_954 = vector.extract_strided_slice %bitcast3A_921 {offsets = [0], sizes = [1], strides = [1]} : vector<16xf32> to vector<1xf32>
      %squeeze3A_955 = vector.extract %slice3A_954[0] : f32 from vector<1xf32>
      %broadcast_in_dim3A_956 = vector.broadcast %squeeze3A_955 : f32 to vector<16xf32>
      %mul3A_957 = arith.mulf %bitcast3A_937, %broadcast_in_dim3A_956 : vector<16xf32>
      %add3A_958 = arith.addf %add3A_795, %mul3A_957 : vector<16xf32>
      %mul3A_959 = arith.mulf %bitcast3A_953, %broadcast_in_dim3A_956 : vector<16xf32>
      %add3A_960 = arith.addf %add3A_797, %mul3A_959 : vector<16xf32>
      %slice3A_961 = vector.extract_strided_slice %bitcast3A_921 {offsets = [1], sizes = [1], strides = [1]} : vector<16xf32> to vector<1xf32>
      %squeeze3A_962 = vector.extract %slice3A_961[0] : f32 from vector<1xf32>
      %broadcast_in_dim3A_963 = vector.broadcast %squeeze3A_962 : f32 to vector<16xf32>
      %mul3A_964 = arith.mulf %bitcast3A_937, %broadcast_in_dim3A_963 : vector<16xf32>
      %add3A_965 = arith.addf %add3A_802, %mul3A_964 : vector<16xf32>
      %mul3A_966 = arith.mulf %bitcast3A_953, %broadcast_in_dim3A_963 : vector<16xf32>
      %add3A_967 = arith.addf %add3A_804, %mul3A_966 : vector<16xf32>
      %slice3A_968 = vector.extract_strided_slice %bitcast3A_921 {offsets = [2], sizes = [1], strides = [1]} : vector<16xf32> to vector<1xf32>
      %squeeze3A_969 = vector.extract %slice3A_968[0] : f32 from vector<1xf32>
      %broadcast_in_dim3A_970 = vector.broadcast %squeeze3A_969 : f32 to vector<16xf32>
      %mul3A_971 = arith.mulf %bitcast3A_937, %broadcast_in_dim3A_970 : vector<16xf32>
      %add3A_972 = arith.addf %add3A_809, %mul3A_971 : vector<16xf32>
      %mul3A_973 = arith.mulf %bitcast3A_953, %broadcast_in_dim3A_970 : vector<16xf32>
      %add3A_974 = arith.addf %add3A_811, %mul3A_973 : vector<16xf32>
      %slice3A_975 = vector.extract_strided_slice %bitcast3A_921 {offsets = [3], sizes = [1], strides = [1]} : vector<16xf32> to vector<1xf32>
      %squeeze3A_976 = vector.extract %slice3A_975[0] : f32 from vector<1xf32>
      %broadcast_in_dim3A_977 = vector.broadcast %squeeze3A_976 : f32 to vector<16xf32>
      %mul3A_978 = arith.mulf %bitcast3A_937, %broadcast_in_dim3A_977 : vector<16xf32>
      %add3A_979 = arith.addf %add3A_816, %mul3A_978 : vector<16xf32>
      %mul3A_980 = arith.mulf %bitcast3A_953, %broadcast_in_dim3A_977 : vector<16xf32>
      %add3A_981 = arith.addf %add3A_818, %mul3A_980 : vector<16xf32>
      %slice3A_982 = vector.extract_strided_slice %bitcast3A_921 {offsets = [4], sizes = [1], strides = [1]} : vector<16xf32> to vector<1xf32>
      %squeeze3A_983 = vector.extract %slice3A_982[0] : f32 from vector<1xf32>
      %broadcast_in_dim3A_984 = vector.broadcast %squeeze3A_983 : f32 to vector<16xf32>
      %mul3A_985 = arith.mulf %bitcast3A_937, %broadcast_in_dim3A_984 : vector<16xf32>
      %add3A_986 = arith.addf %add3A_823, %mul3A_985 : vector<16xf32>
      %mul3A_987 = arith.mulf %bitcast3A_953, %broadcast_in_dim3A_984 : vector<16xf32>
      %add3A_988 = arith.addf %add3A_825, %mul3A_987 : vector<16xf32>
      %slice3A_989 = vector.extract_strided_slice %bitcast3A_921 {offsets = [5], sizes = [1], strides = [1]} : vector<16xf32> to vector<1xf32>
      %squeeze3A_990 = vector.extract %slice3A_989[0] : f32 from vector<1xf32>
      %broadcast_in_dim3A_991 = vector.broadcast %squeeze3A_990 : f32 to vector<16xf32>
      %mul3A_992 = arith.mulf %bitcast3A_937, %broadcast_in_dim3A_991 : vector<16xf32>
      %add3A_993 = arith.addf %add3A_830, %mul3A_992 : vector<16xf32>
      %mul3A_994 = arith.mulf %bitcast3A_953, %broadcast_in_dim3A_991 : vector<16xf32>
      %add3A_995 = arith.addf %add3A_832, %mul3A_994 : vector<16xf32>
      %slice3A_996 = vector.extract_strided_slice %bitcast3A_921 {offsets = [6], sizes = [1], strides = [1]} : vector<16xf32> to vector<1xf32>
      %squeeze3A_997 = vector.extract %slice3A_996[0] : f32 from vector<1xf32>
      %broadcast_in_dim3A_998 = vector.broadcast %squeeze3A_997 : f32 to vector<16xf32>
      %mul3A_999 = arith.mulf %bitcast3A_937, %broadcast_in_dim3A_998 : vector<16xf32>
      %add3A_1000 = arith.addf %add3A_837, %mul3A_999 : vector<16xf32>
      %mul3A_1001 = arith.mulf %bitcast3A_953, %broadcast_in_dim3A_998 : vector<16xf32>
      %add3A_1002 = arith.addf %add3A_839, %mul3A_1001 : vector<16xf32>
      %slice3A_1003 = vector.extract_strided_slice %bitcast3A_921 {offsets = [7], sizes = [1], strides = [1]} : vector<16xf32> to vector<1xf32>
      %squeeze3A_1004 = vector.extract %slice3A_1003[0] : f32 from vector<1xf32>
      %broadcast_in_dim3A_1005 = vector.broadcast %squeeze3A_1004 : f32 to vector<16xf32>
      %mul3A_1006 = arith.mulf %bitcast3A_937, %broadcast_in_dim3A_1005 : vector<16xf32>
      %add3A_1007 = arith.addf %add3A_844, %mul3A_1006 : vector<16xf32>
      %mul3A_1008 = arith.mulf %bitcast3A_953, %broadcast_in_dim3A_1005 : vector<16xf32>
      %add3A_1009 = arith.addf %add3A_846, %mul3A_1008 : vector<16xf32>
      %slice3A_1010 = vector.extract_strided_slice %bitcast3A_921 {offsets = [8], sizes = [1], strides = [1]} : vector<16xf32> to vector<1xf32>
      %squeeze3A_1011 = vector.extract %slice3A_1010[0] : f32 from vector<1xf32>
      %broadcast_in_dim3A_1012 = vector.broadcast %squeeze3A_1011 : f32 to vector<16xf32>
      %mul3A_1013 = arith.mulf %bitcast3A_937, %broadcast_in_dim3A_1012 : vector<16xf32>
      %add3A_1014 = arith.addf %add3A_851, %mul3A_1013 : vector<16xf32>
      %mul3A_1015 = arith.mulf %bitcast3A_953, %broadcast_in_dim3A_1012 : vector<16xf32>
      %add3A_1016 = arith.addf %add3A_853, %mul3A_1015 : vector<16xf32>
      %slice3A_1017 = vector.extract_strided_slice %bitcast3A_921 {offsets = [9], sizes = [1], strides = [1]} : vector<16xf32> to vector<1xf32>
      %squeeze3A_1018 = vector.extract %slice3A_1017[0] : f32 from vector<1xf32>
      %broadcast_in_dim3A_1019 = vector.broadcast %squeeze3A_1018 : f32 to vector<16xf32>
      %mul3A_1020 = arith.mulf %bitcast3A_937, %broadcast_in_dim3A_1019 : vector<16xf32>
      %add3A_1021 = arith.addf %add3A_858, %mul3A_1020 : vector<16xf32>
      %mul3A_1022 = arith.mulf %bitcast3A_953, %broadcast_in_dim3A_1019 : vector<16xf32>
      %add3A_1023 = arith.addf %add3A_860, %mul3A_1022 : vector<16xf32>
      %slice3A_1024 = vector.extract_strided_slice %bitcast3A_921 {offsets = [10], sizes = [1], strides = [1]} : vector<16xf32> to vector<1xf32>
      %squeeze3A_1025 = vector.extract %slice3A_1024[0] : f32 from vector<1xf32>
      %broadcast_in_dim3A_1026 = vector.broadcast %squeeze3A_1025 : f32 to vector<16xf32>
      %mul3A_1027 = arith.mulf %bitcast3A_937, %broadcast_in_dim3A_1026 : vector<16xf32>
      %add3A_1028 = arith.addf %add3A_865, %mul3A_1027 : vector<16xf32>
      %mul3A_1029 = arith.mulf %bitcast3A_953, %broadcast_in_dim3A_1026 : vector<16xf32>
      %add3A_1030 = arith.addf %add3A_867, %mul3A_1029 : vector<16xf32>
      %slice3A_1031 = vector.extract_strided_slice %bitcast3A_921 {offsets = [11], sizes = [1], strides = [1]} : vector<16xf32> to vector<1xf32>
      %squeeze3A_1032 = vector.extract %slice3A_1031[0] : f32 from vector<1xf32>
      %broadcast_in_dim3A_1033 = vector.broadcast %squeeze3A_1032 : f32 to vector<16xf32>
      %mul3A_1034 = arith.mulf %bitcast3A_937, %broadcast_in_dim3A_1033 : vector<16xf32>
      %add3A_1035 = arith.addf %add3A_872, %mul3A_1034 : vector<16xf32>
      %mul3A_1036 = arith.mulf %bitcast3A_953, %broadcast_in_dim3A_1033 : vector<16xf32>
      %add3A_1037 = arith.addf %add3A_874, %mul3A_1036 : vector<16xf32>
      %slice3A_1038 = vector.extract_strided_slice %bitcast3A_921 {offsets = [12], sizes = [1], strides = [1]} : vector<16xf32> to vector<1xf32>
      %squeeze3A_1039 = vector.extract %slice3A_1038[0] : f32 from vector<1xf32>
      %broadcast_in_dim3A_1040 = vector.broadcast %squeeze3A_1039 : f32 to vector<16xf32>
      %mul3A_1041 = arith.mulf %bitcast3A_937, %broadcast_in_dim3A_1040 : vector<16xf32>
      %add3A_1042 = arith.addf %add3A_879, %mul3A_1041 : vector<16xf32>
      %mul3A_1043 = arith.mulf %bitcast3A_953, %broadcast_in_dim3A_1040 : vector<16xf32>
      %add3A_1044 = arith.addf %add3A_881, %mul3A_1043 : vector<16xf32>
      %slice3A_1045 = vector.extract_strided_slice %bitcast3A_921 {offsets = [13], sizes = [1], strides = [1]} : vector<16xf32> to vector<1xf32>
      %squeeze3A_1046 = vector.extract %slice3A_1045[0] : f32 from vector<1xf32>
      %broadcast_in_dim3A_1047 = vector.broadcast %squeeze3A_1046 : f32 to vector<16xf32>
      %mul3A_1048 = arith.mulf %bitcast3A_937, %broadcast_in_dim3A_1047 : vector<16xf32>
      %add3A_1049 = arith.addf %add3A_886, %mul3A_1048 : vector<16xf32>
      %mul3A_1050 = arith.mulf %bitcast3A_953, %broadcast_in_dim3A_1047 : vector<16xf32>
      %add3A_1051 = arith.addf %add3A_888, %mul3A_1050 : vector<16xf32>
      %slice3A_1052 = vector.extract_strided_slice %bitcast3A_921 {offsets = [14], sizes = [1], strides = [1]} : vector<16xf32> to vector<1xf32>
      %squeeze3A_1053 = vector.extract %slice3A_1052[0] : f32 from vector<1xf32>
      %broadcast_in_dim3A_1054 = vector.broadcast %squeeze3A_1053 : f32 to vector<16xf32>
      %mul3A_1055 = arith.mulf %bitcast3A_937, %broadcast_in_dim3A_1054 : vector<16xf32>
      %add3A_1056 = arith.addf %add3A_893, %mul3A_1055 : vector<16xf32>
      %mul3A_1057 = arith.mulf %bitcast3A_953, %broadcast_in_dim3A_1054 : vector<16xf32>
      %add3A_1058 = arith.addf %add3A_895, %mul3A_1057 : vector<16xf32>
      %slice3A_1059 = vector.extract_strided_slice %bitcast3A_921 {offsets = [15], sizes = [1], strides = [1]} : vector<16xf32> to vector<1xf32>
      %squeeze3A_1060 = vector.extract %slice3A_1059[0] : f32 from vector<1xf32>
      %broadcast_in_dim3A_1061 = vector.broadcast %squeeze3A_1060 : f32 to vector<16xf32>
      %mul3A_1062 = arith.mulf %bitcast3A_937, %broadcast_in_dim3A_1061 : vector<16xf32>
      %add3A_1063 = arith.addf %add3A_900, %mul3A_1062 : vector<16xf32>
      %mul3A_1064 = arith.mulf %bitcast3A_953, %broadcast_in_dim3A_1061 : vector<16xf32>
      %add3A_1065 = arith.addf %add3A_902, %mul3A_1064 : vector<16xf32>
      %add3A_1066 = arith.constant 1 : i32
      %add3A_1067 = vector.broadcast %add3A_1066 : i32 to vector<16xi32>
      %add3A_1068 = arith.addi %add3A_905, %add3A_1067 : vector<16xi32>
      %gather3A_1069 = tpu.vector_load_idx %arg8[%iota3A, %add3A_1068] : memref<16x2048xf32, #tpu.memory_space<vmem>>[vector<16xi32>, vector<16xi32>], vector<16xf32>,
      %bitcast3A_1070 = vector.bitcast %gather3A_1069 : vector<16xf32> to vector<16xi32>
      %add3A_1071 = arith.constant 32767 : i32
      %add3A_1072 = vector.broadcast %add3A_1071 : i32 to vector<16xi32>
      %add3A_1073 = arith.addi %bitcast3A_1070, %add3A_1072 : vector<16xi32>
      %shift_right_logical3A_1074 = arith.constant 16 : i32
      %shift_right_logical3A_1075 = vector.broadcast %shift_right_logical3A_1074 : i32 to vector<16xi32>
      %shift_right_logical3A_1076 = arith.shrui %bitcast3A_1070, %shift_right_logical3A_1075 : vector<16xi32>
      %and3A_1077 = arith.constant 1 : i32
      %and3A_1078 = vector.broadcast %and3A_1077 : i32 to vector<16xi32>
      %and3A_1079 = arith.andi %shift_right_logical3A_1076, %and3A_1078 : vector<16xi32>
      %add3A_1080 = arith.addi %add3A_1073, %and3A_1079 : vector<16xi32>
      %and3A_1081 = arith.constant -65536 : i32
      %and3A_1082 = vector.broadcast %and3A_1081 : i32 to vector<16xi32>
      %and3A_1083 = arith.andi %add3A_1080, %and3A_1082 : vector<16xi32>
      %bitcast3A_1084 = vector.bitcast %and3A_1083 : vector<16xi32> to vector<16xf32>
      %gather3A_1085 = tpu.vector_load_idx %arg7[%add3A_107, %add3A_1068] : memref<32x2048xf32, #tpu.memory_space<vmem>>[vector<16xi32>, vector<16xi32>], vector<16xf32>,
      %bitcast3A_1086 = vector.bitcast %gather3A_1085 : vector<16xf32> to vector<16xi32>
      %add3A_1087 = arith.constant 32767 : i32
      %add3A_1088 = vector.broadcast %add3A_1087 : i32 to vector<16xi32>
      %add3A_1089 = arith.addi %bitcast3A_1086, %add3A_1088 : vector<16xi32>
      %shift_right_logical3A_1090 = arith.constant 16 : i32
      %shift_right_logical3A_1091 = vector.broadcast %shift_right_logical3A_1090 : i32 to vector<16xi32>
      %shift_right_logical3A_1092 = arith.shrui %bitcast3A_1086, %shift_right_logical3A_1091 : vector<16xi32>
      %and3A_1093 = arith.constant 1 : i32
      %and3A_1094 = vector.broadcast %and3A_1093 : i32 to vector<16xi32>
      %and3A_1095 = arith.andi %shift_right_logical3A_1092, %and3A_1094 : vector<16xi32>
      %add3A_1096 = arith.addi %add3A_1089, %and3A_1095 : vector<16xi32>
      %and3A_1097 = arith.constant -65536 : i32
      %and3A_1098 = vector.broadcast %and3A_1097 : i32 to vector<16xi32>
      %and3A_1099 = arith.andi %add3A_1096, %and3A_1098 : vector<16xi32>
      %bitcast3A_1100 = vector.bitcast %and3A_1099 : vector<16xi32> to vector<16xf32>
      %gather3A_1101 = tpu.vector_load_idx %arg7[%add3A_110, %add3A_1068] : memref<32x2048xf32, #tpu.memory_space<vmem>>[vector<16xi32>, vector<16xi32>], vector<16xf32>,
      %bitcast3A_1102 = vector.bitcast %gather3A_1101 : vector<16xf32> to vector<16xi32>
      %add3A_1103 = arith.constant 32767 : i32
      %add3A_1104 = vector.broadcast %add3A_1103 : i32 to vector<16xi32>
      %add3A_1105 = arith.addi %bitcast3A_1102, %add3A_1104 : vector<16xi32>
      %shift_right_logical3A_1106 = arith.constant 16 : i32
      %shift_right_logical3A_1107 = vector.broadcast %shift_right_logical3A_1106 : i32 to vector<16xi32>
      %shift_right_logical3A_1108 = arith.shrui %bitcast3A_1102, %shift_right_logical3A_1107 : vector<16xi32>
      %and3A_1109 = arith.constant 1 : i32
      %and3A_1110 = vector.broadcast %and3A_1109 : i32 to vector<16xi32>
      %and3A_1111 = arith.andi %shift_right_logical3A_1108, %and3A_1110 : vector<16xi32>
      %add3A_1112 = arith.addi %add3A_1105, %and3A_1111 : vector<16xi32>
      %and3A_1113 = arith.constant -65536 : i32
      %and3A_1114 = vector.broadcast %and3A_1113 : i32 to vector<16xi32>
      %and3A_1115 = arith.andi %add3A_1112, %and3A_1114 : vector<16xi32>
      %bitcast3A_1116 = vector.bitcast %and3A_1115 : vector<16xi32> to vector<16xf32>
      %slice3A_1117 = vector.extract_strided_slice %bitcast3A_1084 {offsets = [0], sizes = [1], strides = [1]} : vector<16xf32> to vector<1xf32>
      %squeeze3A_1118 = vector.extract %slice3A_1117[0] : f32 from vector<1xf32>
      %broadcast_in_dim3A_1119 = vector.broadcast %squeeze3A_1118 : f32 to vector<16xf32>
      %mul3A_1120 = arith.mulf %bitcast3A_1100, %broadcast_in_dim3A_1119 : vector<16xf32>
      %add3A_1121 = arith.addf %add3A_958, %mul3A_1120 : vector<16xf32>
      %mul3A_1122 = arith.mulf %bitcast3A_1116, %broadcast_in_dim3A_1119 : vector<16xf32>
      %add3A_1123 = arith.addf %add3A_960, %mul3A_1122 : vector<16xf32>
      %slice3A_1124 = vector.extract_strided_slice %bitcast3A_1084 {offsets = [1], sizes = [1], strides = [1]} : vector<16xf32> to vector<1xf32>
      %squeeze3A_1125 = vector.extract %slice3A_1124[0] : f32 from vector<1xf32>
      %broadcast_in_dim3A_1126 = vector.broadcast %squeeze3A_1125 : f32 to vector<16xf32>
      %mul3A_1127 = arith.mulf %bitcast3A_1100, %broadcast_in_dim3A_1126 : vector<16xf32>
      %add3A_1128 = arith.addf %add3A_965, %mul3A_1127 : vector<16xf32>
      %mul3A_1129 = arith.mulf %bitcast3A_1116, %broadcast_in_dim3A_1126 : vector<16xf32>
      %add3A_1130 = arith.addf %add3A_967, %mul3A_1129 : vector<16xf32>
      %slice3A_1131 = vector.extract_strided_slice %bitcast3A_1084 {offsets = [2], sizes = [1], strides = [1]} : vector<16xf32> to vector<1xf32>
      %squeeze3A_1132 = vector.extract %slice3A_1131[0] : f32 from vector<1xf32>
      %broadcast_in_dim3A_1133 = vector.broadcast %squeeze3A_1132 : f32 to vector<16xf32>
      %mul3A_1134 = arith.mulf %bitcast3A_1100, %broadcast_in_dim3A_1133 : vector<16xf32>
      %add3A_1135 = arith.addf %add3A_972, %mul3A_1134 : vector<16xf32>
      %mul3A_1136 = arith.mulf %bitcast3A_1116, %broadcast_in_dim3A_1133 : vector<16xf32>
      %add3A_1137 = arith.addf %add3A_974, %mul3A_1136 : vector<16xf32>
      %slice3A_1138 = vector.extract_strided_slice %bitcast3A_1084 {offsets = [3], sizes = [1], strides = [1]} : vector<16xf32> to vector<1xf32>
      %squeeze3A_1139 = vector.extract %slice3A_1138[0] : f32 from vector<1xf32>
      %broadcast_in_dim3A_1140 = vector.broadcast %squeeze3A_1139 : f32 to vector<16xf32>
      %mul3A_1141 = arith.mulf %bitcast3A_1100, %broadcast_in_dim3A_1140 : vector<16xf32>
      %add3A_1142 = arith.addf %add3A_979, %mul3A_1141 : vector<16xf32>
      %mul3A_1143 = arith.mulf %bitcast3A_1116, %broadcast_in_dim3A_1140 : vector<16xf32>
      %add3A_1144 = arith.addf %add3A_981, %mul3A_1143 : vector<16xf32>
      %slice3A_1145 = vector.extract_strided_slice %bitcast3A_1084 {offsets = [4], sizes = [1], strides = [1]} : vector<16xf32> to vector<1xf32>
      %squeeze3A_1146 = vector.extract %slice3A_1145[0] : f32 from vector<1xf32>
      %broadcast_in_dim3A_1147 = vector.broadcast %squeeze3A_1146 : f32 to vector<16xf32>
      %mul3A_1148 = arith.mulf %bitcast3A_1100, %broadcast_in_dim3A_1147 : vector<16xf32>
      %add3A_1149 = arith.addf %add3A_986, %mul3A_1148 : vector<16xf32>
      %mul3A_1150 = arith.mulf %bitcast3A_1116, %broadcast_in_dim3A_1147 : vector<16xf32>
      %add3A_1151 = arith.addf %add3A_988, %mul3A_1150 : vector<16xf32>
      %slice3A_1152 = vector.extract_strided_slice %bitcast3A_1084 {offsets = [5], sizes = [1], strides = [1]} : vector<16xf32> to vector<1xf32>
      %squeeze3A_1153 = vector.extract %slice3A_1152[0] : f32 from vector<1xf32>
      %broadcast_in_dim3A_1154 = vector.broadcast %squeeze3A_1153 : f32 to vector<16xf32>
      %mul3A_1155 = arith.mulf %bitcast3A_1100, %broadcast_in_dim3A_1154 : vector<16xf32>
      %add3A_1156 = arith.addf %add3A_993, %mul3A_1155 : vector<16xf32>
      %mul3A_1157 = arith.mulf %bitcast3A_1116, %broadcast_in_dim3A_1154 : vector<16xf32>
      %add3A_1158 = arith.addf %add3A_995, %mul3A_1157 : vector<16xf32>
      %slice3A_1159 = vector.extract_strided_slice %bitcast3A_1084 {offsets = [6], sizes = [1], strides = [1]} : vector<16xf32> to vector<1xf32>
      %squeeze3A_1160 = vector.extract %slice3A_1159[0] : f32 from vector<1xf32>
      %broadcast_in_dim3A_1161 = vector.broadcast %squeeze3A_1160 : f32 to vector<16xf32>
      %mul3A_1162 = arith.mulf %bitcast3A_1100, %broadcast_in_dim3A_1161 : vector<16xf32>
      %add3A_1163 = arith.addf %add3A_1000, %mul3A_1162 : vector<16xf32>
      %mul3A_1164 = arith.mulf %bitcast3A_1116, %broadcast_in_dim3A_1161 : vector<16xf32>
      %add3A_1165 = arith.addf %add3A_1002, %mul3A_1164 : vector<16xf32>
      %slice3A_1166 = vector.extract_strided_slice %bitcast3A_1084 {offsets = [7], sizes = [1], strides = [1]} : vector<16xf32> to vector<1xf32>
      %squeeze3A_1167 = vector.extract %slice3A_1166[0] : f32 from vector<1xf32>
      %broadcast_in_dim3A_1168 = vector.broadcast %squeeze3A_1167 : f32 to vector<16xf32>
      %mul3A_1169 = arith.mulf %bitcast3A_1100, %broadcast_in_dim3A_1168 : vector<16xf32>
      %add3A_1170 = arith.addf %add3A_1007, %mul3A_1169 : vector<16xf32>
      %mul3A_1171 = arith.mulf %bitcast3A_1116, %broadcast_in_dim3A_1168 : vector<16xf32>
      %add3A_1172 = arith.addf %add3A_1009, %mul3A_1171 : vector<16xf32>
      %slice3A_1173 = vector.extract_strided_slice %bitcast3A_1084 {offsets = [8], sizes = [1], strides = [1]} : vector<16xf32> to vector<1xf32>
      %squeeze3A_1174 = vector.extract %slice3A_1173[0] : f32 from vector<1xf32>
      %broadcast_in_dim3A_1175 = vector.broadcast %squeeze3A_1174 : f32 to vector<16xf32>
      %mul3A_1176 = arith.mulf %bitcast3A_1100, %broadcast_in_dim3A_1175 : vector<16xf32>
      %add3A_1177 = arith.addf %add3A_1014, %mul3A_1176 : vector<16xf32>
      %mul3A_1178 = arith.mulf %bitcast3A_1116, %broadcast_in_dim3A_1175 : vector<16xf32>
      %add3A_1179 = arith.addf %add3A_1016, %mul3A_1178 : vector<16xf32>
      %slice3A_1180 = vector.extract_strided_slice %bitcast3A_1084 {offsets = [9], sizes = [1], strides = [1]} : vector<16xf32> to vector<1xf32>
      %squeeze3A_1181 = vector.extract %slice3A_1180[0] : f32 from vector<1xf32>
      %broadcast_in_dim3A_1182 = vector.broadcast %squeeze3A_1181 : f32 to vector<16xf32>
      %mul3A_1183 = arith.mulf %bitcast3A_1100, %broadcast_in_dim3A_1182 : vector<16xf32>
      %add3A_1184 = arith.addf %add3A_1021, %mul3A_1183 : vector<16xf32>
      %mul3A_1185 = arith.mulf %bitcast3A_1116, %broadcast_in_dim3A_1182 : vector<16xf32>
      %add3A_1186 = arith.addf %add3A_1023, %mul3A_1185 : vector<16xf32>
      %slice3A_1187 = vector.extract_strided_slice %bitcast3A_1084 {offsets = [10], sizes = [1], strides = [1]} : vector<16xf32> to vector<1xf32>
      %squeeze3A_1188 = vector.extract %slice3A_1187[0] : f32 from vector<1xf32>
      %broadcast_in_dim3A_1189 = vector.broadcast %squeeze3A_1188 : f32 to vector<16xf32>
      %mul3A_1190 = arith.mulf %bitcast3A_1100, %broadcast_in_dim3A_1189 : vector<16xf32>
      %add3A_1191 = arith.addf %add3A_1028, %mul3A_1190 : vector<16xf32>
      %mul3A_1192 = arith.mulf %bitcast3A_1116, %broadcast_in_dim3A_1189 : vector<16xf32>
      %add3A_1193 = arith.addf %add3A_1030, %mul3A_1192 : vector<16xf32>
      %slice3A_1194 = vector.extract_strided_slice %bitcast3A_1084 {offsets = [11], sizes = [1], strides = [1]} : vector<16xf32> to vector<1xf32>
      %squeeze3A_1195 = vector.extract %slice3A_1194[0] : f32 from vector<1xf32>
      %broadcast_in_dim3A_1196 = vector.broadcast %squeeze3A_1195 : f32 to vector<16xf32>
      %mul3A_1197 = arith.mulf %bitcast3A_1100, %broadcast_in_dim3A_1196 : vector<16xf32>
      %add3A_1198 = arith.addf %add3A_1035, %mul3A_1197 : vector<16xf32>
      %mul3A_1199 = arith.mulf %bitcast3A_1116, %broadcast_in_dim3A_1196 : vector<16xf32>
      %add3A_1200 = arith.addf %add3A_1037, %mul3A_1199 : vector<16xf32>
      %slice3A_1201 = vector.extract_strided_slice %bitcast3A_1084 {offsets = [12], sizes = [1], strides = [1]} : vector<16xf32> to vector<1xf32>
      %squeeze3A_1202 = vector.extract %slice3A_1201[0] : f32 from vector<1xf32>
      %broadcast_in_dim3A_1203 = vector.broadcast %squeeze3A_1202 : f32 to vector<16xf32>
      %mul3A_1204 = arith.mulf %bitcast3A_1100, %broadcast_in_dim3A_1203 : vector<16xf32>
      %add3A_1205 = arith.addf %add3A_1042, %mul3A_1204 : vector<16xf32>
      %mul3A_1206 = arith.mulf %bitcast3A_1116, %broadcast_in_dim3A_1203 : vector<16xf32>
      %add3A_1207 = arith.addf %add3A_1044, %mul3A_1206 : vector<16xf32>
      %slice3A_1208 = vector.extract_strided_slice %bitcast3A_1084 {offsets = [13], sizes = [1], strides = [1]} : vector<16xf32> to vector<1xf32>
      %squeeze3A_1209 = vector.extract %slice3A_1208[0] : f32 from vector<1xf32>
      %broadcast_in_dim3A_1210 = vector.broadcast %squeeze3A_1209 : f32 to vector<16xf32>
      %mul3A_1211 = arith.mulf %bitcast3A_1100, %broadcast_in_dim3A_1210 : vector<16xf32>
      %add3A_1212 = arith.addf %add3A_1049, %mul3A_1211 : vector<16xf32>
      %mul3A_1213 = arith.mulf %bitcast3A_1116, %broadcast_in_dim3A_1210 : vector<16xf32>
      %add3A_1214 = arith.addf %add3A_1051, %mul3A_1213 : vector<16xf32>
      %slice3A_1215 = vector.extract_strided_slice %bitcast3A_1084 {offsets = [14], sizes = [1], strides = [1]} : vector<16xf32> to vector<1xf32>
      %squeeze3A_1216 = vector.extract %slice3A_1215[0] : f32 from vector<1xf32>
      %broadcast_in_dim3A_1217 = vector.broadcast %squeeze3A_1216 : f32 to vector<16xf32>
      %mul3A_1218 = arith.mulf %bitcast3A_1100, %broadcast_in_dim3A_1217 : vector<16xf32>
      %add3A_1219 = arith.addf %add3A_1056, %mul3A_1218 : vector<16xf32>
      %mul3A_1220 = arith.mulf %bitcast3A_1116, %broadcast_in_dim3A_1217 : vector<16xf32>
      %add3A_1221 = arith.addf %add3A_1058, %mul3A_1220 : vector<16xf32>
      %slice3A_1222 = vector.extract_strided_slice %bitcast3A_1084 {offsets = [15], sizes = [1], strides = [1]} : vector<16xf32> to vector<1xf32>
      %squeeze3A_1223 = vector.extract %slice3A_1222[0] : f32 from vector<1xf32>
      %broadcast_in_dim3A_1224 = vector.broadcast %squeeze3A_1223 : f32 to vector<16xf32>
      %mul3A_1225 = arith.mulf %bitcast3A_1100, %broadcast_in_dim3A_1224 : vector<16xf32>
      %add3A_1226 = arith.addf %add3A_1063, %mul3A_1225 : vector<16xf32>
      %mul3A_1227 = arith.mulf %bitcast3A_1116, %broadcast_in_dim3A_1224 : vector<16xf32>
      %add3A_1228 = arith.addf %add3A_1065, %mul3A_1227 : vector<16xf32>
      %add3A_1229 = arith.constant 1 : i32
      %add3A_1230 = vector.broadcast %add3A_1229 : i32 to vector<16xi32>
      %add3A_1231 = arith.addi %add3A_1068, %add3A_1230 : vector<16xi32>
      %gather3A_1232 = tpu.vector_load_idx %arg8[%iota3A, %add3A_1231] : memref<16x2048xf32, #tpu.memory_space<vmem>>[vector<16xi32>, vector<16xi32>], vector<16xf32>,
      %bitcast3A_1233 = vector.bitcast %gather3A_1232 : vector<16xf32> to vector<16xi32>
      %add3A_1234 = arith.constant 32767 : i32
      %add3A_1235 = vector.broadcast %add3A_1234 : i32 to vector<16xi32>
      %add3A_1236 = arith.addi %bitcast3A_1233, %add3A_1235 : vector<16xi32>
      %shift_right_logical3A_1237 = arith.constant 16 : i32
      %shift_right_logical3A_1238 = vector.broadcast %shift_right_logical3A_1237 : i32 to vector<16xi32>
      %shift_right_logical3A_1239 = arith.shrui %bitcast3A_1233, %shift_right_logical3A_1238 : vector<16xi32>
      %and3A_1240 = arith.constant 1 : i32
      %and3A_1241 = vector.broadcast %and3A_1240 : i32 to vector<16xi32>
      %and3A_1242 = arith.andi %shift_right_logical3A_1239, %and3A_1241 : vector<16xi32>
      %add3A_1243 = arith.addi %add3A_1236, %and3A_1242 : vector<16xi32>
      %and3A_1244 = arith.constant -65536 : i32
      %and3A_1245 = vector.broadcast %and3A_1244 : i32 to vector<16xi32>
      %and3A_1246 = arith.andi %add3A_1243, %and3A_1245 : vector<16xi32>
      %bitcast3A_1247 = vector.bitcast %and3A_1246 : vector<16xi32> to vector<16xf32>
      %gather3A_1248 = tpu.vector_load_idx %arg7[%add3A_107, %add3A_1231] : memref<32x2048xf32, #tpu.memory_space<vmem>>[vector<16xi32>, vector<16xi32>], vector<16xf32>,
      %bitcast3A_1249 = vector.bitcast %gather3A_1248 : vector<16xf32> to vector<16xi32>
      %add3A_1250 = arith.constant 32767 : i32
      %add3A_1251 = vector.broadcast %add3A_1250 : i32 to vector<16xi32>
      %add3A_1252 = arith.addi %bitcast3A_1249, %add3A_1251 : vector<16xi32>
      %shift_right_logical3A_1253 = arith.constant 16 : i32
      %shift_right_logical3A_1254 = vector.broadcast %shift_right_logical3A_1253 : i32 to vector<16xi32>
      %shift_right_logical3A_1255 = arith.shrui %bitcast3A_1249, %shift_right_logical3A_1254 : vector<16xi32>
      %and3A_1256 = arith.constant 1 : i32
      %and3A_1257 = vector.broadcast %and3A_1256 : i32 to vector<16xi32>
      %and3A_1258 = arith.andi %shift_right_logical3A_1255, %and3A_1257 : vector<16xi32>
      %add3A_1259 = arith.addi %add3A_1252, %and3A_1258 : vector<16xi32>
      %and3A_1260 = arith.constant -65536 : i32
      %and3A_1261 = vector.broadcast %and3A_1260 : i32 to vector<16xi32>
      %and3A_1262 = arith.andi %add3A_1259, %and3A_1261 : vector<16xi32>
      %bitcast3A_1263 = vector.bitcast %and3A_1262 : vector<16xi32> to vector<16xf32>
      %gather3A_1264 = tpu.vector_load_idx %arg7[%add3A_110, %add3A_1231] : memref<32x2048xf32, #tpu.memory_space<vmem>>[vector<16xi32>, vector<16xi32>], vector<16xf32>,
      %bitcast3A_1265 = vector.bitcast %gather3A_1264 : vector<16xf32> to vector<16xi32>
      %add3A_1266 = arith.constant 32767 : i32
      %add3A_1267 = vector.broadcast %add3A_1266 : i32 to vector<16xi32>
      %add3A_1268 = arith.addi %bitcast3A_1265, %add3A_1267 : vector<16xi32>
      %shift_right_logical3A_1269 = arith.constant 16 : i32
      %shift_right_logical3A_1270 = vector.broadcast %shift_right_logical3A_1269 : i32 to vector<16xi32>
      %shift_right_logical3A_1271 = arith.shrui %bitcast3A_1265, %shift_right_logical3A_1270 : vector<16xi32>
      %and3A_1272 = arith.constant 1 : i32
      %and3A_1273 = vector.broadcast %and3A_1272 : i32 to vector<16xi32>
      %and3A_1274 = arith.andi %shift_right_logical3A_1271, %and3A_1273 : vector<16xi32>
      %add3A_1275 = arith.addi %add3A_1268, %and3A_1274 : vector<16xi32>
      %and3A_1276 = arith.constant -65536 : i32
      %and3A_1277 = vector.broadcast %and3A_1276 : i32 to vector<16xi32>
      %and3A_1278 = arith.andi %add3A_1275, %and3A_1277 : vector<16xi32>
      %bitcast3A_1279 = vector.bitcast %and3A_1278 : vector<16xi32> to vector<16xf32>
      %slice3A_1280 = vector.extract_strided_slice %bitcast3A_1247 {offsets = [0], sizes = [1], strides = [1]} : vector<16xf32> to vector<1xf32>
      %squeeze3A_1281 = vector.extract %slice3A_1280[0] : f32 from vector<1xf32>
      %broadcast_in_dim3A_1282 = vector.broadcast %squeeze3A_1281 : f32 to vector<16xf32>
      %mul3A_1283 = arith.mulf %bitcast3A_1263, %broadcast_in_dim3A_1282 : vector<16xf32>
      %add3A_1284 = arith.addf %add3A_1121, %mul3A_1283 : vector<16xf32>
      %mul3A_1285 = arith.mulf %bitcast3A_1279, %broadcast_in_dim3A_1282 : vector<16xf32>
      %add3A_1286 = arith.addf %add3A_1123, %mul3A_1285 : vector<16xf32>
      %slice3A_1287 = vector.extract_strided_slice %bitcast3A_1247 {offsets = [1], sizes = [1], strides = [1]} : vector<16xf32> to vector<1xf32>
      %squeeze3A_1288 = vector.extract %slice3A_1287[0] : f32 from vector<1xf32>
      %broadcast_in_dim3A_1289 = vector.broadcast %squeeze3A_1288 : f32 to vector<16xf32>
      %mul3A_1290 = arith.mulf %bitcast3A_1263, %broadcast_in_dim3A_1289 : vector<16xf32>
      %add3A_1291 = arith.addf %add3A_1128, %mul3A_1290 : vector<16xf32>
      %mul3A_1292 = arith.mulf %bitcast3A_1279, %broadcast_in_dim3A_1289 : vector<16xf32>
      %add3A_1293 = arith.addf %add3A_1130, %mul3A_1292 : vector<16xf32>
      %slice3A_1294 = vector.extract_strided_slice %bitcast3A_1247 {offsets = [2], sizes = [1], strides = [1]} : vector<16xf32> to vector<1xf32>
      %squeeze3A_1295 = vector.extract %slice3A_1294[0] : f32 from vector<1xf32>
      %broadcast_in_dim3A_1296 = vector.broadcast %squeeze3A_1295 : f32 to vector<16xf32>
      %mul3A_1297 = arith.mulf %bitcast3A_1263, %broadcast_in_dim3A_1296 : vector<16xf32>
      %add3A_1298 = arith.addf %add3A_1135, %mul3A_1297 : vector<16xf32>
      %mul3A_1299 = arith.mulf %bitcast3A_1279, %broadcast_in_dim3A_1296 : vector<16xf32>
      %add3A_1300 = arith.addf %add3A_1137, %mul3A_1299 : vector<16xf32>
      %slice3A_1301 = vector.extract_strided_slice %bitcast3A_1247 {offsets = [3], sizes = [1], strides = [1]} : vector<16xf32> to vector<1xf32>
      %squeeze3A_1302 = vector.extract %slice3A_1301[0] : f32 from vector<1xf32>
      %broadcast_in_dim3A_1303 = vector.broadcast %squeeze3A_1302 : f32 to vector<16xf32>
      %mul3A_1304 = arith.mulf %bitcast3A_1263, %broadcast_in_dim3A_1303 : vector<16xf32>
      %add3A_1305 = arith.addf %add3A_1142, %mul3A_1304 : vector<16xf32>
      %mul3A_1306 = arith.mulf %bitcast3A_1279, %broadcast_in_dim3A_1303 : vector<16xf32>
      %add3A_1307 = arith.addf %add3A_1144, %mul3A_1306 : vector<16xf32>
      %slice3A_1308 = vector.extract_strided_slice %bitcast3A_1247 {offsets = [4], sizes = [1], strides = [1]} : vector<16xf32> to vector<1xf32>
      %squeeze3A_1309 = vector.extract %slice3A_1308[0] : f32 from vector<1xf32>
      %broadcast_in_dim3A_1310 = vector.broadcast %squeeze3A_1309 : f32 to vector<16xf32>
      %mul3A_1311 = arith.mulf %bitcast3A_1263, %broadcast_in_dim3A_1310 : vector<16xf32>
      %add3A_1312 = arith.addf %add3A_1149, %mul3A_1311 : vector<16xf32>
      %mul3A_1313 = arith.mulf %bitcast3A_1279, %broadcast_in_dim3A_1310 : vector<16xf32>
      %add3A_1314 = arith.addf %add3A_1151, %mul3A_1313 : vector<16xf32>
      %slice3A_1315 = vector.extract_strided_slice %bitcast3A_1247 {offsets = [5], sizes = [1], strides = [1]} : vector<16xf32> to vector<1xf32>
      %squeeze3A_1316 = vector.extract %slice3A_1315[0] : f32 from vector<1xf32>
      %broadcast_in_dim3A_1317 = vector.broadcast %squeeze3A_1316 : f32 to vector<16xf32>
      %mul3A_1318 = arith.mulf %bitcast3A_1263, %broadcast_in_dim3A_1317 : vector<16xf32>
      %add3A_1319 = arith.addf %add3A_1156, %mul3A_1318 : vector<16xf32>
      %mul3A_1320 = arith.mulf %bitcast3A_1279, %broadcast_in_dim3A_1317 : vector<16xf32>
      %add3A_1321 = arith.addf %add3A_1158, %mul3A_1320 : vector<16xf32>
      %slice3A_1322 = vector.extract_strided_slice %bitcast3A_1247 {offsets = [6], sizes = [1], strides = [1]} : vector<16xf32> to vector<1xf32>
      %squeeze3A_1323 = vector.extract %slice3A_1322[0] : f32 from vector<1xf32>
      %broadcast_in_dim3A_1324 = vector.broadcast %squeeze3A_1323 : f32 to vector<16xf32>
      %mul3A_1325 = arith.mulf %bitcast3A_1263, %broadcast_in_dim3A_1324 : vector<16xf32>
      %add3A_1326 = arith.addf %add3A_1163, %mul3A_1325 : vector<16xf32>
      %mul3A_1327 = arith.mulf %bitcast3A_1279, %broadcast_in_dim3A_1324 : vector<16xf32>
      %add3A_1328 = arith.addf %add3A_1165, %mul3A_1327 : vector<16xf32>
      %slice3A_1329 = vector.extract_strided_slice %bitcast3A_1247 {offsets = [7], sizes = [1], strides = [1]} : vector<16xf32> to vector<1xf32>
      %squeeze3A_1330 = vector.extract %slice3A_1329[0] : f32 from vector<1xf32>
      %broadcast_in_dim3A_1331 = vector.broadcast %squeeze3A_1330 : f32 to vector<16xf32>
      %mul3A_1332 = arith.mulf %bitcast3A_1263, %broadcast_in_dim3A_1331 : vector<16xf32>
      %add3A_1333 = arith.addf %add3A_1170, %mul3A_1332 : vector<16xf32>
      %mul3A_1334 = arith.mulf %bitcast3A_1279, %broadcast_in_dim3A_1331 : vector<16xf32>
      %add3A_1335 = arith.addf %add3A_1172, %mul3A_1334 : vector<16xf32>
      %slice3A_1336 = vector.extract_strided_slice %bitcast3A_1247 {offsets = [8], sizes = [1], strides = [1]} : vector<16xf32> to vector<1xf32>
      %squeeze3A_1337 = vector.extract %slice3A_1336[0] : f32 from vector<1xf32>
      %broadcast_in_dim3A_1338 = vector.broadcast %squeeze3A_1337 : f32 to vector<16xf32>
      %mul3A_1339 = arith.mulf %bitcast3A_1263, %broadcast_in_dim3A_1338 : vector<16xf32>
      %add3A_1340 = arith.addf %add3A_1177, %mul3A_1339 : vector<16xf32>
      %mul3A_1341 = arith.mulf %bitcast3A_1279, %broadcast_in_dim3A_1338 : vector<16xf32>
      %add3A_1342 = arith.addf %add3A_1179, %mul3A_1341 : vector<16xf32>
      %slice3A_1343 = vector.extract_strided_slice %bitcast3A_1247 {offsets = [9], sizes = [1], strides = [1]} : vector<16xf32> to vector<1xf32>
      %squeeze3A_1344 = vector.extract %slice3A_1343[0] : f32 from vector<1xf32>
      %broadcast_in_dim3A_1345 = vector.broadcast %squeeze3A_1344 : f32 to vector<16xf32>
      %mul3A_1346 = arith.mulf %bitcast3A_1263, %broadcast_in_dim3A_1345 : vector<16xf32>
      %add3A_1347 = arith.addf %add3A_1184, %mul3A_1346 : vector<16xf32>
      %mul3A_1348 = arith.mulf %bitcast3A_1279, %broadcast_in_dim3A_1345 : vector<16xf32>
      %add3A_1349 = arith.addf %add3A_1186, %mul3A_1348 : vector<16xf32>
      %slice3A_1350 = vector.extract_strided_slice %bitcast3A_1247 {offsets = [10], sizes = [1], strides = [1]} : vector<16xf32> to vector<1xf32>
      %squeeze3A_1351 = vector.extract %slice3A_1350[0] : f32 from vector<1xf32>
      %broadcast_in_dim3A_1352 = vector.broadcast %squeeze3A_1351 : f32 to vector<16xf32>
      %mul3A_1353 = arith.mulf %bitcast3A_1263, %broadcast_in_dim3A_1352 : vector<16xf32>
      %add3A_1354 = arith.addf %add3A_1191, %mul3A_1353 : vector<16xf32>
      %mul3A_1355 = arith.mulf %bitcast3A_1279, %broadcast_in_dim3A_1352 : vector<16xf32>
      %add3A_1356 = arith.addf %add3A_1193, %mul3A_1355 : vector<16xf32>
      %slice3A_1357 = vector.extract_strided_slice %bitcast3A_1247 {offsets = [11], sizes = [1], strides = [1]} : vector<16xf32> to vector<1xf32>
      %squeeze3A_1358 = vector.extract %slice3A_1357[0] : f32 from vector<1xf32>
      %broadcast_in_dim3A_1359 = vector.broadcast %squeeze3A_1358 : f32 to vector<16xf32>
      %mul3A_1360 = arith.mulf %bitcast3A_1263, %broadcast_in_dim3A_1359 : vector<16xf32>
      %add3A_1361 = arith.addf %add3A_1198, %mul3A_1360 : vector<16xf32>
      %mul3A_1362 = arith.mulf %bitcast3A_1279, %broadcast_in_dim3A_1359 : vector<16xf32>
      %add3A_1363 = arith.addf %add3A_1200, %mul3A_1362 : vector<16xf32>
      %slice3A_1364 = vector.extract_strided_slice %bitcast3A_1247 {offsets = [12], sizes = [1], strides = [1]} : vector<16xf32> to vector<1xf32>
      %squeeze3A_1365 = vector.extract %slice3A_1364[0] : f32 from vector<1xf32>
      %broadcast_in_dim3A_1366 = vector.broadcast %squeeze3A_1365 : f32 to vector<16xf32>
      %mul3A_1367 = arith.mulf %bitcast3A_1263, %broadcast_in_dim3A_1366 : vector<16xf32>
      %add3A_1368 = arith.addf %add3A_1205, %mul3A_1367 : vector<16xf32>
      %mul3A_1369 = arith.mulf %bitcast3A_1279, %broadcast_in_dim3A_1366 : vector<16xf32>
      %add3A_1370 = arith.addf %add3A_1207, %mul3A_1369 : vector<16xf32>
      %slice3A_1371 = vector.extract_strided_slice %bitcast3A_1247 {offsets = [13], sizes = [1], strides = [1]} : vector<16xf32> to vector<1xf32>
      %squeeze3A_1372 = vector.extract %slice3A_1371[0] : f32 from vector<1xf32>
      %broadcast_in_dim3A_1373 = vector.broadcast %squeeze3A_1372 : f32 to vector<16xf32>
      %mul3A_1374 = arith.mulf %bitcast3A_1263, %broadcast_in_dim3A_1373 : vector<16xf32>
      %add3A_1375 = arith.addf %add3A_1212, %mul3A_1374 : vector<16xf32>
      %mul3A_1376 = arith.mulf %bitcast3A_1279, %broadcast_in_dim3A_1373 : vector<16xf32>
      %add3A_1377 = arith.addf %add3A_1214, %mul3A_1376 : vector<16xf32>
      %slice3A_1378 = vector.extract_strided_slice %bitcast3A_1247 {offsets = [14], sizes = [1], strides = [1]} : vector<16xf32> to vector<1xf32>
      %squeeze3A_1379 = vector.extract %slice3A_1378[0] : f32 from vector<1xf32>
      %broadcast_in_dim3A_1380 = vector.broadcast %squeeze3A_1379 : f32 to vector<16xf32>
      %mul3A_1381 = arith.mulf %bitcast3A_1263, %broadcast_in_dim3A_1380 : vector<16xf32>
      %add3A_1382 = arith.addf %add3A_1219, %mul3A_1381 : vector<16xf32>
      %mul3A_1383 = arith.mulf %bitcast3A_1279, %broadcast_in_dim3A_1380 : vector<16xf32>
      %add3A_1384 = arith.addf %add3A_1221, %mul3A_1383 : vector<16xf32>
      %slice3A_1385 = vector.extract_strided_slice %bitcast3A_1247 {offsets = [15], sizes = [1], strides = [1]} : vector<16xf32> to vector<1xf32>
      %squeeze3A_1386 = vector.extract %slice3A_1385[0] : f32 from vector<1xf32>
      %broadcast_in_dim3A_1387 = vector.broadcast %squeeze3A_1386 : f32 to vector<16xf32>
      %mul3A_1388 = arith.mulf %bitcast3A_1263, %broadcast_in_dim3A_1387 : vector<16xf32>
      %add3A_1389 = arith.addf %add3A_1226, %mul3A_1388 : vector<16xf32>
      %mul3A_1390 = arith.mulf %bitcast3A_1279, %broadcast_in_dim3A_1387 : vector<16xf32>
      %add3A_1391 = arith.addf %add3A_1228, %mul3A_1390 : vector<16xf32>
      %add3A_1392 = arith.constant 1 : i32
      %add3A_1393 = vector.broadcast %add3A_1392 : i32 to vector<16xi32>
      %add3A_1394 = arith.addi %add3A_1231, %add3A_1393 : vector<16xi32>
      %gather3A_1395 = tpu.vector_load_idx %arg8[%iota3A, %add3A_1394] : memref<16x2048xf32, #tpu.memory_space<vmem>>[vector<16xi32>, vector<16xi32>], vector<16xf32>,
      %bitcast3A_1396 = vector.bitcast %gather3A_1395 : vector<16xf32> to vector<16xi32>
      %add3A_1397 = arith.constant 32767 : i32
      %add3A_1398 = vector.broadcast %add3A_1397 : i32 to vector<16xi32>
      %add3A_1399 = arith.addi %bitcast3A_1396, %add3A_1398 : vector<16xi32>
      %shift_right_logical3A_1400 = arith.constant 16 : i32
      %shift_right_logical3A_1401 = vector.broadcast %shift_right_logical3A_1400 : i32 to vector<16xi32>
      %shift_right_logical3A_1402 = arith.shrui %bitcast3A_1396, %shift_right_logical3A_1401 : vector<16xi32>
      %and3A_1403 = arith.constant 1 : i32
      %and3A_1404 = vector.broadcast %and3A_1403 : i32 to vector<16xi32>
      %and3A_1405 = arith.andi %shift_right_logical3A_1402, %and3A_1404 : vector<16xi32>
      %add3A_1406 = arith.addi %add3A_1399, %and3A_1405 : vector<16xi32>
      %and3A_1407 = arith.constant -65536 : i32
      %and3A_1408 = vector.broadcast %and3A_1407 : i32 to vector<16xi32>
      %and3A_1409 = arith.andi %add3A_1406, %and3A_1408 : vector<16xi32>
      %bitcast3A_1410 = vector.bitcast %and3A_1409 : vector<16xi32> to vector<16xf32>
      %gather3A_1411 = tpu.vector_load_idx %arg7[%add3A_107, %add3A_1394] : memref<32x2048xf32, #tpu.memory_space<vmem>>[vector<16xi32>, vector<16xi32>], vector<16xf32>,
      %bitcast3A_1412 = vector.bitcast %gather3A_1411 : vector<16xf32> to vector<16xi32>
      %add3A_1413 = arith.constant 32767 : i32
      %add3A_1414 = vector.broadcast %add3A_1413 : i32 to vector<16xi32>
      %add3A_1415 = arith.addi %bitcast3A_1412, %add3A_1414 : vector<16xi32>
      %shift_right_logical3A_1416 = arith.constant 16 : i32
      %shift_right_logical3A_1417 = vector.broadcast %shift_right_logical3A_1416 : i32 to vector<16xi32>
      %shift_right_logical3A_1418 = arith.shrui %bitcast3A_1412, %shift_right_logical3A_1417 : vector<16xi32>
      %and3A_1419 = arith.constant 1 : i32
      %and3A_1420 = vector.broadcast %and3A_1419 : i32 to vector<16xi32>
      %and3A_1421 = arith.andi %shift_right_logical3A_1418, %and3A_1420 : vector<16xi32>
      %add3A_1422 = arith.addi %add3A_1415, %and3A_1421 : vector<16xi32>
      %and3A_1423 = arith.constant -65536 : i32
      %and3A_1424 = vector.broadcast %and3A_1423 : i32 to vector<16xi32>
      %and3A_1425 = arith.andi %add3A_1422, %and3A_1424 : vector<16xi32>
      %bitcast3A_1426 = vector.bitcast %and3A_1425 : vector<16xi32> to vector<16xf32>
      %gather3A_1427 = tpu.vector_load_idx %arg7[%add3A_110, %add3A_1394] : memref<32x2048xf32, #tpu.memory_space<vmem>>[vector<16xi32>, vector<16xi32>], vector<16xf32>,
      %bitcast3A_1428 = vector.bitcast %gather3A_1427 : vector<16xf32> to vector<16xi32>
      %add3A_1429 = arith.constant 32767 : i32
      %add3A_1430 = vector.broadcast %add3A_1429 : i32 to vector<16xi32>
      %add3A_1431 = arith.addi %bitcast3A_1428, %add3A_1430 : vector<16xi32>
      %shift_right_logical3A_1432 = arith.constant 16 : i32
      %shift_right_logical3A_1433 = vector.broadcast %shift_right_logical3A_1432 : i32 to vector<16xi32>
      %shift_right_logical3A_1434 = arith.shrui %bitcast3A_1428, %shift_right_logical3A_1433 : vector<16xi32>
      %and3A_1435 = arith.constant 1 : i32
      %and3A_1436 = vector.broadcast %and3A_1435 : i32 to vector<16xi32>
      %and3A_1437 = arith.andi %shift_right_logical3A_1434, %and3A_1436 : vector<16xi32>
      %add3A_1438 = arith.addi %add3A_1431, %and3A_1437 : vector<16xi32>
      %and3A_1439 = arith.constant -65536 : i32
      %and3A_1440 = vector.broadcast %and3A_1439 : i32 to vector<16xi32>
      %and3A_1441 = arith.andi %add3A_1438, %and3A_1440 : vector<16xi32>
      %bitcast3A_1442 = vector.bitcast %and3A_1441 : vector<16xi32> to vector<16xf32>
      %slice3A_1443 = vector.extract_strided_slice %bitcast3A_1410 {offsets = [0], sizes = [1], strides = [1]} : vector<16xf32> to vector<1xf32>
      %squeeze3A_1444 = vector.extract %slice3A_1443[0] : f32 from vector<1xf32>
      %broadcast_in_dim3A_1445 = vector.broadcast %squeeze3A_1444 : f32 to vector<16xf32>
      %mul3A_1446 = arith.mulf %bitcast3A_1426, %broadcast_in_dim3A_1445 : vector<16xf32>
      %add3A_1447 = arith.addf %add3A_1284, %mul3A_1446 : vector<16xf32>
      %mul3A_1448 = arith.mulf %bitcast3A_1442, %broadcast_in_dim3A_1445 : vector<16xf32>
      %add3A_1449 = arith.addf %add3A_1286, %mul3A_1448 : vector<16xf32>
      %slice3A_1450 = vector.extract_strided_slice %bitcast3A_1410 {offsets = [1], sizes = [1], strides = [1]} : vector<16xf32> to vector<1xf32>
      %squeeze3A_1451 = vector.extract %slice3A_1450[0] : f32 from vector<1xf32>
      %broadcast_in_dim3A_1452 = vector.broadcast %squeeze3A_1451 : f32 to vector<16xf32>
      %mul3A_1453 = arith.mulf %bitcast3A_1426, %broadcast_in_dim3A_1452 : vector<16xf32>
      %add3A_1454 = arith.addf %add3A_1291, %mul3A_1453 : vector<16xf32>
      %mul3A_1455 = arith.mulf %bitcast3A_1442, %broadcast_in_dim3A_1452 : vector<16xf32>
      %add3A_1456 = arith.addf %add3A_1293, %mul3A_1455 : vector<16xf32>
      %slice3A_1457 = vector.extract_strided_slice %bitcast3A_1410 {offsets = [2], sizes = [1], strides = [1]} : vector<16xf32> to vector<1xf32>
      %squeeze3A_1458 = vector.extract %slice3A_1457[0] : f32 from vector<1xf32>
      %broadcast_in_dim3A_1459 = vector.broadcast %squeeze3A_1458 : f32 to vector<16xf32>
      %mul3A_1460 = arith.mulf %bitcast3A_1426, %broadcast_in_dim3A_1459 : vector<16xf32>
      %add3A_1461 = arith.addf %add3A_1298, %mul3A_1460 : vector<16xf32>
      %mul3A_1462 = arith.mulf %bitcast3A_1442, %broadcast_in_dim3A_1459 : vector<16xf32>
      %add3A_1463 = arith.addf %add3A_1300, %mul3A_1462 : vector<16xf32>
      %slice3A_1464 = vector.extract_strided_slice %bitcast3A_1410 {offsets = [3], sizes = [1], strides = [1]} : vector<16xf32> to vector<1xf32>
      %squeeze3A_1465 = vector.extract %slice3A_1464[0] : f32 from vector<1xf32>
      %broadcast_in_dim3A_1466 = vector.broadcast %squeeze3A_1465 : f32 to vector<16xf32>
      %mul3A_1467 = arith.mulf %bitcast3A_1426, %broadcast_in_dim3A_1466 : vector<16xf32>
      %add3A_1468 = arith.addf %add3A_1305, %mul3A_1467 : vector<16xf32>
      %mul3A_1469 = arith.mulf %bitcast3A_1442, %broadcast_in_dim3A_1466 : vector<16xf32>
      %add3A_1470 = arith.addf %add3A_1307, %mul3A_1469 : vector<16xf32>
      %slice3A_1471 = vector.extract_strided_slice %bitcast3A_1410 {offsets = [4], sizes = [1], strides = [1]} : vector<16xf32> to vector<1xf32>
      %squeeze3A_1472 = vector.extract %slice3A_1471[0] : f32 from vector<1xf32>
      %broadcast_in_dim3A_1473 = vector.broadcast %squeeze3A_1472 : f32 to vector<16xf32>
      %mul3A_1474 = arith.mulf %bitcast3A_1426, %broadcast_in_dim3A_1473 : vector<16xf32>
      %add3A_1475 = arith.addf %add3A_1312, %mul3A_1474 : vector<16xf32>
      %mul3A_1476 = arith.mulf %bitcast3A_1442, %broadcast_in_dim3A_1473 : vector<16xf32>
      %add3A_1477 = arith.addf %add3A_1314, %mul3A_1476 : vector<16xf32>
      %slice3A_1478 = vector.extract_strided_slice %bitcast3A_1410 {offsets = [5], sizes = [1], strides = [1]} : vector<16xf32> to vector<1xf32>
      %squeeze3A_1479 = vector.extract %slice3A_1478[0] : f32 from vector<1xf32>
      %broadcast_in_dim3A_1480 = vector.broadcast %squeeze3A_1479 : f32 to vector<16xf32>
      %mul3A_1481 = arith.mulf %bitcast3A_1426, %broadcast_in_dim3A_1480 : vector<16xf32>
      %add3A_1482 = arith.addf %add3A_1319, %mul3A_1481 : vector<16xf32>
      %mul3A_1483 = arith.mulf %bitcast3A_1442, %broadcast_in_dim3A_1480 : vector<16xf32>
      %add3A_1484 = arith.addf %add3A_1321, %mul3A_1483 : vector<16xf32>
      %slice3A_1485 = vector.extract_strided_slice %bitcast3A_1410 {offsets = [6], sizes = [1], strides = [1]} : vector<16xf32> to vector<1xf32>
      %squeeze3A_1486 = vector.extract %slice3A_1485[0] : f32 from vector<1xf32>
      %broadcast_in_dim3A_1487 = vector.broadcast %squeeze3A_1486 : f32 to vector<16xf32>
      %mul3A_1488 = arith.mulf %bitcast3A_1426, %broadcast_in_dim3A_1487 : vector<16xf32>
      %add3A_1489 = arith.addf %add3A_1326, %mul3A_1488 : vector<16xf32>
      %mul3A_1490 = arith.mulf %bitcast3A_1442, %broadcast_in_dim3A_1487 : vector<16xf32>
      %add3A_1491 = arith.addf %add3A_1328, %mul3A_1490 : vector<16xf32>
      %slice3A_1492 = vector.extract_strided_slice %bitcast3A_1410 {offsets = [7], sizes = [1], strides = [1]} : vector<16xf32> to vector<1xf32>
      %squeeze3A_1493 = vector.extract %slice3A_1492[0] : f32 from vector<1xf32>
      %broadcast_in_dim3A_1494 = vector.broadcast %squeeze3A_1493 : f32 to vector<16xf32>
      %mul3A_1495 = arith.mulf %bitcast3A_1426, %broadcast_in_dim3A_1494 : vector<16xf32>
      %add3A_1496 = arith.addf %add3A_1333, %mul3A_1495 : vector<16xf32>
      %mul3A_1497 = arith.mulf %bitcast3A_1442, %broadcast_in_dim3A_1494 : vector<16xf32>
      %add3A_1498 = arith.addf %add3A_1335, %mul3A_1497 : vector<16xf32>
      %slice3A_1499 = vector.extract_strided_slice %bitcast3A_1410 {offsets = [8], sizes = [1], strides = [1]} : vector<16xf32> to vector<1xf32>
      %squeeze3A_1500 = vector.extract %slice3A_1499[0] : f32 from vector<1xf32>
      %broadcast_in_dim3A_1501 = vector.broadcast %squeeze3A_1500 : f32 to vector<16xf32>
      %mul3A_1502 = arith.mulf %bitcast3A_1426, %broadcast_in_dim3A_1501 : vector<16xf32>
      %add3A_1503 = arith.addf %add3A_1340, %mul3A_1502 : vector<16xf32>
      %mul3A_1504 = arith.mulf %bitcast3A_1442, %broadcast_in_dim3A_1501 : vector<16xf32>
      %add3A_1505 = arith.addf %add3A_1342, %mul3A_1504 : vector<16xf32>
      %slice3A_1506 = vector.extract_strided_slice %bitcast3A_1410 {offsets = [9], sizes = [1], strides = [1]} : vector<16xf32> to vector<1xf32>
      %squeeze3A_1507 = vector.extract %slice3A_1506[0] : f32 from vector<1xf32>
      %broadcast_in_dim3A_1508 = vector.broadcast %squeeze3A_1507 : f32 to vector<16xf32>
      %mul3A_1509 = arith.mulf %bitcast3A_1426, %broadcast_in_dim3A_1508 : vector<16xf32>
      %add3A_1510 = arith.addf %add3A_1347, %mul3A_1509 : vector<16xf32>
      %mul3A_1511 = arith.mulf %bitcast3A_1442, %broadcast_in_dim3A_1508 : vector<16xf32>
      %add3A_1512 = arith.addf %add3A_1349, %mul3A_1511 : vector<16xf32>
      %slice3A_1513 = vector.extract_strided_slice %bitcast3A_1410 {offsets = [10], sizes = [1], strides = [1]} : vector<16xf32> to vector<1xf32>
      %squeeze3A_1514 = vector.extract %slice3A_1513[0] : f32 from vector<1xf32>
      %broadcast_in_dim3A_1515 = vector.broadcast %squeeze3A_1514 : f32 to vector<16xf32>
      %mul3A_1516 = arith.mulf %bitcast3A_1426, %broadcast_in_dim3A_1515 : vector<16xf32>
      %add3A_1517 = arith.addf %add3A_1354, %mul3A_1516 : vector<16xf32>
      %mul3A_1518 = arith.mulf %bitcast3A_1442, %broadcast_in_dim3A_1515 : vector<16xf32>
      %add3A_1519 = arith.addf %add3A_1356, %mul3A_1518 : vector<16xf32>
      %slice3A_1520 = vector.extract_strided_slice %bitcast3A_1410 {offsets = [11], sizes = [1], strides = [1]} : vector<16xf32> to vector<1xf32>
      %squeeze3A_1521 = vector.extract %slice3A_1520[0] : f32 from vector<1xf32>
      %broadcast_in_dim3A_1522 = vector.broadcast %squeeze3A_1521 : f32 to vector<16xf32>
      %mul3A_1523 = arith.mulf %bitcast3A_1426, %broadcast_in_dim3A_1522 : vector<16xf32>
      %add3A_1524 = arith.addf %add3A_1361, %mul3A_1523 : vector<16xf32>
      %mul3A_1525 = arith.mulf %bitcast3A_1442, %broadcast_in_dim3A_1522 : vector<16xf32>
      %add3A_1526 = arith.addf %add3A_1363, %mul3A_1525 : vector<16xf32>
      %slice3A_1527 = vector.extract_strided_slice %bitcast3A_1410 {offsets = [12], sizes = [1], strides = [1]} : vector<16xf32> to vector<1xf32>
      %squeeze3A_1528 = vector.extract %slice3A_1527[0] : f32 from vector<1xf32>
      %broadcast_in_dim3A_1529 = vector.broadcast %squeeze3A_1528 : f32 to vector<16xf32>
      %mul3A_1530 = arith.mulf %bitcast3A_1426, %broadcast_in_dim3A_1529 : vector<16xf32>
      %add3A_1531 = arith.addf %add3A_1368, %mul3A_1530 : vector<16xf32>
      %mul3A_1532 = arith.mulf %bitcast3A_1442, %broadcast_in_dim3A_1529 : vector<16xf32>
      %add3A_1533 = arith.addf %add3A_1370, %mul3A_1532 : vector<16xf32>
      %slice3A_1534 = vector.extract_strided_slice %bitcast3A_1410 {offsets = [13], sizes = [1], strides = [1]} : vector<16xf32> to vector<1xf32>
      %squeeze3A_1535 = vector.extract %slice3A_1534[0] : f32 from vector<1xf32>
      %broadcast_in_dim3A_1536 = vector.broadcast %squeeze3A_1535 : f32 to vector<16xf32>
      %mul3A_1537 = arith.mulf %bitcast3A_1426, %broadcast_in_dim3A_1536 : vector<16xf32>
      %add3A_1538 = arith.addf %add3A_1375, %mul3A_1537 : vector<16xf32>
      %mul3A_1539 = arith.mulf %bitcast3A_1442, %broadcast_in_dim3A_1536 : vector<16xf32>
      %add3A_1540 = arith.addf %add3A_1377, %mul3A_1539 : vector<16xf32>
      %slice3A_1541 = vector.extract_strided_slice %bitcast3A_1410 {offsets = [14], sizes = [1], strides = [1]} : vector<16xf32> to vector<1xf32>
      %squeeze3A_1542 = vector.extract %slice3A_1541[0] : f32 from vector<1xf32>
      %broadcast_in_dim3A_1543 = vector.broadcast %squeeze3A_1542 : f32 to vector<16xf32>
      %mul3A_1544 = arith.mulf %bitcast3A_1426, %broadcast_in_dim3A_1543 : vector<16xf32>
      %add3A_1545 = arith.addf %add3A_1382, %mul3A_1544 : vector<16xf32>
      %mul3A_1546 = arith.mulf %bitcast3A_1442, %broadcast_in_dim3A_1543 : vector<16xf32>
      %add3A_1547 = arith.addf %add3A_1384, %mul3A_1546 : vector<16xf32>
      %slice3A_1548 = vector.extract_strided_slice %bitcast3A_1410 {offsets = [15], sizes = [1], strides = [1]} : vector<16xf32> to vector<1xf32>
      %squeeze3A_1549 = vector.extract %slice3A_1548[0] : f32 from vector<1xf32>
      %broadcast_in_dim3A_1550 = vector.broadcast %squeeze3A_1549 : f32 to vector<16xf32>
      %mul3A_1551 = arith.mulf %bitcast3A_1426, %broadcast_in_dim3A_1550 : vector<16xf32>
      %add3A_1552 = arith.addf %add3A_1389, %mul3A_1551 : vector<16xf32>
      %mul3A_1553 = arith.mulf %bitcast3A_1442, %broadcast_in_dim3A_1550 : vector<16xf32>
      %add3A_1554 = arith.addf %add3A_1391, %mul3A_1553 : vector<16xf32>
      %add3A_1555 = arith.constant 1 : i32
      %add3A_1556 = vector.broadcast %add3A_1555 : i32 to vector<16xi32>
      %add3A_1557 = arith.addi %add3A_1394, %add3A_1556 : vector<16xi32>
      %gather3A_1558 = tpu.vector_load_idx %arg8[%iota3A, %add3A_1557] : memref<16x2048xf32, #tpu.memory_space<vmem>>[vector<16xi32>, vector<16xi32>], vector<16xf32>,
      %bitcast3A_1559 = vector.bitcast %gather3A_1558 : vector<16xf32> to vector<16xi32>
      %add3A_1560 = arith.constant 32767 : i32
      %add3A_1561 = vector.broadcast %add3A_1560 : i32 to vector<16xi32>
      %add3A_1562 = arith.addi %bitcast3A_1559, %add3A_1561 : vector<16xi32>
      %shift_right_logical3A_1563 = arith.constant 16 : i32
      %shift_right_logical3A_1564 = vector.broadcast %shift_right_logical3A_1563 : i32 to vector<16xi32>
      %shift_right_logical3A_1565 = arith.shrui %bitcast3A_1559, %shift_right_logical3A_1564 : vector<16xi32>
      %and3A_1566 = arith.constant 1 : i32
      %and3A_1567 = vector.broadcast %and3A_1566 : i32 to vector<16xi32>
      %and3A_1568 = arith.andi %shift_right_logical3A_1565, %and3A_1567 : vector<16xi32>
      %add3A_1569 = arith.addi %add3A_1562, %and3A_1568 : vector<16xi32>
      %and3A_1570 = arith.constant -65536 : i32
      %and3A_1571 = vector.broadcast %and3A_1570 : i32 to vector<16xi32>
      %and3A_1572 = arith.andi %add3A_1569, %and3A_1571 : vector<16xi32>
      %bitcast3A_1573 = vector.bitcast %and3A_1572 : vector<16xi32> to vector<16xf32>
      %gather3A_1574 = tpu.vector_load_idx %arg7[%add3A_107, %add3A_1557] : memref<32x2048xf32, #tpu.memory_space<vmem>>[vector<16xi32>, vector<16xi32>], vector<16xf32>,
      %bitcast3A_1575 = vector.bitcast %gather3A_1574 : vector<16xf32> to vector<16xi32>
      %add3A_1576 = arith.constant 32767 : i32
      %add3A_1577 = vector.broadcast %add3A_1576 : i32 to vector<16xi32>
      %add3A_1578 = arith.addi %bitcast3A_1575, %add3A_1577 : vector<16xi32>
      %shift_right_logical3A_1579 = arith.constant 16 : i32
      %shift_right_logical3A_1580 = vector.broadcast %shift_right_logical3A_1579 : i32 to vector<16xi32>
      %shift_right_logical3A_1581 = arith.shrui %bitcast3A_1575, %shift_right_logical3A_1580 : vector<16xi32>
      %and3A_1582 = arith.constant 1 : i32
      %and3A_1583 = vector.broadcast %and3A_1582 : i32 to vector<16xi32>
      %and3A_1584 = arith.andi %shift_right_logical3A_1581, %and3A_1583 : vector<16xi32>
      %add3A_1585 = arith.addi %add3A_1578, %and3A_1584 : vector<16xi32>
      %and3A_1586 = arith.constant -65536 : i32
      %and3A_1587 = vector.broadcast %and3A_1586 : i32 to vector<16xi32>
      %and3A_1588 = arith.andi %add3A_1585, %and3A_1587 : vector<16xi32>
      %bitcast3A_1589 = vector.bitcast %and3A_1588 : vector<16xi32> to vector<16xf32>
      %gather3A_1590 = tpu.vector_load_idx %arg7[%add3A_110, %add3A_1557] : memref<32x2048xf32, #tpu.memory_space<vmem>>[vector<16xi32>, vector<16xi32>], vector<16xf32>,
      %bitcast3A_1591 = vector.bitcast %gather3A_1590 : vector<16xf32> to vector<16xi32>
      %add3A_1592 = arith.constant 32767 : i32
      %add3A_1593 = vector.broadcast %add3A_1592 : i32 to vector<16xi32>
      %add3A_1594 = arith.addi %bitcast3A_1591, %add3A_1593 : vector<16xi32>
      %shift_right_logical3A_1595 = arith.constant 16 : i32
      %shift_right_logical3A_1596 = vector.broadcast %shift_right_logical3A_1595 : i32 to vector<16xi32>
      %shift_right_logical3A_1597 = arith.shrui %bitcast3A_1591, %shift_right_logical3A_1596 : vector<16xi32>
      %and3A_1598 = arith.constant 1 : i32
      %and3A_1599 = vector.broadcast %and3A_1598 : i32 to vector<16xi32>
      %and3A_1600 = arith.andi %shift_right_logical3A_1597, %and3A_1599 : vector<16xi32>
      %add3A_1601 = arith.addi %add3A_1594, %and3A_1600 : vector<16xi32>
      %and3A_1602 = arith.constant -65536 : i32
      %and3A_1603 = vector.broadcast %and3A_1602 : i32 to vector<16xi32>
      %and3A_1604 = arith.andi %add3A_1601, %and3A_1603 : vector<16xi32>
      %bitcast3A_1605 = vector.bitcast %and3A_1604 : vector<16xi32> to vector<16xf32>
      %slice3A_1606 = vector.extract_strided_slice %bitcast3A_1573 {offsets = [0], sizes = [1], strides = [1]} : vector<16xf32> to vector<1xf32>
      %squeeze3A_1607 = vector.extract %slice3A_1606[0] : f32 from vector<1xf32>
      %broadcast_in_dim3A_1608 = vector.broadcast %squeeze3A_1607 : f32 to vector<16xf32>
      %mul3A_1609 = arith.mulf %bitcast3A_1589, %broadcast_in_dim3A_1608 : vector<16xf32>
      %add3A_1610 = arith.addf %add3A_1447, %mul3A_1609 : vector<16xf32>
      %mul3A_1611 = arith.mulf %bitcast3A_1605, %broadcast_in_dim3A_1608 : vector<16xf32>
      %add3A_1612 = arith.addf %add3A_1449, %mul3A_1611 : vector<16xf32>
      %slice3A_1613 = vector.extract_strided_slice %bitcast3A_1573 {offsets = [1], sizes = [1], strides = [1]} : vector<16xf32> to vector<1xf32>
      %squeeze3A_1614 = vector.extract %slice3A_1613[0] : f32 from vector<1xf32>
      %broadcast_in_dim3A_1615 = vector.broadcast %squeeze3A_1614 : f32 to vector<16xf32>
      %mul3A_1616 = arith.mulf %bitcast3A_1589, %broadcast_in_dim3A_1615 : vector<16xf32>
      %add3A_1617 = arith.addf %add3A_1454, %mul3A_1616 : vector<16xf32>
      %mul3A_1618 = arith.mulf %bitcast3A_1605, %broadcast_in_dim3A_1615 : vector<16xf32>
      %add3A_1619 = arith.addf %add3A_1456, %mul3A_1618 : vector<16xf32>
      %slice3A_1620 = vector.extract_strided_slice %bitcast3A_1573 {offsets = [2], sizes = [1], strides = [1]} : vector<16xf32> to vector<1xf32>
      %squeeze3A_1621 = vector.extract %slice3A_1620[0] : f32 from vector<1xf32>
      %broadcast_in_dim3A_1622 = vector.broadcast %squeeze3A_1621 : f32 to vector<16xf32>
      %mul3A_1623 = arith.mulf %bitcast3A_1589, %broadcast_in_dim3A_1622 : vector<16xf32>
      %add3A_1624 = arith.addf %add3A_1461, %mul3A_1623 : vector<16xf32>
      %mul3A_1625 = arith.mulf %bitcast3A_1605, %broadcast_in_dim3A_1622 : vector<16xf32>
      %add3A_1626 = arith.addf %add3A_1463, %mul3A_1625 : vector<16xf32>
      %slice3A_1627 = vector.extract_strided_slice %bitcast3A_1573 {offsets = [3], sizes = [1], strides = [1]} : vector<16xf32> to vector<1xf32>
      %squeeze3A_1628 = vector.extract %slice3A_1627[0] : f32 from vector<1xf32>
      %broadcast_in_dim3A_1629 = vector.broadcast %squeeze3A_1628 : f32 to vector<16xf32>
      %mul3A_1630 = arith.mulf %bitcast3A_1589, %broadcast_in_dim3A_1629 : vector<16xf32>
      %add3A_1631 = arith.addf %add3A_1468, %mul3A_1630 : vector<16xf32>
      %mul3A_1632 = arith.mulf %bitcast3A_1605, %broadcast_in_dim3A_1629 : vector<16xf32>
      %add3A_1633 = arith.addf %add3A_1470, %mul3A_1632 : vector<16xf32>
      %slice3A_1634 = vector.extract_strided_slice %bitcast3A_1573 {offsets = [4], sizes = [1], strides = [1]} : vector<16xf32> to vector<1xf32>
      %squeeze3A_1635 = vector.extract %slice3A_1634[0] : f32 from vector<1xf32>
      %broadcast_in_dim3A_1636 = vector.broadcast %squeeze3A_1635 : f32 to vector<16xf32>
      %mul3A_1637 = arith.mulf %bitcast3A_1589, %broadcast_in_dim3A_1636 : vector<16xf32>
      %add3A_1638 = arith.addf %add3A_1475, %mul3A_1637 : vector<16xf32>
      %mul3A_1639 = arith.mulf %bitcast3A_1605, %broadcast_in_dim3A_1636 : vector<16xf32>
      %add3A_1640 = arith.addf %add3A_1477, %mul3A_1639 : vector<16xf32>
      %slice3A_1641 = vector.extract_strided_slice %bitcast3A_1573 {offsets = [5], sizes = [1], strides = [1]} : vector<16xf32> to vector<1xf32>
      %squeeze3A_1642 = vector.extract %slice3A_1641[0] : f32 from vector<1xf32>
      %broadcast_in_dim3A_1643 = vector.broadcast %squeeze3A_1642 : f32 to vector<16xf32>
      %mul3A_1644 = arith.mulf %bitcast3A_1589, %broadcast_in_dim3A_1643 : vector<16xf32>
      %add3A_1645 = arith.addf %add3A_1482, %mul3A_1644 : vector<16xf32>
      %mul3A_1646 = arith.mulf %bitcast3A_1605, %broadcast_in_dim3A_1643 : vector<16xf32>
      %add3A_1647 = arith.addf %add3A_1484, %mul3A_1646 : vector<16xf32>
      %slice3A_1648 = vector.extract_strided_slice %bitcast3A_1573 {offsets = [6], sizes = [1], strides = [1]} : vector<16xf32> to vector<1xf32>
      %squeeze3A_1649 = vector.extract %slice3A_1648[0] : f32 from vector<1xf32>
      %broadcast_in_dim3A_1650 = vector.broadcast %squeeze3A_1649 : f32 to vector<16xf32>
      %mul3A_1651 = arith.mulf %bitcast3A_1589, %broadcast_in_dim3A_1650 : vector<16xf32>
      %add3A_1652 = arith.addf %add3A_1489, %mul3A_1651 : vector<16xf32>
      %mul3A_1653 = arith.mulf %bitcast3A_1605, %broadcast_in_dim3A_1650 : vector<16xf32>
      %add3A_1654 = arith.addf %add3A_1491, %mul3A_1653 : vector<16xf32>
      %slice3A_1655 = vector.extract_strided_slice %bitcast3A_1573 {offsets = [7], sizes = [1], strides = [1]} : vector<16xf32> to vector<1xf32>
      %squeeze3A_1656 = vector.extract %slice3A_1655[0] : f32 from vector<1xf32>
      %broadcast_in_dim3A_1657 = vector.broadcast %squeeze3A_1656 : f32 to vector<16xf32>
      %mul3A_1658 = arith.mulf %bitcast3A_1589, %broadcast_in_dim3A_1657 : vector<16xf32>
      %add3A_1659 = arith.addf %add3A_1496, %mul3A_1658 : vector<16xf32>
      %mul3A_1660 = arith.mulf %bitcast3A_1605, %broadcast_in_dim3A_1657 : vector<16xf32>
      %add3A_1661 = arith.addf %add3A_1498, %mul3A_1660 : vector<16xf32>
      %slice3A_1662 = vector.extract_strided_slice %bitcast3A_1573 {offsets = [8], sizes = [1], strides = [1]} : vector<16xf32> to vector<1xf32>
      %squeeze3A_1663 = vector.extract %slice3A_1662[0] : f32 from vector<1xf32>
      %broadcast_in_dim3A_1664 = vector.broadcast %squeeze3A_1663 : f32 to vector<16xf32>
      %mul3A_1665 = arith.mulf %bitcast3A_1589, %broadcast_in_dim3A_1664 : vector<16xf32>
      %add3A_1666 = arith.addf %add3A_1503, %mul3A_1665 : vector<16xf32>
      %mul3A_1667 = arith.mulf %bitcast3A_1605, %broadcast_in_dim3A_1664 : vector<16xf32>
      %add3A_1668 = arith.addf %add3A_1505, %mul3A_1667 : vector<16xf32>
      %slice3A_1669 = vector.extract_strided_slice %bitcast3A_1573 {offsets = [9], sizes = [1], strides = [1]} : vector<16xf32> to vector<1xf32>
      %squeeze3A_1670 = vector.extract %slice3A_1669[0] : f32 from vector<1xf32>
      %broadcast_in_dim3A_1671 = vector.broadcast %squeeze3A_1670 : f32 to vector<16xf32>
      %mul3A_1672 = arith.mulf %bitcast3A_1589, %broadcast_in_dim3A_1671 : vector<16xf32>
      %add3A_1673 = arith.addf %add3A_1510, %mul3A_1672 : vector<16xf32>
      %mul3A_1674 = arith.mulf %bitcast3A_1605, %broadcast_in_dim3A_1671 : vector<16xf32>
      %add3A_1675 = arith.addf %add3A_1512, %mul3A_1674 : vector<16xf32>
      %slice3A_1676 = vector.extract_strided_slice %bitcast3A_1573 {offsets = [10], sizes = [1], strides = [1]} : vector<16xf32> to vector<1xf32>
      %squeeze3A_1677 = vector.extract %slice3A_1676[0] : f32 from vector<1xf32>
      %broadcast_in_dim3A_1678 = vector.broadcast %squeeze3A_1677 : f32 to vector<16xf32>
      %mul3A_1679 = arith.mulf %bitcast3A_1589, %broadcast_in_dim3A_1678 : vector<16xf32>
      %add3A_1680 = arith.addf %add3A_1517, %mul3A_1679 : vector<16xf32>
      %mul3A_1681 = arith.mulf %bitcast3A_1605, %broadcast_in_dim3A_1678 : vector<16xf32>
      %add3A_1682 = arith.addf %add3A_1519, %mul3A_1681 : vector<16xf32>
      %slice3A_1683 = vector.extract_strided_slice %bitcast3A_1573 {offsets = [11], sizes = [1], strides = [1]} : vector<16xf32> to vector<1xf32>
      %squeeze3A_1684 = vector.extract %slice3A_1683[0] : f32 from vector<1xf32>
      %broadcast_in_dim3A_1685 = vector.broadcast %squeeze3A_1684 : f32 to vector<16xf32>
      %mul3A_1686 = arith.mulf %bitcast3A_1589, %broadcast_in_dim3A_1685 : vector<16xf32>
      %add3A_1687 = arith.addf %add3A_1524, %mul3A_1686 : vector<16xf32>
      %mul3A_1688 = arith.mulf %bitcast3A_1605, %broadcast_in_dim3A_1685 : vector<16xf32>
      %add3A_1689 = arith.addf %add3A_1526, %mul3A_1688 : vector<16xf32>
      %slice3A_1690 = vector.extract_strided_slice %bitcast3A_1573 {offsets = [12], sizes = [1], strides = [1]} : vector<16xf32> to vector<1xf32>
      %squeeze3A_1691 = vector.extract %slice3A_1690[0] : f32 from vector<1xf32>
      %broadcast_in_dim3A_1692 = vector.broadcast %squeeze3A_1691 : f32 to vector<16xf32>
      %mul3A_1693 = arith.mulf %bitcast3A_1589, %broadcast_in_dim3A_1692 : vector<16xf32>
      %add3A_1694 = arith.addf %add3A_1531, %mul3A_1693 : vector<16xf32>
      %mul3A_1695 = arith.mulf %bitcast3A_1605, %broadcast_in_dim3A_1692 : vector<16xf32>
      %add3A_1696 = arith.addf %add3A_1533, %mul3A_1695 : vector<16xf32>
      %slice3A_1697 = vector.extract_strided_slice %bitcast3A_1573 {offsets = [13], sizes = [1], strides = [1]} : vector<16xf32> to vector<1xf32>
      %squeeze3A_1698 = vector.extract %slice3A_1697[0] : f32 from vector<1xf32>
      %broadcast_in_dim3A_1699 = vector.broadcast %squeeze3A_1698 : f32 to vector<16xf32>
      %mul3A_1700 = arith.mulf %bitcast3A_1589, %broadcast_in_dim3A_1699 : vector<16xf32>
      %add3A_1701 = arith.addf %add3A_1538, %mul3A_1700 : vector<16xf32>
      %mul3A_1702 = arith.mulf %bitcast3A_1605, %broadcast_in_dim3A_1699 : vector<16xf32>
      %add3A_1703 = arith.addf %add3A_1540, %mul3A_1702 : vector<16xf32>
      %slice3A_1704 = vector.extract_strided_slice %bitcast3A_1573 {offsets = [14], sizes = [1], strides = [1]} : vector<16xf32> to vector<1xf32>
      %squeeze3A_1705 = vector.extract %slice3A_1704[0] : f32 from vector<1xf32>
      %broadcast_in_dim3A_1706 = vector.broadcast %squeeze3A_1705 : f32 to vector<16xf32>
      %mul3A_1707 = arith.mulf %bitcast3A_1589, %broadcast_in_dim3A_1706 : vector<16xf32>
      %add3A_1708 = arith.addf %add3A_1545, %mul3A_1707 : vector<16xf32>
      %mul3A_1709 = arith.mulf %bitcast3A_1605, %broadcast_in_dim3A_1706 : vector<16xf32>
      %add3A_1710 = arith.addf %add3A_1547, %mul3A_1709 : vector<16xf32>
      %slice3A_1711 = vector.extract_strided_slice %bitcast3A_1573 {offsets = [15], sizes = [1], strides = [1]} : vector<16xf32> to vector<1xf32>
      %squeeze3A_1712 = vector.extract %slice3A_1711[0] : f32 from vector<1xf32>
      %broadcast_in_dim3A_1713 = vector.broadcast %squeeze3A_1712 : f32 to vector<16xf32>
      %mul3A_1714 = arith.mulf %bitcast3A_1589, %broadcast_in_dim3A_1713 : vector<16xf32>
      %add3A_1715 = arith.addf %add3A_1552, %mul3A_1714 : vector<16xf32>
      %mul3A_1716 = arith.mulf %bitcast3A_1605, %broadcast_in_dim3A_1713 : vector<16xf32>
      %add3A_1717 = arith.addf %add3A_1554, %mul3A_1716 : vector<16xf32>
      %add3A_1718 = arith.constant 1 : i32
      %add3A_1719 = vector.broadcast %add3A_1718 : i32 to vector<16xi32>
      %add3A_1720 = arith.addi %add3A_1557, %add3A_1719 : vector<16xi32>
      %gather3A_1721 = tpu.vector_load_idx %arg8[%iota3A, %add3A_1720] : memref<16x2048xf32, #tpu.memory_space<vmem>>[vector<16xi32>, vector<16xi32>], vector<16xf32>,
      %bitcast3A_1722 = vector.bitcast %gather3A_1721 : vector<16xf32> to vector<16xi32>
      %add3A_1723 = arith.constant 32767 : i32
      %add3A_1724 = vector.broadcast %add3A_1723 : i32 to vector<16xi32>
      %add3A_1725 = arith.addi %bitcast3A_1722, %add3A_1724 : vector<16xi32>
      %shift_right_logical3A_1726 = arith.constant 16 : i32
      %shift_right_logical3A_1727 = vector.broadcast %shift_right_logical3A_1726 : i32 to vector<16xi32>
      %shift_right_logical3A_1728 = arith.shrui %bitcast3A_1722, %shift_right_logical3A_1727 : vector<16xi32>
      %and3A_1729 = arith.constant 1 : i32
      %and3A_1730 = vector.broadcast %and3A_1729 : i32 to vector<16xi32>
      %and3A_1731 = arith.andi %shift_right_logical3A_1728, %and3A_1730 : vector<16xi32>
      %add3A_1732 = arith.addi %add3A_1725, %and3A_1731 : vector<16xi32>
      %and3A_1733 = arith.constant -65536 : i32
      %and3A_1734 = vector.broadcast %and3A_1733 : i32 to vector<16xi32>
      %and3A_1735 = arith.andi %add3A_1732, %and3A_1734 : vector<16xi32>
      %bitcast3A_1736 = vector.bitcast %and3A_1735 : vector<16xi32> to vector<16xf32>
      %gather3A_1737 = tpu.vector_load_idx %arg7[%add3A_107, %add3A_1720] : memref<32x2048xf32, #tpu.memory_space<vmem>>[vector<16xi32>, vector<16xi32>], vector<16xf32>,
      %bitcast3A_1738 = vector.bitcast %gather3A_1737 : vector<16xf32> to vector<16xi32>
      %add3A_1739 = arith.constant 32767 : i32
      %add3A_1740 = vector.broadcast %add3A_1739 : i32 to vector<16xi32>
      %add3A_1741 = arith.addi %bitcast3A_1738, %add3A_1740 : vector<16xi32>
      %shift_right_logical3A_1742 = arith.constant 16 : i32
      %shift_right_logical3A_1743 = vector.broadcast %shift_right_logical3A_1742 : i32 to vector<16xi32>
      %shift_right_logical3A_1744 = arith.shrui %bitcast3A_1738, %shift_right_logical3A_1743 : vector<16xi32>
      %and3A_1745 = arith.constant 1 : i32
      %and3A_1746 = vector.broadcast %and3A_1745 : i32 to vector<16xi32>
      %and3A_1747 = arith.andi %shift_right_logical3A_1744, %and3A_1746 : vector<16xi32>
      %add3A_1748 = arith.addi %add3A_1741, %and3A_1747 : vector<16xi32>
      %and3A_1749 = arith.constant -65536 : i32
      %and3A_1750 = vector.broadcast %and3A_1749 : i32 to vector<16xi32>
      %and3A_1751 = arith.andi %add3A_1748, %and3A_1750 : vector<16xi32>
      %bitcast3A_1752 = vector.bitcast %and3A_1751 : vector<16xi32> to vector<16xf32>
      %gather3A_1753 = tpu.vector_load_idx %arg7[%add3A_110, %add3A_1720] : memref<32x2048xf32, #tpu.memory_space<vmem>>[vector<16xi32>, vector<16xi32>], vector<16xf32>,
      %bitcast3A_1754 = vector.bitcast %gather3A_1753 : vector<16xf32> to vector<16xi32>
      %add3A_1755 = arith.constant 32767 : i32
      %add3A_1756 = vector.broadcast %add3A_1755 : i32 to vector<16xi32>
      %add3A_1757 = arith.addi %bitcast3A_1754, %add3A_1756 : vector<16xi32>
      %shift_right_logical3A_1758 = arith.constant 16 : i32
      %shift_right_logical3A_1759 = vector.broadcast %shift_right_logical3A_1758 : i32 to vector<16xi32>
      %shift_right_logical3A_1760 = arith.shrui %bitcast3A_1754, %shift_right_logical3A_1759 : vector<16xi32>
      %and3A_1761 = arith.constant 1 : i32
      %and3A_1762 = vector.broadcast %and3A_1761 : i32 to vector<16xi32>
      %and3A_1763 = arith.andi %shift_right_logical3A_1760, %and3A_1762 : vector<16xi32>
      %add3A_1764 = arith.addi %add3A_1757, %and3A_1763 : vector<16xi32>
      %and3A_1765 = arith.constant -65536 : i32
      %and3A_1766 = vector.broadcast %and3A_1765 : i32 to vector<16xi32>
      %and3A_1767 = arith.andi %add3A_1764, %and3A_1766 : vector<16xi32>
      %bitcast3A_1768 = vector.bitcast %and3A_1767 : vector<16xi32> to vector<16xf32>
      %slice3A_1769 = vector.extract_strided_slice %bitcast3A_1736 {offsets = [0], sizes = [1], strides = [1]} : vector<16xf32> to vector<1xf32>
      %squeeze3A_1770 = vector.extract %slice3A_1769[0] : f32 from vector<1xf32>
      %broadcast_in_dim3A_1771 = vector.broadcast %squeeze3A_1770 : f32 to vector<16xf32>
      %mul3A_1772 = arith.mulf %bitcast3A_1752, %broadcast_in_dim3A_1771 : vector<16xf32>
      %add3A_1773 = arith.addf %add3A_1610, %mul3A_1772 : vector<16xf32>
      %mul3A_1774 = arith.mulf %bitcast3A_1768, %broadcast_in_dim3A_1771 : vector<16xf32>
      %add3A_1775 = arith.addf %add3A_1612, %mul3A_1774 : vector<16xf32>
      %slice3A_1776 = vector.extract_strided_slice %bitcast3A_1736 {offsets = [1], sizes = [1], strides = [1]} : vector<16xf32> to vector<1xf32>
      %squeeze3A_1777 = vector.extract %slice3A_1776[0] : f32 from vector<1xf32>
      %broadcast_in_dim3A_1778 = vector.broadcast %squeeze3A_1777 : f32 to vector<16xf32>
      %mul3A_1779 = arith.mulf %bitcast3A_1752, %broadcast_in_dim3A_1778 : vector<16xf32>
      %add3A_1780 = arith.addf %add3A_1617, %mul3A_1779 : vector<16xf32>
      %mul3A_1781 = arith.mulf %bitcast3A_1768, %broadcast_in_dim3A_1778 : vector<16xf32>
      %add3A_1782 = arith.addf %add3A_1619, %mul3A_1781 : vector<16xf32>
      %slice3A_1783 = vector.extract_strided_slice %bitcast3A_1736 {offsets = [2], sizes = [1], strides = [1]} : vector<16xf32> to vector<1xf32>
      %squeeze3A_1784 = vector.extract %slice3A_1783[0] : f32 from vector<1xf32>
      %broadcast_in_dim3A_1785 = vector.broadcast %squeeze3A_1784 : f32 to vector<16xf32>
      %mul3A_1786 = arith.mulf %bitcast3A_1752, %broadcast_in_dim3A_1785 : vector<16xf32>
      %add3A_1787 = arith.addf %add3A_1624, %mul3A_1786 : vector<16xf32>
      %mul3A_1788 = arith.mulf %bitcast3A_1768, %broadcast_in_dim3A_1785 : vector<16xf32>
      %add3A_1789 = arith.addf %add3A_1626, %mul3A_1788 : vector<16xf32>
      %slice3A_1790 = vector.extract_strided_slice %bitcast3A_1736 {offsets = [3], sizes = [1], strides = [1]} : vector<16xf32> to vector<1xf32>
      %squeeze3A_1791 = vector.extract %slice3A_1790[0] : f32 from vector<1xf32>
      %broadcast_in_dim3A_1792 = vector.broadcast %squeeze3A_1791 : f32 to vector<16xf32>
      %mul3A_1793 = arith.mulf %bitcast3A_1752, %broadcast_in_dim3A_1792 : vector<16xf32>
      %add3A_1794 = arith.addf %add3A_1631, %mul3A_1793 : vector<16xf32>
      %mul3A_1795 = arith.mulf %bitcast3A_1768, %broadcast_in_dim3A_1792 : vector<16xf32>
      %add3A_1796 = arith.addf %add3A_1633, %mul3A_1795 : vector<16xf32>
      %slice3A_1797 = vector.extract_strided_slice %bitcast3A_1736 {offsets = [4], sizes = [1], strides = [1]} : vector<16xf32> to vector<1xf32>
      %squeeze3A_1798 = vector.extract %slice3A_1797[0] : f32 from vector<1xf32>
      %broadcast_in_dim3A_1799 = vector.broadcast %squeeze3A_1798 : f32 to vector<16xf32>
      %mul3A_1800 = arith.mulf %bitcast3A_1752, %broadcast_in_dim3A_1799 : vector<16xf32>
      %add3A_1801 = arith.addf %add3A_1638, %mul3A_1800 : vector<16xf32>
      %mul3A_1802 = arith.mulf %bitcast3A_1768, %broadcast_in_dim3A_1799 : vector<16xf32>
      %add3A_1803 = arith.addf %add3A_1640, %mul3A_1802 : vector<16xf32>
      %slice3A_1804 = vector.extract_strided_slice %bitcast3A_1736 {offsets = [5], sizes = [1], strides = [1]} : vector<16xf32> to vector<1xf32>
      %squeeze3A_1805 = vector.extract %slice3A_1804[0] : f32 from vector<1xf32>
      %broadcast_in_dim3A_1806 = vector.broadcast %squeeze3A_1805 : f32 to vector<16xf32>
      %mul3A_1807 = arith.mulf %bitcast3A_1752, %broadcast_in_dim3A_1806 : vector<16xf32>
      %add3A_1808 = arith.addf %add3A_1645, %mul3A_1807 : vector<16xf32>
      %mul3A_1809 = arith.mulf %bitcast3A_1768, %broadcast_in_dim3A_1806 : vector<16xf32>
      %add3A_1810 = arith.addf %add3A_1647, %mul3A_1809 : vector<16xf32>
      %slice3A_1811 = vector.extract_strided_slice %bitcast3A_1736 {offsets = [6], sizes = [1], strides = [1]} : vector<16xf32> to vector<1xf32>
      %squeeze3A_1812 = vector.extract %slice3A_1811[0] : f32 from vector<1xf32>
      %broadcast_in_dim3A_1813 = vector.broadcast %squeeze3A_1812 : f32 to vector<16xf32>
      %mul3A_1814 = arith.mulf %bitcast3A_1752, %broadcast_in_dim3A_1813 : vector<16xf32>
      %add3A_1815 = arith.addf %add3A_1652, %mul3A_1814 : vector<16xf32>
      %mul3A_1816 = arith.mulf %bitcast3A_1768, %broadcast_in_dim3A_1813 : vector<16xf32>
      %add3A_1817 = arith.addf %add3A_1654, %mul3A_1816 : vector<16xf32>
      %slice3A_1818 = vector.extract_strided_slice %bitcast3A_1736 {offsets = [7], sizes = [1], strides = [1]} : vector<16xf32> to vector<1xf32>
      %squeeze3A_1819 = vector.extract %slice3A_1818[0] : f32 from vector<1xf32>
      %broadcast_in_dim3A_1820 = vector.broadcast %squeeze3A_1819 : f32 to vector<16xf32>
      %mul3A_1821 = arith.mulf %bitcast3A_1752, %broadcast_in_dim3A_1820 : vector<16xf32>
      %add3A_1822 = arith.addf %add3A_1659, %mul3A_1821 : vector<16xf32>
      %mul3A_1823 = arith.mulf %bitcast3A_1768, %broadcast_in_dim3A_1820 : vector<16xf32>
      %add3A_1824 = arith.addf %add3A_1661, %mul3A_1823 : vector<16xf32>
      %slice3A_1825 = vector.extract_strided_slice %bitcast3A_1736 {offsets = [8], sizes = [1], strides = [1]} : vector<16xf32> to vector<1xf32>
      %squeeze3A_1826 = vector.extract %slice3A_1825[0] : f32 from vector<1xf32>
      %broadcast_in_dim3A_1827 = vector.broadcast %squeeze3A_1826 : f32 to vector<16xf32>
      %mul3A_1828 = arith.mulf %bitcast3A_1752, %broadcast_in_dim3A_1827 : vector<16xf32>
      %add3A_1829 = arith.addf %add3A_1666, %mul3A_1828 : vector<16xf32>
      %mul3A_1830 = arith.mulf %bitcast3A_1768, %broadcast_in_dim3A_1827 : vector<16xf32>
      %add3A_1831 = arith.addf %add3A_1668, %mul3A_1830 : vector<16xf32>
      %slice3A_1832 = vector.extract_strided_slice %bitcast3A_1736 {offsets = [9], sizes = [1], strides = [1]} : vector<16xf32> to vector<1xf32>
      %squeeze3A_1833 = vector.extract %slice3A_1832[0] : f32 from vector<1xf32>
      %broadcast_in_dim3A_1834 = vector.broadcast %squeeze3A_1833 : f32 to vector<16xf32>
      %mul3A_1835 = arith.mulf %bitcast3A_1752, %broadcast_in_dim3A_1834 : vector<16xf32>
      %add3A_1836 = arith.addf %add3A_1673, %mul3A_1835 : vector<16xf32>
      %mul3A_1837 = arith.mulf %bitcast3A_1768, %broadcast_in_dim3A_1834 : vector<16xf32>
      %add3A_1838 = arith.addf %add3A_1675, %mul3A_1837 : vector<16xf32>
      %slice3A_1839 = vector.extract_strided_slice %bitcast3A_1736 {offsets = [10], sizes = [1], strides = [1]} : vector<16xf32> to vector<1xf32>
      %squeeze3A_1840 = vector.extract %slice3A_1839[0] : f32 from vector<1xf32>
      %broadcast_in_dim3A_1841 = vector.broadcast %squeeze3A_1840 : f32 to vector<16xf32>
      %mul3A_1842 = arith.mulf %bitcast3A_1752, %broadcast_in_dim3A_1841 : vector<16xf32>
      %add3A_1843 = arith.addf %add3A_1680, %mul3A_1842 : vector<16xf32>
      %mul3A_1844 = arith.mulf %bitcast3A_1768, %broadcast_in_dim3A_1841 : vector<16xf32>
      %add3A_1845 = arith.addf %add3A_1682, %mul3A_1844 : vector<16xf32>
      %slice3A_1846 = vector.extract_strided_slice %bitcast3A_1736 {offsets = [11], sizes = [1], strides = [1]} : vector<16xf32> to vector<1xf32>
      %squeeze3A_1847 = vector.extract %slice3A_1846[0] : f32 from vector<1xf32>
      %broadcast_in_dim3A_1848 = vector.broadcast %squeeze3A_1847 : f32 to vector<16xf32>
      %mul3A_1849 = arith.mulf %bitcast3A_1752, %broadcast_in_dim3A_1848 : vector<16xf32>
      %add3A_1850 = arith.addf %add3A_1687, %mul3A_1849 : vector<16xf32>
      %mul3A_1851 = arith.mulf %bitcast3A_1768, %broadcast_in_dim3A_1848 : vector<16xf32>
      %add3A_1852 = arith.addf %add3A_1689, %mul3A_1851 : vector<16xf32>
      %slice3A_1853 = vector.extract_strided_slice %bitcast3A_1736 {offsets = [12], sizes = [1], strides = [1]} : vector<16xf32> to vector<1xf32>
      %squeeze3A_1854 = vector.extract %slice3A_1853[0] : f32 from vector<1xf32>
      %broadcast_in_dim3A_1855 = vector.broadcast %squeeze3A_1854 : f32 to vector<16xf32>
      %mul3A_1856 = arith.mulf %bitcast3A_1752, %broadcast_in_dim3A_1855 : vector<16xf32>
      %add3A_1857 = arith.addf %add3A_1694, %mul3A_1856 : vector<16xf32>
      %mul3A_1858 = arith.mulf %bitcast3A_1768, %broadcast_in_dim3A_1855 : vector<16xf32>
      %add3A_1859 = arith.addf %add3A_1696, %mul3A_1858 : vector<16xf32>
      %slice3A_1860 = vector.extract_strided_slice %bitcast3A_1736 {offsets = [13], sizes = [1], strides = [1]} : vector<16xf32> to vector<1xf32>
      %squeeze3A_1861 = vector.extract %slice3A_1860[0] : f32 from vector<1xf32>
      %broadcast_in_dim3A_1862 = vector.broadcast %squeeze3A_1861 : f32 to vector<16xf32>
      %mul3A_1863 = arith.mulf %bitcast3A_1752, %broadcast_in_dim3A_1862 : vector<16xf32>
      %add3A_1864 = arith.addf %add3A_1701, %mul3A_1863 : vector<16xf32>
      %mul3A_1865 = arith.mulf %bitcast3A_1768, %broadcast_in_dim3A_1862 : vector<16xf32>
      %add3A_1866 = arith.addf %add3A_1703, %mul3A_1865 : vector<16xf32>
      %slice3A_1867 = vector.extract_strided_slice %bitcast3A_1736 {offsets = [14], sizes = [1], strides = [1]} : vector<16xf32> to vector<1xf32>
      %squeeze3A_1868 = vector.extract %slice3A_1867[0] : f32 from vector<1xf32>
      %broadcast_in_dim3A_1869 = vector.broadcast %squeeze3A_1868 : f32 to vector<16xf32>
      %mul3A_1870 = arith.mulf %bitcast3A_1752, %broadcast_in_dim3A_1869 : vector<16xf32>
      %add3A_1871 = arith.addf %add3A_1708, %mul3A_1870 : vector<16xf32>
      %mul3A_1872 = arith.mulf %bitcast3A_1768, %broadcast_in_dim3A_1869 : vector<16xf32>
      %add3A_1873 = arith.addf %add3A_1710, %mul3A_1872 : vector<16xf32>
      %slice3A_1874 = vector.extract_strided_slice %bitcast3A_1736 {offsets = [15], sizes = [1], strides = [1]} : vector<16xf32> to vector<1xf32>
      %squeeze3A_1875 = vector.extract %slice3A_1874[0] : f32 from vector<1xf32>
      %broadcast_in_dim3A_1876 = vector.broadcast %squeeze3A_1875 : f32 to vector<16xf32>
      %mul3A_1877 = arith.mulf %bitcast3A_1752, %broadcast_in_dim3A_1876 : vector<16xf32>
      %add3A_1878 = arith.addf %add3A_1715, %mul3A_1877 : vector<16xf32>
      %mul3A_1879 = arith.mulf %bitcast3A_1768, %broadcast_in_dim3A_1876 : vector<16xf32>
      %add3A_1880 = arith.addf %add3A_1717, %mul3A_1879 : vector<16xf32>
      %add3A_1881 = arith.constant 1 : i32
      %add3A_1882 = vector.broadcast %add3A_1881 : i32 to vector<16xi32>
      %add3A_1883 = arith.addi %add3A_1720, %add3A_1882 : vector<16xi32>
      %gather3A_1884 = tpu.vector_load_idx %arg8[%iota3A, %add3A_1883] : memref<16x2048xf32, #tpu.memory_space<vmem>>[vector<16xi32>, vector<16xi32>], vector<16xf32>,
      %bitcast3A_1885 = vector.bitcast %gather3A_1884 : vector<16xf32> to vector<16xi32>
      %add3A_1886 = arith.constant 32767 : i32
      %add3A_1887 = vector.broadcast %add3A_1886 : i32 to vector<16xi32>
      %add3A_1888 = arith.addi %bitcast3A_1885, %add3A_1887 : vector<16xi32>
      %shift_right_logical3A_1889 = arith.constant 16 : i32
      %shift_right_logical3A_1890 = vector.broadcast %shift_right_logical3A_1889 : i32 to vector<16xi32>
      %shift_right_logical3A_1891 = arith.shrui %bitcast3A_1885, %shift_right_logical3A_1890 : vector<16xi32>
      %and3A_1892 = arith.constant 1 : i32
      %and3A_1893 = vector.broadcast %and3A_1892 : i32 to vector<16xi32>
      %and3A_1894 = arith.andi %shift_right_logical3A_1891, %and3A_1893 : vector<16xi32>
      %add3A_1895 = arith.addi %add3A_1888, %and3A_1894 : vector<16xi32>
      %and3A_1896 = arith.constant -65536 : i32
      %and3A_1897 = vector.broadcast %and3A_1896 : i32 to vector<16xi32>
      %and3A_1898 = arith.andi %add3A_1895, %and3A_1897 : vector<16xi32>
      %bitcast3A_1899 = vector.bitcast %and3A_1898 : vector<16xi32> to vector<16xf32>
      %gather3A_1900 = tpu.vector_load_idx %arg7[%add3A_107, %add3A_1883] : memref<32x2048xf32, #tpu.memory_space<vmem>>[vector<16xi32>, vector<16xi32>], vector<16xf32>,
      %bitcast3A_1901 = vector.bitcast %gather3A_1900 : vector<16xf32> to vector<16xi32>
      %add3A_1902 = arith.constant 32767 : i32
      %add3A_1903 = vector.broadcast %add3A_1902 : i32 to vector<16xi32>
      %add3A_1904 = arith.addi %bitcast3A_1901, %add3A_1903 : vector<16xi32>
      %shift_right_logical3A_1905 = arith.constant 16 : i32
      %shift_right_logical3A_1906 = vector.broadcast %shift_right_logical3A_1905 : i32 to vector<16xi32>
      %shift_right_logical3A_1907 = arith.shrui %bitcast3A_1901, %shift_right_logical3A_1906 : vector<16xi32>
      %and3A_1908 = arith.constant 1 : i32
      %and3A_1909 = vector.broadcast %and3A_1908 : i32 to vector<16xi32>
      %and3A_1910 = arith.andi %shift_right_logical3A_1907, %and3A_1909 : vector<16xi32>
      %add3A_1911 = arith.addi %add3A_1904, %and3A_1910 : vector<16xi32>
      %and3A_1912 = arith.constant -65536 : i32
      %and3A_1913 = vector.broadcast %and3A_1912 : i32 to vector<16xi32>
      %and3A_1914 = arith.andi %add3A_1911, %and3A_1913 : vector<16xi32>
      %bitcast3A_1915 = vector.bitcast %and3A_1914 : vector<16xi32> to vector<16xf32>
      %gather3A_1916 = tpu.vector_load_idx %arg7[%add3A_110, %add3A_1883] : memref<32x2048xf32, #tpu.memory_space<vmem>>[vector<16xi32>, vector<16xi32>], vector<16xf32>,
      %bitcast3A_1917 = vector.bitcast %gather3A_1916 : vector<16xf32> to vector<16xi32>
      %add3A_1918 = arith.constant 32767 : i32
      %add3A_1919 = vector.broadcast %add3A_1918 : i32 to vector<16xi32>
      %add3A_1920 = arith.addi %bitcast3A_1917, %add3A_1919 : vector<16xi32>
      %shift_right_logical3A_1921 = arith.constant 16 : i32
      %shift_right_logical3A_1922 = vector.broadcast %shift_right_logical3A_1921 : i32 to vector<16xi32>
      %shift_right_logical3A_1923 = arith.shrui %bitcast3A_1917, %shift_right_logical3A_1922 : vector<16xi32>
      %and3A_1924 = arith.constant 1 : i32
      %and3A_1925 = vector.broadcast %and3A_1924 : i32 to vector<16xi32>
      %and3A_1926 = arith.andi %shift_right_logical3A_1923, %and3A_1925 : vector<16xi32>
      %add3A_1927 = arith.addi %add3A_1920, %and3A_1926 : vector<16xi32>
      %and3A_1928 = arith.constant -65536 : i32
      %and3A_1929 = vector.broadcast %and3A_1928 : i32 to vector<16xi32>
      %and3A_1930 = arith.andi %add3A_1927, %and3A_1929 : vector<16xi32>
      %bitcast3A_1931 = vector.bitcast %and3A_1930 : vector<16xi32> to vector<16xf32>
      %slice3A_1932 = vector.extract_strided_slice %bitcast3A_1899 {offsets = [0], sizes = [1], strides = [1]} : vector<16xf32> to vector<1xf32>
      %squeeze3A_1933 = vector.extract %slice3A_1932[0] : f32 from vector<1xf32>
      %broadcast_in_dim3A_1934 = vector.broadcast %squeeze3A_1933 : f32 to vector<16xf32>
      %mul3A_1935 = arith.mulf %bitcast3A_1915, %broadcast_in_dim3A_1934 : vector<16xf32>
      %add3A_1936 = arith.addf %add3A_1773, %mul3A_1935 : vector<16xf32>
      %mul3A_1937 = arith.mulf %bitcast3A_1931, %broadcast_in_dim3A_1934 : vector<16xf32>
      %add3A_1938 = arith.addf %add3A_1775, %mul3A_1937 : vector<16xf32>
      %slice3A_1939 = vector.extract_strided_slice %bitcast3A_1899 {offsets = [1], sizes = [1], strides = [1]} : vector<16xf32> to vector<1xf32>
      %squeeze3A_1940 = vector.extract %slice3A_1939[0] : f32 from vector<1xf32>
      %broadcast_in_dim3A_1941 = vector.broadcast %squeeze3A_1940 : f32 to vector<16xf32>
      %mul3A_1942 = arith.mulf %bitcast3A_1915, %broadcast_in_dim3A_1941 : vector<16xf32>
      %add3A_1943 = arith.addf %add3A_1780, %mul3A_1942 : vector<16xf32>
      %mul3A_1944 = arith.mulf %bitcast3A_1931, %broadcast_in_dim3A_1941 : vector<16xf32>
      %add3A_1945 = arith.addf %add3A_1782, %mul3A_1944 : vector<16xf32>
      %slice3A_1946 = vector.extract_strided_slice %bitcast3A_1899 {offsets = [2], sizes = [1], strides = [1]} : vector<16xf32> to vector<1xf32>
      %squeeze3A_1947 = vector.extract %slice3A_1946[0] : f32 from vector<1xf32>
      %broadcast_in_dim3A_1948 = vector.broadcast %squeeze3A_1947 : f32 to vector<16xf32>
      %mul3A_1949 = arith.mulf %bitcast3A_1915, %broadcast_in_dim3A_1948 : vector<16xf32>
      %add3A_1950 = arith.addf %add3A_1787, %mul3A_1949 : vector<16xf32>
      %mul3A_1951 = arith.mulf %bitcast3A_1931, %broadcast_in_dim3A_1948 : vector<16xf32>
      %add3A_1952 = arith.addf %add3A_1789, %mul3A_1951 : vector<16xf32>
      %slice3A_1953 = vector.extract_strided_slice %bitcast3A_1899 {offsets = [3], sizes = [1], strides = [1]} : vector<16xf32> to vector<1xf32>
      %squeeze3A_1954 = vector.extract %slice3A_1953[0] : f32 from vector<1xf32>
      %broadcast_in_dim3A_1955 = vector.broadcast %squeeze3A_1954 : f32 to vector<16xf32>
      %mul3A_1956 = arith.mulf %bitcast3A_1915, %broadcast_in_dim3A_1955 : vector<16xf32>
      %add3A_1957 = arith.addf %add3A_1794, %mul3A_1956 : vector<16xf32>
      %mul3A_1958 = arith.mulf %bitcast3A_1931, %broadcast_in_dim3A_1955 : vector<16xf32>
      %add3A_1959 = arith.addf %add3A_1796, %mul3A_1958 : vector<16xf32>
      %slice3A_1960 = vector.extract_strided_slice %bitcast3A_1899 {offsets = [4], sizes = [1], strides = [1]} : vector<16xf32> to vector<1xf32>
      %squeeze3A_1961 = vector.extract %slice3A_1960[0] : f32 from vector<1xf32>
      %broadcast_in_dim3A_1962 = vector.broadcast %squeeze3A_1961 : f32 to vector<16xf32>
      %mul3A_1963 = arith.mulf %bitcast3A_1915, %broadcast_in_dim3A_1962 : vector<16xf32>
      %add3A_1964 = arith.addf %add3A_1801, %mul3A_1963 : vector<16xf32>
      %mul3A_1965 = arith.mulf %bitcast3A_1931, %broadcast_in_dim3A_1962 : vector<16xf32>
      %add3A_1966 = arith.addf %add3A_1803, %mul3A_1965 : vector<16xf32>
      %slice3A_1967 = vector.extract_strided_slice %bitcast3A_1899 {offsets = [5], sizes = [1], strides = [1]} : vector<16xf32> to vector<1xf32>
      %squeeze3A_1968 = vector.extract %slice3A_1967[0] : f32 from vector<1xf32>
      %broadcast_in_dim3A_1969 = vector.broadcast %squeeze3A_1968 : f32 to vector<16xf32>
      %mul3A_1970 = arith.mulf %bitcast3A_1915, %broadcast_in_dim3A_1969 : vector<16xf32>
      %add3A_1971 = arith.addf %add3A_1808, %mul3A_1970 : vector<16xf32>
      %mul3A_1972 = arith.mulf %bitcast3A_1931, %broadcast_in_dim3A_1969 : vector<16xf32>
      %add3A_1973 = arith.addf %add3A_1810, %mul3A_1972 : vector<16xf32>
      %slice3A_1974 = vector.extract_strided_slice %bitcast3A_1899 {offsets = [6], sizes = [1], strides = [1]} : vector<16xf32> to vector<1xf32>
      %squeeze3A_1975 = vector.extract %slice3A_1974[0] : f32 from vector<1xf32>
      %broadcast_in_dim3A_1976 = vector.broadcast %squeeze3A_1975 : f32 to vector<16xf32>
      %mul3A_1977 = arith.mulf %bitcast3A_1915, %broadcast_in_dim3A_1976 : vector<16xf32>
      %add3A_1978 = arith.addf %add3A_1815, %mul3A_1977 : vector<16xf32>
      %mul3A_1979 = arith.mulf %bitcast3A_1931, %broadcast_in_dim3A_1976 : vector<16xf32>
      %add3A_1980 = arith.addf %add3A_1817, %mul3A_1979 : vector<16xf32>
      %slice3A_1981 = vector.extract_strided_slice %bitcast3A_1899 {offsets = [7], sizes = [1], strides = [1]} : vector<16xf32> to vector<1xf32>
      %squeeze3A_1982 = vector.extract %slice3A_1981[0] : f32 from vector<1xf32>
      %broadcast_in_dim3A_1983 = vector.broadcast %squeeze3A_1982 : f32 to vector<16xf32>
      %mul3A_1984 = arith.mulf %bitcast3A_1915, %broadcast_in_dim3A_1983 : vector<16xf32>
      %add3A_1985 = arith.addf %add3A_1822, %mul3A_1984 : vector<16xf32>
      %mul3A_1986 = arith.mulf %bitcast3A_1931, %broadcast_in_dim3A_1983 : vector<16xf32>
      %add3A_1987 = arith.addf %add3A_1824, %mul3A_1986 : vector<16xf32>
      %slice3A_1988 = vector.extract_strided_slice %bitcast3A_1899 {offsets = [8], sizes = [1], strides = [1]} : vector<16xf32> to vector<1xf32>
      %squeeze3A_1989 = vector.extract %slice3A_1988[0] : f32 from vector<1xf32>
      %broadcast_in_dim3A_1990 = vector.broadcast %squeeze3A_1989 : f32 to vector<16xf32>
      %mul3A_1991 = arith.mulf %bitcast3A_1915, %broadcast_in_dim3A_1990 : vector<16xf32>
      %add3A_1992 = arith.addf %add3A_1829, %mul3A_1991 : vector<16xf32>
      %mul3A_1993 = arith.mulf %bitcast3A_1931, %broadcast_in_dim3A_1990 : vector<16xf32>
      %add3A_1994 = arith.addf %add3A_1831, %mul3A_1993 : vector<16xf32>
      %slice3A_1995 = vector.extract_strided_slice %bitcast3A_1899 {offsets = [9], sizes = [1], strides = [1]} : vector<16xf32> to vector<1xf32>
      %squeeze3A_1996 = vector.extract %slice3A_1995[0] : f32 from vector<1xf32>
      %broadcast_in_dim3A_1997 = vector.broadcast %squeeze3A_1996 : f32 to vector<16xf32>
      %mul3A_1998 = arith.mulf %bitcast3A_1915, %broadcast_in_dim3A_1997 : vector<16xf32>
      %add3A_1999 = arith.addf %add3A_1836, %mul3A_1998 : vector<16xf32>
      %mul3A_2000 = arith.mulf %bitcast3A_1931, %broadcast_in_dim3A_1997 : vector<16xf32>
      %add3A_2001 = arith.addf %add3A_1838, %mul3A_2000 : vector<16xf32>
      %slice3A_2002 = vector.extract_strided_slice %bitcast3A_1899 {offsets = [10], sizes = [1], strides = [1]} : vector<16xf32> to vector<1xf32>
      %squeeze3A_2003 = vector.extract %slice3A_2002[0] : f32 from vector<1xf32>
      %broadcast_in_dim3A_2004 = vector.broadcast %squeeze3A_2003 : f32 to vector<16xf32>
      %mul3A_2005 = arith.mulf %bitcast3A_1915, %broadcast_in_dim3A_2004 : vector<16xf32>
      %add3A_2006 = arith.addf %add3A_1843, %mul3A_2005 : vector<16xf32>
      %mul3A_2007 = arith.mulf %bitcast3A_1931, %broadcast_in_dim3A_2004 : vector<16xf32>
      %add3A_2008 = arith.addf %add3A_1845, %mul3A_2007 : vector<16xf32>
      %slice3A_2009 = vector.extract_strided_slice %bitcast3A_1899 {offsets = [11], sizes = [1], strides = [1]} : vector<16xf32> to vector<1xf32>
      %squeeze3A_2010 = vector.extract %slice3A_2009[0] : f32 from vector<1xf32>
      %broadcast_in_dim3A_2011 = vector.broadcast %squeeze3A_2010 : f32 to vector<16xf32>
      %mul3A_2012 = arith.mulf %bitcast3A_1915, %broadcast_in_dim3A_2011 : vector<16xf32>
      %add3A_2013 = arith.addf %add3A_1850, %mul3A_2012 : vector<16xf32>
      %mul3A_2014 = arith.mulf %bitcast3A_1931, %broadcast_in_dim3A_2011 : vector<16xf32>
      %add3A_2015 = arith.addf %add3A_1852, %mul3A_2014 : vector<16xf32>
      %slice3A_2016 = vector.extract_strided_slice %bitcast3A_1899 {offsets = [12], sizes = [1], strides = [1]} : vector<16xf32> to vector<1xf32>
      %squeeze3A_2017 = vector.extract %slice3A_2016[0] : f32 from vector<1xf32>
      %broadcast_in_dim3A_2018 = vector.broadcast %squeeze3A_2017 : f32 to vector<16xf32>
      %mul3A_2019 = arith.mulf %bitcast3A_1915, %broadcast_in_dim3A_2018 : vector<16xf32>
      %add3A_2020 = arith.addf %add3A_1857, %mul3A_2019 : vector<16xf32>
      %mul3A_2021 = arith.mulf %bitcast3A_1931, %broadcast_in_dim3A_2018 : vector<16xf32>
      %add3A_2022 = arith.addf %add3A_1859, %mul3A_2021 : vector<16xf32>
      %slice3A_2023 = vector.extract_strided_slice %bitcast3A_1899 {offsets = [13], sizes = [1], strides = [1]} : vector<16xf32> to vector<1xf32>
      %squeeze3A_2024 = vector.extract %slice3A_2023[0] : f32 from vector<1xf32>
      %broadcast_in_dim3A_2025 = vector.broadcast %squeeze3A_2024 : f32 to vector<16xf32>
      %mul3A_2026 = arith.mulf %bitcast3A_1915, %broadcast_in_dim3A_2025 : vector<16xf32>
      %add3A_2027 = arith.addf %add3A_1864, %mul3A_2026 : vector<16xf32>
      %mul3A_2028 = arith.mulf %bitcast3A_1931, %broadcast_in_dim3A_2025 : vector<16xf32>
      %add3A_2029 = arith.addf %add3A_1866, %mul3A_2028 : vector<16xf32>
      %slice3A_2030 = vector.extract_strided_slice %bitcast3A_1899 {offsets = [14], sizes = [1], strides = [1]} : vector<16xf32> to vector<1xf32>
      %squeeze3A_2031 = vector.extract %slice3A_2030[0] : f32 from vector<1xf32>
      %broadcast_in_dim3A_2032 = vector.broadcast %squeeze3A_2031 : f32 to vector<16xf32>
      %mul3A_2033 = arith.mulf %bitcast3A_1915, %broadcast_in_dim3A_2032 : vector<16xf32>
      %add3A_2034 = arith.addf %add3A_1871, %mul3A_2033 : vector<16xf32>
      %mul3A_2035 = arith.mulf %bitcast3A_1931, %broadcast_in_dim3A_2032 : vector<16xf32>
      %add3A_2036 = arith.addf %add3A_1873, %mul3A_2035 : vector<16xf32>
      %slice3A_2037 = vector.extract_strided_slice %bitcast3A_1899 {offsets = [15], sizes = [1], strides = [1]} : vector<16xf32> to vector<1xf32>
      %squeeze3A_2038 = vector.extract %slice3A_2037[0] : f32 from vector<1xf32>
      %broadcast_in_dim3A_2039 = vector.broadcast %squeeze3A_2038 : f32 to vector<16xf32>
      %mul3A_2040 = arith.mulf %bitcast3A_1915, %broadcast_in_dim3A_2039 : vector<16xf32>
      %add3A_2041 = arith.addf %add3A_1878, %mul3A_2040 : vector<16xf32>
      %mul3A_2042 = arith.mulf %bitcast3A_1931, %broadcast_in_dim3A_2039 : vector<16xf32>
      %add3A_2043 = arith.addf %add3A_1880, %mul3A_2042 : vector<16xf32>
      %add3A_2044 = arith.constant 1 : i32
      %add3A_2045 = vector.broadcast %add3A_2044 : i32 to vector<16xi32>
      %add3A_2046 = arith.addi %add3A_1883, %add3A_2045 : vector<16xi32>
      scf.yield %add3A_2046, %add3A_1936, %add3A_1943, %add3A_1950, %add3A_1957, %add3A_1964, %add3A_1971, %add3A_1978, %add3A_1985, %add3A_1992, %add3A_1999, %add3A_2006, %add3A_2013, %add3A_2020, %add3A_2027, %add3A_2034, %add3A_2041, %add3A_1938, %add3A_1945, %add3A_1952, %add3A_1959, %add3A_1966, %add3A_1973, %add3A_1980, %add3A_1987, %add3A_1994, %add3A_2001, %add3A_2008, %add3A_2015, %add3A_2022, %add3A_2029, %add3A_2036, %add3A_2043 : vector<16xi32>, vector<16xf32>, vector<16xf32>, vector<16xf32>, vector<16xf32>, vector<16xf32>, vector<16xf32>, vector<16xf32>, vector<16xf32>, vector<16xf32>, vector<16xf32>, vector<16xf32>, vector<16xf32>, vector<16xf32>, vector<16xf32>, vector<16xf32>, vector<16xf32>, vector<16xf32>, vector<16xf32>, vector<16xf32>, vector<16xf32>, vector<16xf32>, vector<16xf32>, vector<16xf32>, vector<16xf32>, vector<16xf32>, vector<16xf32>, vector<16xf32>, vector<16xf32>, vector<16xf32>, vector<16xf32>, vector<16xf32>, vector<16xf32>
    }
    %scan3A_117 = arith.constant 256 : i32
    %max3A = arith.maximumf %scan3A_116#1, %scan3A_116#2 : vector<16xf32>
    %max3A_118 = arith.maximumf %max3A, %scan3A_116#3 : vector<16xf32>
    %max3A_119 = arith.maximumf %max3A_118, %scan3A_116#4 : vector<16xf32>
    %max3A_120 = arith.maximumf %max3A_119, %scan3A_116#5 : vector<16xf32>
    %max3A_121 = arith.maximumf %max3A_120, %scan3A_116#6 : vector<16xf32>
    %max3A_122 = arith.maximumf %max3A_121, %scan3A_116#7 : vector<16xf32>
    %max3A_123 = arith.maximumf %max3A_122, %scan3A_116#8 : vector<16xf32>
    %max3A_124 = arith.maximumf %max3A_123, %scan3A_116#9 : vector<16xf32>
    %max3A_125 = arith.maximumf %max3A_124, %scan3A_116#10 : vector<16xf32>
    %max3A_126 = arith.maximumf %max3A_125, %scan3A_116#11 : vector<16xf32>
    %max3A_127 = arith.maximumf %max3A_126, %scan3A_116#12 : vector<16xf32>
    %max3A_128 = arith.maximumf %max3A_127, %scan3A_116#13 : vector<16xf32>
    %max3A_129 = arith.maximumf %max3A_128, %scan3A_116#14 : vector<16xf32>
    %max3A_130 = arith.maximumf %max3A_129, %scan3A_116#15 : vector<16xf32>
    %max3A_131 = arith.maximumf %max3A_130, %scan3A_116#16 : vector<16xf32>
    %broadcast_in_dim3A_132 = arith.constant 0 : i32
    %broadcast_in_dim3A_133 = vector.broadcast %broadcast_in_dim3A_132 : i32 to vector<16xi32>
    %eq3A = arith.cmpf oeq, %scan3A_116#16, %max3A_131 : vector<16xf32>
    %jit3A = arith.constant 15 : i32
    %broadcast_in_dim3A_134 = vector.broadcast %jit3A : i32 to vector<16xi32>
    %select_n3A = arith.select %eq3A, %broadcast_in_dim3A_134, %broadcast_in_dim3A_133 : vector<16xi1>, vector<16xi32>
    %eq3A_135 = arith.cmpf oeq, %scan3A_116#15, %max3A_131 : vector<16xf32>
    %jit3A_136 = arith.constant 14 : i32
    %broadcast_in_dim3A_137 = vector.broadcast %jit3A_136 : i32 to vector<16xi32>
    %select_n3A_138 = arith.select %eq3A_135, %broadcast_in_dim3A_137, %select_n3A : vector<16xi1>, vector<16xi32>
    %eq3A_139 = arith.cmpf oeq, %scan3A_116#14, %max3A_131 : vector<16xf32>
    %jit3A_140 = arith.constant 13 : i32
    %broadcast_in_dim3A_141 = vector.broadcast %jit3A_140 : i32 to vector<16xi32>
    %select_n3A_142 = arith.select %eq3A_139, %broadcast_in_dim3A_141, %select_n3A_138 : vector<16xi1>, vector<16xi32>
    %eq3A_143 = arith.cmpf oeq, %scan3A_116#13, %max3A_131 : vector<16xf32>
    %jit3A_144 = arith.constant 12 : i32
    %broadcast_in_dim3A_145 = vector.broadcast %jit3A_144 : i32 to vector<16xi32>
    %select_n3A_146 = arith.select %eq3A_143, %broadcast_in_dim3A_145, %select_n3A_142 : vector<16xi1>, vector<16xi32>
    %eq3A_147 = arith.cmpf oeq, %scan3A_116#12, %max3A_131 : vector<16xf32>
    %jit3A_148 = arith.constant 11 : i32
    %broadcast_in_dim3A_149 = vector.broadcast %jit3A_148 : i32 to vector<16xi32>
    %select_n3A_150 = arith.select %eq3A_147, %broadcast_in_dim3A_149, %select_n3A_146 : vector<16xi1>, vector<16xi32>
    %eq3A_151 = arith.cmpf oeq, %scan3A_116#11, %max3A_131 : vector<16xf32>
    %jit3A_152 = arith.constant 10 : i32
    %broadcast_in_dim3A_153 = vector.broadcast %jit3A_152 : i32 to vector<16xi32>
    %select_n3A_154 = arith.select %eq3A_151, %broadcast_in_dim3A_153, %select_n3A_150 : vector<16xi1>, vector<16xi32>
    %eq3A_155 = arith.cmpf oeq, %scan3A_116#10, %max3A_131 : vector<16xf32>
    %jit3A_156 = arith.constant 9 : i32
    %broadcast_in_dim3A_157 = vector.broadcast %jit3A_156 : i32 to vector<16xi32>
    %select_n3A_158 = arith.select %eq3A_155, %broadcast_in_dim3A_157, %select_n3A_154 : vector<16xi1>, vector<16xi32>
    %eq3A_159 = arith.cmpf oeq, %scan3A_116#9, %max3A_131 : vector<16xf32>
    %jit3A_160 = arith.constant 8 : i32
    %broadcast_in_dim3A_161 = vector.broadcast %jit3A_160 : i32 to vector<16xi32>
    %select_n3A_162 = arith.select %eq3A_159, %broadcast_in_dim3A_161, %select_n3A_158 : vector<16xi1>, vector<16xi32>
    %eq3A_163 = arith.cmpf oeq, %scan3A_116#8, %max3A_131 : vector<16xf32>
    %jit3A_164 = arith.constant 7 : i32
    %broadcast_in_dim3A_165 = vector.broadcast %jit3A_164 : i32 to vector<16xi32>
    %select_n3A_166 = arith.select %eq3A_163, %broadcast_in_dim3A_165, %select_n3A_162 : vector<16xi1>, vector<16xi32>
    %eq3A_167 = arith.cmpf oeq, %scan3A_116#7, %max3A_131 : vector<16xf32>
    %jit3A_168 = arith.constant 6 : i32
    %broadcast_in_dim3A_169 = vector.broadcast %jit3A_168 : i32 to vector<16xi32>
    %select_n3A_170 = arith.select %eq3A_167, %broadcast_in_dim3A_169, %select_n3A_166 : vector<16xi1>, vector<16xi32>
    %eq3A_171 = arith.cmpf oeq, %scan3A_116#6, %max3A_131 : vector<16xf32>
    %jit3A_172 = arith.constant 5 : i32
    %broadcast_in_dim3A_173 = vector.broadcast %jit3A_172 : i32 to vector<16xi32>
    %select_n3A_174 = arith.select %eq3A_171, %broadcast_in_dim3A_173, %select_n3A_170 : vector<16xi1>, vector<16xi32>
    %eq3A_175 = arith.cmpf oeq, %scan3A_116#5, %max3A_131 : vector<16xf32>
    %jit3A_176 = arith.constant 4 : i32
    %broadcast_in_dim3A_177 = vector.broadcast %jit3A_176 : i32 to vector<16xi32>
    %select_n3A_178 = arith.select %eq3A_175, %broadcast_in_dim3A_177, %select_n3A_174 : vector<16xi1>, vector<16xi32>
    %eq3A_179 = arith.cmpf oeq, %scan3A_116#4, %max3A_131 : vector<16xf32>
    %jit3A_180 = arith.constant 3 : i32
    %broadcast_in_dim3A_181 = vector.broadcast %jit3A_180 : i32 to vector<16xi32>
    %select_n3A_182 = arith.select %eq3A_179, %broadcast_in_dim3A_181, %select_n3A_178 : vector<16xi1>, vector<16xi32>
    %eq3A_183 = arith.cmpf oeq, %scan3A_116#3, %max3A_131 : vector<16xf32>
    %jit3A_184 = arith.constant 2 : i32
    %broadcast_in_dim3A_185 = vector.broadcast %jit3A_184 : i32 to vector<16xi32>
    %select_n3A_186 = arith.select %eq3A_183, %broadcast_in_dim3A_185, %select_n3A_182 : vector<16xi1>, vector<16xi32>
    %eq3A_187 = arith.cmpf oeq, %scan3A_116#2, %max3A_131 : vector<16xf32>
    %jit3A_188 = arith.constant 1 : i32
    %broadcast_in_dim3A_189 = vector.broadcast %jit3A_188 : i32 to vector<16xi32>
    %select_n3A_190 = arith.select %eq3A_187, %broadcast_in_dim3A_189, %select_n3A_186 : vector<16xi1>, vector<16xi32>
    %eq3A_191 = arith.cmpf oeq, %scan3A_116#1, %max3A_131 : vector<16xf32>
    %jit3A_192 = arith.constant 0 : i32
    %broadcast_in_dim3A_193 = vector.broadcast %jit3A_192 : i32 to vector<16xi32>
    %select_n3A_194 = arith.select %eq3A_191, %broadcast_in_dim3A_193, %select_n3A_190 : vector<16xi1>, vector<16xi32>
    %broadcast_in_dim3A_195 = arith.constant 0xFF800000 : f32
    %broadcast_in_dim3A_196 = vector.broadcast %broadcast_in_dim3A_195 : f32 to vector<16xf32>
    %eq3A_197 = arith.constant 0 : i32
    %eq3A_198 = vector.broadcast %eq3A_197 : i32 to vector<16xi32>
    %eq3A_199 = arith.cmpi eq, %select_n3A_194, %eq3A_198 : vector<16xi32>
    %select_n3A_200 = arith.select %eq3A_199, %broadcast_in_dim3A_196, %scan3A_116#1 : vector<16xi1>, vector<16xf32>
    %eq3A_201 = arith.constant 1 : i32
    %eq3A_202 = vector.broadcast %eq3A_201 : i32 to vector<16xi32>
    %eq3A_203 = arith.cmpi eq, %select_n3A_194, %eq3A_202 : vector<16xi32>
    %select_n3A_204 = arith.select %eq3A_203, %broadcast_in_dim3A_196, %scan3A_116#2 : vector<16xi1>, vector<16xf32>
    %eq3A_205 = arith.constant 2 : i32
    %eq3A_206 = vector.broadcast %eq3A_205 : i32 to vector<16xi32>
    %eq3A_207 = arith.cmpi eq, %select_n3A_194, %eq3A_206 : vector<16xi32>
    %select_n3A_208 = arith.select %eq3A_207, %broadcast_in_dim3A_196, %scan3A_116#3 : vector<16xi1>, vector<16xf32>
    %eq3A_209 = arith.constant 3 : i32
    %eq3A_210 = vector.broadcast %eq3A_209 : i32 to vector<16xi32>
    %eq3A_211 = arith.cmpi eq, %select_n3A_194, %eq3A_210 : vector<16xi32>
    %select_n3A_212 = arith.select %eq3A_211, %broadcast_in_dim3A_196, %scan3A_116#4 : vector<16xi1>, vector<16xf32>
    %eq3A_213 = arith.constant 4 : i32
    %eq3A_214 = vector.broadcast %eq3A_213 : i32 to vector<16xi32>
    %eq3A_215 = arith.cmpi eq, %select_n3A_194, %eq3A_214 : vector<16xi32>
    %select_n3A_216 = arith.select %eq3A_215, %broadcast_in_dim3A_196, %scan3A_116#5 : vector<16xi1>, vector<16xf32>
    %eq3A_217 = arith.constant 5 : i32
    %eq3A_218 = vector.broadcast %eq3A_217 : i32 to vector<16xi32>
    %eq3A_219 = arith.cmpi eq, %select_n3A_194, %eq3A_218 : vector<16xi32>
    %select_n3A_220 = arith.select %eq3A_219, %broadcast_in_dim3A_196, %scan3A_116#6 : vector<16xi1>, vector<16xf32>
    %eq3A_221 = arith.constant 6 : i32
    %eq3A_222 = vector.broadcast %eq3A_221 : i32 to vector<16xi32>
    %eq3A_223 = arith.cmpi eq, %select_n3A_194, %eq3A_222 : vector<16xi32>
    %select_n3A_224 = arith.select %eq3A_223, %broadcast_in_dim3A_196, %scan3A_116#7 : vector<16xi1>, vector<16xf32>
    %eq3A_225 = arith.constant 7 : i32
    %eq3A_226 = vector.broadcast %eq3A_225 : i32 to vector<16xi32>
    %eq3A_227 = arith.cmpi eq, %select_n3A_194, %eq3A_226 : vector<16xi32>
    %select_n3A_228 = arith.select %eq3A_227, %broadcast_in_dim3A_196, %scan3A_116#8 : vector<16xi1>, vector<16xf32>
    %eq3A_229 = arith.constant 8 : i32
    %eq3A_230 = vector.broadcast %eq3A_229 : i32 to vector<16xi32>
    %eq3A_231 = arith.cmpi eq, %select_n3A_194, %eq3A_230 : vector<16xi32>
    %select_n3A_232 = arith.select %eq3A_231, %broadcast_in_dim3A_196, %scan3A_116#9 : vector<16xi1>, vector<16xf32>
    %eq3A_233 = arith.constant 9 : i32
    %eq3A_234 = vector.broadcast %eq3A_233 : i32 to vector<16xi32>
    %eq3A_235 = arith.cmpi eq, %select_n3A_194, %eq3A_234 : vector<16xi32>
    %select_n3A_236 = arith.select %eq3A_235, %broadcast_in_dim3A_196, %scan3A_116#10 : vector<16xi1>, vector<16xf32>
    %eq3A_237 = arith.constant 10 : i32
    %eq3A_238 = vector.broadcast %eq3A_237 : i32 to vector<16xi32>
    %eq3A_239 = arith.cmpi eq, %select_n3A_194, %eq3A_238 : vector<16xi32>
    %select_n3A_240 = arith.select %eq3A_239, %broadcast_in_dim3A_196, %scan3A_116#11 : vector<16xi1>, vector<16xf32>
    %eq3A_241 = arith.constant 11 : i32
    %eq3A_242 = vector.broadcast %eq3A_241 : i32 to vector<16xi32>
    %eq3A_243 = arith.cmpi eq, %select_n3A_194, %eq3A_242 : vector<16xi32>
    %select_n3A_244 = arith.select %eq3A_243, %broadcast_in_dim3A_196, %scan3A_116#12 : vector<16xi1>, vector<16xf32>
    %eq3A_245 = arith.constant 12 : i32
    %eq3A_246 = vector.broadcast %eq3A_245 : i32 to vector<16xi32>
    %eq3A_247 = arith.cmpi eq, %select_n3A_194, %eq3A_246 : vector<16xi32>
    %select_n3A_248 = arith.select %eq3A_247, %broadcast_in_dim3A_196, %scan3A_116#13 : vector<16xi1>, vector<16xf32>
    %eq3A_249 = arith.constant 13 : i32
    %eq3A_250 = vector.broadcast %eq3A_249 : i32 to vector<16xi32>
    %eq3A_251 = arith.cmpi eq, %select_n3A_194, %eq3A_250 : vector<16xi32>
    %select_n3A_252 = arith.select %eq3A_251, %broadcast_in_dim3A_196, %scan3A_116#14 : vector<16xi1>, vector<16xf32>
    %eq3A_253 = arith.constant 14 : i32
    %eq3A_254 = vector.broadcast %eq3A_253 : i32 to vector<16xi32>
    %eq3A_255 = arith.cmpi eq, %select_n3A_194, %eq3A_254 : vector<16xi32>
    %select_n3A_256 = arith.select %eq3A_255, %broadcast_in_dim3A_196, %scan3A_116#15 : vector<16xi1>, vector<16xf32>
    %eq3A_257 = arith.constant 15 : i32
    %eq3A_258 = vector.broadcast %eq3A_257 : i32 to vector<16xi32>
    %eq3A_259 = arith.cmpi eq, %select_n3A_194, %eq3A_258 : vector<16xi32>
    %select_n3A_260 = arith.select %eq3A_259, %broadcast_in_dim3A_196, %scan3A_116#16 : vector<16xi1>, vector<16xf32>
    %max3A_261 = arith.maximumf %select_n3A_200, %select_n3A_204 : vector<16xf32>
    %max3A_262 = arith.maximumf %max3A_261, %select_n3A_208 : vector<16xf32>
    %max3A_263 = arith.maximumf %max3A_262, %select_n3A_212 : vector<16xf32>
    %max3A_264 = arith.maximumf %max3A_263, %select_n3A_216 : vector<16xf32>
    %max3A_265 = arith.maximumf %max3A_264, %select_n3A_220 : vector<16xf32>
    %max3A_266 = arith.maximumf %max3A_265, %select_n3A_224 : vector<16xf32>
    %max3A_267 = arith.maximumf %max3A_266, %select_n3A_228 : vector<16xf32>
    %max3A_268 = arith.maximumf %max3A_267, %select_n3A_232 : vector<16xf32>
    %max3A_269 = arith.maximumf %max3A_268, %select_n3A_236 : vector<16xf32>
    %max3A_270 = arith.maximumf %max3A_269, %select_n3A_240 : vector<16xf32>
    %max3A_271 = arith.maximumf %max3A_270, %select_n3A_244 : vector<16xf32>
    %max3A_272 = arith.maximumf %max3A_271, %select_n3A_248 : vector<16xf32>
    %max3A_273 = arith.maximumf %max3A_272, %select_n3A_252 : vector<16xf32>
    %max3A_274 = arith.maximumf %max3A_273, %select_n3A_256 : vector<16xf32>
    %max3A_275 = arith.maximumf %max3A_274, %select_n3A_260 : vector<16xf32>
    %broadcast_in_dim3A_276 = arith.constant 0 : i32
    %broadcast_in_dim3A_277 = vector.broadcast %broadcast_in_dim3A_276 : i32 to vector<16xi32>
    %eq3A_278 = arith.cmpf oeq, %select_n3A_260, %max3A_275 : vector<16xf32>
    %jit3A_279 = arith.constant 15 : i32
    %broadcast_in_dim3A_280 = vector.broadcast %jit3A_279 : i32 to vector<16xi32>
    %select_n3A_281 = arith.select %eq3A_278, %broadcast_in_dim3A_280, %broadcast_in_dim3A_277 : vector<16xi1>, vector<16xi32>
    %eq3A_282 = arith.cmpf oeq, %select_n3A_256, %max3A_275 : vector<16xf32>
    %jit3A_283 = arith.constant 14 : i32
    %broadcast_in_dim3A_284 = vector.broadcast %jit3A_283 : i32 to vector<16xi32>
    %select_n3A_285 = arith.select %eq3A_282, %broadcast_in_dim3A_284, %select_n3A_281 : vector<16xi1>, vector<16xi32>
    %eq3A_286 = arith.cmpf oeq, %select_n3A_252, %max3A_275 : vector<16xf32>
    %jit3A_287 = arith.constant 13 : i32
    %broadcast_in_dim3A_288 = vector.broadcast %jit3A_287 : i32 to vector<16xi32>
    %select_n3A_289 = arith.select %eq3A_286, %broadcast_in_dim3A_288, %select_n3A_285 : vector<16xi1>, vector<16xi32>
    %eq3A_290 = arith.cmpf oeq, %select_n3A_248, %max3A_275 : vector<16xf32>
    %jit3A_291 = arith.constant 12 : i32
    %broadcast_in_dim3A_292 = vector.broadcast %jit3A_291 : i32 to vector<16xi32>
    %select_n3A_293 = arith.select %eq3A_290, %broadcast_in_dim3A_292, %select_n3A_289 : vector<16xi1>, vector<16xi32>
    %eq3A_294 = arith.cmpf oeq, %select_n3A_244, %max3A_275 : vector<16xf32>
    %jit3A_295 = arith.constant 11 : i32
    %broadcast_in_dim3A_296 = vector.broadcast %jit3A_295 : i32 to vector<16xi32>
    %select_n3A_297 = arith.select %eq3A_294, %broadcast_in_dim3A_296, %select_n3A_293 : vector<16xi1>, vector<16xi32>
    %eq3A_298 = arith.cmpf oeq, %select_n3A_240, %max3A_275 : vector<16xf32>
    %jit3A_299 = arith.constant 10 : i32
    %broadcast_in_dim3A_300 = vector.broadcast %jit3A_299 : i32 to vector<16xi32>
    %select_n3A_301 = arith.select %eq3A_298, %broadcast_in_dim3A_300, %select_n3A_297 : vector<16xi1>, vector<16xi32>
    %eq3A_302 = arith.cmpf oeq, %select_n3A_236, %max3A_275 : vector<16xf32>
    %jit3A_303 = arith.constant 9 : i32
    %broadcast_in_dim3A_304 = vector.broadcast %jit3A_303 : i32 to vector<16xi32>
    %select_n3A_305 = arith.select %eq3A_302, %broadcast_in_dim3A_304, %select_n3A_301 : vector<16xi1>, vector<16xi32>
    %eq3A_306 = arith.cmpf oeq, %select_n3A_232, %max3A_275 : vector<16xf32>
    %jit3A_307 = arith.constant 8 : i32
    %broadcast_in_dim3A_308 = vector.broadcast %jit3A_307 : i32 to vector<16xi32>
    %select_n3A_309 = arith.select %eq3A_306, %broadcast_in_dim3A_308, %select_n3A_305 : vector<16xi1>, vector<16xi32>
    %eq3A_310 = arith.cmpf oeq, %select_n3A_228, %max3A_275 : vector<16xf32>
    %jit3A_311 = arith.constant 7 : i32
    %broadcast_in_dim3A_312 = vector.broadcast %jit3A_311 : i32 to vector<16xi32>
    %select_n3A_313 = arith.select %eq3A_310, %broadcast_in_dim3A_312, %select_n3A_309 : vector<16xi1>, vector<16xi32>
    %eq3A_314 = arith.cmpf oeq, %select_n3A_224, %max3A_275 : vector<16xf32>
    %jit3A_315 = arith.constant 6 : i32
    %broadcast_in_dim3A_316 = vector.broadcast %jit3A_315 : i32 to vector<16xi32>
    %select_n3A_317 = arith.select %eq3A_314, %broadcast_in_dim3A_316, %select_n3A_313 : vector<16xi1>, vector<16xi32>
    %eq3A_318 = arith.cmpf oeq, %select_n3A_220, %max3A_275 : vector<16xf32>
    %jit3A_319 = arith.constant 5 : i32
    %broadcast_in_dim3A_320 = vector.broadcast %jit3A_319 : i32 to vector<16xi32>
    %select_n3A_321 = arith.select %eq3A_318, %broadcast_in_dim3A_320, %select_n3A_317 : vector<16xi1>, vector<16xi32>
    %eq3A_322 = arith.cmpf oeq, %select_n3A_216, %max3A_275 : vector<16xf32>
    %jit3A_323 = arith.constant 4 : i32
    %broadcast_in_dim3A_324 = vector.broadcast %jit3A_323 : i32 to vector<16xi32>
    %select_n3A_325 = arith.select %eq3A_322, %broadcast_in_dim3A_324, %select_n3A_321 : vector<16xi1>, vector<16xi32>
    %eq3A_326 = arith.cmpf oeq, %select_n3A_212, %max3A_275 : vector<16xf32>
    %jit3A_327 = arith.constant 3 : i32
    %broadcast_in_dim3A_328 = vector.broadcast %jit3A_327 : i32 to vector<16xi32>
    %select_n3A_329 = arith.select %eq3A_326, %broadcast_in_dim3A_328, %select_n3A_325 : vector<16xi1>, vector<16xi32>
    %eq3A_330 = arith.cmpf oeq, %select_n3A_208, %max3A_275 : vector<16xf32>
    %jit3A_331 = arith.constant 2 : i32
    %broadcast_in_dim3A_332 = vector.broadcast %jit3A_331 : i32 to vector<16xi32>
    %select_n3A_333 = arith.select %eq3A_330, %broadcast_in_dim3A_332, %select_n3A_329 : vector<16xi1>, vector<16xi32>
    %eq3A_334 = arith.cmpf oeq, %select_n3A_204, %max3A_275 : vector<16xf32>
    %jit3A_335 = arith.constant 1 : i32
    %broadcast_in_dim3A_336 = vector.broadcast %jit3A_335 : i32 to vector<16xi32>
    %select_n3A_337 = arith.select %eq3A_334, %broadcast_in_dim3A_336, %select_n3A_333 : vector<16xi1>, vector<16xi32>
    %eq3A_338 = arith.cmpf oeq, %select_n3A_200, %max3A_275 : vector<16xf32>
    %jit3A_339 = arith.constant 0 : i32
    %broadcast_in_dim3A_340 = vector.broadcast %jit3A_339 : i32 to vector<16xi32>
    %select_n3A_341 = arith.select %eq3A_338, %broadcast_in_dim3A_340, %select_n3A_337 : vector<16xi1>, vector<16xi32>
    %sub3A = arith.subf %scan3A_116#1, %max3A_131 : vector<16xf32>
    %exp3A = math.exp %sub3A : vector<16xf32>
    %sub3A_342 = arith.subf %scan3A_116#2, %max3A_131 : vector<16xf32>
    %exp3A_343 = math.exp %sub3A_342 : vector<16xf32>
    %add3A_344 = arith.addf %exp3A, %exp3A_343 : vector<16xf32>
    %sub3A_345 = arith.subf %scan3A_116#3, %max3A_131 : vector<16xf32>
    %exp3A_346 = math.exp %sub3A_345 : vector<16xf32>
    %add3A_347 = arith.addf %add3A_344, %exp3A_346 : vector<16xf32>
    %sub3A_348 = arith.subf %scan3A_116#4, %max3A_131 : vector<16xf32>
    %exp3A_349 = math.exp %sub3A_348 : vector<16xf32>
    %add3A_350 = arith.addf %add3A_347, %exp3A_349 : vector<16xf32>
    %sub3A_351 = arith.subf %scan3A_116#5, %max3A_131 : vector<16xf32>
    %exp3A_352 = math.exp %sub3A_351 : vector<16xf32>
    %add3A_353 = arith.addf %add3A_350, %exp3A_352 : vector<16xf32>
    %sub3A_354 = arith.subf %scan3A_116#6, %max3A_131 : vector<16xf32>
    %exp3A_355 = math.exp %sub3A_354 : vector<16xf32>
    %add3A_356 = arith.addf %add3A_353, %exp3A_355 : vector<16xf32>
    %sub3A_357 = arith.subf %scan3A_116#7, %max3A_131 : vector<16xf32>
    %exp3A_358 = math.exp %sub3A_357 : vector<16xf32>
    %add3A_359 = arith.addf %add3A_356, %exp3A_358 : vector<16xf32>
    %sub3A_360 = arith.subf %scan3A_116#8, %max3A_131 : vector<16xf32>
    %exp3A_361 = math.exp %sub3A_360 : vector<16xf32>
    %add3A_362 = arith.addf %add3A_359, %exp3A_361 : vector<16xf32>
    %sub3A_363 = arith.subf %scan3A_116#9, %max3A_131 : vector<16xf32>
    %exp3A_364 = math.exp %sub3A_363 : vector<16xf32>
    %add3A_365 = arith.addf %add3A_362, %exp3A_364 : vector<16xf32>
    %sub3A_366 = arith.subf %scan3A_116#10, %max3A_131 : vector<16xf32>
    %exp3A_367 = math.exp %sub3A_366 : vector<16xf32>
    %add3A_368 = arith.addf %add3A_365, %exp3A_367 : vector<16xf32>
    %sub3A_369 = arith.subf %scan3A_116#11, %max3A_131 : vector<16xf32>
    %exp3A_370 = math.exp %sub3A_369 : vector<16xf32>
    %add3A_371 = arith.addf %add3A_368, %exp3A_370 : vector<16xf32>
    %sub3A_372 = arith.subf %scan3A_116#12, %max3A_131 : vector<16xf32>
    %exp3A_373 = math.exp %sub3A_372 : vector<16xf32>
    %add3A_374 = arith.addf %add3A_371, %exp3A_373 : vector<16xf32>
    %sub3A_375 = arith.subf %scan3A_116#13, %max3A_131 : vector<16xf32>
    %exp3A_376 = math.exp %sub3A_375 : vector<16xf32>
    %add3A_377 = arith.addf %add3A_374, %exp3A_376 : vector<16xf32>
    %sub3A_378 = arith.subf %scan3A_116#14, %max3A_131 : vector<16xf32>
    %exp3A_379 = math.exp %sub3A_378 : vector<16xf32>
    %add3A_380 = arith.addf %add3A_377, %exp3A_379 : vector<16xf32>
    %sub3A_381 = arith.subf %scan3A_116#15, %max3A_131 : vector<16xf32>
    %exp3A_382 = math.exp %sub3A_381 : vector<16xf32>
    %add3A_383 = arith.addf %add3A_380, %exp3A_382 : vector<16xf32>
    %sub3A_384 = arith.subf %scan3A_116#16, %max3A_131 : vector<16xf32>
    %exp3A_385 = math.exp %sub3A_384 : vector<16xf32>
    %add3A_386 = arith.addf %add3A_383, %exp3A_385 : vector<16xf32>
    %div3A = arith.constant 1.000000e+00 : f32
    %div3A_387 = vector.broadcast %div3A : f32 to vector<16xf32>
    %div3A_388 = arith.divf %div3A_387, %add3A_386 : vector<16xf32>
    %swap3A = arith.constant 0 : i32
    %swap3A_389 = arith.index_cast %swap3A : i32 to index
    %swap3A_390 = arith.constant 0 : index
    %swap3A_391 = tpu.vector_load %arg10[%swap3A_389, %swap3A_390] {strides = array<i32>} : memref<2x32xf32, #tpu.memory_space<vmem>>, vector<16xf32>,
    tpu.vector_store %arg10[%swap3A_389, %swap3A_390], %div3A_388 {strides = array<i32>} : memref<2x32xf32, #tpu.memory_space<vmem>>, vector<16xf32>,
    %sub3A_392 = arith.subf %max3A_275, %max3A_131 : vector<16xf32>
    %exp3A_393 = math.exp %sub3A_392 : vector<16xf32>
    %div3A_394 = arith.divf %exp3A_393, %add3A_386 : vector<16xf32>
    %swap3A_395 = arith.constant 1 : i32
    %swap3A_396 = arith.index_cast %swap3A_395 : i32 to index
    %swap3A_397 = arith.constant 0 : index
    %swap3A_398 = tpu.vector_load %arg10[%swap3A_396, %swap3A_397] {strides = array<i32>} : memref<2x32xf32, #tpu.memory_space<vmem>>, vector<16xf32>,
    tpu.vector_store %arg10[%swap3A_396, %swap3A_397], %div3A_394 {strides = array<i32>} : memref<2x32xf32, #tpu.memory_space<vmem>>, vector<16xf32>,
    %swap3A_399 = arith.constant 0 : i32
    %swap3A_400 = arith.index_cast %swap3A_399 : i32 to index
    %swap3A_401 = arith.constant 0 : index
    %swap3A_402 = tpu.vector_load %arg11[%swap3A_400, %swap3A_401] {strides = array<i32>} : memref<2x32xi32, #tpu.memory_space<vmem>>, vector<16xi32>,
    tpu.vector_store %arg11[%swap3A_400, %swap3A_401], %select_n3A_194 {strides = array<i32>} : memref<2x32xi32, #tpu.memory_space<vmem>>, vector<16xi32>,
    %swap3A_403 = arith.constant 1 : i32
    %swap3A_404 = arith.index_cast %swap3A_403 : i32 to index
    %swap3A_405 = arith.constant 0 : index
    %swap3A_406 = tpu.vector_load %arg11[%swap3A_404, %swap3A_405] {strides = array<i32>} : memref<2x32xi32, #tpu.memory_space<vmem>>, vector<16xi32>,
    tpu.vector_store %arg11[%swap3A_404, %swap3A_405], %select_n3A_341 {strides = array<i32>} : memref<2x32xi32, #tpu.memory_space<vmem>>, vector<16xi32>,
    %max3A_407 = arith.maximumf %scan3A_116#17, %scan3A_116#18 : vector<16xf32>
    %max3A_408 = arith.maximumf %max3A_407, %scan3A_116#19 : vector<16xf32>
    %max3A_409 = arith.maximumf %max3A_408, %scan3A_116#20 : vector<16xf32>
    %max3A_410 = arith.maximumf %max3A_409, %scan3A_116#21 : vector<16xf32>
    %max3A_411 = arith.maximumf %max3A_410, %scan3A_116#22 : vector<16xf32>
    %max3A_412 = arith.maximumf %max3A_411, %scan3A_116#23 : vector<16xf32>
    %max3A_413 = arith.maximumf %max3A_412, %scan3A_116#24 : vector<16xf32>
    %max3A_414 = arith.maximumf %max3A_413, %scan3A_116#25 : vector<16xf32>
    %max3A_415 = arith.maximumf %max3A_414, %scan3A_116#26 : vector<16xf32>
    %max3A_416 = arith.maximumf %max3A_415, %scan3A_116#27 : vector<16xf32>
    %max3A_417 = arith.maximumf %max3A_416, %scan3A_116#28 : vector<16xf32>
    %max3A_418 = arith.maximumf %max3A_417, %scan3A_116#29 : vector<16xf32>
    %max3A_419 = arith.maximumf %max3A_418, %scan3A_116#30 : vector<16xf32>
    %max3A_420 = arith.maximumf %max3A_419, %scan3A_116#31 : vector<16xf32>
    %max3A_421 = arith.maximumf %max3A_420, %scan3A_116#32 : vector<16xf32>
    %broadcast_in_dim3A_422 = arith.constant 0 : i32
    %broadcast_in_dim3A_423 = vector.broadcast %broadcast_in_dim3A_422 : i32 to vector<16xi32>
    %eq3A_424 = arith.cmpf oeq, %scan3A_116#32, %max3A_421 : vector<16xf32>
    %jit3A_425 = arith.constant 15 : i32
    %broadcast_in_dim3A_426 = vector.broadcast %jit3A_425 : i32 to vector<16xi32>
    %select_n3A_427 = arith.select %eq3A_424, %broadcast_in_dim3A_426, %broadcast_in_dim3A_423 : vector<16xi1>, vector<16xi32>
    %eq3A_428 = arith.cmpf oeq, %scan3A_116#31, %max3A_421 : vector<16xf32>
    %jit3A_429 = arith.constant 14 : i32
    %broadcast_in_dim3A_430 = vector.broadcast %jit3A_429 : i32 to vector<16xi32>
    %select_n3A_431 = arith.select %eq3A_428, %broadcast_in_dim3A_430, %select_n3A_427 : vector<16xi1>, vector<16xi32>
    %eq3A_432 = arith.cmpf oeq, %scan3A_116#30, %max3A_421 : vector<16xf32>
    %jit3A_433 = arith.constant 13 : i32
    %broadcast_in_dim3A_434 = vector.broadcast %jit3A_433 : i32 to vector<16xi32>
    %select_n3A_435 = arith.select %eq3A_432, %broadcast_in_dim3A_434, %select_n3A_431 : vector<16xi1>, vector<16xi32>
    %eq3A_436 = arith.cmpf oeq, %scan3A_116#29, %max3A_421 : vector<16xf32>
    %jit3A_437 = arith.constant 12 : i32
    %broadcast_in_dim3A_438 = vector.broadcast %jit3A_437 : i32 to vector<16xi32>
    %select_n3A_439 = arith.select %eq3A_436, %broadcast_in_dim3A_438, %select_n3A_435 : vector<16xi1>, vector<16xi32>
    %eq3A_440 = arith.cmpf oeq, %scan3A_116#28, %max3A_421 : vector<16xf32>
    %jit3A_441 = arith.constant 11 : i32
    %broadcast_in_dim3A_442 = vector.broadcast %jit3A_441 : i32 to vector<16xi32>
    %select_n3A_443 = arith.select %eq3A_440, %broadcast_in_dim3A_442, %select_n3A_439 : vector<16xi1>, vector<16xi32>
    %eq3A_444 = arith.cmpf oeq, %scan3A_116#27, %max3A_421 : vector<16xf32>
    %jit3A_445 = arith.constant 10 : i32
    %broadcast_in_dim3A_446 = vector.broadcast %jit3A_445 : i32 to vector<16xi32>
    %select_n3A_447 = arith.select %eq3A_444, %broadcast_in_dim3A_446, %select_n3A_443 : vector<16xi1>, vector<16xi32>
    %eq3A_448 = arith.cmpf oeq, %scan3A_116#26, %max3A_421 : vector<16xf32>
    %jit3A_449 = arith.constant 9 : i32
    %broadcast_in_dim3A_450 = vector.broadcast %jit3A_449 : i32 to vector<16xi32>
    %select_n3A_451 = arith.select %eq3A_448, %broadcast_in_dim3A_450, %select_n3A_447 : vector<16xi1>, vector<16xi32>
    %eq3A_452 = arith.cmpf oeq, %scan3A_116#25, %max3A_421 : vector<16xf32>
    %jit3A_453 = arith.constant 8 : i32
    %broadcast_in_dim3A_454 = vector.broadcast %jit3A_453 : i32 to vector<16xi32>
    %select_n3A_455 = arith.select %eq3A_452, %broadcast_in_dim3A_454, %select_n3A_451 : vector<16xi1>, vector<16xi32>
    %eq3A_456 = arith.cmpf oeq, %scan3A_116#24, %max3A_421 : vector<16xf32>
    %jit3A_457 = arith.constant 7 : i32
    %broadcast_in_dim3A_458 = vector.broadcast %jit3A_457 : i32 to vector<16xi32>
    %select_n3A_459 = arith.select %eq3A_456, %broadcast_in_dim3A_458, %select_n3A_455 : vector<16xi1>, vector<16xi32>
    %eq3A_460 = arith.cmpf oeq, %scan3A_116#23, %max3A_421 : vector<16xf32>
    %jit3A_461 = arith.constant 6 : i32
    %broadcast_in_dim3A_462 = vector.broadcast %jit3A_461 : i32 to vector<16xi32>
    %select_n3A_463 = arith.select %eq3A_460, %broadcast_in_dim3A_462, %select_n3A_459 : vector<16xi1>, vector<16xi32>
    %eq3A_464 = arith.cmpf oeq, %scan3A_116#22, %max3A_421 : vector<16xf32>
    %jit3A_465 = arith.constant 5 : i32
    %broadcast_in_dim3A_466 = vector.broadcast %jit3A_465 : i32 to vector<16xi32>
    %select_n3A_467 = arith.select %eq3A_464, %broadcast_in_dim3A_466, %select_n3A_463 : vector<16xi1>, vector<16xi32>
    %eq3A_468 = arith.cmpf oeq, %scan3A_116#21, %max3A_421 : vector<16xf32>
    %jit3A_469 = arith.constant 4 : i32
    %broadcast_in_dim3A_470 = vector.broadcast %jit3A_469 : i32 to vector<16xi32>
    %select_n3A_471 = arith.select %eq3A_468, %broadcast_in_dim3A_470, %select_n3A_467 : vector<16xi1>, vector<16xi32>
    %eq3A_472 = arith.cmpf oeq, %scan3A_116#20, %max3A_421 : vector<16xf32>
    %jit3A_473 = arith.constant 3 : i32
    %broadcast_in_dim3A_474 = vector.broadcast %jit3A_473 : i32 to vector<16xi32>
    %select_n3A_475 = arith.select %eq3A_472, %broadcast_in_dim3A_474, %select_n3A_471 : vector<16xi1>, vector<16xi32>
    %eq3A_476 = arith.cmpf oeq, %scan3A_116#19, %max3A_421 : vector<16xf32>
    %jit3A_477 = arith.constant 2 : i32
    %broadcast_in_dim3A_478 = vector.broadcast %jit3A_477 : i32 to vector<16xi32>
    %select_n3A_479 = arith.select %eq3A_476, %broadcast_in_dim3A_478, %select_n3A_475 : vector<16xi1>, vector<16xi32>
    %eq3A_480 = arith.cmpf oeq, %scan3A_116#18, %max3A_421 : vector<16xf32>
    %jit3A_481 = arith.constant 1 : i32
    %broadcast_in_dim3A_482 = vector.broadcast %jit3A_481 : i32 to vector<16xi32>
    %select_n3A_483 = arith.select %eq3A_480, %broadcast_in_dim3A_482, %select_n3A_479 : vector<16xi1>, vector<16xi32>
    %eq3A_484 = arith.cmpf oeq, %scan3A_116#17, %max3A_421 : vector<16xf32>
    %jit3A_485 = arith.constant 0 : i32
    %broadcast_in_dim3A_486 = vector.broadcast %jit3A_485 : i32 to vector<16xi32>
    %select_n3A_487 = arith.select %eq3A_484, %broadcast_in_dim3A_486, %select_n3A_483 : vector<16xi1>, vector<16xi32>
    %broadcast_in_dim3A_488 = arith.constant 0xFF800000 : f32
    %broadcast_in_dim3A_489 = vector.broadcast %broadcast_in_dim3A_488 : f32 to vector<16xf32>
    %eq3A_490 = arith.constant 0 : i32
    %eq3A_491 = vector.broadcast %eq3A_490 : i32 to vector<16xi32>
    %eq3A_492 = arith.cmpi eq, %select_n3A_487, %eq3A_491 : vector<16xi32>
    %select_n3A_493 = arith.select %eq3A_492, %broadcast_in_dim3A_489, %scan3A_116#17 : vector<16xi1>, vector<16xf32>
    %eq3A_494 = arith.constant 1 : i32
    %eq3A_495 = vector.broadcast %eq3A_494 : i32 to vector<16xi32>
    %eq3A_496 = arith.cmpi eq, %select_n3A_487, %eq3A_495 : vector<16xi32>
    %select_n3A_497 = arith.select %eq3A_496, %broadcast_in_dim3A_489, %scan3A_116#18 : vector<16xi1>, vector<16xf32>
    %eq3A_498 = arith.constant 2 : i32
    %eq3A_499 = vector.broadcast %eq3A_498 : i32 to vector<16xi32>
    %eq3A_500 = arith.cmpi eq, %select_n3A_487, %eq3A_499 : vector<16xi32>
    %select_n3A_501 = arith.select %eq3A_500, %broadcast_in_dim3A_489, %scan3A_116#19 : vector<16xi1>, vector<16xf32>
    %eq3A_502 = arith.constant 3 : i32
    %eq3A_503 = vector.broadcast %eq3A_502 : i32 to vector<16xi32>
    %eq3A_504 = arith.cmpi eq, %select_n3A_487, %eq3A_503 : vector<16xi32>
    %select_n3A_505 = arith.select %eq3A_504, %broadcast_in_dim3A_489, %scan3A_116#20 : vector<16xi1>, vector<16xf32>
    %eq3A_506 = arith.constant 4 : i32
    %eq3A_507 = vector.broadcast %eq3A_506 : i32 to vector<16xi32>
    %eq3A_508 = arith.cmpi eq, %select_n3A_487, %eq3A_507 : vector<16xi32>
    %select_n3A_509 = arith.select %eq3A_508, %broadcast_in_dim3A_489, %scan3A_116#21 : vector<16xi1>, vector<16xf32>
    %eq3A_510 = arith.constant 5 : i32
    %eq3A_511 = vector.broadcast %eq3A_510 : i32 to vector<16xi32>
    %eq3A_512 = arith.cmpi eq, %select_n3A_487, %eq3A_511 : vector<16xi32>
    %select_n3A_513 = arith.select %eq3A_512, %broadcast_in_dim3A_489, %scan3A_116#22 : vector<16xi1>, vector<16xf32>
    %eq3A_514 = arith.constant 6 : i32
    %eq3A_515 = vector.broadcast %eq3A_514 : i32 to vector<16xi32>
    %eq3A_516 = arith.cmpi eq, %select_n3A_487, %eq3A_515 : vector<16xi32>
    %select_n3A_517 = arith.select %eq3A_516, %broadcast_in_dim3A_489, %scan3A_116#23 : vector<16xi1>, vector<16xf32>
    %eq3A_518 = arith.constant 7 : i32
    %eq3A_519 = vector.broadcast %eq3A_518 : i32 to vector<16xi32>
    %eq3A_520 = arith.cmpi eq, %select_n3A_487, %eq3A_519 : vector<16xi32>
    %select_n3A_521 = arith.select %eq3A_520, %broadcast_in_dim3A_489, %scan3A_116#24 : vector<16xi1>, vector<16xf32>
    %eq3A_522 = arith.constant 8 : i32
    %eq3A_523 = vector.broadcast %eq3A_522 : i32 to vector<16xi32>
    %eq3A_524 = arith.cmpi eq, %select_n3A_487, %eq3A_523 : vector<16xi32>
    %select_n3A_525 = arith.select %eq3A_524, %broadcast_in_dim3A_489, %scan3A_116#25 : vector<16xi1>, vector<16xf32>
    %eq3A_526 = arith.constant 9 : i32
    %eq3A_527 = vector.broadcast %eq3A_526 : i32 to vector<16xi32>
    %eq3A_528 = arith.cmpi eq, %select_n3A_487, %eq3A_527 : vector<16xi32>
    %select_n3A_529 = arith.select %eq3A_528, %broadcast_in_dim3A_489, %scan3A_116#26 : vector<16xi1>, vector<16xf32>
    %eq3A_530 = arith.constant 10 : i32
    %eq3A_531 = vector.broadcast %eq3A_530 : i32 to vector<16xi32>
    %eq3A_532 = arith.cmpi eq, %select_n3A_487, %eq3A_531 : vector<16xi32>
    %select_n3A_533 = arith.select %eq3A_532, %broadcast_in_dim3A_489, %scan3A_116#27 : vector<16xi1>, vector<16xf32>
    %eq3A_534 = arith.constant 11 : i32
    %eq3A_535 = vector.broadcast %eq3A_534 : i32 to vector<16xi32>
    %eq3A_536 = arith.cmpi eq, %select_n3A_487, %eq3A_535 : vector<16xi32>
    %select_n3A_537 = arith.select %eq3A_536, %broadcast_in_dim3A_489, %scan3A_116#28 : vector<16xi1>, vector<16xf32>
    %eq3A_538 = arith.constant 12 : i32
    %eq3A_539 = vector.broadcast %eq3A_538 : i32 to vector<16xi32>
    %eq3A_540 = arith.cmpi eq, %select_n3A_487, %eq3A_539 : vector<16xi32>
    %select_n3A_541 = arith.select %eq3A_540, %broadcast_in_dim3A_489, %scan3A_116#29 : vector<16xi1>, vector<16xf32>
    %eq3A_542 = arith.constant 13 : i32
    %eq3A_543 = vector.broadcast %eq3A_542 : i32 to vector<16xi32>
    %eq3A_544 = arith.cmpi eq, %select_n3A_487, %eq3A_543 : vector<16xi32>
    %select_n3A_545 = arith.select %eq3A_544, %broadcast_in_dim3A_489, %scan3A_116#30 : vector<16xi1>, vector<16xf32>
    %eq3A_546 = arith.constant 14 : i32
    %eq3A_547 = vector.broadcast %eq3A_546 : i32 to vector<16xi32>
    %eq3A_548 = arith.cmpi eq, %select_n3A_487, %eq3A_547 : vector<16xi32>
    %select_n3A_549 = arith.select %eq3A_548, %broadcast_in_dim3A_489, %scan3A_116#31 : vector<16xi1>, vector<16xf32>
    %eq3A_550 = arith.constant 15 : i32
    %eq3A_551 = vector.broadcast %eq3A_550 : i32 to vector<16xi32>
    %eq3A_552 = arith.cmpi eq, %select_n3A_487, %eq3A_551 : vector<16xi32>
    %select_n3A_553 = arith.select %eq3A_552, %broadcast_in_dim3A_489, %scan3A_116#32 : vector<16xi1>, vector<16xf32>
    %max3A_554 = arith.maximumf %select_n3A_493, %select_n3A_497 : vector<16xf32>
    %max3A_555 = arith.maximumf %max3A_554, %select_n3A_501 : vector<16xf32>
    %max3A_556 = arith.maximumf %max3A_555, %select_n3A_505 : vector<16xf32>
    %max3A_557 = arith.maximumf %max3A_556, %select_n3A_509 : vector<16xf32>
    %max3A_558 = arith.maximumf %max3A_557, %select_n3A_513 : vector<16xf32>
    %max3A_559 = arith.maximumf %max3A_558, %select_n3A_517 : vector<16xf32>
    %max3A_560 = arith.maximumf %max3A_559, %select_n3A_521 : vector<16xf32>
    %max3A_561 = arith.maximumf %max3A_560, %select_n3A_525 : vector<16xf32>
    %max3A_562 = arith.maximumf %max3A_561, %select_n3A_529 : vector<16xf32>
    %max3A_563 = arith.maximumf %max3A_562, %select_n3A_533 : vector<16xf32>
    %max3A_564 = arith.maximumf %max3A_563, %select_n3A_537 : vector<16xf32>
    %max3A_565 = arith.maximumf %max3A_564, %select_n3A_541 : vector<16xf32>
    %max3A_566 = arith.maximumf %max3A_565, %select_n3A_545 : vector<16xf32>
    %max3A_567 = arith.maximumf %max3A_566, %select_n3A_549 : vector<16xf32>
    %max3A_568 = arith.maximumf %max3A_567, %select_n3A_553 : vector<16xf32>
    %broadcast_in_dim3A_569 = arith.constant 0 : i32
    %broadcast_in_dim3A_570 = vector.broadcast %broadcast_in_dim3A_569 : i32 to vector<16xi32>
    %eq3A_571 = arith.cmpf oeq, %select_n3A_553, %max3A_568 : vector<16xf32>
    %jit3A_572 = arith.constant 15 : i32
    %broadcast_in_dim3A_573 = vector.broadcast %jit3A_572 : i32 to vector<16xi32>
    %select_n3A_574 = arith.select %eq3A_571, %broadcast_in_dim3A_573, %broadcast_in_dim3A_570 : vector<16xi1>, vector<16xi32>
    %eq3A_575 = arith.cmpf oeq, %select_n3A_549, %max3A_568 : vector<16xf32>
    %jit3A_576 = arith.constant 14 : i32
    %broadcast_in_dim3A_577 = vector.broadcast %jit3A_576 : i32 to vector<16xi32>
    %select_n3A_578 = arith.select %eq3A_575, %broadcast_in_dim3A_577, %select_n3A_574 : vector<16xi1>, vector<16xi32>
    %eq3A_579 = arith.cmpf oeq, %select_n3A_545, %max3A_568 : vector<16xf32>
    %jit3A_580 = arith.constant 13 : i32
    %broadcast_in_dim3A_581 = vector.broadcast %jit3A_580 : i32 to vector<16xi32>
    %select_n3A_582 = arith.select %eq3A_579, %broadcast_in_dim3A_581, %select_n3A_578 : vector<16xi1>, vector<16xi32>
    %eq3A_583 = arith.cmpf oeq, %select_n3A_541, %max3A_568 : vector<16xf32>
    %jit3A_584 = arith.constant 12 : i32
    %broadcast_in_dim3A_585 = vector.broadcast %jit3A_584 : i32 to vector<16xi32>
    %select_n3A_586 = arith.select %eq3A_583, %broadcast_in_dim3A_585, %select_n3A_582 : vector<16xi1>, vector<16xi32>
    %eq3A_587 = arith.cmpf oeq, %select_n3A_537, %max3A_568 : vector<16xf32>
    %jit3A_588 = arith.constant 11 : i32
    %broadcast_in_dim3A_589 = vector.broadcast %jit3A_588 : i32 to vector<16xi32>
    %select_n3A_590 = arith.select %eq3A_587, %broadcast_in_dim3A_589, %select_n3A_586 : vector<16xi1>, vector<16xi32>
    %eq3A_591 = arith.cmpf oeq, %select_n3A_533, %max3A_568 : vector<16xf32>
    %jit3A_592 = arith.constant 10 : i32
    %broadcast_in_dim3A_593 = vector.broadcast %jit3A_592 : i32 to vector<16xi32>
    %select_n3A_594 = arith.select %eq3A_591, %broadcast_in_dim3A_593, %select_n3A_590 : vector<16xi1>, vector<16xi32>
    %eq3A_595 = arith.cmpf oeq, %select_n3A_529, %max3A_568 : vector<16xf32>
    %jit3A_596 = arith.constant 9 : i32
    %broadcast_in_dim3A_597 = vector.broadcast %jit3A_596 : i32 to vector<16xi32>
    %select_n3A_598 = arith.select %eq3A_595, %broadcast_in_dim3A_597, %select_n3A_594 : vector<16xi1>, vector<16xi32>
    %eq3A_599 = arith.cmpf oeq, %select_n3A_525, %max3A_568 : vector<16xf32>
    %jit3A_600 = arith.constant 8 : i32
    %broadcast_in_dim3A_601 = vector.broadcast %jit3A_600 : i32 to vector<16xi32>
    %select_n3A_602 = arith.select %eq3A_599, %broadcast_in_dim3A_601, %select_n3A_598 : vector<16xi1>, vector<16xi32>
    %eq3A_603 = arith.cmpf oeq, %select_n3A_521, %max3A_568 : vector<16xf32>
    %jit3A_604 = arith.constant 7 : i32
    %broadcast_in_dim3A_605 = vector.broadcast %jit3A_604 : i32 to vector<16xi32>
    %select_n3A_606 = arith.select %eq3A_603, %broadcast_in_dim3A_605, %select_n3A_602 : vector<16xi1>, vector<16xi32>
    %eq3A_607 = arith.cmpf oeq, %select_n3A_517, %max3A_568 : vector<16xf32>
    %jit3A_608 = arith.constant 6 : i32
    %broadcast_in_dim3A_609 = vector.broadcast %jit3A_608 : i32 to vector<16xi32>
    %select_n3A_610 = arith.select %eq3A_607, %broadcast_in_dim3A_609, %select_n3A_606 : vector<16xi1>, vector<16xi32>
    %eq3A_611 = arith.cmpf oeq, %select_n3A_513, %max3A_568 : vector<16xf32>
    %jit3A_612 = arith.constant 5 : i32
    %broadcast_in_dim3A_613 = vector.broadcast %jit3A_612 : i32 to vector<16xi32>
    %select_n3A_614 = arith.select %eq3A_611, %broadcast_in_dim3A_613, %select_n3A_610 : vector<16xi1>, vector<16xi32>
    %eq3A_615 = arith.cmpf oeq, %select_n3A_509, %max3A_568 : vector<16xf32>
    %jit3A_616 = arith.constant 4 : i32
    %broadcast_in_dim3A_617 = vector.broadcast %jit3A_616 : i32 to vector<16xi32>
    %select_n3A_618 = arith.select %eq3A_615, %broadcast_in_dim3A_617, %select_n3A_614 : vector<16xi1>, vector<16xi32>
    %eq3A_619 = arith.cmpf oeq, %select_n3A_505, %max3A_568 : vector<16xf32>
    %jit3A_620 = arith.constant 3 : i32
    %broadcast_in_dim3A_621 = vector.broadcast %jit3A_620 : i32 to vector<16xi32>
    %select_n3A_622 = arith.select %eq3A_619, %broadcast_in_dim3A_621, %select_n3A_618 : vector<16xi1>, vector<16xi32>
    %eq3A_623 = arith.cmpf oeq, %select_n3A_501, %max3A_568 : vector<16xf32>
    %jit3A_624 = arith.constant 2 : i32
    %broadcast_in_dim3A_625 = vector.broadcast %jit3A_624 : i32 to vector<16xi32>
    %select_n3A_626 = arith.select %eq3A_623, %broadcast_in_dim3A_625, %select_n3A_622 : vector<16xi1>, vector<16xi32>
    %eq3A_627 = arith.cmpf oeq, %select_n3A_497, %max3A_568 : vector<16xf32>
    %jit3A_628 = arith.constant 1 : i32
    %broadcast_in_dim3A_629 = vector.broadcast %jit3A_628 : i32 to vector<16xi32>
    %select_n3A_630 = arith.select %eq3A_627, %broadcast_in_dim3A_629, %select_n3A_626 : vector<16xi1>, vector<16xi32>
    %eq3A_631 = arith.cmpf oeq, %select_n3A_493, %max3A_568 : vector<16xf32>
    %jit3A_632 = arith.constant 0 : i32
    %broadcast_in_dim3A_633 = vector.broadcast %jit3A_632 : i32 to vector<16xi32>
    %select_n3A_634 = arith.select %eq3A_631, %broadcast_in_dim3A_633, %select_n3A_630 : vector<16xi1>, vector<16xi32>
    %sub3A_635 = arith.subf %scan3A_116#17, %max3A_421 : vector<16xf32>
    %exp3A_636 = math.exp %sub3A_635 : vector<16xf32>
    %sub3A_637 = arith.subf %scan3A_116#18, %max3A_421 : vector<16xf32>
    %exp3A_638 = math.exp %sub3A_637 : vector<16xf32>
    %add3A_639 = arith.addf %exp3A_636, %exp3A_638 : vector<16xf32>
    %sub3A_640 = arith.subf %scan3A_116#19, %max3A_421 : vector<16xf32>
    %exp3A_641 = math.exp %sub3A_640 : vector<16xf32>
    %add3A_642 = arith.addf %add3A_639, %exp3A_641 : vector<16xf32>
    %sub3A_643 = arith.subf %scan3A_116#20, %max3A_421 : vector<16xf32>
    %exp3A_644 = math.exp %sub3A_643 : vector<16xf32>
    %add3A_645 = arith.addf %add3A_642, %exp3A_644 : vector<16xf32>
    %sub3A_646 = arith.subf %scan3A_116#21, %max3A_421 : vector<16xf32>
    %exp3A_647 = math.exp %sub3A_646 : vector<16xf32>
    %add3A_648 = arith.addf %add3A_645, %exp3A_647 : vector<16xf32>
    %sub3A_649 = arith.subf %scan3A_116#22, %max3A_421 : vector<16xf32>
    %exp3A_650 = math.exp %sub3A_649 : vector<16xf32>
    %add3A_651 = arith.addf %add3A_648, %exp3A_650 : vector<16xf32>
    %sub3A_652 = arith.subf %scan3A_116#23, %max3A_421 : vector<16xf32>
    %exp3A_653 = math.exp %sub3A_652 : vector<16xf32>
    %add3A_654 = arith.addf %add3A_651, %exp3A_653 : vector<16xf32>
    %sub3A_655 = arith.subf %scan3A_116#24, %max3A_421 : vector<16xf32>
    %exp3A_656 = math.exp %sub3A_655 : vector<16xf32>
    %add3A_657 = arith.addf %add3A_654, %exp3A_656 : vector<16xf32>
    %sub3A_658 = arith.subf %scan3A_116#25, %max3A_421 : vector<16xf32>
    %exp3A_659 = math.exp %sub3A_658 : vector<16xf32>
    %add3A_660 = arith.addf %add3A_657, %exp3A_659 : vector<16xf32>
    %sub3A_661 = arith.subf %scan3A_116#26, %max3A_421 : vector<16xf32>
    %exp3A_662 = math.exp %sub3A_661 : vector<16xf32>
    %add3A_663 = arith.addf %add3A_660, %exp3A_662 : vector<16xf32>
    %sub3A_664 = arith.subf %scan3A_116#27, %max3A_421 : vector<16xf32>
    %exp3A_665 = math.exp %sub3A_664 : vector<16xf32>
    %add3A_666 = arith.addf %add3A_663, %exp3A_665 : vector<16xf32>
    %sub3A_667 = arith.subf %scan3A_116#28, %max3A_421 : vector<16xf32>
    %exp3A_668 = math.exp %sub3A_667 : vector<16xf32>
    %add3A_669 = arith.addf %add3A_666, %exp3A_668 : vector<16xf32>
    %sub3A_670 = arith.subf %scan3A_116#29, %max3A_421 : vector<16xf32>
    %exp3A_671 = math.exp %sub3A_670 : vector<16xf32>
    %add3A_672 = arith.addf %add3A_669, %exp3A_671 : vector<16xf32>
    %sub3A_673 = arith.subf %scan3A_116#30, %max3A_421 : vector<16xf32>
    %exp3A_674 = math.exp %sub3A_673 : vector<16xf32>
    %add3A_675 = arith.addf %add3A_672, %exp3A_674 : vector<16xf32>
    %sub3A_676 = arith.subf %scan3A_116#31, %max3A_421 : vector<16xf32>
    %exp3A_677 = math.exp %sub3A_676 : vector<16xf32>
    %add3A_678 = arith.addf %add3A_675, %exp3A_677 : vector<16xf32>
    %sub3A_679 = arith.subf %scan3A_116#32, %max3A_421 : vector<16xf32>
    %exp3A_680 = math.exp %sub3A_679 : vector<16xf32>
    %add3A_681 = arith.addf %add3A_678, %exp3A_680 : vector<16xf32>
    %div3A_682 = arith.constant 1.000000e+00 : f32
    %div3A_683 = vector.broadcast %div3A_682 : f32 to vector<16xf32>
    %div3A_684 = arith.divf %div3A_683, %add3A_681 : vector<16xf32>
    %swap3A_685 = arith.constant 0 : i32
    %swap3A_686 = arith.index_cast %swap3A_685 : i32 to index
    %swap3A_687 = arith.constant 16 : index
    %swap3A_688 = tpu.vector_load %arg10[%swap3A_686, %swap3A_687] {strides = array<i32>} : memref<2x32xf32, #tpu.memory_space<vmem>>, vector<16xf32>,
    tpu.vector_store %arg10[%swap3A_686, %swap3A_687], %div3A_684 {strides = array<i32>} : memref<2x32xf32, #tpu.memory_space<vmem>>, vector<16xf32>,
    %sub3A_689 = arith.subf %max3A_568, %max3A_421 : vector<16xf32>
    %exp3A_690 = math.exp %sub3A_689 : vector<16xf32>
    %div3A_691 = arith.divf %exp3A_690, %add3A_681 : vector<16xf32>
    %swap3A_692 = arith.constant 1 : i32
    %swap3A_693 = arith.index_cast %swap3A_692 : i32 to index
    %swap3A_694 = arith.constant 16 : index
    %swap3A_695 = tpu.vector_load %arg10[%swap3A_693, %swap3A_694] {strides = array<i32>} : memref<2x32xf32, #tpu.memory_space<vmem>>, vector<16xf32>,
    tpu.vector_store %arg10[%swap3A_693, %swap3A_694], %div3A_691 {strides = array<i32>} : memref<2x32xf32, #tpu.memory_space<vmem>>, vector<16xf32>,
    %swap3A_696 = arith.constant 0 : i32
    %swap3A_697 = arith.index_cast %swap3A_696 : i32 to index
    %swap3A_698 = arith.constant 16 : index
    %swap3A_699 = tpu.vector_load %arg11[%swap3A_697, %swap3A_698] {strides = array<i32>} : memref<2x32xi32, #tpu.memory_space<vmem>>, vector<16xi32>,
    tpu.vector_store %arg11[%swap3A_697, %swap3A_698], %select_n3A_487 {strides = array<i32>} : memref<2x32xi32, #tpu.memory_space<vmem>>, vector<16xi32>,
    %swap3A_700 = arith.constant 1 : i32
    %swap3A_701 = arith.index_cast %swap3A_700 : i32 to index
    %swap3A_702 = arith.constant 16 : index
    %swap3A_703 = tpu.vector_load %arg11[%swap3A_701, %swap3A_702] {strides = array<i32>} : memref<2x32xi32, #tpu.memory_space<vmem>>, vector<16xi32>,
    tpu.vector_store %arg11[%swap3A_701, %swap3A_702], %select_n3A_634 {strides = array<i32>} : memref<2x32xi32, #tpu.memory_space<vmem>>, vector<16xi32>,
    %mul3A_704 = arith.constant 32 : i32
    %mul3A_705 = arith.muli %add3A, %mul3A_704 : i32
    %run_scoped3A = arith.constant 0 : i32
    %run_scoped3A_706 = arith.constant 0 : i32
    "tpu.region"() ({
      %run_scoped3A_713 = tpu.sem_alloc : memref<!tpu.dma_semaphore, #tpu.memory_space<semaphore_mem>>
      %dma_start3A_714 = arith.constant 0 : i32
      %dma_start3A_715 = tpu.memref_slice %arg10[%run_scoped3A, %dma_start3A_714] : memref<2x32xf32, #tpu.memory_space<vmem>> -> memref<1x32xf32, #tpu.memory_space<vmem>>
      %dma_start3A_716 = tpu.memref_squeeze %dma_start3A_715 : memref<1x32xf32, #tpu.memory_space<vmem>> -> memref<32xf32, #tpu.memory_space<vmem>>
      %dma_start3A_717 = tpu.memref_slice %arg5[%run_scoped3A_706, %mul3A_705] : memref<2x1024xf32, #tpu.memory_space<hbm>> -> memref<1x32xf32, #tpu.memory_space<hbm>>
      %dma_start3A_718 = tpu.memref_squeeze %dma_start3A_717 : memref<1x32xf32, #tpu.memory_space<hbm>> -> memref<32xf32, #tpu.memory_space<hbm>>
      %dma_start3A_719 = tpu.memref_slice %arg5[%run_scoped3A_706, %mul3A_705] : memref<2x1024xf32, #tpu.memory_space<hbm>> -> memref<1x32xf32, #tpu.memory_space<hbm>>
      %dma_start3A_720 = tpu.memref_squeeze %dma_start3A_719 : memref<1x32xf32, #tpu.memory_space<hbm>> -> memref<32xf32, #tpu.memory_space<hbm>>
      %dma_start3A_721 = arith.constant 0 : i32
      %dma_start3A_722 = tpu.memref_slice %arg10[%run_scoped3A, %dma_start3A_721] : memref<2x32xf32, #tpu.memory_space<vmem>> -> memref<1x32xf32, #tpu.memory_space<vmem>>
      %dma_start3A_723 = tpu.memref_squeeze %dma_start3A_722 : memref<1x32xf32, #tpu.memory_space<vmem>> -> memref<32xf32, #tpu.memory_space<vmem>>
      tpu.enqueue_dma source(%dma_start3A_723 : memref<32xf32, #tpu.memory_space<vmem>>) target(%dma_start3A_720 : memref<32xf32, #tpu.memory_space<hbm>>) target_semaphore(%run_scoped3A_713 : memref<!tpu.dma_semaphore, #tpu.memory_space<semaphore_mem>>)
      %dma_wait3A_724 = arith.constant 0 : i32
      %dma_wait3A_725 = tpu.memref_slice %arg10[%run_scoped3A, %dma_wait3A_724] : memref<2x32xf32, #tpu.memory_space<vmem>> -> memref<1x32xf32, #tpu.memory_space<vmem>>
      %dma_wait3A_726 = tpu.memref_squeeze %dma_wait3A_725 : memref<1x32xf32, #tpu.memory_space<vmem>> -> memref<32xf32, #tpu.memory_space<vmem>>
      %dma_wait3A_727 = tpu.memref_slice %arg5[%run_scoped3A_706, %mul3A_705] : memref<2x1024xf32, #tpu.memory_space<hbm>> -> memref<1x32xf32, #tpu.memory_space<hbm>>
      %dma_wait3A_728 = tpu.memref_squeeze %dma_wait3A_727 : memref<1x32xf32, #tpu.memory_space<hbm>> -> memref<32xf32, #tpu.memory_space<hbm>>
      %dma_wait3A_729 = tpu.memref_slice %arg5[%run_scoped3A_706, %mul3A_705] : memref<2x1024xf32, #tpu.memory_space<hbm>> -> memref<1x32xf32, #tpu.memory_space<hbm>>
      %dma_wait3A_730 = tpu.memref_squeeze %dma_wait3A_729 : memref<1x32xf32, #tpu.memory_space<hbm>> -> memref<32xf32, #tpu.memory_space<hbm>>
      %dma_wait3A_731 = arith.constant 0 : i32
      %dma_wait3A_732 = tpu.memref_slice %arg10[%run_scoped3A, %dma_wait3A_731] : memref<2x32xf32, #tpu.memory_space<vmem>> -> memref<1x32xf32, #tpu.memory_space<vmem>>
      %dma_wait3A_733 = tpu.memref_squeeze %dma_wait3A_732 : memref<1x32xf32, #tpu.memory_space<vmem>> -> memref<32xf32, #tpu.memory_space<vmem>>
      tpu.wait_dma2 semaphore(%run_scoped3A_713 : memref<!tpu.dma_semaphore, #tpu.memory_space<semaphore_mem>>) src(%dma_wait3A_733 : memref<32xf32, #tpu.memory_space<vmem>>) dst(%dma_wait3A_730 : memref<32xf32, #tpu.memory_space<hbm>>)
      tpu.yield
    }) : () -> ()
    %run_scoped3A_707 = arith.constant 1 : i32
    %run_scoped3A_708 = arith.constant 1 : i32
    "tpu.region"() ({
      %run_scoped3A_713 = tpu.sem_alloc : memref<!tpu.dma_semaphore, #tpu.memory_space<semaphore_mem>>
      %dma_start3A_714 = arith.constant 0 : i32
      %dma_start3A_715 = tpu.memref_slice %arg10[%run_scoped3A_707, %dma_start3A_714] : memref<2x32xf32, #tpu.memory_space<vmem>> -> memref<1x32xf32, #tpu.memory_space<vmem>>
      %dma_start3A_716 = tpu.memref_squeeze %dma_start3A_715 : memref<1x32xf32, #tpu.memory_space<vmem>> -> memref<32xf32, #tpu.memory_space<vmem>>
      %dma_start3A_717 = tpu.memref_slice %arg5[%run_scoped3A_708, %mul3A_705] : memref<2x1024xf32, #tpu.memory_space<hbm>> -> memref<1x32xf32, #tpu.memory_space<hbm>>
      %dma_start3A_718 = tpu.memref_squeeze %dma_start3A_717 : memref<1x32xf32, #tpu.memory_space<hbm>> -> memref<32xf32, #tpu.memory_space<hbm>>
      %dma_start3A_719 = tpu.memref_slice %arg5[%run_scoped3A_708, %mul3A_705] : memref<2x1024xf32, #tpu.memory_space<hbm>> -> memref<1x32xf32, #tpu.memory_space<hbm>>
      %dma_start3A_720 = tpu.memref_squeeze %dma_start3A_719 : memref<1x32xf32, #tpu.memory_space<hbm>> -> memref<32xf32, #tpu.memory_space<hbm>>
      %dma_start3A_721 = arith.constant 0 : i32
      %dma_start3A_722 = tpu.memref_slice %arg10[%run_scoped3A_707, %dma_start3A_721] : memref<2x32xf32, #tpu.memory_space<vmem>> -> memref<1x32xf32, #tpu.memory_space<vmem>>
      %dma_start3A_723 = tpu.memref_squeeze %dma_start3A_722 : memref<1x32xf32, #tpu.memory_space<vmem>> -> memref<32xf32, #tpu.memory_space<vmem>>
      tpu.enqueue_dma source(%dma_start3A_723 : memref<32xf32, #tpu.memory_space<vmem>>) target(%dma_start3A_720 : memref<32xf32, #tpu.memory_space<hbm>>) target_semaphore(%run_scoped3A_713 : memref<!tpu.dma_semaphore, #tpu.memory_space<semaphore_mem>>)
      %dma_wait3A_724 = arith.constant 0 : i32
      %dma_wait3A_725 = tpu.memref_slice %arg10[%run_scoped3A_707, %dma_wait3A_724] : memref<2x32xf32, #tpu.memory_space<vmem>> -> memref<1x32xf32, #tpu.memory_space<vmem>>
      %dma_wait3A_726 = tpu.memref_squeeze %dma_wait3A_725 : memref<1x32xf32, #tpu.memory_space<vmem>> -> memref<32xf32, #tpu.memory_space<vmem>>
      %dma_wait3A_727 = tpu.memref_slice %arg5[%run_scoped3A_708, %mul3A_705] : memref<2x1024xf32, #tpu.memory_space<hbm>> -> memref<1x32xf32, #tpu.memory_space<hbm>>
      %dma_wait3A_728 = tpu.memref_squeeze %dma_wait3A_727 : memref<1x32xf32, #tpu.memory_space<hbm>> -> memref<32xf32, #tpu.memory_space<hbm>>
      %dma_wait3A_729 = tpu.memref_slice %arg5[%run_scoped3A_708, %mul3A_705] : memref<2x1024xf32, #tpu.memory_space<hbm>> -> memref<1x32xf32, #tpu.memory_space<hbm>>
      %dma_wait3A_730 = tpu.memref_squeeze %dma_wait3A_729 : memref<1x32xf32, #tpu.memory_space<hbm>> -> memref<32xf32, #tpu.memory_space<hbm>>
      %dma_wait3A_731 = arith.constant 0 : i32
      %dma_wait3A_732 = tpu.memref_slice %arg10[%run_scoped3A_707, %dma_wait3A_731] : memref<2x32xf32, #tpu.memory_space<vmem>> -> memref<1x32xf32, #tpu.memory_space<vmem>>
      %dma_wait3A_733 = tpu.memref_squeeze %dma_wait3A_732 : memref<1x32xf32, #tpu.memory_space<vmem>> -> memref<32xf32, #tpu.memory_space<vmem>>
      tpu.wait_dma2 semaphore(%run_scoped3A_713 : memref<!tpu.dma_semaphore, #tpu.memory_space<semaphore_mem>>) src(%dma_wait3A_733 : memref<32xf32, #tpu.memory_space<vmem>>) dst(%dma_wait3A_730 : memref<32xf32, #tpu.memory_space<hbm>>)
      tpu.yield
    }) : () -> ()
    %run_scoped3A_709 = arith.constant 0 : i32
    %run_scoped3A_710 = arith.constant 0 : i32
    "tpu.region"() ({
      %run_scoped3A_713 = tpu.sem_alloc : memref<!tpu.dma_semaphore, #tpu.memory_space<semaphore_mem>>
      %dma_start3A_714 = arith.constant 0 : i32
      %dma_start3A_715 = tpu.memref_slice %arg11[%run_scoped3A_709, %dma_start3A_714] : memref<2x32xi32, #tpu.memory_space<vmem>> -> memref<1x32xi32, #tpu.memory_space<vmem>>
      %dma_start3A_716 = tpu.memref_squeeze %dma_start3A_715 : memref<1x32xi32, #tpu.memory_space<vmem>> -> memref<32xi32, #tpu.memory_space<vmem>>
      %dma_start3A_717 = tpu.memref_slice %arg6[%run_scoped3A_710, %mul3A_705] : memref<2x1024xi32, #tpu.memory_space<hbm>> -> memref<1x32xi32, #tpu.memory_space<hbm>>
      %dma_start3A_718 = tpu.memref_squeeze %dma_start3A_717 : memref<1x32xi32, #tpu.memory_space<hbm>> -> memref<32xi32, #tpu.memory_space<hbm>>
      %dma_start3A_719 = tpu.memref_slice %arg6[%run_scoped3A_710, %mul3A_705] : memref<2x1024xi32, #tpu.memory_space<hbm>> -> memref<1x32xi32, #tpu.memory_space<hbm>>
      %dma_start3A_720 = tpu.memref_squeeze %dma_start3A_719 : memref<1x32xi32, #tpu.memory_space<hbm>> -> memref<32xi32, #tpu.memory_space<hbm>>
      %dma_start3A_721 = arith.constant 0 : i32
      %dma_start3A_722 = tpu.memref_slice %arg11[%run_scoped3A_709, %dma_start3A_721] : memref<2x32xi32, #tpu.memory_space<vmem>> -> memref<1x32xi32, #tpu.memory_space<vmem>>
      %dma_start3A_723 = tpu.memref_squeeze %dma_start3A_722 : memref<1x32xi32, #tpu.memory_space<vmem>> -> memref<32xi32, #tpu.memory_space<vmem>>
      tpu.enqueue_dma source(%dma_start3A_723 : memref<32xi32, #tpu.memory_space<vmem>>) target(%dma_start3A_720 : memref<32xi32, #tpu.memory_space<hbm>>) target_semaphore(%run_scoped3A_713 : memref<!tpu.dma_semaphore, #tpu.memory_space<semaphore_mem>>)
      %dma_wait3A_724 = arith.constant 0 : i32
      %dma_wait3A_725 = tpu.memref_slice %arg11[%run_scoped3A_709, %dma_wait3A_724] : memref<2x32xi32, #tpu.memory_space<vmem>> -> memref<1x32xi32, #tpu.memory_space<vmem>>
      %dma_wait3A_726 = tpu.memref_squeeze %dma_wait3A_725 : memref<1x32xi32, #tpu.memory_space<vmem>> -> memref<32xi32, #tpu.memory_space<vmem>>
      %dma_wait3A_727 = tpu.memref_slice %arg6[%run_scoped3A_710, %mul3A_705] : memref<2x1024xi32, #tpu.memory_space<hbm>> -> memref<1x32xi32, #tpu.memory_space<hbm>>
      %dma_wait3A_728 = tpu.memref_squeeze %dma_wait3A_727 : memref<1x32xi32, #tpu.memory_space<hbm>> -> memref<32xi32, #tpu.memory_space<hbm>>
      %dma_wait3A_729 = tpu.memref_slice %arg6[%run_scoped3A_710, %mul3A_705] : memref<2x1024xi32, #tpu.memory_space<hbm>> -> memref<1x32xi32, #tpu.memory_space<hbm>>
      %dma_wait3A_730 = tpu.memref_squeeze %dma_wait3A_729 : memref<1x32xi32, #tpu.memory_space<hbm>> -> memref<32xi32, #tpu.memory_space<hbm>>
      %dma_wait3A_731 = arith.constant 0 : i32
      %dma_wait3A_732 = tpu.memref_slice %arg11[%run_scoped3A_709, %dma_wait3A_731] : memref<2x32xi32, #tpu.memory_space<vmem>> -> memref<1x32xi32, #tpu.memory_space<vmem>>
      %dma_wait3A_733 = tpu.memref_squeeze %dma_wait3A_732 : memref<1x32xi32, #tpu.memory_space<vmem>> -> memref<32xi32, #tpu.memory_space<vmem>>
      tpu.wait_dma2 semaphore(%run_scoped3A_713 : memref<!tpu.dma_semaphore, #tpu.memory_space<semaphore_mem>>) src(%dma_wait3A_733 : memref<32xi32, #tpu.memory_space<vmem>>) dst(%dma_wait3A_730 : memref<32xi32, #tpu.memory_space<hbm>>)
      tpu.yield
    }) : () -> ()
    %run_scoped3A_711 = arith.constant 1 : i32
    %run_scoped3A_712 = arith.constant 1 : i32
    "tpu.region"() ({
      %run_scoped3A_713 = tpu.sem_alloc : memref<!tpu.dma_semaphore, #tpu.memory_space<semaphore_mem>>
      %dma_start3A_714 = arith.constant 0 : i32
      %dma_start3A_715 = tpu.memref_slice %arg11[%run_scoped3A_711, %dma_start3A_714] : memref<2x32xi32, #tpu.memory_space<vmem>> -> memref<1x32xi32, #tpu.memory_space<vmem>>
      %dma_start3A_716 = tpu.memref_squeeze %dma_start3A_715 : memref<1x32xi32, #tpu.memory_space<vmem>> -> memref<32xi32, #tpu.memory_space<vmem>>
      %dma_start3A_717 = tpu.memref_slice %arg6[%run_scoped3A_712, %mul3A_705] : memref<2x1024xi32, #tpu.memory_space<hbm>> -> memref<1x32xi32, #tpu.memory_space<hbm>>
      %dma_start3A_718 = tpu.memref_squeeze %dma_start3A_717 : memref<1x32xi32, #tpu.memory_space<hbm>> -> memref<32xi32, #tpu.memory_space<hbm>>
      %dma_start3A_719 = tpu.memref_slice %arg6[%run_scoped3A_712, %mul3A_705] : memref<2x1024xi32, #tpu.memory_space<hbm>> -> memref<1x32xi32, #tpu.memory_space<hbm>>
      %dma_start3A_720 = tpu.memref_squeeze %dma_start3A_719 : memref<1x32xi32, #tpu.memory_space<hbm>> -> memref<32xi32, #tpu.memory_space<hbm>>
      %dma_start3A_721 = arith.constant 0 : i32
      %dma_start3A_722 = tpu.memref_slice %arg11[%run_scoped3A_711, %dma_start3A_721] : memref<2x32xi32, #tpu.memory_space<vmem>> -> memref<1x32xi32, #tpu.memory_space<vmem>>
      %dma_start3A_723 = tpu.memref_squeeze %dma_start3A_722 : memref<1x32xi32, #tpu.memory_space<vmem>> -> memref<32xi32, #tpu.memory_space<vmem>>
      tpu.enqueue_dma source(%dma_start3A_723 : memref<32xi32, #tpu.memory_space<vmem>>) target(%dma_start3A_720 : memref<32xi32, #tpu.memory_space<hbm>>) target_semaphore(%run_scoped3A_713 : memref<!tpu.dma_semaphore, #tpu.memory_space<semaphore_mem>>)
      %dma_wait3A_724 = arith.constant 0 : i32
      %dma_wait3A_725 = tpu.memref_slice %arg11[%run_scoped3A_711, %dma_wait3A_724] : memref<2x32xi32, #tpu.memory_space<vmem>> -> memref<1x32xi32, #tpu.memory_space<vmem>>
      %dma_wait3A_726 = tpu.memref_squeeze %dma_wait3A_725 : memref<1x32xi32, #tpu.memory_space<vmem>> -> memref<32xi32, #tpu.memory_space<vmem>>
      %dma_wait3A_727 = tpu.memref_slice %arg6[%run_scoped3A_712, %mul3A_705] : memref<2x1024xi32, #tpu.memory_space<hbm>> -> memref<1x32xi32, #tpu.memory_space<hbm>>
      %dma_wait3A_728 = tpu.memref_squeeze %dma_wait3A_727 : memref<1x32xi32, #tpu.memory_space<hbm>> -> memref<32xi32, #tpu.memory_space<hbm>>
      %dma_wait3A_729 = tpu.memref_slice %arg6[%run_scoped3A_712, %mul3A_705] : memref<2x1024xi32, #tpu.memory_space<hbm>> -> memref<1x32xi32, #tpu.memory_space<hbm>>
      %dma_wait3A_730 = tpu.memref_squeeze %dma_wait3A_729 : memref<1x32xi32, #tpu.memory_space<hbm>> -> memref<32xi32, #tpu.memory_space<hbm>>
      %dma_wait3A_731 = arith.constant 0 : i32
      %dma_wait3A_732 = tpu.memref_slice %arg11[%run_scoped3A_711, %dma_wait3A_731] : memref<2x32xi32, #tpu.memory_space<vmem>> -> memref<1x32xi32, #tpu.memory_space<vmem>>
      %dma_wait3A_733 = tpu.memref_squeeze %dma_wait3A_732 : memref<1x32xi32, #tpu.memory_space<vmem>> -> memref<32xi32, #tpu.memory_space<vmem>>
      tpu.wait_dma2 semaphore(%run_scoped3A_713 : memref<!tpu.dma_semaphore, #tpu.memory_space<semaphore_mem>>) src(%dma_wait3A_733 : memref<32xi32, #tpu.memory_space<vmem>>) dst(%dma_wait3A_730 : memref<32xi32, #tpu.memory_space<hbm>>)
      tpu.yield
    }) : () -> ()
    return
  }
}

module attributes {stable_mosaic.version = 14 : i64} {
  func.func @_tc_router_kernel(%arg0: i32, %arg1: memref<1024x2048xf32, #tpu.memory_space<vmem>>, %arg2: memref<16x2048xf32, #tpu.memory_space<vmem>>, %arg3: memref<16x1xf32, #tpu.memory_space<vmem>>, %arg4: memref<2x1024xf32, #tpu.memory_space<vmem>>, %arg5: memref<2x1024xi32, #tpu.memory_space<vmem>>) attributes {dimension_semantics = [#tpu.dimension_semantics<arbitrary>], iteration_bounds = array<i64: 7>, scalar_prefetch = 0 : i64, scratch_operands = 0 : i64, tpu.core_type = #tpu.core_type<tc>, window_params = [{transform_indices = @transform_0, window_bounds = array<i64: 1024, 2048>}, {pipeline_mode = #tpu.pipeline_mode<synchronous>, transform_indices = @transform_1, window_bounds = array<i64: 16, 2048>}, {pipeline_mode = #tpu.pipeline_mode<synchronous>, transform_indices = @transform_2, window_bounds = array<i64: 16, 1>}, {transform_indices = @transform_3, window_bounds = array<i64: 2, 1024>}, {transform_indices = @transform_4, window_bounds = array<i64: 2, 1024>}]} {
    %get3A = arith.constant 0 : index
    %get3A_0 = arith.constant 0 : index
    %get3A_1 = vector.load %arg1[%get3A, %get3A_0] : memref<1024x2048xf32, #tpu.memory_space<vmem>>, vector<1024x2048xf32>
    %get3A_2 = arith.constant 0 : index
    %get3A_3 = arith.constant 0 : index
    %get3A_4 = vector.load %arg2[%get3A_2, %get3A_3] : memref<16x2048xf32, #tpu.memory_space<vmem>>, vector<16x2048xf32>
    %get3A_5 = arith.constant 0 : index
    %get3A_6 = arith.constant 0 : index
    %get3A_7 = vector.load %arg3[%get3A_5, %get3A_6] : memref<16x1xf32, #tpu.memory_space<vmem>>, vector<16x1xf32>
    %dot_general3A = arith.constant dense<0.000000e+00> : vector<16x1024xf32>
    %dot_general3A_8 = tpu.matmul %get3A_4, %get3A_1, %dot_general3A {dimension_numbers = #tpu.dot_dimension_numbers<[1], [1], [0], [0], [0, 0, 1, 0], [], []>, transpose_lhs_hint = false} : vector<16x2048xf32>, vector<1024x2048xf32>, vector<16x1024xf32> -> vector<16x1024xf32>
    %add3A = vector.broadcast %get3A_7 : vector<16x1xf32> to vector<16x1024xf32>
    %add3A_9 = arith.addf %dot_general3A_8, %add3A : vector<16x1024xf32>
    %reduce_max3A = arith.constant dense<0xFF800000> : vector<1024xf32>
    %reduce_max3A_10 = vector.multi_reduction <maximumf>, %add3A_9, %reduce_max3A [0] : vector<16x1024xf32> to vector<1024xf32>
    %broadcast_in_dim3A = vector.shape_cast %reduce_max3A_10 : vector<1024xf32> to vector<1x1024xf32>
    %iota3A = tpu.iota {dimensions = array<i32: 0>} : vector<16x1024xi32>
    %eq3A = vector.broadcast %broadcast_in_dim3A : vector<1x1024xf32> to vector<16x1024xf32>
    %eq3A_11 = arith.cmpf oeq, %add3A_9, %eq3A : vector<16x1024xf32>
    %jit3A = arith.constant 16 : i32
    %broadcast_in_dim3A_12 = vector.broadcast %jit3A : i32 to vector<16x1024xi32>
    %select_n3A = arith.select %eq3A_11, %iota3A, %broadcast_in_dim3A_12 : vector<16x1024xi1>, vector<16x1024xi32>
    %reduce_min3A = arith.constant dense<2147483647> : vector<1024xi32>
    %reduce_min3A_13 = vector.multi_reduction <minsi>, %select_n3A, %reduce_min3A [0] : vector<16x1024xi32> to vector<1024xi32>
    %broadcast_in_dim3A_14 = vector.shape_cast %reduce_min3A_13 : vector<1024xi32> to vector<1x1024xi32>
    %eq3A_15 = vector.broadcast %broadcast_in_dim3A_14 : vector<1x1024xi32> to vector<16x1024xi32>
    %eq3A_16 = arith.cmpi eq, %iota3A, %eq3A_15 : vector<16x1024xi32>
    %jit3A_17 = arith.constant 0xFF800000 : f32
    %broadcast_in_dim3A_18 = vector.broadcast %jit3A_17 : f32 to vector<16x1024xf32>
    %select_n3A_19 = arith.select %eq3A_16, %broadcast_in_dim3A_18, %add3A_9 : vector<16x1024xi1>, vector<16x1024xf32>
    %reduce_max3A_20 = arith.constant dense<0xFF800000> : vector<1024xf32>
    %reduce_max3A_21 = vector.multi_reduction <maximumf>, %select_n3A_19, %reduce_max3A_20 [0] : vector<16x1024xf32> to vector<1024xf32>
    %broadcast_in_dim3A_22 = vector.shape_cast %reduce_max3A_21 : vector<1024xf32> to vector<1x1024xf32>
    %eq3A_23 = vector.broadcast %broadcast_in_dim3A_22 : vector<1x1024xf32> to vector<16x1024xf32>
    %eq3A_24 = arith.cmpf oeq, %select_n3A_19, %eq3A_23 : vector<16x1024xf32>
    %jit3A_25 = arith.constant 16 : i32
    %broadcast_in_dim3A_26 = vector.broadcast %jit3A_25 : i32 to vector<16x1024xi32>
    %select_n3A_27 = arith.select %eq3A_24, %iota3A, %broadcast_in_dim3A_26 : vector<16x1024xi1>, vector<16x1024xi32>
    %reduce_min3A_28 = arith.constant dense<2147483647> : vector<1024xi32>
    %reduce_min3A_29 = vector.multi_reduction <minsi>, %select_n3A_27, %reduce_min3A_28 [0] : vector<16x1024xi32> to vector<1024xi32>
    %broadcast_in_dim3A_30 = vector.shape_cast %reduce_min3A_29 : vector<1024xi32> to vector<1x1024xi32>
    %sub3A = vector.broadcast %broadcast_in_dim3A : vector<1x1024xf32> to vector<16x1024xf32>
    %sub3A_31 = arith.subf %add3A_9, %sub3A : vector<16x1024xf32>
    %exp3A = math.exp %sub3A_31 : vector<16x1024xf32>
    %reduce_sum3A = arith.constant dense<0.000000e+00> : vector<1024xf32>
    %reduce_sum3A_32 = vector.multi_reduction <add>, %exp3A, %reduce_sum3A [0] : vector<16x1024xf32> to vector<1024xf32>
    %broadcast_in_dim3A_33 = vector.shape_cast %reduce_sum3A_32 : vector<1024xf32> to vector<1x1024xf32>
    %div3A = arith.constant 1.000000e+00 : f32
    %div3A_34 = vector.broadcast %div3A : f32 to vector<1x1024xf32>
    %div3A_35 = arith.divf %div3A_34, %broadcast_in_dim3A_33 : vector<1x1024xf32>
    %sub3A_36 = arith.subf %broadcast_in_dim3A_22, %broadcast_in_dim3A : vector<1x1024xf32>
    %exp3A_37 = math.exp %sub3A_36 : vector<1x1024xf32>
    %div3A_38 = arith.divf %exp3A_37, %broadcast_in_dim3A_33 : vector<1x1024xf32>
    %concatenate3A = tpu.concatenate %div3A_35, %div3A_38 in 0 : vector<1x1024xf32>, vector<1x1024xf32> -> vector<2x1024xf32>
    %swap3A = arith.constant 0 : index
    %swap3A_39 = arith.constant 0 : index
    %swap3A_40 = vector.load %arg4[%swap3A, %swap3A_39] : memref<2x1024xf32, #tpu.memory_space<vmem>>, vector<2x1024xf32>
    tpu.vector_store %arg4[%swap3A, %swap3A_39], %concatenate3A {strides = array<i32>} : memref<2x1024xf32, #tpu.memory_space<vmem>>, vector<2x1024xf32>,
    %concatenate3A_41 = tpu.concatenate %broadcast_in_dim3A_14, %broadcast_in_dim3A_30 in 0 : vector<1x1024xi32>, vector<1x1024xi32> -> vector<2x1024xi32>
    %swap3A_42 = arith.constant 0 : index
    %swap3A_43 = arith.constant 0 : index
    %swap3A_44 = vector.load %arg5[%swap3A_42, %swap3A_43] : memref<2x1024xi32, #tpu.memory_space<vmem>>, vector<2x1024xi32>
    tpu.vector_store %arg5[%swap3A_42, %swap3A_43], %concatenate3A_41 {strides = array<i32>} : memref<2x1024xi32, #tpu.memory_space<vmem>>, vector<2x1024xi32>,
    return
  }
  func.func @transform_0(%arg0: i32) -> (i32, i32) {
    %c0_i32 = arith.constant 0 : i32
    %c0_i32_0 = arith.constant 0 : i32
    return %arg0, %c0_i32 : i32, i32
  }
  func.func @transform_1(%arg0: i32) -> (i32, i32) {
    %c0_i32 = arith.constant 0 : i32
    %c0_i32_0 = arith.constant 0 : i32
    %c0_i32_1 = arith.constant 0 : i32
    return %c0_i32, %c0_i32_0 : i32, i32
  }
  func.func @transform_2(%arg0: i32) -> (i32, i32) {
    %c0_i32 = arith.constant 0 : i32
    %c0_i32_0 = arith.constant 0 : i32
    %c0_i32_1 = arith.constant 0 : i32
    return %c0_i32, %c0_i32_0 : i32, i32
  }
  func.func @transform_3(%arg0: i32) -> (i32, i32) {
    %c0_i32 = arith.constant 0 : i32
    %c0_i32_0 = arith.constant 0 : i32
    return %c0_i32, %arg0 : i32, i32
  }
  func.func @transform_4(%arg0: i32) -> (i32, i32) {
    %c0_i32 = arith.constant 0 : i32
    %c0_i32_0 = arith.constant 0 : i32
    return %c0_i32, %arg0 : i32, i32
  }
}

</mosaic_0001>

<sc_bundles>
// kernel: kernel.4.cloned.1.call-start
scs
__scs_entry_jumppad:
0x0: {  	(pc) =	sbr.rel $0x88, $3  }
0x1: {  	(tag) =	ssettag $0x0;
	lr =	simm.s32 $0x1  }
0x2: {  	[smem:$0x3F9E] =	sst lr;
	_ =	strace $0xD0000000  }
0x3: {  	_ = 	snop  }
0x4: {  	_ = 	snop  }
0x5: {  	_ = 	snop  }
0x6: {  	_ = 	snop  }
0x7: {  	_ = 	snop  }
__scs_overlays_trampoline_lowered:
0x8: {  	[smem:$0x3FAD] =	sst s0  }
0x9: {  	[smem:$0x3FAE] =	sst s1  }
0xa: {  	[smem:$0x3FAF] =	sst s2  }
0xb: {  	[smem:$0x3FB0] =	sst s3  }
0xc: {  	[smem:$0x3FB1] =	sst s4  }
0xd: {  	[smem:$0x3FB2] =	sst s5  }
0xe: {  	[smem:$0x3FB3] =	sst s6  }
0xf: {  	[smem:$0x3FB4] =	sst s7  }
0x10: {  	[smem:$0x3FB5] =	sst s8  }
0x11: {  	[smem:$0x3FB6] =	sst s9;
	s0 =	simm.s32 @!p0 $0x0  }
0x12: {  	s1 =	sld [smem:$0x3F9C];
	s0 =	simm.s32 @p0 $0x1  }
0x13: {  	[smem:$0x3FB7] =	sst s0;
	s0 =	simm.s32 @!p1 $0x0  }
0x14: {  	s2 =	sld [smem:$0x3F9B];
	s0 =	simm.s32 @p1 $0x1  }
0x15: {  	[smem:$0x3FB8] =	sst s0;
	s0 =	simm.s32 @!p2 $0x0  }
0x16: {  	s3 =	sld [smem:$0x3FDB];
	s0 =	simm.s32 @p2 $0x1  }
0x17: {  	s4 =	simm.s32 $0x1BF5;
	[smem:$0x3FBA] =	sst s0  }
0x18: {  	s0 =	sld [smem:$0x3F9D];
	_ =	swait.ge [sflag:s4], $0x0  }
0x19: {  	s7 =	sld [smem:$0x3F9E]  }
0x1a: {  	s8 =	sadd.s32 $0xFFFFE003, lr  }
0x1b: {  	s9 =	sadd.s32 $0xFFFFFEF7, lr;
	s5 =	simm.s32 $0xFFFFFFFF;
	p2 =	slt.u32 s8, $0xFFFFF086  }
0x1c: {  	p1 =	slt.u32 s9, $0xF7A;
	s5 =	simm.s32 @!p2 $0x0  }
0x1d: {  	s5 =	simm.s32 @p1 $0x1;
	p0 =	seq.s32 s7, s2  }
0x1e: {  	s7 =	smul.u32 @!p0 $0xF7A, s2;
	p2 =	seq.s32 @!p0 s5, $0x0  }
0x1f: {  	s9 =	smul.u32 $0xF7A, s1;
	s8 =	simm.s32 @!p0 $0x1BF5;
	p2 =	por !p2, p0  }
0x20: {  	[sflag:s8] =	ssyncset.s32 @!p0 $0xFFFFF086;
	s6 =	sadd.s32 @!p0 s3, s7;
	s7 =	simm.s32 @!p0 $0x108  }
0x21: {  	s3 =	sadd.s32 s3, s9;
	s6 =	sadd.s32 @!p0 $0x88, s6;
	s7 =	simm.s32 @p2 $0x1082  }
0x22: {  	[simem:s7], [sflag:s8] =	dma.local @!p0 [hbm:s6], $0xF7A  }
0x23: {  	s9 =	sor.u32 $0xD0000000, s2;
	s6 =	simm.s32 $0x108;
	_ =	swait.ge @!p0 [sflag:s8], $0x0  }
0x24: {  	s3 =	sadd.s32 $0x88, s3;
	s6 =	simm.s32 @!p1 $0x1082;
	[sflag:s4] =	ssyncset.s32 $0xFFFFF086  }
0x25: {  	[simem:s6], [sflag:s4] =	dma.local [hbm:s3], $0xF7A  }
0x26: {  	[smem:$0x3F9E] =	sst s1;
	(tag) =	ssettag s2;
	_ =	strace s9  }
0x27: {  	s1 =	sld [smem:$0x3FAE]  }
0x28: {  	s2 =	sld [smem:$0x3FAF]  }
0x29: {  	s4 =	sld [smem:$0x3FB1]  }
0x2a: {  	p0 =	seq.s32 s5, $0x0;
	s5 =	sld [smem:$0x3FB2]  }
0x2b: {  	s6 =	sld [smem:$0x3FB3]  }
0x2c: {  	s7 =	sld [smem:$0x3FB4]  }
0x2d: {  	s3 =	simm.s32 $0x108;
	s8 =	sld [smem:$0x3FB5]  }
0x2e: {  	s3 =	simm.s32 @!p0 $0x1082;
	s9 =	sld [smem:$0x3FB6]  }
0x2f: {  	lr =	sadd.s32 s0, s3;
	s0 =	sld [smem:$0x3FAD]  }
0x30: {  	s3 =	sld [smem:$0x3FB0]  }
0x31: {  	[smem:$0x3FB9] =	sst s10  }
0x32: {  	s10 =	sld [smem:$0x3FB7];
	_ =	sdelay $0x3  }
0x33: {  	p0 =	seq.s32 s10, $0x1;
	s10 =	sld [smem:$0x3FB9];
	_ =	sdelay $0x3  }
0x34: {  	[smem:$0x3FB9] =	sst s10  }
0x35: {  	s10 =	sld [smem:$0x3FB8];
	_ =	sdelay $0x3  }
0x36: {  	p1 =	seq.s32 s10, $0x1;
	s10 =	sld [smem:$0x3FB9];
	_ =	sdelay $0x3  }
0x37: {  	[smem:$0x3FB9] =	sst s10  }
0x38: {  	s10 =	sld [smem:$0x3FBA]  }
0x39: {  	_ = 	snop;
	(pc) =	sbr.ind lr, $3  }
0x3a: {  	_ = 	snop  }
0x3b: {  	_ = 	snop  }
0x3c: {  	p2 =	seq.s32 s10, $0x1;
	s10 =	sld [smem:$0x3FB9]  }
0x3d: {  	_ =	shalt  }
0x3e: {  	_ =	shalt  }
0x3f: {  	_ =	shalt  }
0x40: {  	_ =	shalt  }
0x41: {  	_ =	shalt  }
0x42: {  	_ =	shalt  }
0x43: {  	_ =	shalt  }
0x44: {  	_ =	shalt  }
0x45: {  	_ =	shalt  }
0x46: {  	_ =	shalt  }
0x47: {  	_ =	shalt  }
0x48: {  	_ =	shalt  }
0x49: {  	_ =	shalt  }
0x4a: {  	_ =	shalt  }
0x4b: {  	_ =	shalt  }
0x4c: {  	_ =	shalt  }
0x4d: {  	_ =	shalt  }
0x4e: {  	_ =	shalt  }
0x4f: {  	_ =	shalt  }
0x50: {  	_ =	shalt  }
0x51: {  	_ =	shalt  }
0x52: {  	_ =	shalt  }
0x53: {  	_ =	shalt  }
0x54: {  	_ =	shalt  }
0x55: {  	_ =	shalt  }
0x56: {  	_ =	shalt  }
0x57: {  	_ =	shalt  }
0x58: {  	_ =	shalt  }
0x59: {  	_ =	shalt  }
0x5a: {  	_ =	shalt  }
0x5b: {  	_ =	shalt  }
0x5c: {  	_ =	shalt  }
0x5d: {  	_ =	shalt  }
0x5e: {  	_ =	shalt  }
0x5f: {  	_ =	shalt  }
0x60: {  	_ =	shalt  }
0x61: {  	_ =	shalt  }
0x62: {  	_ =	shalt  }
0x63: {  	_ =	shalt  }
0x64: {  	_ =	shalt  }
0x65: {  	_ =	shalt  }
0x66: {  	_ =	shalt  }
0x67: {  	_ =	shalt  }
0x68: {  	_ =	shalt  }
0x69: {  	_ =	shalt  }
0x6a: {  	_ =	shalt  }
0x6b: {  	_ =	shalt  }
0x6c: {  	_ =	shalt  }
0x6d: {  	_ =	shalt  }
0x6e: {  	_ =	shalt  }
0x6f: {  	_ =	shalt  }
0x70: {  	_ =	shalt  }
0x71: {  	_ =	shalt  }
0x72: {  	_ =	shalt  }
0x73: {  	_ =	shalt  }
0x74: {  	_ =	shalt  }
0x75: {  	_ =	shalt  }
0x76: {  	_ =	shalt  }
0x77: {  	_ =	shalt  }
0x78: {  	_ =	shalt  }
0x79: {  	_ =	shalt  }
0x7a: {  	_ =	shalt  }
0x7b: {  	_ =	shalt  }
0x7c: {  	_ =	shalt  }
0x7d: {  	_ =	shalt  }
0x7e: {  	_ =	shalt  }
0x7f: {  	_ =	shalt  }
0x80: {  	_ =	shalt  }
0x81: {  	_ =	shalt  }
0x82: {  	_ =	shalt  }
0x83: {  	_ =	shalt  }
0x84: {  	_ =	shalt  }
0x85: {  	_ =	shalt  }
0x86: {  	_ =	shalt  }
0x87: {  	_ =	shalt  }
.Lfunc_end0:
.L_simem_size_0:
called_computation.1_lowered:
.L_overlay_start_0:
0x88: {  	s2 =	sld [smem:$0x3FD9]  }
0x89: {  	s3 =	sld [smem:$0x3FFE];
	_ =	sdelay $0x1  }
0x8a: {  	s1 =	srdreg.scid  }
0x8b: {  	s0 =	sand.u32 $0x1, s1  }
0x8c: {  	s14 =	sshll.u32 s0, $0xA;
	s2 =	sadd.s32 s3, s2  }
0x8d: {  	s2 =	sadd.s32 s2, s14  }
0x8e: {  	[smem:$0x3FC5] =	sst s2  }
0x8f: {  	_ = 	snop  }
0x90: {  	s2 =	sld [smem:$0x3FD0];
	_ =	sdelay $0x2  }
0x91: {  	s4 =	simm.s32 $0xA;
	s5 =	simm.s32 $0x10;
	s15 =	sld [smem:$0x3FC7]  }
0x92: {  	[smem:s5], [sflag:s4] =	dma.local [hbm:s2], $0x1  }
0x93: {  	_ =	swait.eq [sflag:s4], $0x1  }
0x94: {  	[sflag:s4] =	ssyncset.done $0x0  }
0x95: {  	s16 =	sld [smem:$0x10];
	[sflag:s4] =	ssyncadd.s32 $0xFFFFFFFF  }
0x96: {  	s17 =	sld [smem:$0x11];
	(tm) =	ssettm $0x1  }
0x97: {  	s18 =	sld [smem:$0x3FFB];
	_ =	sdelay $0x3  }
0x98: {  	_ =	strace s18  }
0x99: {  	s5 =	sld [smem:$0x3FFC];
	_ =	sdelay $0x3  }
0x9a: {  	_ =	strace s5  }
0x9b: {  	s5 =	sld [smem:$0x3FFD];
	_ =	sdelay $0x3  }
0x9c: {  	_ =	strace s5  }
0x9d: {  	_ =	strace $0x8FFFFFFF  }
0x9e: {  	s19 =	sld [smem:$0x3FDB];
	_ =	sdelay $0x1  }
0x9f: {  	s6 =	simm.s32 $_scs_section_size  }
0xa0: {  	s7 =	simm.s32 $_size__tile_overlayer_lowered;
	s8 =	simm.s32 $_tile_overlayer_lowered  }
0xa1: {  	s22 =	simm.s32 $0x1BFF;
	s21 =	sshll.u32 s8, $0x1;
	s5 =	sadd.s32 s6, s19  }
0xa2: {  	s9 =	simm.s32 $0x0;
	s20 =	sshll.u32 s7, $0x1;
	s7 =	sadd.s32 s21, s5  }
0xa3: {  	[timem:s9], [sflag:s22] =	dma.local [hbm:s7], s20  }
0xa4: {  	_ =	swait.ge [sflag:s22], s20  }
0xa5: {  	s6 =	ssub.s32 $0x0, s20;
	[sflag:s22] =	ssyncset.done $0x0  }
0xa6: {  	[sflag:s22] =	ssyncadd.s32 s6;
	_ =	sdelay $0x1  }
0xa7: {  	s23 =	simm.s32 $0x1B8B  }
0xa8: {  	_ =	swait.ge [sflag:s23], $0x1  }
0xa9: {  	[sflag:s23] =	ssyncset.done $0x0  }
0xaa: {  	s25 =	simm.s32 $0x1B8E;
	s24 =	sld [smem:$0x3FFE];
	[sflag:s23] =	ssyncadd.s32 $0xFFFFFFFF  }
0xab: {  	s26 =	simm.s32 $execute0_lowered;
	[smem:$0x3FD2] =	sst s25  }
0xac: {  	s7 =	sshll.u32 s26, $0x1;
	_ =	strace $0x80000049;
	[dreg:$0x1] =	wrdreg $0xFFFFFFFF  }
0xad: {  	s28 =	simm.s32 $_size_execute0_lowered;
	s5 =	sadd.s32 s5, s7;
	[dreg:$0x0] =	wrdreg $0x0  }
0xae: {  	s7 =	sshll.u32 s28, $0x1;
	[dreg:$0x2] =	wrdreg s5  }
0xaf: {  	[dreg:$0x3] =	wrdreg s7  }
0xb0: {  	[dreg:$0x4] =	wrdreg $0xC0  }
0xb1: {  	_ =	task [dreg:s9], $0x5FFFF  }
0xb2: {  	[dreg:$0x1] =	wrdreg $0xFFFFFFFF  }
0xb3: {  	[dreg:$0x0] =	wrdreg $0x60  }
0xb4: {  	[dreg:$0x2] =	wrdreg s24  }
0xb5: {  	[dreg:$0x3] =	wrdreg s15  }
0xb6: {  	[dreg:$0x4] =	wrdreg s17  }
0xb7: {  	[dreg:$0x5] =	wrdreg s16  }
0xb8: {  	[dreg:$0x6] =	wrdreg $0x9  }
0xb9: {  	_ =	task.clear_ibuf [dreg:s9], $0x7FFFF;
	_ =	strace $0x90000049  }
0xba: {  	s29 =	simm.s32 $0x9;
	_ =	strace $0x8000004B  }
0xbb: {  	_ =	swait.ge [sflag:s29], $0x1  }
0xbc: {  	[sflag:s29] =	ssyncadd.s32 $0xFFFFFFFF  }
0xbd: {  	_ =	strace $0x9000004B  }
0xbe: {  	_ =	sfence  }
0xbf: {  	s30 =	sld [smem:$0x0];
	_ =	sdelay $0x2  }
0xc0: {  	s31 =	sshll.u32 s1, $0xD;
	s1 =	sshrl.u32 s1, $0x2  }
0xc1: {  	s3 =	sand.u32 $0x4000, s31;
	s1 =	sadd.s32 s1, s30  }
0xc2: {  	s0 =	sor.u32 s3, s0;
	s1 =	sshll.u32 s1, $0x11  }
0xc3: {  	s0 =	sor.u32 s1, s0  }
0xc4: {  	s0 =	sadd.s32 $0x8F2B, s0  }
0xc5: {  	[sflag:s0] =	ssyncadd.remote.s32 $0x1  }
0xc6: {  	_ =	sfence.sel $0xFFFF  }
0xc7: {  	[dreg:$0x0] =	wrdreg $0xFFFFFFFF;
	(pc) =	sbr.abs _section_cstart, $3  }
0xc8: {  	[dreg:$0x1] =	wrdreg $0xFFFFFFFF  }
0xc9: {  	_ =	task.clear_ibuf [dreg:s9], $0x2FFFF;
	_ =	strace $0x9FFFFFFF  }
0xca: {  	(tm) =	ssettm $0x7FFFFFFF  }
0xcb: {  	_ =	shalt  }
tec
execute0_lowered:
.L_overlay_start_1:
0x0: {  	(tag) =	ssettag $0x1  }
0x1: {  	s4 =	rddreg [dreg:$0x0]  }
0x2: {  	s1 =	rddreg [dreg:$0x1]  }
0x3: {  	s7 =	rddreg [dreg:$0x2];
	s3 =	srdreg.scid;
	v0 =	vlaneseq.u32  }
0x4: {  	s9 =	rddreg [dreg:$0x3];
	s5 =	sand.u32 $0x1, s3;
	s3 =	simm.s32 $0x0;
	v0 =	vmul.u32 $0x800, v0  }
0x5: {  	[smem:$0x7FF] =	sst s3  }
0x6: {  	s0 =	rddreg [dreg:$0x4];
	_ =	strace $0x8000004A;
	v2 =	vor.u32 $0x7, v0;
	[tilespmem:$0x1FFF0] =	vst v0  }
0x7: {  	v1 =	vor.u32 $0x6, v0;
	[tilespmem:$0x1FF00] =	vst v2  }
0x8: {  	v12 =	vor.u32 $0x8006, v0;
	[tilespmem:$0x1FF10] =	vst v1  }
0x9: {  	v15 =	vor.u32 $0x8007, v0;
	[tilespmem:$0x1FF20] =	vst v12  }
0xa: {  	v16 =	vor.u32 $0x5, v0;
	[tilespmem:$0x1FF30] =	vst v15  }
0xb: {  	v17 =	vor.u32 $0x8005, v0;
	[tilespmem:$0x1FF40] =	vst v16  }
0xc: {  	v8 =	vor.u32 $0x3, v0;
	[tilespmem:$0x1FF50] =	vst v17  }
0xd: {  	s2 =	stileid.u32;
	s13 =	simm.s32 $0x1;
	s14 =	simm.s32 $0x18010;
	v11 =	vor.u32 $0x2, v0;
	[tilespmem:$0x1FF60] =	vst v8  }
0xe: {  	s15 =	simm.s32 $0x2;
	s16 =	simm.s32 $0x18030;
	s17 =	simm.s32 $0x18050;
	v14 =	vor.u32 $0x4, v0;
	[tilespmem:$0x1FF70] =	vst v11  }
0xf: {  	s18 =	simm.s32 $0x18070;
	s6 =	sshll.u32 s2, $0x6;
	s8 =	sshll.u32 s5, $0x5;
	v19 =	vor.u32 $0x8004, v0;
	[tilespmem:$0x1FF80] =	vst v14  }
0x10: {  	s19 =	simm.s32 $0x0;
	s5 =	ssub.s32 $0x2, s5;
	s6 =	sor.u32 s8, s6;
	v48 =	vor.u32 $0x8003, v0;
	[tilespmem:$0x1FF90] =	vst v19  }
0x11: {  	s10 =	sshrl.u32 s5, $0x1;
	v30 =	vor.u32 $0x1, v0;
	s8 =	sshll.u32 s6, $0x8;
	s11 =	sshrl.u32 s6, $0x3;
	[tilespmem:$0x1FFA0] =	vst v48  }
0x12: {  	v50 =	vor.u32 $0x8002, v0;
	s10 =	ssub.s32 s5, s10;
	[tilespmem:$0x1FFB0] =	vst v30;
	s8 =	sadd.s32 s8, s4;
	s4 =	sadd.s32 $0x201200, s4  }
0x13: {  	v52 =	vor.u32 $0x8001, v0;
	[tilespmem:$0x1FFC0] =	vst v50;
	s12 =	sor.u32 $0x80, s11;
	s6 =	sadd.s32 s7, s11;
	s10 =	smax.u32 s10, $0x1  }
0x14: {  	v55 =	vor.u32 $0x8000, v0;
	[tilespmem:$0x1FFD0] =	vst v52;
	s5 =	sadd.s32 $0x1C1200, s8;
	s7 =	sadd.s32 s7, s12;
	s8 =	sadd.s32 s9, s11  }
0x15: {  	v34 =	vimm.s32 $0x0;
	[tilespmem:$0x1FFE0] =	vst v55;
	s9 =	sadd.s32 s9, s12;
	s11 =	simm.s32 $0x10000;
	s12 =	simm.s32 $0x18000  }
.LBB2_1:
0x16: {  	[tilespmem:s3], [sflag:$0x1] =	stream.linear.gather [hbm4b:s5+s3], $0x10000, $0x38;
	[tilespmem:$0x18090] =	vst v63  }
0x17: {  	_ = 	snop  }
0x18: {  	[tilespmem:s11], [sflag:$0x1] =	stream.linear.gather [hbm4b:s4+s3], $0x8000, $0x38;
	[tilespmem:$0x18090] =	vst v63  }
0x19: {  	_ = 	snop  }
0x1a: {  	[tilespmem:s12], [sflag:$0x1] =	stream.linear.gather [hbm4b:s1+s3], $0x10, $0x38;
	[tilespmem:$0x18090] =	vst v63  }
0x1b: {  	_ =	swait.ge [sflag:s13], $0x10000  }
0x1c: {  	[sflag:s13] =	ssyncset.done $0x0  }
0x1d: {  	[sflag:s13] =	ssyncadd.s32 $0xFFFF0000  }
0x1e: {  	_ =	swait.ge [sflag:s13], $0x8000  }
0x1f: {  	[sflag:s13] =	ssyncset.done $0x0  }
0x20: {  	[sflag:s13] =	ssyncadd.s32 $0xFFFF8000  }
0x21: {  	_ =	swait.ge [sflag:s13], $0x10  }
0x22: {  	v5 =	vadd.s32 v2, v34;
	[sflag:s13] =	ssyncset.done $0x0  }
0x23: {  	[sflag:s13] =	ssyncadd.s32 $0xFFFFFFF0  }
0x24: {  	v2 =	vld [tilespmem:$0x18000]  }
0x25: {  	v10 =	vadd.s32 v1, v34  }
0x26: {  	v12 =	vadd.s32 v12, v34;
	v15 =	vadd.s32 v15, v34;
	v16 =	vadd.s32 v16, v34  }
0x27: {  	v38 =	vadd.s32 v17, v34;
	v39 =	vadd.s32 v19, v34;
	v40 =	vadd.s32 v14, v34;
	v3 =	vld.idx.msk [tilespmem:v5+s11+$0x0], $0xffff  }
0x28: {  	v41 =	vadd.s32 v8, v34;
	v42 =	vadd.s32 v11, v34;
	v26 =	vimm.s32 $0x0  }
0x29: {  	v45 =	vadd.s32 v30, v26;
	v36 =	vbroadcast v2, $0x0;
	v7 =	vbroadcast v2, $0xA  }
0x2a: {  	v46 =	vadd.s32 v0, v26;
	v31 =	vbroadcast v2, $0x1;
	v29 =	vbroadcast v2, $0x2  }
0x2b: {  	v48 =	vadd.s32 v48, v26;
	v21 =	vbroadcast v2, $0x3;
	[tilespmem:$0x1FDE0] =	vst v7;
	v7 =	vbroadcast v2, $0xB  }
0x2c: {  	v25 =	vbroadcast v2, $0x4;
	v24 =	vbroadcast v2, $0x5;
	v4 =	vshrl.u32 v3, $0x10  }
0x2d: {  	v20 =	vbroadcast v2, $0x6;
	v4 =	vand.u32 $0x1, v4;
	[tilespmem:$0x1FE10] =	vst v7;
	v7 =	vbroadcast v2, $0xC  }
0x2e: {  	v47 =	vld.idx.msk [tilespmem:v42+s11+$0x0], $0xffff;
	v9 =	vbroadcast v2, $0x7;
	v3 =	vadd.s32 v4, v3;
	v4 =	vbroadcast v2, $0xD  }
0x2f: {  	v1 =	vbroadcast v2, $0x8;
	v6 =	vbroadcast v2, $0x9;
	v3 =	vadd.s32 $0x7FFF, v3;
	[tilespmem:$0x1FE80] =	vst v7;
	v7 =	vld.idx.msk [tilespmem:v10+s11+$0x0], $0xffff  }
0x30: {  	[tilespmem:$0x1FE90] =	vst v4;
	v4 =	vbroadcast v2, $0xE;
	v2 =	vbroadcast v2, $0xF;
	v13 =	vand.u32 $0xFFFF0000, v3  }
0x31: {  	v50 =	vadd.s32 v50, v26;
	v37 =	vld.idx.msk [tilespmem:v16+s11+$0x0], $0xffff;
	v33 =	vbroadcast v13, $0x0;
	v32 =	vbroadcast v13, $0x1  }
0x32: {  	v52 =	vadd.s32 v52, v26;
	v51 =	vld.idx.msk [tilespmem:v10+s3+$0x0], $0xffff;
	v18 =	vbroadcast v13, $0x2;
	v17 =	vbroadcast v13, $0x3  }
0x33: {  	v60 =	vld.idx.msk [tilespmem:v45+s11+$0x0], $0xffff;
	v61 =	vshrl.u32 v47, $0x10;
	v23 =	vbroadcast v13, $0x4;
	v22 =	vbroadcast v13, $0x5  }
0x34: {  	v53 =	vld.idx.msk [tilespmem:v46+s11+$0x0], $0xffff;
	v8 =	vbroadcast v13, $0x6;
	v28 =	vbroadcast v13, $0x9;
	[tilespmem:$0x1FE70] =	vst v2;
	v2 =	vshrl.u32 v7, $0x10  }
0x35: {  	v54 =	vld.idx.msk [tilespmem:v12+s3+$0x0], $0xffff;
	v27 =	vbroadcast v13, $0xB;
	v14 =	vbroadcast v13, $0xD;
	v3 =	vand.u32 $0x1, v2  }
0x36: {  	v16 =	vld.idx.msk [tilespmem:v16+s3+$0x0], $0xffff;
	[tilespmem:$0x1FEF0] =	vst v4;
	v4 =	vbroadcast v13, $0x7;
	v2 =	vbroadcast v13, $0x8;
	v7 =	vadd.s32 v3, v7  }
0x37: {  	v43 =	vld.idx.msk [tilespmem:v40+s11+$0x0], $0xffff;
	v3 =	vbroadcast v13, $0xA;
	v11 =	vadd.s32 $0x7FFF, v7;
	v7 =	vbroadcast v13, $0xC  }
0x38: {  	v19 =	vand.u32 $0xFFFF0000, v11;
	v11 =	vbroadcast v13, $0xE;
	v13 =	vbroadcast v13, $0xF  }
0x39: {  	v44 =	vld.idx.msk [tilespmem:v41+s11+$0x0], $0xffff;
	v56 =	vshrl.u32 v51, $0x10;
	v62 =	vshrl.u32 v60, $0x10;
	v58 =	vshrl.u32 v53, $0x10  }
0x3a: {  	v59 =	vshrl.u32 v54, $0x10;
	v63 =	vand.u32 $0x1, v58;
	[tilespmem:$0x1FBD0] =	vst v13;
	v13 =	vshrl.u32 v37, $0x10  }
0x3b: {  	v49 =	vld.idx.msk [tilespmem:v5+s3+$0x0], $0xffff;
	v58 =	vshrl.u32 v16, $0x10;
	v56 =	vand.u32 $0x1, v56;
	v13 =	vand.u32 $0x1, v13  }
0x3c: {  	v40 =	vld.idx.msk [tilespmem:v40+s3+$0x0], $0xffff;
	v53 =	vadd.s32 v63, v53;
	v5 =	vadd.s32 v13, v37;
	v13 =	vshrl.u32 v43, $0x10  }
0x3d: {  	v41 =	vld.idx.msk [tilespmem:v41+s3+$0x0], $0xffff;
	v35 =	vbroadcast v19, $0x0;
	v37 =	vadd.s32 $0x7FFF, v5;
	v5 =	vand.u32 $0x1, v13  }
0x3e: {  	v46 =	vld.idx.msk [tilespmem:v46+s3+$0x0], $0xffff;
	v34 =	vbroadcast v19, $0x1;
	v13 =	vshrl.u32 v44, $0x10;
	v5 =	vadd.s32 v5, v43  }
0x3f: {  	v15 =	vld.idx.msk [tilespmem:v15+s3+$0x0], $0xffff;
	v30 =	vbroadcast v19, $0x2;
	v10 =	vand.u32 $0x1, v13;
	v5 =	vadd.s32 $0x7FFF, v5  }
0x40: {  	v10 =	vadd.s32 v10, v44;
	v44 =	vadd.s32 v55, v26;
	v55 =	vld.idx.msk [tilespmem:v38+s3+$0x0], $0xffff;
	v38 =	vand.u32 $0x1, v62  }
0x41: {  	v62 =	vand.u32 $0x1, v58;
	v13 =	vand.u32 $0xFFFF0000, v5;
	v5 =	vadd.s32 $0x7FFF, v10  }
0x42: {  	v50 =	vld.idx.msk [tilespmem:v50+s3+$0x0], $0xffff;
	v10 =	vand.u32 $0x1, v61;
	v43 =	vadd.s32 v38, v60;
	v61 =	vshrl.u32 v40, $0x10  }
0x43: {  	v0 =	vadd.s32 v62, v16;
	v16 =	vshrl.u32 v41, $0x10;
	v62 =	vshrl.u32 v46, $0x10  }
0x44: {  	v48 =	vld.idx.msk [tilespmem:v48+s3+$0x0], $0xffff;
	v12 =	vand.u32 $0xFFFF0000, v5;
	v5 =	vadd.s32 v10, v47;
	v10 =	vshrl.u32 v49, $0x10  }
0x45: {  	v42 =	vld.idx.msk [tilespmem:v42+s3+$0x0], $0xffff;
	v47 =	vshrl.u32 v15, $0x10;
	v16 =	vand.u32 $0x1, v16;
	v0 =	vadd.s32 $0x7FFF, v0  }
0x46: {  	v5 =	vadd.s32 $0x7FFF, v5;
	v10 =	vand.u32 $0x1, v10;
	v47 =	vand.u32 $0x1, v47  }
0x47: {  	v41 =	vadd.s32 v16, v41;
	v16 =	vshrl.u32 v50, $0x10;
	v5 =	vand.u32 $0xFFFF0000, v5  }
0x48: {  	v60 =	vld.idx.msk [tilespmem:v39+s3+$0x0], $0xffff;
	v38 =	vadd.s32 v10, v49;
	v10 =	vadd.s32 $0x7FFF, v43;
	v39 =	vadd.s32 v47, v15  }
0x49: {  	v45 =	vld.idx.msk [tilespmem:v45+s3+$0x0], $0xffff;
	v43 =	vadd.s32 v56, v51;
	v15 =	vand.u32 $0x1, v59;
	v51 =	vand.u32 $0x1, v61  }
0x4a: {  	v59 =	vshrl.u32 v48, $0x10;
	v61 =	vshrl.u32 v42, $0x10;
	v16 =	vand.u32 $0x1, v16  }
0x4b: {  	v41 =	vadd.s32 $0x7FFF, v41;
	v57 =	vbroadcast v5, $0x0;
	v49 =	vshrl.u32 v55, $0x10  }
0x4c: {  	v10 =	vand.u32 $0xFFFF0000, v10;
	v58 =	vadd.s32 v15, v54;
	v15 =	vadd.s32 $0x7FFF, v53  }
0x4d: {  	v40 =	vadd.s32 v51, v40;
	v51 =	vand.u32 $0x1, v59;
	v50 =	vadd.s32 v16, v50  }
0x4e: {  	v59 =	vshrl.u32 v45, $0x10;
	v43 =	vadd.s32 $0x7FFF, v43;
	v38 =	vadd.s32 $0x7FFF, v38  }
0x4f: {  	v39 =	vadd.s32 $0x7FFF, v39;
	v47 =	vbroadcast v10, $0x0;
	v63 =	vshrl.u32 v60, $0x10  }
0x50: {  	v52 =	vld.idx.msk [tilespmem:v52+s3+$0x0], $0xffff;
	v49 =	vand.u32 $0x1, v49;
	v15 =	vand.u32 $0xFFFF0000, v15;
	v48 =	vadd.s32 v51, v48  }
0x51: {  	v44 =	vld.idx.msk [tilespmem:v44+s3+$0x0], $0xffff;
	v51 =	vand.u32 $0x1, v62;
	v50 =	vadd.s32 $0x7FFF, v50;
	v40 =	vadd.s32 $0x7FFF, v40  }
0x52: {  	v49 =	vadd.s32 v49, v55;
	v53 =	vbroadcast v15, $0x0;
	v54 =	vand.u32 $0x1, v63  }
0x53: {  	v56 =	vbroadcast v15, $0x1;
	v46 =	vadd.s32 v51, v46;
	v51 =	vand.u32 $0x1, v59  }
0x54: {  	v48 =	vadd.s32 $0x7FFF, v48;
	v55 =	vadd.s32 v54, v60;
	v54 =	vand.u32 $0x1, v61  }
0x55: {  	v60 =	vshrl.u32 v52, $0x10;
	v46 =	vadd.s32 $0x7FFF, v46;
	v45 =	vadd.s32 v51, v45  }
0x56: {  	v51 =	vbroadcast v10, $0x1;
	v42 =	vadd.s32 v54, v42;
	v63 =	vshrl.u32 v44, $0x10  }
0x57: {  	v45 =	vadd.s32 $0x7FFF, v45;
	v54 =	vand.u32 $0xFFFF0000, v50;
	v16 =	vand.u32 $0x1, v63  }
0x58: {  	v50 =	vmul.f32 v54, v57;
	v16 =	vadd.s32 v16, v44;
	v44 =	vand.u32 $0x1, v60  }
0x59: {  	v61 =	vadd.s32 $0x7FFF, v16;
	v16 =	vand.u32 $0xFFFF0000, v46;
	v44 =	vadd.s32 v44, v52  }
0x5a: {  	v63 =	vand.u32 $0xFFFF0000, v61;
	v46 =	vmul.f32 v16, v53;
	v52 =	vmul.f32 v16, v56  }
0x5b: {  	v44 =	vadd.s32 $0x7FFF, v44;
	v62 =	vmul.f32 v63, v53;
	v59 =	vmul.f32 v63, v56  }
0x5c: {  	v56 =	vand.u32 $0xFFFF0000, v44;
	v53 =	vbroadcast v5, $0x1;
	v46 =	vadd.f32 v46, v36  }
0x5d: {  	v44 =	vmul.f32 v56, v47;
	v60 =	vmul.f32 v56, v51;
	v36 =	vadd.f32 v62, v36  }
0x5e: {  	v62 =	vand.u32 $0xFFFF0000, v45;
	v45 =	vadd.f32 v52, v31;
	v31 =	vadd.f32 v59, v31  }
0x5f: {  	v42 =	vadd.s32 $0x7FFF, v42;
	v61 =	vmul.f32 v62, v47;
	v59 =	vmul.f32 v62, v51  }
0x60: {  	v47 =	vbroadcast v13, $0x1;
	v36 =	vadd.f32 v44, v36;
	v31 =	vadd.f32 v60, v31  }
0x61: {  	v60 =	vmul.f32 v54, v53;
	v46 =	vadd.f32 v61, v46;
	v61 =	vand.u32 $0xFFFF0000, v42  }
0x62: {  	v45 =	vadd.f32 v59, v45;
	v42 =	vbroadcast v13, $0x0;
	v52 =	vmul.f32 v61, v57  }
0x63: {  	v59 =	vand.u32 $0xFFFF0000, v41;
	v41 =	vbroadcast v12, $0x1;
	v36 =	vadd.f32 v50, v36  }
0x64: {  	v50 =	vmul.f32 v61, v53;
	v44 =	vadd.f32 v52, v46;
	v46 =	vbroadcast v12, $0x0  }
0x65: {  	v53 =	vand.u32 $0xFFFF0000, v48;
	v31 =	vadd.f32 v60, v31;
	v57 =	vadd.s32 $0x7FFF, v55  }
0x66: {  	v60 =	vmul.f32 v59, v41;
	v45 =	vadd.f32 v50, v45;
	v52 =	vmul.f32 v59, v46  }
0x67: {  	v51 =	vand.u32 $0xFFFF0000, v57;
	v57 =	vmul.f32 v53, v41;
	v46 =	vmul.f32 v53, v46  }
0x68: {  	v55 =	vmul.f32 v51, v47;
	v60 =	vadd.f32 v60, v45;
	v44 =	vadd.f32 v52, v44  }
0x69: {  	v36 =	vadd.f32 v46, v36;
	v52 =	vand.u32 $0xFFFF0000, v40;
	v46 =	vbroadcast v19, $0x3  }
0x6a: {  	v40 =	vadd.f32 v57, v31;
	v48 =	vmul.f32 v52, v42;
	v42 =	vmul.f32 v51, v42  }
0x6b: {  	v31 =	vand.u32 $0xFFFF0000, v37;
	v50 =	vmul.f32 v52, v47;
	v47 =	vand.u32 $0xFFFF0000, v43  }
0x6c: {  	v43 =	vbroadcast v10, $0x2;
	v37 =	vadd.f32 v48, v44;
	v36 =	vadd.f32 v42, v36  }
0x6d: {  	v42 =	vbroadcast v31, $0x0;
	v41 =	vadd.f32 v50, v60;
	v44 =	vbroadcast v31, $0x1  }
0x6e: {  	v50 =	vand.u32 $0xFFFF0000, v0;
	v0 =	vadd.s32 $0x7FFF, v49;
	v60 =	vadd.s32 $0x7FFF, v58  }
0x6f: {  	v58 =	vmul.f32 v47, v35;
	v49 =	vbroadcast v5, $0x2;
	v48 =	vand.u32 $0xFFFF0000, v0  }
0x70: {  	v45 =	vand.u32 $0xFFFF0000, v60;
	v57 =	vmul.f32 v50, v42;
	v0 =	vmul.f32 v48, v42  }
0x71: {  	v40 =	vadd.f32 v55, v40;
	v55 =	vmul.f32 v50, v44;
	v35 =	vmul.f32 v45, v35  }
0x72: {  	v37 =	vadd.f32 v57, v37;
	v57 =	vmul.f32 v48, v44;
	v0 =	vadd.f32 v0, v36  }
0x73: {  	v41 =	vadd.f32 v55, v41;
	v55 =	vbroadcast v15, $0x2;
	v44 =	vand.u32 $0xFFFF0000, v38  }
0x74: {  	v38 =	vmul.f32 v44, v33;
	v60 =	vadd.f32 v57, v40;
	v36 =	vadd.f32 v58, v37  }
0x75: {  	v57 =	vmul.f32 v47, v34;
	v34 =	vmul.f32 v45, v34;
	v40 =	vand.u32 $0xFFFF0000, v39  }
0x76: {  	v0 =	vadd.f32 v35, v0;
	v58 =	vmul.f32 v44, v32;
	v33 =	vmul.f32 v40, v33  }
0x77: {  	v32 =	vmul.f32 v40, v32;
	v34 =	vadd.f32 v34, v60;
	v60 =	vbroadcast v15, $0x3  }
0x78: {  	v35 =	vadd.f32 v57, v41;
	v41 =	vmul.f32 v63, v55;
	v57 =	vmul.f32 v62, v43  }
0x79: {  	v0 =	vadd.f32 v33, v0;
	v33 =	vbroadcast v10, $0x3;
	v42 =	vmul.f32 v16, v60  }
0x7a: {  	v39 =	vadd.f32 v58, v35;
	v58 =	vmul.f32 v56, v43;
	v43 =	vbroadcast v12, $0x2  }
0x7b: {  	v32 =	vadd.f32 v32, v34;
	[tilespmem:$0x1FBF0] =	vst v0;
	v0 =	vmul.f32 v16, v55;
	v55 =	vmul.f32 v63, v60  }
0x7c: {  	v36 =	vadd.f32 v38, v36;
	v60 =	vmul.f32 v62, v33;
	v33 =	vmul.f32 v56, v33  }
0x7d: {  	[tilespmem:$0x1FC10] =	vst v32;
	v32 =	vadd.f32 v42, v21;
	v42 =	vmul.f32 v61, v49;
	v34 =	vmul.f32 v53, v43  }
0x7e: {  	[tilespmem:$0x1FC00] =	vst v39;
	v39 =	vbroadcast v5, $0x7;
	v0 =	vadd.f32 v0, v29;
	v29 =	vadd.f32 v41, v29  }
0x7f: {  	v21 =	vadd.f32 v55, v21;
	v41 =	vbroadcast v5, $0x3;
	v55 =	vmul.f32 v54, v49  }
0x80: {  	v49 =	vbroadcast v31, $0x2;
	v32 =	vadd.f32 v60, v32;
	v60 =	vmul.f32 v59, v43  }
0x81: {  	v43 =	vbroadcast v13, $0x3;
	v0 =	vadd.f32 v57, v0;
	v57 =	vbroadcast v12, $0x3  }
0x82: {  	v29 =	vadd.f32 v58, v29;
	v58 =	vmul.f32 v61, v41;
	v35 =	vmul.f32 v54, v41  }
0x83: {  	v21 =	vadd.f32 v33, v21;
	v41 =	vbroadcast v13, $0x2;
	v37 =	vmul.f32 v51, v43  }
0x84: {  	v0 =	vadd.f32 v42, v0;
	v29 =	vadd.f32 v55, v29;
	v42 =	vmul.f32 v59, v57  }
0x85: {  	v32 =	vadd.f32 v58, v32;
	v33 =	vmul.f32 v53, v57;
	v55 =	vmul.f32 v52, v41  }
0x86: {  	[tilespmem:$0x1FBE0] =	vst v36;
	v21 =	vadd.f32 v35, v21;
	v36 =	vmul.f32 v51, v41;
	v57 =	vmul.f32 v52, v43  }
0x87: {  	v58 =	vbroadcast v31, $0x3;
	v43 =	vbroadcast v5, $0x4;
	v0 =	vadd.f32 v60, v0  }
0x88: {  	v21 =	vadd.f32 v33, v21;
	v60 =	vmul.f32 v50, v49;
	v33 =	vbroadcast v19, $0x4  }
0x89: {  	v29 =	vadd.f32 v34, v29;
	v34 =	vmul.f32 v48, v49;
	v41 =	vmul.f32 v50, v58  }
0x8a: {  	v32 =	vadd.f32 v42, v32;
	v42 =	vmul.f32 v47, v30;
	v35 =	vmul.f32 v48, v58  }
0x8b: {  	v30 =	vmul.f32 v45, v30;
	v49 =	vmul.f32 v47, v46  }
0x8c: {  	v58 =	vmul.f32 v45, v46;
	v0 =	vadd.f32 v55, v0;
	v29 =	vadd.f32 v36, v29  }
0x8d: {  	v46 =	vbroadcast v13, $0x5;
	v32 =	vadd.f32 v57, v32;
	v21 =	vadd.f32 v37, v21  }
0x8e: {  	v37 =	vbroadcast v19, $0x5;
	v55 =	vbroadcast v10, $0x4;
	v0 =	vadd.f32 v60, v0  }
0x8f: {  	v57 =	vbroadcast v10, $0x7;
	v29 =	vadd.f32 v34, v29;
	v32 =	vadd.f32 v41, v32  }
0x90: {  	v21 =	vadd.f32 v35, v21;
	v60 =	vmul.f32 v44, v18;
	v18 =	vmul.f32 v40, v18  }
0x91: {  	v41 =	vmul.f32 v44, v17;
	v17 =	vmul.f32 v40, v17;
	v0 =	vadd.f32 v42, v0  }
0x92: {  	v34 =	vbroadcast v19, $0x6;
	v38 =	vmul.f32 v56, v57;
	v29 =	vadd.f32 v30, v29  }
0x93: {  	v35 =	vmul.f32 v54, v39;
	v32 =	vadd.f32 v49, v32;
	v0 =	vadd.f32 v60, v0  }
0x94: {  	v30 =	vbroadcast v15, $0x4;
	v42 =	vmul.f32 v54, v43;
	v18 =	vadd.f32 v18, v29  }
0x95: {  	v49 =	vmul.f32 v45, v37;
	v29 =	vadd.f32 v41, v32;
	v32 =	vmul.f32 v51, v46;
	[tilespmem:$0x1FC20] =	vst v0  }
0x96: {  	v21 =	vadd.f32 v58, v21;
	v0 =	vbroadcast v15, $0x5;
	[tilespmem:$0x1FC30] =	vst v18;
	v18 =	vmul.f32 v16, v30  }
0x97: {  	[tilespmem:$0x1FC40] =	vst v29;
	v29 =	vbroadcast v10, $0x5;
	v30 =	vmul.f32 v63, v30  }
0x98: {  	v58 =	vadd.f32 v17, v21;
	v17 =	vmul.f32 v16, v0;
	v0 =	vmul.f32 v63, v0  }
0x99: {  	v18 =	vadd.f32 v18, v25;
	v21 =	vadd.f32 v30, v25;
	v25 =	vmul.f32 v62, v55  }
0x9a: {  	v30 =	vmul.f32 v56, v55;
	v17 =	vadd.f32 v17, v24;
	v0 =	vadd.f32 v0, v24  }
0x9b: {  	v24 =	vmul.f32 v62, v29;
	v18 =	vadd.f32 v25, v18;
	v25 =	vbroadcast v5, $0x5  }
0x9c: {  	v29 =	vmul.f32 v56, v29;
	v21 =	vadd.f32 v30, v21;
	v30 =	vmul.f32 v61, v43  }
0x9d: {  	v41 =	vmul.f32 v61, v39;
	v17 =	vadd.f32 v24, v17;
	v24 =	vbroadcast v12, $0x4  }
0x9e: {  	v0 =	vadd.f32 v29, v0;
	v18 =	vadd.f32 v30, v18;
	v30 =	vmul.f32 v61, v25  }
0x9f: {  	v29 =	vbroadcast v12, $0x5;
	v21 =	vadd.f32 v42, v21;
	v25 =	vmul.f32 v54, v25  }
0xa0: {  	v43 =	vmul.f32 v59, v24;
	v17 =	vadd.f32 v30, v17;
	v24 =	vmul.f32 v53, v24  }
0xa1: {  	v30 =	vbroadcast v13, $0x4;
	v0 =	vadd.f32 v25, v0;
	v25 =	vmul.f32 v59, v29  }
0xa2: {  	v29 =	vmul.f32 v53, v29;
	v18 =	vadd.f32 v43, v18;
	v21 =	vadd.f32 v24, v21  }
0xa3: {  	v17 =	vadd.f32 v25, v17;
	v25 =	vmul.f32 v52, v30;
	v30 =	vmul.f32 v51, v30  }
0xa4: {  	v24 =	vbroadcast v31, $0x4;
	v0 =	vadd.f32 v29, v0;
	v29 =	vmul.f32 v52, v46  }
0xa5: {  	v18 =	vadd.f32 v25, v18;
	v25 =	vbroadcast v31, $0x5;
	v21 =	vadd.f32 v30, v21  }
0xa6: {  	v30 =	vmul.f32 v50, v24;
	v17 =	vadd.f32 v29, v17;
	v24 =	vmul.f32 v48, v24  }
0xa7: {  	v0 =	vadd.f32 v32, v0;
	v29 =	vmul.f32 v50, v25;
	v25 =	vmul.f32 v48, v25  }
0xa8: {  	v21 =	vadd.f32 v24, v21;
	v24 =	vmul.f32 v47, v33;
	v33 =	vmul.f32 v45, v33  }
0xa9: {  	v17 =	vadd.f32 v29, v17;
	v0 =	vadd.f32 v25, v0;
	v25 =	vmul.f32 v47, v37  }
0xaa: {  	v42 =	vbroadcast v12, $0x6;
	v18 =	vadd.f32 v30, v18;
	v21 =	vadd.f32 v33, v21  }
0xab: {  	v17 =	vadd.f32 v25, v17;
	v25 =	vmul.f32 v44, v23;
	v23 =	vmul.f32 v40, v23  }
0xac: {  	v39 =	vmul.f32 v45, v34;
	v55 =	vbroadcast v15, $0x6;
	v24 =	vadd.f32 v24, v18  }
0xad: {  	v43 =	vbroadcast v12, $0x7;
	v46 =	vmul.f32 v59, v42;
	v21 =	vadd.f32 v23, v21  }
0xae: {  	v32 =	vbroadcast v19, $0x7;
	v24 =	vadd.f32 v25, v24;
	v25 =	vmul.f32 v44, v22  }
0xaf: {  	v30 =	vbroadcast v19, $0x9;
	v0 =	vadd.f32 v49, v0;
	[tilespmem:$0x1FC60] =	vst v21;
	v21 =	vmul.f32 v40, v22  }
0xb0: {  	v29 =	vbroadcast v19, $0x8;
	v18 =	vbroadcast v19, $0xA;
	v17 =	vadd.f32 v25, v17  }
0xb1: {  	v23 =	vmul.f32 v16, v55;
	[tilespmem:$0x1FC50] =	vst v24;
	v24 =	vbroadcast v15, $0x7;
	v0 =	vadd.f32 v21, v0  }
0xb2: {  	v22 =	vbroadcast v19, $0xB;
	[tilespmem:$0x1FC70] =	vst v17;
	v17 =	vmul.f32 v63, v55  }
0xb3: {  	v25 =	vmul.f32 v16, v24;
	[tilespmem:$0x1FC80] =	vst v0;
	v0 =	vmul.f32 v63, v24  }
0xb4: {  	v23 =	vadd.f32 v23, v20;
	v21 =	vbroadcast v19, $0xC;
	v24 =	vbroadcast v10, $0x6  }
0xb5: {  	v25 =	vadd.f32 v25, v9;
	v0 =	vadd.f32 v0, v9;
	v9 =	vbroadcast v19, $0xF  }
0xb6: {  	v33 =	vadd.f32 v17, v20;
	v20 =	vbroadcast v19, $0xD;
	v60 =	vmul.f32 v62, v24  }
0xb7: {  	v17 =	vbroadcast v19, $0xE;
	[tilespmem:$0x1FC90] =	vst v9;
	v9 =	vmul.f32 v56, v24  }
0xb8: {  	v19 =	vadd.f32 v60, v23;
	v23 =	vbroadcast v5, $0x6;
	v24 =	vmul.f32 v62, v57  }
0xb9: {  	v37 =	vmul.f32 v47, v34;
	v34 =	vbroadcast v13, $0xB;
	v9 =	vadd.f32 v9, v33  }
0xba: {  	v24 =	vadd.f32 v24, v25;
	v25 =	vmul.f32 v61, v23;
	v23 =	vmul.f32 v54, v23  }
0xbb: {  	v49 =	vmul.f32 v59, v43;
	v0 =	vadd.f32 v38, v0;
	v60 =	vbroadcast v31, $0x6  }
0xbc: {  	v19 =	vadd.f32 v25, v19;
	v25 =	vbroadcast v13, $0x6;
	v9 =	vadd.f32 v23, v9  }
0xbd: {  	v23 =	vbroadcast v13, $0x7;
	v24 =	vadd.f32 v41, v24;
	v41 =	vbroadcast v31, $0x8  }
0xbe: {  	v0 =	vadd.f32 v35, v0;
	v33 =	vmul.f32 v52, v25;
	v35 =	vmul.f32 v51, v25  }
0xbf: {  	v25 =	vmul.f32 v53, v42;
	v36 =	vmul.f32 v52, v23  }
0xc0: {  	v19 =	vadd.f32 v46, v19;
	v55 =	vmul.f32 v51, v23;
	v23 =	vmul.f32 v53, v43  }
0xc1: {  	v57 =	vadd.f32 v49, v24;
	v46 =	vbroadcast v31, $0x7;
	v43 =	vbroadcast v31, $0x9  }
0xc2: {  	v24 =	vbroadcast v31, $0xB;
	v49 =	vmul.f32 v50, v60;
	v9 =	vadd.f32 v25, v9  }
0xc3: {  	v0 =	vadd.f32 v23, v0;
	v33 =	vadd.f32 v33, v19;
	v25 =	vbroadcast v31, $0xA  }
0xc4: {  	v23 =	vbroadcast v31, $0xC;
	v19 =	vbroadcast v31, $0xD;
	v36 =	vadd.f32 v36, v57  }
0xc5: {  	v57 =	vmul.f32 v48, v46;
	v35 =	vadd.f32 v35, v9;
	v9 =	vbroadcast v31, $0xE  }
0xc6: {  	v0 =	vadd.f32 v55, v0;
	v31 =	vbroadcast v31, $0xF;
	v55 =	vmul.f32 v50, v46  }
0xc7: {  	v33 =	vadd.f32 v49, v33;
	v46 =	vbroadcast v13, $0x8;
	v49 =	vbroadcast v13, $0x9  }
0xc8: {  	[tilespmem:$0x1FCA0] =	vst v31;
	v31 =	vmul.f32 v48, v60;
	v36 =	vadd.f32 v55, v36;
	v60 =	vmul.f32 v47, v32  }
0xc9: {  	v55 =	vmul.f32 v45, v32;
	v37 =	vadd.f32 v37, v33;
	v33 =	vbroadcast v13, $0xC  }
0xca: {  	v0 =	vadd.f32 v57, v0;
	v32 =	vbroadcast v13, $0xD;
	v57 =	vmul.f32 v44, v8  }
0xcb: {  	v31 =	vadd.f32 v31, v35;
	v35 =	vbroadcast v13, $0xA;
	v36 =	vadd.f32 v60, v36  }
0xcc: {  	v0 =	vadd.f32 v55, v0;
	v60 =	vmul.f32 v44, v4;
	v4 =	vmul.f32 v40, v4  }
0xcd: {  	v39 =	vadd.f32 v39, v31;
	v31 =	vbroadcast v13, $0xE;
	v13 =	vbroadcast v13, $0xF  }
0xce: {  	v8 =	vmul.f32 v40, v8;
	v0 =	vadd.f32 v4, v0  }
0xcf: {  	[tilespmem:$0x1FCB0] =	vst v13;
	v13 =	vadd.f32 v57, v37  }
0xd0: {  	v55 =	vbroadcast v10, $0x8;
	v8 =	vadd.f32 v8, v39;
	[tilespmem:$0x1FCF0] =	vst v0  }
0xd1: {  	v36 =	vadd.f32 v60, v36;
	v60 =	vbroadcast v5, $0x9;
	[tilespmem:$0x1FCC0] =	vst v13;
	v13 =	vbroadcast v15, $0x8  }
0xd2: {  	v0 =	vbroadcast v5, $0x8;
	[tilespmem:$0x1FCD0] =	vst v8;
	v8 =	vbroadcast v15, $0x9  }
0xd3: {  	v42 =	vmul.f32 v16, v13;
	v13 =	vmul.f32 v63, v13  }
0xd4: {  	v4 =	vmul.f32 v16, v8;
	v8 =	vmul.f32 v63, v8  }
0xd5: {  	[tilespmem:$0x1FCE0] =	vst v36;
	v36 =	vadd.f32 v42, v1;
	v1 =	vadd.f32 v13, v1;
	v13 =	vbroadcast v10, $0x9  }
0xd6: {  	v38 =	vmul.f32 v61, v0;
	v39 =	vmul.f32 v54, v0;
	v0 =	vadd.f32 v4, v6  }
0xd7: {  	v6 =	vadd.f32 v8, v6;
	v57 =	vmul.f32 v62, v13;
	v13 =	vmul.f32 v56, v13  }
0xd8: {  	v4 =	vmul.f32 v62, v55;
	v8 =	vmul.f32 v56, v55  }
0xd9: {  	v42 =	vbroadcast v12, $0xA;
	v6 =	vadd.f32 v13, v6;
	v13 =	vbroadcast v12, $0xD  }
0xda: {  	v55 =	vbroadcast v12, $0xB;
	v4 =	vadd.f32 v4, v36;
	v36 =	vbroadcast v12, $0x8  }
0xdb: {  	v1 =	vadd.f32 v8, v1;
	v8 =	vbroadcast v12, $0x9;
	[tilespmem:$0x1FD00] =	vst v13;
	v13 =	vbroadcast v12, $0xE  }
0xdc: {  	v37 =	vadd.f32 v57, v0;
	v0 =	vbroadcast v12, $0xC;
	v12 =	vbroadcast v12, $0xF  }
0xdd: {  	v4 =	vadd.f32 v38, v4;
	v38 =	vbroadcast v5, $0xB;
	[tilespmem:$0x1FD10] =	vst v13  }
0xde: {  	v13 =	vmul.f32 v61, v60;
	[tilespmem:$0x1FD20] =	vst v12;
	v12 =	vmul.f32 v54, v60  }
0xdf: {  	v1 =	vadd.f32 v39, v1;
	v57 =	vbroadcast v5, $0xD;
	v39 =	vbroadcast v10, $0xC  }
0xe0: {  	v13 =	vadd.f32 v13, v37;
	v6 =	vadd.f32 v12, v6;
	v12 =	vmul.f32 v59, v8  }
0xe1: {  	[tilespmem:$0x1FD30] =	vst v57;
	v57 =	vbroadcast v5, $0xF;
	v60 =	vmul.f32 v59, v36  }
0xe2: {  	v36 =	vmul.f32 v53, v36;
	v12 =	vadd.f32 v12, v13;
	v13 =	vbroadcast v5, $0xE  }
0xe3: {  	v8 =	vmul.f32 v53, v8;
	v4 =	vadd.f32 v60, v4;
	v37 =	vbroadcast v5, $0xA  }
0xe4: {  	v36 =	vadd.f32 v36, v1;
	v1 =	vbroadcast v5, $0xC;
	[tilespmem:$0x1FD40] =	vst v13;
	v13 =	vmul.f32 v52, v46  }
0xe5: {  	v60 =	vmul.f32 v48, v41;
	v6 =	vadd.f32 v8, v6;
	v5 =	vmul.f32 v51, v46  }
0xe6: {  	v8 =	vmul.f32 v50, v41;
	v41 =	vbroadcast v10, $0xB;
	v4 =	vadd.f32 v13, v4  }
0xe7: {  	v46 =	vmul.f32 v51, v49;
	v13 =	vmul.f32 v52, v49  }
0xe8: {  	v49 =	vbroadcast v10, $0xD;
	v4 =	vadd.f32 v8, v4;
	v8 =	vbroadcast v10, $0xE  }
0xe9: {  	v12 =	vadd.f32 v13, v12;
	v13 =	vbroadcast v10, $0xA;
	v10 =	vbroadcast v10, $0xF  }
0xea: {  	[tilespmem:$0x1FD60] =	vst v8  }
0xeb: {  	v6 =	vadd.f32 v46, v6;
	v8 =	vmul.f32 v50, v43;
	[tilespmem:$0x1FD70] =	vst v10;
	v10 =	vmul.f32 v48, v43  }
0xec: {  	v5 =	vadd.f32 v5, v36  }
0xed: {  	v8 =	vadd.f32 v8, v12;
	v6 =	vadd.f32 v10, v6;
	v10 =	vmul.f32 v47, v30  }
0xee: {  	v36 =	vbroadcast v15, $0xB;
	v5 =	vadd.f32 v60, v5;
	v12 =	vmul.f32 v47, v29  }
0xef: {  	v29 =	vmul.f32 v45, v29;
	v8 =	vadd.f32 v10, v8;
	v10 =	vbroadcast v15, $0xE  }
0xf0: {  	v60 =	vbroadcast v15, $0xD;
	v4 =	vadd.f32 v12, v4;
	v12 =	vbroadcast v15, $0xA  }
0xf1: {  	v5 =	vadd.f32 v29, v5;
	[tilespmem:$0x1FD90] =	vst v10;
	v10 =	vmul.f32 v44, v2;
	v2 =	vmul.f32 v40, v2  }
0xf2: {  	v29 =	vbroadcast v15, $0xC;
	v15 =	vbroadcast v15, $0xF  }
0xf3: {  	v30 =	vmul.f32 v45, v30;
	v43 =	vadd.f32 v2, v5;
	v2 =	vmul.f32 v40, v3  }
0xf4: {  	[tilespmem:$0x1FDA0] =	vst v15;
	v15 =	vmul.f32 v44, v3;
	v3 =	vmul.f32 v40, v27;
	v5 =	vld [tilespmem:$0x1FDE0]  }
0xf5: {  	[tilespmem:$0x1FDB0] =	vst v2;
	v2 =	vmul.f32 v44, v27  }
0xf6: {  	v6 =	vadd.f32 v30, v6;
	v30 =	vadd.f32 v10, v4;
	v4 =	vmul.f32 v44, v28;
	[tilespmem:$0x1FDD0] =	vst v3  }
0xf7: {  	v3 =	vmul.f32 v63, v12;
	[tilespmem:$0x1FDC0] =	vst v2;
	v2 =	vmul.f32 v16, v12  }
0xf8: {  	[tilespmem:$0x1FD50] =	vst v49;
	v49 =	vadd.f32 v4, v8;
	v4 =	vmul.f32 v44, v7  }
0xf9: {  	v3 =	vadd.f32 v3, v5;
	v2 =	vadd.f32 v2, v5;
	v5 =	vmul.f32 v40, v7;
	v7 =	vld [tilespmem:$0x1FE10];
	_ =	sdelay $0x1  }
0xfa: {  	v10 =	vmul.f32 v40, v28;
	[tilespmem:$0x1FDF0] =	vst v4  }
0xfb: {  	v4 =	vmul.f32 v16, v36;
	[tilespmem:$0x1FE00] =	vst v5;
	v5 =	vmul.f32 v63, v36  }
0xfc: {  	v46 =	vadd.f32 v10, v6;
	v6 =	vmul.f32 v44, v14  }
0xfd: {  	v4 =	vadd.f32 v4, v7;
	v5 =	vadd.f32 v5, v7;
	v7 =	vmul.f32 v40, v14  }
0xfe: {  	[tilespmem:$0x1FE20] =	vst v6;
	v6 =	vmul.f32 v62, v13  }
0xff: {  	[tilespmem:$0x1FE30] =	vst v7;
	v7 =	vmul.f32 v56, v13  }
0x100: {  	v2 =	vadd.f32 v6, v2;
	v6 =	vmul.f32 v44, v11  }
0x101: {  	v3 =	vadd.f32 v7, v3;
	v7 =	vmul.f32 v56, v41  }
0x102: {  	v8 =	vmul.f32 v61, v37;
	[tilespmem:$0x1FE40] =	vst v6;
	v6 =	vmul.f32 v62, v41  }
0x103: {  	v10 =	vmul.f32 v52, v34;
	v5 =	vadd.f32 v7, v5;
	v7 =	vmul.f32 v54, v37  }
0x104: {  	v2 =	vadd.f32 v8, v2;
	v8 =	vmul.f32 v61, v38;
	v4 =	vadd.f32 v6, v4  }
0x105: {  	v36 =	vmul.f32 v40, v11;
	v3 =	vadd.f32 v7, v3;
	v7 =	vmul.f32 v54, v38  }
0x106: {  	v11 =	vmul.f32 v48, v25;
	v4 =	vadd.f32 v8, v4;
	v8 =	vmul.f32 v59, v42  }
0x107: {  	v14 =	vmul.f32 v45, v18;
	v5 =	vadd.f32 v7, v5;
	v7 =	vmul.f32 v45, v21  }
0x108: {  	v6 =	vmul.f32 v47, v18;
	v2 =	vadd.f32 v8, v2;
	v8 =	vmul.f32 v59, v55  }
0x109: {  	v18 =	vmul.f32 v47, v22;
	[tilespmem:$0x1FE50] =	vst v7;
	v7 =	vmul.f32 v53, v42  }
0x10a: {  	v22 =	vmul.f32 v45, v22;
	v4 =	vadd.f32 v8, v4;
	v8 =	vmul.f32 v52, v35  }
0x10b: {  	v13 =	vmul.f32 v50, v24;
	v3 =	vadd.f32 v7, v3;
	v7 =	vmul.f32 v45, v20  }
0x10c: {  	v41 =	vmul.f32 v47, v21;
	v2 =	vadd.f32 v8, v2;
	v8 =	vmul.f32 v50, v25  }
0x10d: {  	v37 =	vmul.f32 v45, v17;
	[tilespmem:$0x1FE60] =	vst v7;
	v7 =	vmul.f32 v53, v55  }
0x10e: {  	v38 =	vmul.f32 v47, v17;
	v42 =	vmul.f32 v47, v20;
	v20 =	vadd.f32 v8, v2  }
0x10f: {  	v2 =	vmul.f32 v50, v19;
	v5 =	vadd.f32 v7, v5;
	v7 =	vmul.f32 v51, v35  }
0x110: {  	[tilespmem:$0x1FD80] =	vst v60;
	v60 =	vadd.s32 $0x8, v26;
	v17 =	vmul.f32 v48, v24;
	v8 =	vmul.f32 v51, v33  }
0x111: {  	v25 =	vld [tilespmem:$0x1FE70];
	[tilespmem:$0x1FEB0] =	vst v2;
	v2 =	vmul.f32 v48, v19;
	v21 =	vadd.f32 v7, v3;
	v3 =	vmul.f32 v51, v34  }
0x112: {  	v12 =	vadd.f32 v10, v4;
	v10 =	vld [tilespmem:$0x1FE90];
	v55 =	vmul.f32 v50, v9;
	v35 =	vmul.f32 v48, v9  }
0x113: {  	v4 =	vld [tilespmem:$0x1FE80];
	[tilespmem:$0x1FEC0] =	vst v2;
	v2 =	vmul.f32 v52, v32;
	v34 =	vmul.f32 v50, v23;
	v5 =	vadd.f32 v3, v5  }
0x114: {  	v26 =	vld [tilespmem:$0x1FEF0];
	v3 =	vmul.f32 v48, v23;
	v19 =	vadd.f32 v11, v21;
	v21 =	vadd.f32 v13, v12  }
0x115: {  	v11 =	vmul.f32 v52, v33;
	v13 =	vmul.f32 v51, v32;
	v12 =	vadd.f32 v6, v20  }
0x116: {  	v6 =	vmul.f32 v53, v0;
	[tilespmem:$0x1FEA0] =	vst v3;
	v24 =	vadd.f32 v17, v5;
	v3 =	vmul.f32 v52, v31  }
0x117: {  	v27 =	vmovc v10;
	v23 =	vadd.f32 v14, v19;
	v5 =	vmul.f32 v59, v0;
	v14 =	vmul.f32 v61, v1  }
0x118: {  	v28 =	vmovc v25;
	v9 =	vmov v4;
	v17 =	vmul.f32 v54, v1;
	[tilespmem:$0x1FED0] =	vst v3;
	v3 =	vmul.f32 v51, v31  }
0x119: {  	v33 =	vmovc v26;
	v0 =	vadd.f32 v18, v21;
	v18 =	vmul.f32 v62, v39;
	v19 =	vmul.f32 v56, v39  }
0x11a: {  	s20 =	simm.s32 $0xFF;
	v21 =	vmul.f32 v16, v29;
	v24 =	vadd.f32 v22, v24;
	v22 =	vmul.f32 v63, v29;
	[tilespmem:$0x1FEE0] =	vst v3  }
.LBB2_2:
0x11b: {  	v3 =	vadd.f32 v15, v12;
	_ =	sdelay $0x1  }
0x11c: {  	[tilespmem:$0x1FA50] =	vst v3;
	v3 =	vld [tilespmem:$0x1FDB0];
	_ =	sdelay $0x4  }
0x11d: {  	v3 =	vadd.f32 v3, v23;
	_ =	sdelay $0x1  }
0x11e: {  	[tilespmem:$0x1FA60] =	vst v3;
	v3 =	vld [tilespmem:$0x1FDC0];
	_ =	sdelay $0x4  }
0x11f: {  	v0 =	vadd.f32 v3, v0;
	_ =	sdelay $0x1  }
0x120: {  	[tilespmem:$0x1FA80] =	vst v0;
	v0 =	vld [tilespmem:$0x1FDD0];
	_ =	sdelay $0x1  }
0x121: {  	v3 =	vld [tilespmem:$0x1FD50];
	_ =	sdelay $0x2  }
0x122: {  	v0 =	vadd.f32 v0, v24  }
0x123: {  	v20 =	vadd.f32 v22, v9  }
0x124: {  	v22 =	vmul.f32 v56, v3;
	[tilespmem:$0x1FA90] =	vst v0;
	v0 =	vadd.f32 v21, v4;
	v21 =	vmul.f32 v62, v3;
	v3 =	vld [tilespmem:$0x1FD30];
	_ =	sdelay $0x3  }
0x125: {  	v0 =	vadd.f32 v18, v0  }
0x126: {  	v18 =	vadd.f32 v19, v20;
	v19 =	vmul.f32 v61, v3;
	v20 =	vmul.f32 v54, v3;
	v3 =	vld [tilespmem:$0x1FD00];
	_ =	sdelay $0x1  }
0x127: {  	v7 =	vld [tilespmem:$0x1FD80];
	_ =	sdelay $0x1  }
0x128: {  	v0 =	vadd.f32 v14, v0  }
0x129: {  	v14 =	vadd.f32 v17, v18;
	v17 =	vmul.f32 v59, v3;
	v18 =	vmul.f32 v53, v3;
	v3 =	vld [tilespmem:$0x1FD10];
	_ =	sdelay $0x1  }
0x12a: {  	v1 =	vmul.f32 v16, v7;
	v4 =	vld [tilespmem:$0x1FEA0]  }
0x12b: {  	v0 =	vadd.f32 v5, v0;
	v5 =	vadd.f32 v6, v14  }
0x12c: {  	v9 =	vld [tilespmem:$0x1FE50];
	v1 =	vadd.f32 v1, v10  }
0x12d: {  	v5 =	vadd.f32 v8, v5;
	v6 =	vmul.f32 v59, v3;
	v14 =	vmul.f32 v53, v3;
	v3 =	vld [tilespmem:$0x1FD40]  }
0x12e: {  	v1 =	vadd.f32 v21, v1  }
0x12f: {  	v4 =	vadd.f32 v4, v5  }
0x130: {  	v1 =	vadd.f32 v19, v1  }
0x131: {  	v0 =	vadd.f32 v11, v0;
	v4 =	vadd.f32 v9, v4;
	v9 =	vld [tilespmem:$0x1FDF0]  }
0x132: {  	v1 =	vadd.f32 v17, v1;
	v17 =	vmul.f32 v61, v3;
	v8 =	vmul.f32 v54, v3;
	v3 =	vld [tilespmem:$0x1FD60]  }
0x133: {  	v0 =	vadd.f32 v34, v0  }
0x134: {  	v12 =	vmul.f32 v63, v7  }
0x135: {  	v0 =	vadd.f32 v41, v0  }
0x136: {  	v12 =	vadd.f32 v12, v27  }
0x137: {  	v0 =	vadd.f32 v9, v0;
	v11 =	vmul.f32 v62, v3;
	v5 =	vmul.f32 v56, v3;
	v3 =	vld [tilespmem:$0x1FEB0];
	_ =	sdelay $0x1  }
0x138: {  	v12 =	vadd.f32 v22, v12;
	[tilespmem:$0x1FE80] =	vst v0;
	v0 =	vld [tilespmem:$0x1FE00]  }
0x139: {  	v1 =	vadd.f32 v2, v1  }
0x13a: {  	v7 =	vld [tilespmem:$0x1FD90];
	v12 =	vadd.f32 v20, v12  }
0x13b: {  	v1 =	vadd.f32 v3, v1;
	v3 =	vld [tilespmem:$0x1FEC0]  }
0x13c: {  	v12 =	vadd.f32 v18, v12  }
0x13d: {  	v0 =	vadd.f32 v0, v4;
	v4 =	vld [tilespmem:$0x1FE20]  }
0x13e: {  	v2 =	vadd.f32 v13, v12  }
0x13f: {  	v10 =	vmul.f32 v63, v7  }
0x140: {  	v1 =	vadd.f32 v42, v1;
	v2 =	vadd.f32 v3, v2;
	v3 =	vmul.f32 v16, v7;
	v7 =	vld [tilespmem:$0x1FE60];
	_ =	sdelay $0x1  }
0x141: {  	v1 =	vadd.f32 v4, v1;
	_ =	sdelay $0x1  }
0x142: {  	[tilespmem:$0x1FE90] =	vst v1;
	v1 =	vld [tilespmem:$0x1FE30]  }
0x143: {  	v2 =	vadd.f32 v7, v2;
	v7 =	vld [tilespmem:$0x1FDA0];
	_ =	sdelay $0x3  }
0x144: {  	v1 =	vadd.f32 v1, v2  }
0x145: {  	[tilespmem:$0x1FAD0] =	vst v0;
	v12 =	vmul.f32 v16, v7;
	v0 =	vmul.f32 v63, v7;
	v7 =	vld [tilespmem:$0x1FD70]  }
0x146: {  	[tilespmem:$0x1F4C0] =	vst v1;
	v1 =	vadd.f32 v3, v26;
	_ =	sdelay $0x1  }
0x147: {  	v1 =	vadd.f32 v11, v1  }
0x148: {  	v2 =	vadd.f32 v10, v33  }
0x149: {  	v1 =	vadd.f32 v17, v1;
	v3 =	vmul.f32 v62, v7;
	v10 =	vmul.f32 v56, v7;
	v7 =	vld [tilespmem:$0x1FD20]  }
0x14a: {  	v4 =	vadd.f32 v12, v25;
	v0 =	vadd.f32 v0, v28  }
0x14b: {  	v1 =	vadd.f32 v6, v1;
	v6 =	vld [tilespmem:$0x1FCB0]  }
0x14c: {  	v3 =	vadd.f32 v3, v4;
	v0 =	vadd.f32 v10, v0;
	v4 =	vmul.f32 v54, v57  }
0x14d: {  	v2 =	vadd.f32 v5, v2;
	v5 =	vmul.f32 v61, v57  }
0x14e: {  	v0 =	vadd.f32 v4, v0;
	v4 =	vmul.f32 v53, v7  }
0x14f: {  	v3 =	vadd.f32 v5, v3  }
0x150: {  	v5 =	vmul.f32 v52, v6;
	v0 =	vadd.f32 v4, v0;
	v4 =	vmul.f32 v51, v6;
	v6 =	vld [tilespmem:$0x1FED0];
	_ =	sdelay $0x3  }
0x151: {  	v2 =	vadd.f32 v8, v2;
	v8 =	vmul.f32 v59, v7;
	v7 =	vld [tilespmem:$0x1FCA0]  }
0x152: {  	v1 =	vadd.f32 v6, v1;
	v6 =	vld [tilespmem:$0x1FEE0];
	_ =	sdelay $0x1  }
0x153: {  	v3 =	vadd.f32 v8, v3  }
0x154: {  	v2 =	vadd.f32 v14, v2  }
0x155: {  	v3 =	vadd.f32 v5, v3;
	v0 =	vadd.f32 v4, v0;
	v4 =	vmul.f32 v48, v7  }
0x156: {  	v1 =	vadd.f32 v55, v1;
	v2 =	vadd.f32 v6, v2;
	v6 =	vmul.f32 v50, v7;
	v7 =	vld [tilespmem:$0x1FC90];
	_ =	sdelay $0x1  }
0x157: {  	v3 =	vadd.f32 v6, v3;
	v6 =	vadd.f32 v38, v1;
	v1 =	vld [tilespmem:$0x1FBD0];
	_ =	sdelay $0x2  }
0x158: {  	v0 =	vadd.f32 v4, v0;
	v4 =	vmul.f32 v45, v7  }
0x159: {  	v5 =	vmul.f32 v47, v7  }
0x15a: {  	v7 =	vmul.f32 v44, v1;
	v0 =	vadd.f32 v4, v0;
	v4 =	vmul.f32 v40, v1;
	v1 =	vld [tilespmem:$0x1FF00];
	_ =	sdelay $0x4  }
0x15b: {  	v1 =	vadd.s32 v1, v60  }
0x15c: {  	v2 =	vadd.f32 v35, v2;
	_ =	sdelay $0x1  }
0x15d: {  	v2 =	vadd.f32 v37, v2;
	v0 =	vadd.f32 v4, v0;
	_ =	sdelay $0x1  }
0x15e: {  	v2 =	vadd.f32 v36, v2;
	v3 =	vadd.f32 v5, v3;
	[tilespmem:$0x1F4F0] =	vst v0;
	v0 =	vld.idx.msk [tilespmem:v1+s11+$0x0], $0xffff;
	_ =	sdelay $0x1  }
0x15f: {  	[tilespmem:$0x1F4B0] =	vst v2;
	v2 =	vadd.f32 v7, v3;
	_ =	sdelay $0x1  }
0x160: {  	[tilespmem:$0x1FE70] =	vst v2;
	v2 =	vld [tilespmem:$0x1FF10]  }
0x161: {  	v3 =	vshrl.u32 v0, $0x10  }
0x162: {  	v3 =	vand.u32 $0x1, v3  }
0x163: {  	v5 =	vld [tilespmem:$0x1FE40];
	v0 =	vadd.s32 v3, v0  }
0x164: {  	v0 =	vadd.s32 $0x7FFF, v0  }
0x165: {  	v2 =	vadd.s32 v2, v60;
	v0 =	vand.u32 $0xFFFF0000, v0  }
0x166: {  	v3 =	vld [tilespmem:$0x1FF20];
	v18 =	vbroadcast v0, $0x0;
	v19 =	vbroadcast v0, $0x1  }
0x167: {  	v20 =	vbroadcast v0, $0x2;
	v21 =	vbroadcast v0, $0x3  }
0x168: {  	v5 =	vadd.f32 v5, v6;
	v22 =	vbroadcast v0, $0x4;
	v23 =	vbroadcast v0, $0x5  }
0x169: {  	v25 =	vbroadcast v0, $0x6;
	v27 =	vbroadcast v0, $0x7  }
0x16a: {  	[tilespmem:$0x1FEF0] =	vst v5;
	v5 =	vld.idx.msk [tilespmem:v2+s11+$0x0], $0xffff;
	v29 =	vbroadcast v0, $0x8;
	v31 =	vbroadcast v0, $0x9  }
0x16b: {  	[tilespmem:$0x1F890] =	vst v30;
	v30 =	vbroadcast v0, $0xA;
	v32 =	vbroadcast v0, $0xB;
	v13 =	vadd.s32 v3, v60;
	v3 =	vld [tilespmem:$0x1FF30]  }
0x16c: {  	v47 =	vbroadcast v0, $0xC;
	v45 =	vbroadcast v0, $0xD  }
0x16d: {  	v34 =	vbroadcast v0, $0xE;
	v0 =	vbroadcast v0, $0xF  }
0x16e: {  	v4 =	vld [tilespmem:$0x1FF50]  }
0x16f: {  	[tilespmem:$0x1FBD0] =	vst v0;
	v0 =	vld [tilespmem:$0x1FF80]  }
0x170: {  	v8 =	vshrl.u32 v5, $0x10;
	v7 =	vadd.s32 v3, v60;
	v3 =	vld [tilespmem:$0x1FF40]  }
0x171: {  	v8 =	vand.u32 $0x1, v8  }
0x172: {  	v5 =	vadd.s32 v8, v5  }
0x173: {  	v5 =	vadd.s32 $0x7FFF, v5  }
0x174: {  	v8 =	vand.u32 $0xFFFF0000, v5;
	v5 =	vadd.s32 v0, v60;
	v0 =	vld [tilespmem:$0x1FFA0]  }
0x175: {  	v14 =	vadd.s32 v4, v60;
	v4 =	vld [tilespmem:$0x1FF90];
	v3 =	vadd.s32 v3, v60;
	_ =	sdelay $0x3  }
0x176: {  	v44 =	vadd.s32 v0, v60;
	v0 =	vld [tilespmem:$0x1FFC0]  }
0x177: {  	v26 =	vadd.s32 v4, v60;
	v4 =	vbroadcast v8, $0xF;
	v9 =	vld.idx.msk [tilespmem:v3+s11+$0x0], $0xffff;
	_ =	sdelay $0x1  }
0x178: {  	[tilespmem:$0x1FC90] =	vst v4;
	v4 =	vld [tilespmem:$0x1FF60];
	_ =	sdelay $0x2  }
0x179: {  	[tilespmem:$0x1F8D0] =	vst v46;
	v46 =	vadd.s32 v0, v60;
	v0 =	vshrl.u32 v9, $0x10  }
0x17a: {  	v0 =	vand.u32 $0x1, v0  }
0x17b: {  	v0 =	vadd.s32 v0, v9;
	v9 =	vadd.s32 v4, v60;
	v4 =	vld [tilespmem:$0x1FFD0];
	_ =	sdelay $0x2  }
0x17c: {  	v0 =	vadd.s32 $0x7FFF, v0  }
0x17d: {  	v0 =	vand.u32 $0xFFFF0000, v0  }
0x17e: {  	v24 =	vadd.s32 v4, v60;
	v4 =	vbroadcast v0, $0x3;
	_ =	sdelay $0x1  }
0x17f: {  	[tilespmem:$0x1F1B0] =	vst v4;
	v4 =	vld [tilespmem:$0x1FF70];
	_ =	sdelay $0x4  }
0x180: {  	v55 =	vadd.s32 v4, v60;
	v4 =	vbroadcast v0, $0x4;
	_ =	sdelay $0x1  }
0x181: {  	[tilespmem:$0x1F1C0] =	vst v4;
	v4 =	vbroadcast v0, $0x5;
	_ =	sdelay $0x1  }
0x182: {  	[tilespmem:$0x1F1D0] =	vst v4;
	v4 =	vbroadcast v0, $0x6;
	_ =	sdelay $0x1  }
0x183: {  	[tilespmem:$0x1F1E0] =	vst v4;
	v4 =	vbroadcast v0, $0x7;
	_ =	sdelay $0x1  }
0x184: {  	[tilespmem:$0x1F1F0] =	vst v4;
	v4 =	vbroadcast v0, $0x8;
	_ =	sdelay $0x1  }
0x185: {  	[tilespmem:$0x1F200] =	vst v4;
	v4 =	vbroadcast v0, $0x9  }
0x186: {  	v33 =	vbroadcast v8, $0x0;
	v35 =	vbroadcast v8, $0x1  }
0x187: {  	v36 =	vbroadcast v8, $0x2;
	[tilespmem:$0x1F210] =	vst v4;
	v4 =	vbroadcast v0, $0xA  }
0x188: {  	[tilespmem:$0x1F8C0] =	vst v49;
	v37 =	vbroadcast v8, $0x3;
	v38 =	vbroadcast v8, $0x4  }
0x189: {  	v49 =	vbroadcast v8, $0x5;
	[tilespmem:$0x1F220] =	vst v4;
	v4 =	vbroadcast v0, $0xB  }
0x18a: {  	v39 =	vbroadcast v8, $0x6;
	v48 =	vbroadcast v8, $0x7  }
0x18b: {  	v50 =	vbroadcast v8, $0x8;
	[tilespmem:$0x1F230] =	vst v4;
	v4 =	vbroadcast v0, $0xC  }
0x18c: {  	v51 =	vbroadcast v8, $0x9;
	v52 =	vbroadcast v8, $0xA;
	v10 =	vld.idx.msk [tilespmem:v5+s11+$0x0], $0xffff  }
0x18d: {  	v61 =	vbroadcast v0, $0x0;
	[tilespmem:$0x1F240] =	vst v4;
	v4 =	vbroadcast v0, $0xD  }
0x18e: {  	v62 =	vbroadcast v0, $0x1;
	v63 =	vbroadcast v0, $0x2  }
0x18f: {  	[tilespmem:$0x1F250] =	vst v4;
	v4 =	vbroadcast v0, $0xE;
	v0 =	vbroadcast v0, $0xF  }
0x190: {  	v53 =	vbroadcast v8, $0xB;
	v54 =	vbroadcast v8, $0xC  }
0x191: {  	v56 =	vbroadcast v8, $0xD;
	v59 =	vbroadcast v8, $0xE;
	v8 =	vshrl.u32 v10, $0x10;
	[tilespmem:$0x1FCA0] =	vst v0;
	v0 =	vld [tilespmem:$0x1FFE0]  }
0x192: {  	v8 =	vand.u32 $0x1, v8  }
0x193: {  	v8 =	vadd.s32 v8, v10  }
0x194: {  	v8 =	vadd.s32 $0x7FFF, v8  }
0x195: {  	v8 =	vand.u32 $0xFFFF0000, v8  }
0x196: {  	v41 =	vadd.s32 v0, v60;
	v0 =	vbroadcast v8, $0x0;
	_ =	sdelay $0x1  }
0x197: {  	[tilespmem:$0x1F270] =	vst v0;
	v0 =	vbroadcast v8, $0x1;
	_ =	sdelay $0x1  }
0x198: {  	[tilespmem:$0x1F280] =	vst v0;
	v0 =	vld [tilespmem:$0x1FFB0];
	_ =	sdelay $0x4  }
0x199: {  	[tilespmem:$0x1F8A0] =	vst v43;
	v43 =	vadd.s32 v0, v60;
	v0 =	vbroadcast v8, $0x2;
	_ =	sdelay $0x1  }
0x19a: {  	[tilespmem:$0x1F290] =	vst v0;
	v0 =	vbroadcast v8, $0x3;
	_ =	sdelay $0x1  }
0x19b: {  	[tilespmem:$0x1F2A0] =	vst v0;
	v0 =	vld [tilespmem:$0x1FFF0];
	_ =	sdelay $0x4  }
0x19c: {  	v42 =	vadd.s32 v0, v60;
	v0 =	vbroadcast v8, $0x4;
	_ =	sdelay $0x1  }
0x19d: {  	[tilespmem:$0x1F2B0] =	vst v0;
	v0 =	vbroadcast v8, $0x5;
	_ =	sdelay $0x1  }
0x19e: {  	[tilespmem:$0x1F2C0] =	vst v0;
	v0 =	vbroadcast v8, $0x6;
	_ =	sdelay $0x1  }
0x19f: {  	[tilespmem:$0x1F2D0] =	vst v0;
	v0 =	vbroadcast v8, $0x7;
	_ =	sdelay $0x1  }
0x1a0: {  	[tilespmem:$0x1F2E0] =	vst v0;
	v0 =	vbroadcast v8, $0x8;
	_ =	sdelay $0x1  }
0x1a1: {  	[tilespmem:$0x1F2F0] =	vst v0;
	v0 =	vbroadcast v8, $0x9;
	_ =	sdelay $0x1  }
0x1a2: {  	[tilespmem:$0x1F300] =	vst v0;
	v0 =	vbroadcast v8, $0xA;
	_ =	sdelay $0x1  }
0x1a3: {  	v11 =	vld.idx.msk [tilespmem:v9+s11+$0x0], $0xffff;
	[tilespmem:$0x1F310] =	vst v0;
	v0 =	vbroadcast v8, $0xB;
	_ =	sdelay $0x1  }
0x1a4: {  	[tilespmem:$0x1F320] =	vst v0;
	v0 =	vbroadcast v8, $0xC;
	_ =	sdelay $0x1  }
0x1a5: {  	[tilespmem:$0x1F330] =	vst v0;
	v0 =	vbroadcast v8, $0xD  }
0x1a6: {  	v40 =	vld.idx.msk [tilespmem:v1+s3+$0x0], $0xffff;
	v1 =	vshrl.u32 v11, $0x10  }
0x1a7: {  	v1 =	vand.u32 $0x1, v1;
	[tilespmem:$0x1F340] =	vst v0;
	v0 =	vbroadcast v8, $0xE  }
0x1a8: {  	v1 =	vadd.s32 v1, v11  }
0x1a9: {  	v1 =	vadd.s32 $0x7FFF, v1;
	[tilespmem:$0x1F350] =	vst v0;
	v0 =	vbroadcast v8, $0xF  }
0x1aa: {  	v1 =	vand.u32 $0xFFFF0000, v1  }
0x1ab: {  	[tilespmem:$0x1FCB0] =	vst v0;
	v0 =	vbroadcast v1, $0x0;
	_ =	sdelay $0x1  }
0x1ac: {  	[tilespmem:$0x1F360] =	vst v0;
	v0 =	vbroadcast v1, $0x1;
	_ =	sdelay $0x1  }
0x1ad: {  	[tilespmem:$0x1F3B0] =	vst v0;
	v0 =	vbroadcast v1, $0x2;
	_ =	sdelay $0x1  }
0x1ae: {  	[tilespmem:$0x1F3C0] =	vst v0;
	v0 =	vbroadcast v1, $0x3;
	_ =	sdelay $0x1  }
0x1af: {  	[tilespmem:$0x1F4E0] =	vst v0;
	v0 =	vbroadcast v1, $0x4;
	_ =	sdelay $0x1  }
0x1b0: {  	[tilespmem:$0x1F500] =	vst v0;
	v0 =	vbroadcast v1, $0x5;
	_ =	sdelay $0x1  }
0x1b1: {  	[tilespmem:$0x1F5F0] =	vst v0;
	v0 =	vbroadcast v1, $0x6;
	_ =	sdelay $0x1  }
0x1b2: {  	[tilespmem:$0x1F600] =	vst v0;
	v0 =	vbroadcast v1, $0x7;
	_ =	sdelay $0x1  }
0x1b3: {  	[tilespmem:$0x1F750] =	vst v0;
	v0 =	vbroadcast v1, $0x8;
	_ =	sdelay $0x1  }
0x1b4: {  	[tilespmem:$0x1F760] =	vst v0;
	v0 =	vbroadcast v1, $0x9;
	_ =	sdelay $0x1  }
0x1b5: {  	[tilespmem:$0x1F8F0] =	vst v0;
	v0 =	vbroadcast v1, $0xA;
	_ =	sdelay $0x1  }
0x1b6: {  	v10 =	vld.idx.msk [tilespmem:v55+s11+$0x0], $0xffff;
	[tilespmem:$0x1F900] =	vst v0;
	v0 =	vbroadcast v1, $0xB;
	_ =	sdelay $0x1  }
0x1b7: {  	[tilespmem:$0x1FAB0] =	vst v0;
	v0 =	vbroadcast v1, $0xC  }
0x1b8: {  	[tilespmem:$0x1F4A0] =	vst v58  }
0x1b9: {  	v58 =	vld.idx.msk [tilespmem:v13+s3+$0x0], $0xffff;
	[tilespmem:$0x1FAC0] =	vst v0;
	v0 =	vbroadcast v1, $0xD  }
0x1ba: {  	[tilespmem:$0x1F260] =	vst v4;
	v4 =	vld.idx.msk [tilespmem:v7+s3+$0x0], $0xffff;
	v7 =	vshrl.u32 v10, $0x10  }
0x1bb: {  	v13 =	vld.idx.msk [tilespmem:v3+s3+$0x0], $0xffff;
	v3 =	vand.u32 $0x1, v7;
	[tilespmem:$0x1FD00] =	vst v0;
	v0 =	vbroadcast v1, $0xE  }
0x1bc: {  	v3 =	vadd.s32 v3, v10  }
0x1bd: {  	v3 =	vadd.s32 $0x7FFF, v3;
	[tilespmem:$0x1FD10] =	vst v0;
	v0 =	vbroadcast v1, $0xF  }
0x1be: {  	v3 =	vand.u32 $0xFFFF0000, v3  }
0x1bf: {  	[tilespmem:$0x1FD20] =	vst v0;
	v0 =	vbroadcast v3, $0x0;
	_ =	sdelay $0x1  }
0x1c0: {  	[tilespmem:$0x1F370] =	vst v0;
	v0 =	vbroadcast v3, $0x1;
	_ =	sdelay $0x1  }
0x1c1: {  	[tilespmem:$0x1F3A0] =	vst v0;
	v0 =	vbroadcast v3, $0x2;
	_ =	sdelay $0x1  }
0x1c2: {  	[tilespmem:$0x1F3D0] =	vst v0;
	v0 =	vbroadcast v3, $0x3;
	_ =	sdelay $0x1  }
0x1c3: {  	[tilespmem:$0x1F4D0] =	vst v0;
	v0 =	vbroadcast v3, $0x4;
	_ =	sdelay $0x1  }
0x1c4: {  	[tilespmem:$0x1F510] =	vst v0;
	v0 =	vbroadcast v3, $0x5;
	_ =	sdelay $0x1  }
0x1c5: {  	[tilespmem:$0x1F5E0] =	vst v0;
	v0 =	vbroadcast v3, $0x6;
	_ =	sdelay $0x1  }
0x1c6: {  	[tilespmem:$0x1F610] =	vst v0;
	v0 =	vbroadcast v3, $0x7;
	_ =	sdelay $0x1  }
0x1c7: {  	[tilespmem:$0x1F740] =	vst v0;
	v0 =	vbroadcast v3, $0x8;
	_ =	sdelay $0x1  }
0x1c8: {  	[tilespmem:$0x1F770] =	vst v0;
	v0 =	vbroadcast v3, $0x9;
	_ =	sdelay $0x1  }
0x1c9: {  	[tilespmem:$0x1F8E0] =	vst v0;
	v0 =	vbroadcast v3, $0xA;
	_ =	sdelay $0x1  }
0x1ca: {  	v7 =	vld.idx.msk [tilespmem:v43+s11+$0x0], $0xffff;
	[tilespmem:$0x1F910] =	vst v0;
	v0 =	vbroadcast v3, $0xB;
	_ =	sdelay $0x1  }
0x1cb: {  	[tilespmem:$0x1FAA0] =	vst v0;
	v0 =	vbroadcast v3, $0xC;
	_ =	sdelay $0x1  }
0x1cc: {  	[tilespmem:$0x1FAE0] =	vst v0;
	v0 =	vbroadcast v3, $0xD  }
0x1cd: {  	v1 =	vshrl.u32 v7, $0x10  }
0x1ce: {  	v1 =	vand.u32 $0x1, v1;
	[tilespmem:$0x1FD30] =	vst v0;
	v0 =	vbroadcast v3, $0xE  }
0x1cf: {  	v1 =	vadd.s32 v1, v7  }
0x1d0: {  	v1 =	vadd.s32 $0x7FFF, v1;
	[tilespmem:$0x1FD40] =	vst v0;
	v0 =	vbroadcast v3, $0xF  }
0x1d1: {  	v1 =	vand.u32 $0xFFFF0000, v1  }
0x1d2: {  	[tilespmem:$0x1F630] =	vst v0;
	v0 =	vbroadcast v1, $0x0;
	_ =	sdelay $0x1  }
0x1d3: {  	[tilespmem:$0x1F380] =	vst v0;
	v0 =	vbroadcast v1, $0x1;
	_ =	sdelay $0x1  }
0x1d4: {  	[tilespmem:$0x1F390] =	vst v0;
	v0 =	vbroadcast v1, $0x2;
	_ =	sdelay $0x1  }
0x1d5: {  	[tilespmem:$0x1F3E0] =	vst v0;
	v0 =	vbroadcast v1, $0x3;
	_ =	sdelay $0x1  }
0x1d6: {  	[tilespmem:$0x1F490] =	vst v0;
	v0 =	vbroadcast v1, $0x4;
	_ =	sdelay $0x1  }
0x1d7: {  	[tilespmem:$0x1F520] =	vst v0;
	v0 =	vbroadcast v1, $0x5;
	_ =	sdelay $0x1  }
0x1d8: {  	[tilespmem:$0x1F5D0] =	vst v0;
	v0 =	vbroadcast v1, $0x6;
	_ =	sdelay $0x1  }
0x1d9: {  	[tilespmem:$0x1F640] =	vst v0;
	v0 =	vbroadcast v1, $0x7;
	_ =	sdelay $0x1  }
0x1da: {  	[tilespmem:$0x1F730] =	vst v0;
	v0 =	vbroadcast v1, $0x8;
	_ =	sdelay $0x1  }
0x1db: {  	v10 =	vld.idx.msk [tilespmem:v26+s3+$0x0], $0xffff;
	[tilespmem:$0x1F7A0] =	vst v0;
	v0 =	vbroadcast v1, $0x9  }
0x1dc: {  	v26 =	vld.idx.msk [tilespmem:v42+s11+$0x0], $0xffff  }
0x1dd: {  	[tilespmem:$0x1F8B0] =	vst v0;
	v0 =	vbroadcast v1, $0xA;
	_ =	sdelay $0x1  }
0x1de: {  	[tilespmem:$0x1F960] =	vst v0;
	v0 =	vbroadcast v1, $0xB;
	_ =	sdelay $0x1  }
0x1df: {  	v28 =	vshrl.u32 v26, $0x10;
	[tilespmem:$0x1FA70] =	vst v0;
	v0 =	vbroadcast v1, $0xC  }
0x1e0: {  	v28 =	vand.u32 $0x1, v28  }
0x1e1: {  	v6 =	vshrl.u32 v4, $0x10;
	v26 =	vadd.s32 v28, v26;
	[tilespmem:$0x1FB30] =	vst v0;
	v0 =	vbroadcast v1, $0xD  }
0x1e2: {  	v6 =	vand.u32 $0x1, v6;
	v26 =	vadd.s32 $0x7FFF, v26  }
0x1e3: {  	[tilespmem:$0x1FD50] =	vst v0;
	v0 =	vand.u32 $0xFFFF0000, v26;
	v26 =	vbroadcast v1, $0xE;
	v1 =	vbroadcast v1, $0xF  }
0x1e4: {  	v4 =	vadd.s32 v6, v4;
	v6 =	vbroadcast v0, $0x8  }
0x1e5: {  	[tilespmem:$0x1FD70] =	vst v1;
	v1 =	vbroadcast v0, $0x2  }
0x1e6: {  	[tilespmem:$0x1F7F0] =	vst v6;
	v6 =	vbroadcast v0, $0x9  }
0x1e7: {  	[tilespmem:$0x1F3F0] =	vst v1;
	v1 =	vbroadcast v0, $0x3  }
0x1e8: {  	[tilespmem:$0x1F840] =	vst v6;
	v6 =	vbroadcast v0, $0xA  }
0x1e9: {  	[tilespmem:$0x1F440] =	vst v1;
	v1 =	vbroadcast v0, $0x4  }
0x1ea: {  	[tilespmem:$0x1F9B0] =	vst v6;
	v6 =	vbroadcast v0, $0xB  }
0x1eb: {  	v12 =	vld.idx.msk [tilespmem:v2+s3+$0x0], $0xffff;
	v2 =	vshrl.u32 v40, $0x10;
	[tilespmem:$0x1F530] =	vst v1;
	v1 =	vbroadcast v0, $0x5  }
0x1ec: {  	v2 =	vand.u32 $0x1, v2;
	[tilespmem:$0x1FA00] =	vst v6;
	v6 =	vbroadcast v0, $0xC  }
0x1ed: {  	v2 =	vadd.s32 v2, v40;
	[tilespmem:$0x1F580] =	vst v1;
	v1 =	vld.idx.msk [tilespmem:v44+s3+$0x0], $0xffff;
	v44 =	vbroadcast v0, $0x6  }
0x1ee: {  	v2 =	vadd.s32 $0x7FFF, v2;
	[tilespmem:$0x1FB80] =	vst v6;
	v6 =	vbroadcast v0, $0xD  }
0x1ef: {  	[tilespmem:$0x1F690] =	vst v44;
	v44 =	vand.u32 $0xFFFF0000, v2  }
0x1f0: {  	v4 =	vadd.s32 $0x7FFF, v4;
	[tilespmem:$0x1FD80] =	vst v6;
	v6 =	vmul.f32 v44, v20  }
0x1f1: {  	v40 =	vand.u32 $0xFFFF0000, v4  }
0x1f2: {  	[tilespmem:$0x1F590] =	vst v6;
	v6 =	vmul.f32 v40, v20;
	_ =	sdelay $0x1  }
0x1f3: {  	[tilespmem:$0x1F5A0] =	vst v6;
	v6 =	vmul.f32 v44, v21;
	_ =	sdelay $0x1  }
0x1f4: {  	[tilespmem:$0x1F5B0] =	vst v6;
	v6 =	vmul.f32 v40, v21;
	_ =	sdelay $0x1  }
0x1f5: {  	[tilespmem:$0x1F5C0] =	vst v6;
	v6 =	vmul.f32 v44, v22;
	_ =	sdelay $0x1  }
0x1f6: {  	[tilespmem:$0x1F6F0] =	vst v6;
	v6 =	vmul.f32 v40, v22;
	_ =	sdelay $0x1  }
0x1f7: {  	[tilespmem:$0x1F700] =	vst v6;
	v6 =	vmul.f32 v44, v23;
	_ =	sdelay $0x1  }
0x1f8: {  	[tilespmem:$0x1F710] =	vst v6;
	v6 =	vmul.f32 v40, v23;
	_ =	sdelay $0x1  }
0x1f9: {  	[tilespmem:$0x1F720] =	vst v6;
	v6 =	vmul.f32 v44, v25;
	_ =	sdelay $0x1  }
0x1fa: {  	[tilespmem:$0x1F850] =	vst v6;
	v6 =	vmul.f32 v40, v25  }
0x1fb: {  	v16 =	vshrl.u32 v12, $0x10  }
0x1fc: {  	[tilespmem:$0x1F860] =	vst v6;
	v6 =	vand.u32 $0x1, v16  }
0x1fd: {  	v6 =	vadd.s32 v6, v12;
	v12 =	vmul.f32 v44, v31;
	_ =	sdelay $0x1  }
0x1fe: {  	[tilespmem:$0x1FA30] =	vst v12;
	v12 =	vmul.f32 v40, v31;
	_ =	sdelay $0x1  }
0x1ff: {  	[tilespmem:$0x1FA40] =	vst v12;
	v12 =	vmul.f32 v40, v30;
	_ =	sdelay $0x1  }
0x200: {  	[tilespmem:$0x1FDB0] =	vst v12;
	v12 =	vmul.f32 v44, v32;
	_ =	sdelay $0x1  }
0x201: {  	[tilespmem:$0x1FDC0] =	vst v12;
	v12 =	vmul.f32 v40, v32;
	_ =	sdelay $0x1  }
0x202: {  	[tilespmem:$0x1FDD0] =	vst v12;
	v12 =	vmul.f32 v44, v47  }
0x203: {  	v6 =	vadd.s32 $0x7FFF, v6  }
0x204: {  	[tilespmem:$0x1FDF0] =	vst v12;
	v12 =	vmul.f32 v40, v47;
	v47 =	vand.u32 $0xFFFF0000, v6;
	v6 =	vmul.f32 v44, v45;
	_ =	sdelay $0x1  }
0x205: {  	[tilespmem:$0x1FE20] =	vst v6;
	v6 =	vmul.f32 v40, v45  }
0x206: {  	v8 =	vshrl.u32 v58, $0x10  }
0x207: {  	v8 =	vand.u32 $0x1, v8;
	[tilespmem:$0x1FE30] =	vst v6;
	v6 =	vmul.f32 v44, v34  }
0x208: {  	v8 =	vadd.s32 v8, v58  }
0x209: {  	v8 =	vadd.s32 $0x7FFF, v8;
	[tilespmem:$0x1FE40] =	vst v6;
	v6 =	vmul.f32 v47, v33  }
0x20a: {  	v45 =	vand.u32 $0xFFFF0000, v8  }
0x20b: {  	[tilespmem:$0x1F400] =	vst v6;
	v6 =	vmul.f32 v45, v33;
	_ =	sdelay $0x1  }
0x20c: {  	[tilespmem:$0x1F410] =	vst v6;
	v6 =	vmul.f32 v47, v35;
	_ =	sdelay $0x1  }
0x20d: {  	[tilespmem:$0x1F420] =	vst v6;
	v6 =	vmul.f32 v45, v35;
	_ =	sdelay $0x1  }
0x20e: {  	[tilespmem:$0x1F430] =	vst v6;
	v6 =	vmul.f32 v47, v36;
	_ =	sdelay $0x1  }
0x20f: {  	[tilespmem:$0x1F540] =	vst v6;
	v6 =	vmul.f32 v45, v36;
	_ =	sdelay $0x1  }
0x210: {  	[tilespmem:$0x1F550] =	vst v6;
	v6 =	vmul.f32 v47, v37;
	_ =	sdelay $0x1  }
0x211: {  	[tilespmem:$0x1F560] =	vst v6;
	v6 =	vmul.f32 v45, v37;
	_ =	sdelay $0x1  }
0x212: {  	[tilespmem:$0x1F570] =	vst v6;
	v6 =	vmul.f32 v47, v38;
	_ =	sdelay $0x1  }
0x213: {  	[tilespmem:$0x1F6A0] =	vst v6;
	v6 =	vmul.f32 v45, v38;
	_ =	sdelay $0x1  }
0x214: {  	[tilespmem:$0x1F6B0] =	vst v6;
	v6 =	vmul.f32 v47, v49;
	_ =	sdelay $0x1  }
0x215: {  	v11 =	vld.idx.msk [tilespmem:v14+s3+$0x0], $0xffff;
	[tilespmem:$0x1F6C0] =	vst v6;
	v6 =	vmul.f32 v45, v49  }
0x216: {  	v9 =	vld.idx.msk [tilespmem:v9+s3+$0x0], $0xffff;
	v57 =	vbroadcast v0, $0x7  }
0x217: {  	v14 =	vld.idx.msk [tilespmem:v5+s3+$0x0], $0xffff;
	[tilespmem:$0x1F6D0] =	vst v6;
	v6 =	vmul.f32 v47, v39  }
0x218: {  	[tilespmem:$0x1F6E0] =	vst v57  }
0x219: {  	v57 =	vld.idx.msk [tilespmem:v46+s3+$0x0], $0xffff;
	[tilespmem:$0x1F800] =	vst v6;
	v6 =	vmul.f32 v45, v39  }
0x21a: {  	v17 =	vshrl.u32 v13, $0x10;
	v15 =	vshrl.u32 v11, $0x10;
	v46 =	vld.idx.msk [tilespmem:v43+s3+$0x0], $0xffff  }
0x21b: {  	v5 =	vshrl.u32 v10, $0x10;
	v3 =	vshrl.u32 v9, $0x10;
	v43 =	vld.idx.msk [tilespmem:v24+s3+$0x0], $0xffff;
	[tilespmem:$0x1F810] =	vst v6;
	v6 =	vmul.f32 v47, v48  }
0x21c: {  	v5 =	vand.u32 $0x1, v5;
	v7 =	vshrl.u32 v14, $0x10;
	v3 =	vand.u32 $0x1, v3;
	[tilespmem:$0x1FE00] =	vst v12  }
0x21d: {  	v12 =	vand.u32 $0x1, v15;
	v15 =	vand.u32 $0x1, v7;
	v7 =	vld [tilespmem:$0x1F1B0];
	[tilespmem:$0x1F820] =	vst v6;
	v6 =	vmul.f32 v45, v48  }
0x21e: {  	v10 =	vadd.s32 v5, v10;
	v5 =	vld [tilespmem:$0x1F1C0];
	v9 =	vadd.s32 v3, v9;
	v8 =	vand.u32 $0x1, v17  }
0x21f: {  	v8 =	vadd.s32 v8, v13;
	v11 =	vadd.s32 v12, v11;
	[tilespmem:$0x1F830] =	vst v6;
	v6 =	vmul.f32 v47, v50  }
0x220: {  	v3 =	vld [tilespmem:$0x1F1D0];
	v20 =	vshrl.u32 v43, $0x10;
	v8 =	vadd.s32 $0x7FFF, v8;
	v11 =	vadd.s32 $0x7FFF, v11  }
0x221: {  	v48 =	vand.u32 $0xFFFF0000, v11;
	[tilespmem:$0x1F9C0] =	vst v6;
	v6 =	vmul.f32 v45, v50;
	v50 =	vand.u32 $0xFFFF0000, v8  }
0x222: {  	v8 =	vand.u32 $0x1, v20;
	v20 =	vmul.f32 v48, v7;
	v32 =	vmul.f32 v50, v7  }
0x223: {  	v7 =	vmul.f32 v50, v5;
	v5 =	vmul.f32 v48, v5;
	_ =	sdelay $0x1  }
0x224: {  	[tilespmem:$0x1F660] =	vst v5;
	v5 =	vmul.f32 v50, v3;
	v3 =	vmul.f32 v48, v3  }
0x225: {  	[tilespmem:$0x1FD60] =	vst v26  }
0x226: {  	v28 =	vbroadcast v0, $0x1;
	v26 =	vbroadcast v0, $0x0;
	[tilespmem:$0x1F680] =	vst v3;
	v3 =	vld [tilespmem:$0x1F1E0]  }
0x227: {  	v2 =	vbroadcast v0, $0xE;
	v0 =	vbroadcast v0, $0xF;
	_ =	sdelay $0x1  }
0x228: {  	[tilespmem:$0x1FDA0] =	vst v0;
	v0 =	vshrl.u32 v1, $0x10  }
0x229: {  	v0 =	vand.u32 $0x1, v0  }
0x22a: {  	v1 =	vadd.s32 v0, v1;
	v0 =	vmul.f32 v50, v3;
	_ =	sdelay $0x1  }
0x22b: {  	[tilespmem:$0x1F7B0] =	vst v0;
	v0 =	vmul.f32 v48, v3;
	_ =	sdelay $0x1  }
0x22c: {  	[tilespmem:$0x1F7C0] =	vst v0;
	v0 =	vld [tilespmem:$0x1F1F0];
	_ =	sdelay $0x4  }
0x22d: {  	v3 =	vmul.f32 v50, v0;
	_ =	sdelay $0x1  }
0x22e: {  	[tilespmem:$0x1F7D0] =	vst v3;
	v3 =	vld [tilespmem:$0x1F200];
	_ =	sdelay $0x2  }
0x22f: {  	v0 =	vmul.f32 v48, v0;
	_ =	sdelay $0x1  }
0x230: {  	[tilespmem:$0x1F7E0] =	vst v0;
	v0 =	vmul.f32 v50, v3  }
0x231: {  	v4 =	vmul.f32 v44, v19  }
0x232: {  	v16 =	vmul.f32 v44, v27;
	[tilespmem:$0x1F970] =	vst v0;
	v0 =	vmul.f32 v48, v3;
	v3 =	vld [tilespmem:$0x1F210]  }
0x233: {  	[tilespmem:$0x1F470] =	vst v4;
	v4 =	vmul.f32 v40, v19  }
0x234: {  	[tilespmem:$0x1F870] =	vst v16;
	v16 =	vmul.f32 v40, v27  }
0x235: {  	[tilespmem:$0x1F480] =	vst v4  }
0x236: {  	[tilespmem:$0x1F880] =	vst v16;
	v16 =	vmul.f32 v44, v29  }
0x237: {  	[tilespmem:$0x1F980] =	vst v0;
	v0 =	vmul.f32 v50, v3  }
0x238: {  	[tilespmem:$0x1FA10] =	vst v16  }
0x239: {  	v4 =	vshrl.u32 v57, $0x10;
	v16 =	vmul.f32 v40, v29;
	[tilespmem:$0x1F990] =	vst v0;
	v0 =	vmul.f32 v48, v3;
	v3 =	vld [tilespmem:$0x1F220]  }
0x23a: {  	v19 =	vshrl.u32 v46, $0x10;
	v4 =	vand.u32 $0x1, v4  }
0x23b: {  	[tilespmem:$0x1FA20] =	vst v16;
	v16 =	vand.u32 $0x1, v19;
	v19 =	vadd.s32 v4, v57;
	v4 =	vld [tilespmem:$0x1F230];
	_ =	sdelay $0x2  }
0x23c: {  	[tilespmem:$0x1F9A0] =	vst v0;
	v0 =	vmul.f32 v50, v3;
	_ =	sdelay $0x1  }
0x23d: {  	[tilespmem:$0x1FB40] =	vst v0;
	v0 =	vmul.f32 v48, v3;
	v3 =	vmul.f32 v50, v4;
	_ =	sdelay $0x1  }
0x23e: {  	[tilespmem:$0x1FB60] =	vst v3;
	v3 =	vmul.f32 v48, v4;
	_ =	sdelay $0x1  }
0x23f: {  	[tilespmem:$0x1FB70] =	vst v3;
	v3 =	vld [tilespmem:$0x1F240];
	_ =	sdelay $0x3  }
0x240: {  	v21 =	vmul.f32 v40, v34  }
0x241: {  	v34 =	vmul.f32 v50, v3;
	v3 =	vmul.f32 v48, v3  }
0x242: {  	[tilespmem:$0x1F9D0] =	vst v6;
	v6 =	vmul.f32 v47, v51  }
0x243: {  	[tilespmem:$0x1FEA0] =	vst v3;
	v3 =	vld [tilespmem:$0x1F250]  }
0x244: {  	[tilespmem:$0x1F9E0] =	vst v6;
	v6 =	vmul.f32 v45, v51;
	_ =	sdelay $0x1  }
0x245: {  	v14 =	vadd.s32 v15, v14;
	[tilespmem:$0x1F9F0] =	vst v6;
	v6 =	vmul.f32 v47, v52  }
0x246: {  	[tilespmem:$0x1FB50] =	vst v0;
	v0 =	vadd.s32 $0x7FFF, v14  }
0x247: {  	[tilespmem:$0x1FB90] =	vst v6;
	v6 =	vmul.f32 v45, v52;
	v52 =	vand.u32 $0xFFFF0000, v0;
	v0 =	vmul.f32 v50, v3;
	_ =	sdelay $0x1  }
0x248: {  	[tilespmem:$0x1FEB0] =	vst v0;
	v0 =	vmul.f32 v48, v3  }
0x249: {  	v41 =	vld.idx.msk [tilespmem:v41+s3+$0x0], $0xffff  }
0x24a: {  	[tilespmem:$0x1FEC0] =	vst v0;
	v0 =	vld [tilespmem:$0x1F260];
	_ =	sdelay $0x3  }
0x24b: {  	v23 =	vshrl.u32 v41, $0x10  }
0x24c: {  	v13 =	vand.u32 $0x1, v23;
	v23 =	vmul.f32 v50, v0;
	v15 =	vmul.f32 v48, v0;
	v0 =	vld [tilespmem:$0x1F270]  }
0x24d: {  	v55 =	vld.idx.msk [tilespmem:v55+s3+$0x0], $0xffff  }
0x24e: {  	[tilespmem:$0x1FD90] =	vst v2;
	v2 =	vmul.f32 v44, v18  }
0x24f: {  	v24 =	vld.idx.msk [tilespmem:v42+s3+$0x0], $0xffff;
	v14 =	vadd.s32 $0x7FFF, v10  }
0x250: {  	[tilespmem:$0x1F450] =	vst v2;
	v2 =	vmul.f32 v40, v18;
	v51 =	vand.u32 $0xFFFF0000, v14;
	v3 =	vld [tilespmem:$0x1F2C0]  }
0x251: {  	v14 =	vmul.f32 v52, v0;
	v39 =	vmul.f32 v51, v0;
	v0 =	vld [tilespmem:$0x1F280]  }
0x252: {  	[tilespmem:$0x1F460] =	vst v2;
	v2 =	vshrl.u32 v55, $0x10  }
0x253: {  	v2 =	vand.u32 $0x1, v2  }
0x254: {  	v42 =	vshrl.u32 v24, $0x10;
	v2 =	vadd.s32 v2, v55  }
0x255: {  	v16 =	vadd.s32 v16, v46;
	v57 =	vmul.f32 v52, v3;
	v55 =	vmul.f32 v51, v3;
	v3 =	vld [tilespmem:$0x1F2D0]  }
0x256: {  	v11 =	vand.u32 $0x1, v42;
	v42 =	vmul.f32 v52, v0;
	v46 =	vmul.f32 v51, v0;
	v0 =	vld [tilespmem:$0x1F290];
	_ =	sdelay $0x3  }
0x257: {  	v13 =	vadd.s32 v13, v41  }
0x258: {  	v41 =	vadd.s32 $0x7FFF, v19;
	v19 =	vmul.f32 v52, v3;
	v58 =	vmul.f32 v52, v0  }
0x259: {  	[tilespmem:$0x1F670] =	vst v5;
	v5 =	vmul.f32 v51, v0;
	v0 =	vmul.f32 v51, v3;
	v3 =	vld [tilespmem:$0x1F2E0];
	_ =	sdelay $0x4  }
0x25a: {  	v11 =	vadd.s32 v11, v24;
	[tilespmem:$0x1F780] =	vst v0;
	v0 =	vmul.f32 v52, v3;
	v24 =	vmul.f32 v51, v3;
	v3 =	vld [tilespmem:$0x1F2F0];
	_ =	sdelay $0x4  }
0x25b: {  	[tilespmem:$0x1F790] =	vst v0;
	v0 =	vmul.f32 v52, v3;
	_ =	sdelay $0x1  }
0x25c: {  	[tilespmem:$0x1F920] =	vst v0;
	v0 =	vmul.f32 v51, v3;
	v3 =	vld [tilespmem:$0x1F300];
	_ =	sdelay $0x1  }
0x25d: {  	[tilespmem:$0x1F650] =	vst v7;
	v7 =	vld [tilespmem:$0x1F310];
	_ =	sdelay $0x2  }
0x25e: {  	[tilespmem:$0x1F930] =	vst v0;
	v0 =	vmul.f32 v52, v3;
	_ =	sdelay $0x1  }
0x25f: {  	[tilespmem:$0x1F940] =	vst v0;
	v0 =	vmul.f32 v51, v3;
	v3 =	vmul.f32 v52, v7;
	_ =	sdelay $0x1  }
0x260: {  	[tilespmem:$0x1FAF0] =	vst v3;
	v3 =	vmul.f32 v51, v7;
	v7 =	vld [tilespmem:$0x1F320];
	_ =	sdelay $0x4  }
0x261: {  	[tilespmem:$0x1FB00] =	vst v3;
	v3 =	vmul.f32 v52, v7;
	_ =	sdelay $0x1  }
0x262: {  	v2 =	vadd.s32 $0x7FFF, v2;
	[tilespmem:$0x1FB10] =	vst v3;
	v3 =	vmul.f32 v51, v7  }
0x263: {  	v27 =	vmul.f32 v48, v61;
	v29 =	vmul.f32 v50, v61;
	v61 =	vand.u32 $0xFFFF0000, v2;
	v2 =	vld [tilespmem:$0x1F330]  }
0x264: {  	[tilespmem:$0x1FB20] =	vst v3;
	v3 =	vld [tilespmem:$0x1F340]  }
0x265: {  	v7 =	vld [tilespmem:$0x1F350]  }
0x266: {  	[tilespmem:$0x1FBA0] =	vst v6;
	v6 =	vmul.f32 v47, v53;
	_ =	sdelay $0x1  }
0x267: {  	v35 =	vadd.s32 $0x7FFF, v11;
	[tilespmem:$0x1FBB0] =	vst v6;
	v6 =	vmul.f32 v45, v53;
	v11 =	vmul.f32 v51, v2  }
0x268: {  	[tilespmem:$0x1F950] =	vst v0;
	v0 =	vmul.f32 v52, v2;
	v2 =	vmul.f32 v52, v3  }
0x269: {  	v4 =	vadd.s32 $0x7FFF, v13;
	v13 =	vmul.f32 v51, v3;
	v3 =	vmul.f32 v52, v7  }
0x26a: {  	[tilespmem:$0x1FBC0] =	vst v6;
	v6 =	vmul.f32 v45, v54  }
0x26b: {  	[tilespmem:$0x1FED0] =	vst v3;
	v3 =	vmul.f32 v51, v7  }
0x26c: {  	[tilespmem:$0x1FE50] =	vst v6  }
0x26d: {  	v6 =	vmul.f32 v45, v56;
	[tilespmem:$0x1FEE0] =	vst v3;
	v3 =	vld [tilespmem:$0x1F360];
	_ =	sdelay $0x1  }
0x26e: {  	[tilespmem:$0x1FE60] =	vst v6;
	v6 =	vmul.f32 v47, v59  }
0x26f: {  	v9 =	vadd.s32 $0x7FFF, v9;
	v12 =	vmul.f32 v47, v54;
	v37 =	vadd.s32 $0x7FFF, v1  }
0x270: {  	v53 =	vand.u32 $0xFFFF0000, v37;
	[tilespmem:$0x1F620] =	vst v6;
	v6 =	vmul.f32 v45, v59;
	v59 =	vand.u32 $0xFFFF0000, v9  }
0x271: {  	v54 =	vand.u32 $0xFFFF0000, v41;
	v37 =	vmul.f32 v59, v3;
	v41 =	vmul.f32 v53, v3;
	v3 =	vld [tilespmem:$0x1F370];
	_ =	sdelay $0x2  }
0x272: {  	v8 =	vadd.s32 v8, v43  }
0x273: {  	v18 =	vmul.f32 v47, v56;
	v33 =	vadd.s32 $0x7FFF, v8  }
0x274: {  	v56 =	vand.u32 $0xFFFF0000, v33;
	v9 =	vmul.f32 v61, v3;
	v33 =	vmul.f32 v54, v3;
	v3 =	vld [tilespmem:$0x1F380];
	_ =	sdelay $0x1  }
0x275: {  	v22 =	vmul.f32 v44, v30;
	v17 =	vmul.f32 v48, v62  }
0x276: {  	v16 =	vadd.s32 $0x7FFF, v16;
	v49 =	vmul.f32 v48, v63;
	v30 =	vmul.f32 v50, v62  }
0x277: {  	v31 =	vmul.f32 v50, v63;
	v62 =	vand.u32 $0xFFFF0000, v16;
	v16 =	vand.u32 $0xFFFF0000, v35  }
0x278: {  	v63 =	vand.u32 $0xFFFF0000, v4;
	v4 =	vmul.f32 v62, v3;
	v35 =	vmul.f32 v56, v3;
	v3 =	vld [tilespmem:$0x1FBE0];
	_ =	sdelay $0x2  }
0x279: {  	v36 =	vmul.f32 v16, v26;
	_ =	sdelay $0x1  }
0x27a: {  	v36 =	vadd.f32 v36, v3;
	v3 =	vld [tilespmem:$0x1FBF0];
	_ =	sdelay $0x2  }
0x27b: {  	v26 =	vmul.f32 v63, v26;
	_ =	sdelay $0x1  }
0x27c: {  	v26 =	vadd.f32 v26, v3;
	v3 =	vld [tilespmem:$0x1FC00];
	_ =	sdelay $0x2  }
0x27d: {  	v8 =	vld [tilespmem:$0x1F390];
	v7 =	vmul.f32 v16, v28;
	_ =	sdelay $0x1  }
0x27e: {  	v7 =	vadd.f32 v7, v3;
	v3 =	vld [tilespmem:$0x1FC10]  }
0x27f: {  	v4 =	vadd.f32 v4, v36;
	v36 =	vmov v21;
	v21 =	vld [tilespmem:$0x1F3A0];
	_ =	sdelay $0x1  }
0x280: {  	v10 =	vmul.f32 v62, v8;
	v28 =	vmul.f32 v63, v28  }
0x281: {  	v4 =	vadd.f32 v9, v4  }
0x282: {  	v7 =	vadd.f32 v10, v7;
	v28 =	vadd.f32 v28, v3  }
0x283: {  	v3 =	vmul.f32 v56, v8;
	v8 =	vmovc v11;
	v11 =	vmov v0;
	v0 =	vmul.f32 v61, v21  }
0x284: {  	v4 =	vadd.f32 v37, v4  }
0x285: {  	v26 =	vadd.f32 v35, v26;
	v7 =	vadd.f32 v0, v7;
	v0 =	vld [tilespmem:$0x1F400]  }
0x286: {  	v4 =	vadd.f32 v14, v4  }
0x287: {  	v9 =	vadd.f32 v33, v26;
	v10 =	vmul.f32 v54, v21;
	v21 =	vld [tilespmem:$0x1F3B0]  }
0x288: {  	v4 =	vadd.f32 v29, v4  }
0x289: {  	v9 =	vadd.f32 v41, v9  }
0x28a: {  	v4 =	vadd.f32 v0, v4;
	v0 =	vld [tilespmem:$0x1F410]  }
0x28b: {  	v9 =	vadd.f32 v39, v9  }
0x28c: {  	v26 =	vmul.f32 v59, v21  }
0x28d: {  	v9 =	vadd.f32 v27, v9  }
0x28e: {  	v7 =	vadd.f32 v26, v7  }
0x28f: {  	v3 =	vadd.f32 v3, v28;
	v9 =	vadd.f32 v0, v9;
	v0 =	vld [tilespmem:$0x1F420]  }
0x290: {  	v7 =	vadd.f32 v42, v7  }
0x291: {  	v3 =	vadd.f32 v10, v3;
	v10 =	vmul.f32 v53, v21  }
0x292: {  	v7 =	vadd.f32 v30, v7  }
0x293: {  	v3 =	vadd.f32 v10, v3  }
0x294: {  	v7 =	vadd.f32 v0, v7;
	v0 =	vld [tilespmem:$0x1F430]  }
0x295: {  	v3 =	vadd.f32 v46, v3;
	_ =	sdelay $0x1  }
0x296: {  	v3 =	vadd.f32 v17, v3;
	_ =	sdelay $0x1  }
0x297: {  	v3 =	vadd.f32 v0, v3;
	v0 =	vld [tilespmem:$0x1F450];
	_ =	sdelay $0x3  }
0x298: {  	v37 =	vmov v6;
	v6 =	vld [tilespmem:$0x1F3C0]  }
0x299: {  	v4 =	vadd.f32 v0, v4;
	v0 =	vld [tilespmem:$0x1F460];
	_ =	sdelay $0x3  }
0x29a: {  	v28 =	vmul.f32 v59, v6;
	v10 =	vmul.f32 v53, v6;
	v6 =	vld [tilespmem:$0x1F3D0]  }
0x29b: {  	[tilespmem:$0x1FBE0] =	vst v4;
	v4 =	vadd.f32 v0, v9;
	v0 =	vld [tilespmem:$0x1F470];
	_ =	sdelay $0x3  }
0x29c: {  	v26 =	vmul.f32 v61, v6;
	v14 =	vmul.f32 v54, v6;
	v6 =	vld [tilespmem:$0x1F3E0]  }
0x29d: {  	v7 =	vadd.f32 v0, v7;
	v0 =	vld [tilespmem:$0x1F480];
	_ =	sdelay $0x3  }
0x29e: {  	v46 =	vmul.f32 v62, v6;
	v27 =	vmul.f32 v56, v6;
	v6 =	vld [tilespmem:$0x1F3F0]  }
0x29f: {  	v41 =	vmov v12;
	v12 =	vld [tilespmem:$0x1F440];
	v3 =	vadd.f32 v0, v3  }
0x2a0: {  	[tilespmem:$0x1FC00] =	vst v7;
	v7 =	vld [tilespmem:$0x1FC30]  }
0x2a1: {  	[tilespmem:$0x1FC10] =	vst v3;
	v3 =	vld [tilespmem:$0x1FC20];
	_ =	sdelay $0x1  }
0x2a2: {  	v42 =	vmov v18;
	v18 =	vmul.f32 v63, v6  }
0x2a3: {  	v29 =	vmul.f32 v16, v6  }
0x2a4: {  	v6 =	vmul.f32 v16, v12;
	[tilespmem:$0x1FBF0] =	vst v4;
	v4 =	vmul.f32 v63, v12;
	v12 =	vld [tilespmem:$0x1F4A0];
	v7 =	vadd.f32 v18, v7  }
0x2a5: {  	v3 =	vadd.f32 v29, v3  }
0x2a6: {  	v7 =	vadd.f32 v27, v7  }
0x2a7: {  	v17 =	vld [tilespmem:$0x1FC40];
	v3 =	vadd.f32 v46, v3  }
0x2a8: {  	v18 =	vld [tilespmem:$0x1F490];
	v7 =	vadd.f32 v14, v7  }
0x2a9: {  	v4 =	vadd.f32 v4, v12;
	v12 =	vld [tilespmem:$0x1F4D0];
	v3 =	vadd.f32 v26, v3  }
0x2aa: {  	v7 =	vadd.f32 v10, v7  }
0x2ab: {  	v3 =	vadd.f32 v28, v3  }
0x2ac: {  	v0 =	vadd.f32 v5, v7;
	v5 =	vld [tilespmem:$0x1F540]  }
0x2ad: {  	v6 =	vadd.f32 v6, v17;
	v9 =	vmul.f32 v62, v18;
	v3 =	vadd.f32 v58, v3  }
0x2ae: {  	v35 =	vmovc v15;
	v15 =	vmov v22;
	v22 =	vld [tilespmem:$0x1F590];
	v17 =	vmul.f32 v56, v18;
	v18 =	vmul.f32 v61, v12  }
0x2af: {  	v6 =	vadd.f32 v9, v6;
	v9 =	vmul.f32 v54, v12;
	v12 =	vld [tilespmem:$0x1F4E0];
	v3 =	vadd.f32 v31, v3;
	_ =	sdelay $0x1  }
0x2b0: {  	v3 =	vadd.f32 v5, v3  }
0x2b1: {  	v1 =	vld [tilespmem:$0x1F2A0];
	v4 =	vadd.f32 v17, v4  }
0x2b2: {  	v5 =	vld [tilespmem:$0x1F550];
	v3 =	vadd.f32 v22, v3  }
0x2b3: {  	v4 =	vadd.f32 v9, v4;
	v14 =	vmul.f32 v59, v12;
	v9 =	vmul.f32 v53, v12;
	v12 =	vld [tilespmem:$0x1F500]  }
0x2b4: {  	v6 =	vadd.f32 v18, v6;
	[tilespmem:$0x1FC20] =	vst v3;
	v3 =	vld [tilespmem:$0x1F5A0]  }
0x2b5: {  	v0 =	vadd.f32 v49, v0  }
0x2b6: {  	v25 =	vmul.f32 v52, v1;
	v6 =	vadd.f32 v14, v6  }
0x2b7: {  	v43 =	vmul.f32 v51, v1;
	v4 =	vadd.f32 v9, v4;
	v0 =	vadd.f32 v5, v0;
	v5 =	vld [tilespmem:$0x1F560]  }
0x2b8: {  	v6 =	vadd.f32 v25, v6;
	v10 =	vmul.f32 v59, v12;
	v9 =	vmul.f32 v53, v12;
	v12 =	vld [tilespmem:$0x1F510]  }
0x2b9: {  	v0 =	vadd.f32 v3, v0;
	v3 =	vld [tilespmem:$0x1F5B0]  }
0x2ba: {  	v4 =	vadd.f32 v43, v4;
	v6 =	vadd.f32 v32, v6;
	_ =	sdelay $0x1  }
0x2bb: {  	v4 =	vadd.f32 v20, v4;
	v20 =	vld [tilespmem:$0x1F530];
	v6 =	vadd.f32 v5, v6  }
0x2bc: {  	v14 =	vmul.f32 v61, v12;
	v7 =	vmul.f32 v54, v12;
	v12 =	vld [tilespmem:$0x1F520]  }
0x2bd: {  	v5 =	vld [tilespmem:$0x1F570];
	v3 =	vadd.f32 v3, v6;
	_ =	sdelay $0x1  }
0x2be: {  	[tilespmem:$0x1FC40] =	vst v3;
	v3 =	vld [tilespmem:$0x1F5C0];
	_ =	sdelay $0x2  }
0x2bf: {  	v21 =	vmul.f32 v63, v20;
	v17 =	vmul.f32 v62, v12;
	v4 =	vadd.f32 v5, v4  }
0x2c0: {  	v18 =	vmul.f32 v56, v12;
	v12 =	vmul.f32 v16, v20;
	v20 =	vld [tilespmem:$0x1F580]  }
0x2c1: {  	v58 =	vadd.f32 v3, v4;
	v3 =	vld [tilespmem:$0x1FC50]  }
0x2c2: {  	v4 =	vld [tilespmem:$0x1FC60];
	_ =	sdelay $0x2  }
0x2c3: {  	[tilespmem:$0x1FC30] =	vst v0;
	v25 =	vmul.f32 v16, v20;
	v0 =	vmul.f32 v63, v20;
	v20 =	vld [tilespmem:$0x1F5D0]  }
0x2c4: {  	v3 =	vadd.f32 v12, v3;
	v12 =	vld [tilespmem:$0x1FC70]  }
0x2c5: {  	v4 =	vadd.f32 v21, v4;
	v21 =	vld [tilespmem:$0x1FC80];
	_ =	sdelay $0x1  }
0x2c6: {  	v3 =	vadd.f32 v17, v3;
	v4 =	vadd.f32 v18, v4;
	v18 =	vld [tilespmem:$0x1F5E0];
	_ =	sdelay $0x1  }
0x2c7: {  	v6 =	vmul.f32 v62, v20;
	v3 =	vadd.f32 v14, v3;
	v14 =	vld [tilespmem:$0x1F5F0]  }
0x2c8: {  	v1 =	vld [tilespmem:$0x1F2B0];
	v12 =	vadd.f32 v25, v12;
	v0 =	vadd.f32 v0, v21;
	v21 =	vmul.f32 v56, v20;
	_ =	sdelay $0x1  }
0x2c9: {  	v6 =	vadd.f32 v6, v12;
	v0 =	vadd.f32 v21, v0;
	v12 =	vmul.f32 v54, v18  }
0x2ca: {  	v4 =	vadd.f32 v7, v4  }
0x2cb: {  	v7 =	vmul.f32 v59, v14;
	v0 =	vadd.f32 v12, v0;
	v12 =	vmul.f32 v53, v14;
	v14 =	vld [tilespmem:$0x1F650]  }
0x2cc: {  	v38 =	vmul.f32 v52, v1;
	v3 =	vadd.f32 v10, v3  }
0x2cd: {  	v17 =	vmul.f32 v61, v18;
	v18 =	vld [tilespmem:$0x1F6A0]  }
0x2ce: {  	v5 =	vld [tilespmem:$0x1F640];
	v3 =	vadd.f32 v38, v3  }
0x2cf: {  	v21 =	vld [tilespmem:$0x1F6F0]  }
0x2d0: {  	v10 =	vld [tilespmem:$0x1F600];
	v3 =	vadd.f32 v14, v3  }
0x2d1: {  	v0 =	vadd.f32 v12, v0;
	v12 =	vld [tilespmem:$0x1F610]  }
0x2d2: {  	v1 =	vmul.f32 v51, v1;
	v4 =	vadd.f32 v9, v4;
	v14 =	vld [tilespmem:$0x1F660];
	v3 =	vadd.f32 v18, v3  }
0x2d3: {  	v6 =	vadd.f32 v17, v6  }
0x2d4: {  	v1 =	vadd.f32 v1, v4;
	v18 =	vld [tilespmem:$0x1F6B0];
	v3 =	vadd.f32 v21, v3  }
0x2d5: {  	v9 =	vmul.f32 v59, v10;
	v6 =	vadd.f32 v7, v6;
	v7 =	vmul.f32 v53, v10  }
0x2d6: {  	v10 =	vmul.f32 v61, v12;
	v4 =	vmul.f32 v54, v12;
	[tilespmem:$0x1FC50] =	vst v3;
	v3 =	vld [tilespmem:$0x1F700]  }
0x2d7: {  	v12 =	vmul.f32 v62, v5;
	v1 =	vadd.f32 v14, v1;
	v14 =	vmul.f32 v56, v5;
	v5 =	vld [tilespmem:$0x1F670];
	_ =	sdelay $0x1  }
0x2d8: {  	v1 =	vadd.f32 v18, v1;
	v18 =	vld [tilespmem:$0x1F6C0]  }
0x2d9: {  	v6 =	vadd.f32 v57, v6  }
0x2da: {  	v1 =	vadd.f32 v3, v1;
	v3 =	vld [tilespmem:$0x1F710]  }
0x2db: {  	v6 =	vadd.f32 v5, v6;
	_ =	sdelay $0x1  }
0x2dc: {  	v5 =	vld [tilespmem:$0x1F680];
	v6 =	vadd.f32 v18, v6;
	_ =	sdelay $0x1  }
0x2dd: {  	v18 =	vld [tilespmem:$0x1F6D0];
	v3 =	vadd.f32 v3, v6  }
0x2de: {  	v0 =	vadd.f32 v55, v0  }
0x2df: {  	[tilespmem:$0x1FC70] =	vst v3;
	v3 =	vld [tilespmem:$0x1F720]  }
0x2e0: {  	v0 =	vadd.f32 v5, v0;
	_ =	sdelay $0x1  }
0x2e1: {  	v17 =	vld [tilespmem:$0x1F690];
	v0 =	vadd.f32 v18, v0  }
0x2e2: {  	v20 =	vld [tilespmem:$0x1F6E0]  }
0x2e3: {  	v0 =	vadd.f32 v3, v0;
	v3 =	vld [tilespmem:$0x1FCD0];
	_ =	sdelay $0x1  }
0x2e4: {  	[tilespmem:$0x1FC80] =	vst v0;
	v0 =	vld [tilespmem:$0x1FCC0]  }
0x2e5: {  	v5 =	vmul.f32 v16, v17;
	v17 =	vmul.f32 v63, v17  }
0x2e6: {  	v6 =	vld [tilespmem:$0x1FCE0]  }
0x2e7: {  	[tilespmem:$0x1FC60] =	vst v1;
	v1 =	vmul.f32 v63, v20;
	v18 =	vmul.f32 v16, v20;
	v20 =	vld [tilespmem:$0x1F730];
	v3 =	vadd.f32 v17, v3  }
0x2e8: {  	v17 =	vld [tilespmem:$0x1FCF0]  }
0x2e9: {  	v0 =	vadd.f32 v5, v0;
	v3 =	vadd.f32 v14, v3;
	v14 =	vld [tilespmem:$0x1F740];
	_ =	sdelay $0x1  }
0x2ea: {  	v0 =	vadd.f32 v12, v0  }
0x2eb: {  	v6 =	vadd.f32 v18, v6;
	v5 =	vmul.f32 v62, v20  }
0x2ec: {  	v1 =	vadd.f32 v1, v17;
	v17 =	vmul.f32 v56, v20;
	v0 =	vadd.f32 v10, v0;
	v10 =	vld [tilespmem:$0x1F750]  }
0x2ed: {  	v5 =	vadd.f32 v5, v6;
	v12 =	vmul.f32 v61, v14;
	v6 =	vmul.f32 v54, v14;
	v14 =	vld [tilespmem:$0x1F7B0]  }
0x2ee: {  	v0 =	vadd.f32 v9, v0  }
0x2ef: {  	v18 =	vld [tilespmem:$0x1F800];
	v1 =	vadd.f32 v17, v1  }
0x2f0: {  	v0 =	vadd.f32 v19, v0  }
0x2f1: {  	v3 =	vadd.f32 v4, v3;
	v20 =	vld [tilespmem:$0x1F850];
	v1 =	vadd.f32 v6, v1  }
0x2f2: {  	v4 =	vmul.f32 v59, v10;
	v6 =	vmul.f32 v53, v10;
	v10 =	vld [tilespmem:$0x1F780];
	v0 =	vadd.f32 v14, v0;
	_ =	sdelay $0x1  }
0x2f3: {  	v14 =	vld [tilespmem:$0x1F7C0];
	v0 =	vadd.f32 v18, v0  }
0x2f4: {  	v3 =	vadd.f32 v7, v3  }
0x2f5: {  	v18 =	vld [tilespmem:$0x1F810];
	v0 =	vadd.f32 v20, v0  }
0x2f6: {  	v3 =	vadd.f32 v10, v3;
	v10 =	vld [tilespmem:$0x1F790]  }
0x2f7: {  	v5 =	vadd.f32 v12, v5;
	[tilespmem:$0x1FCC0] =	vst v0;
	v0 =	vld [tilespmem:$0x1F860]  }
0x2f8: {  	v3 =	vadd.f32 v14, v3;
	v14 =	vld [tilespmem:$0x1F7D0]  }
0x2f9: {  	v4 =	vadd.f32 v4, v5  }
0x2fa: {  	v3 =	vadd.f32 v18, v3;
	v18 =	vld [tilespmem:$0x1F820]  }
0x2fb: {  	v4 =	vadd.f32 v10, v4  }
0x2fc: {  	v0 =	vadd.f32 v0, v3;
	v3 =	vld [tilespmem:$0x1F870]  }
0x2fd: {  	v4 =	vadd.f32 v14, v4;
	_ =	sdelay $0x1  }
0x2fe: {  	v14 =	vld [tilespmem:$0x1F7E0];
	v4 =	vadd.f32 v18, v4  }
0x2ff: {  	v1 =	vadd.f32 v6, v1  }
0x300: {  	v18 =	vld [tilespmem:$0x1F830];
	v3 =	vadd.f32 v3, v4  }
0x301: {  	v1 =	vadd.f32 v24, v1  }
0x302: {  	[tilespmem:$0x1FCE0] =	vst v3;
	v3 =	vld [tilespmem:$0x1F880]  }
0x303: {  	v1 =	vadd.f32 v14, v1;
	_ =	sdelay $0x1  }
0x304: {  	v17 =	vld [tilespmem:$0x1F7F0];
	v1 =	vadd.f32 v18, v1  }
0x305: {  	v12 =	vld [tilespmem:$0x1F7A0]  }
0x306: {  	v19 =	vld [tilespmem:$0x1F840];
	v1 =	vadd.f32 v3, v1  }
0x307: {  	v3 =	vld [tilespmem:$0x1F8A0]  }
0x308: {  	[tilespmem:$0x1FCF0] =	vst v1;
	v1 =	vld [tilespmem:$0x1F890];
	_ =	sdelay $0x1  }
0x309: {  	v10 =	vmul.f32 v62, v12  }
0x30a: {  	v9 =	vld [tilespmem:$0x1F760];
	v14 =	vmul.f32 v16, v17;
	v17 =	vmul.f32 v63, v17  }
0x30b: {  	[tilespmem:$0x1FCD0] =	vst v0;
	v0 =	vmul.f32 v63, v19;
	v18 =	vmul.f32 v16, v19;
	v19 =	vld [tilespmem:$0x1F8B0]  }
0x30c: {  	v12 =	vmul.f32 v56, v12;
	v3 =	vadd.f32 v17, v3;
	v1 =	vadd.f32 v14, v1;
	v14 =	vld [tilespmem:$0x1F8C0];
	_ =	sdelay $0x1  }
0x30d: {  	v3 =	vadd.f32 v12, v3;
	v12 =	vld [tilespmem:$0x1F8E0]  }
0x30e: {  	v7 =	vmul.f32 v59, v9;
	v5 =	vmul.f32 v53, v9;
	v9 =	vld [tilespmem:$0x1F770];
	_ =	sdelay $0x1  }
0x30f: {  	v4 =	vmul.f32 v62, v19;
	v14 =	vadd.f32 v18, v14;
	_ =	sdelay $0x1  }
0x310: {  	v1 =	vadd.f32 v10, v1;
	v10 =	vmul.f32 v61, v12;
	v4 =	vadd.f32 v4, v14  }
0x311: {  	v6 =	vmul.f32 v61, v9  }
0x312: {  	v4 =	vadd.f32 v10, v4;
	v10 =	vld [tilespmem:$0x1F920]  }
0x313: {  	v20 =	vld [tilespmem:$0x1FA10];
	v1 =	vadd.f32 v6, v1  }
0x314: {  	v14 =	vld [tilespmem:$0x1F970]  }
0x315: {  	v17 =	vld [tilespmem:$0x1F8D0];
	v1 =	vadd.f32 v7, v1  }
0x316: {  	v9 =	vmul.f32 v54, v9;
	v18 =	vld [tilespmem:$0x1F9C0]  }
0x317: {  	v1 =	vadd.f32 v10, v1;
	v10 =	vld [tilespmem:$0x1F930]  }
0x318: {  	v3 =	vadd.f32 v9, v3;
	v9 =	vld [tilespmem:$0x1F8F0]  }
0x319: {  	v1 =	vadd.f32 v14, v1;
	v14 =	vld [tilespmem:$0x1F980]  }
0x31a: {  	v3 =	vadd.f32 v5, v3  }
0x31b: {  	v1 =	vadd.f32 v18, v1;
	v18 =	vld [tilespmem:$0x1F9D0]  }
0x31c: {  	v3 =	vadd.f32 v10, v3;
	v10 =	vld [tilespmem:$0x1F940]  }
0x31d: {  	v6 =	vmul.f32 v59, v9;
	v30 =	vadd.f32 v20, v1;
	v1 =	vld [tilespmem:$0x1FA20]  }
0x31e: {  	v0 =	vadd.f32 v0, v17;
	v17 =	vmul.f32 v56, v19;
	v3 =	vadd.f32 v14, v3;
	v14 =	vld [tilespmem:$0x1F990]  }
0x31f: {  	v4 =	vadd.f32 v6, v4  }
0x320: {  	v0 =	vadd.f32 v17, v0;
	v12 =	vmul.f32 v54, v12;
	v3 =	vadd.f32 v18, v3;
	v18 =	vld [tilespmem:$0x1F9E0]  }
0x321: {  	v4 =	vadd.f32 v10, v4;
	v10 =	vld [tilespmem:$0x1F950]  }
0x322: {  	v0 =	vadd.f32 v12, v0;
	v9 =	vmul.f32 v53, v9;
	v43 =	vadd.f32 v1, v3;
	v3 =	vld [tilespmem:$0x1FA30]  }
0x323: {  	v4 =	vadd.f32 v14, v4;
	v14 =	vld [tilespmem:$0x1F9A0]  }
0x324: {  	v0 =	vadd.f32 v9, v0  }
0x325: {  	v4 =	vadd.f32 v18, v4;
	v18 =	vld [tilespmem:$0x1F9F0]  }
0x326: {  	v0 =	vadd.f32 v10, v0  }
0x327: {  	v49 =	vadd.f32 v3, v4;
	v3 =	vld [tilespmem:$0x1FA40]  }
0x328: {  	v0 =	vadd.f32 v14, v0  }
0x329: {  	v19 =	vld [tilespmem:$0x1FA00]  }
0x32a: {  	v17 =	vld [tilespmem:$0x1F9B0];
	v0 =	vadd.f32 v18, v0  }
0x32b: {  	v12 =	vld [tilespmem:$0x1F960]  }
0x32c: {  	v46 =	vadd.f32 v3, v0;
	v0 =	vld [tilespmem:$0x1FA50]  }
0x32d: {  	v3 =	vld [tilespmem:$0x1FA60];
	_ =	sdelay $0x1  }
0x32e: {  	v7 =	vld [tilespmem:$0x1F900];
	v1 =	vmul.f32 v63, v19  }
0x32f: {  	v9 =	vld [tilespmem:$0x1F910];
	v14 =	vmul.f32 v16, v17;
	v17 =	vmul.f32 v63, v17  }
0x330: {  	v10 =	vmul.f32 v62, v12;
	v18 =	vmul.f32 v16, v19;
	v19 =	vld [tilespmem:$0x1FA70]  }
0x331: {  	v12 =	vmul.f32 v56, v12;
	v0 =	vadd.f32 v14, v0;
	v3 =	vadd.f32 v17, v3;
	v14 =	vld [tilespmem:$0x1FA80]  }
0x332: {  	v17 =	vld [tilespmem:$0x1FA90]  }
0x333: {  	v5 =	vmul.f32 v59, v7;
	v6 =	vmul.f32 v53, v7;
	v3 =	vadd.f32 v12, v3;
	v12 =	vld [tilespmem:$0x1FAA0]  }
0x334: {  	v7 =	vmul.f32 v61, v9;
	v9 =	vmul.f32 v54, v9;
	_ =	sdelay $0x1  }
0x335: {  	v4 =	vmul.f32 v62, v19;
	v3 =	vadd.f32 v9, v3;
	v9 =	vld [tilespmem:$0x1FAB0]  }
0x336: {  	v14 =	vadd.f32 v18, v14;
	v1 =	vadd.f32 v1, v17;
	v17 =	vmul.f32 v56, v19  }
0x337: {  	v0 =	vadd.f32 v10, v0;
	v10 =	vmul.f32 v61, v12  }
0x338: {  	v4 =	vadd.f32 v4, v14;
	v1 =	vadd.f32 v17, v1;
	v12 =	vmul.f32 v54, v12  }
0x339: {  	v0 =	vadd.f32 v7, v0  }
0x33a: {  	v7 =	vmul.f32 v59, v9;
	v4 =	vadd.f32 v10, v4;
	v1 =	vadd.f32 v12, v1;
	v12 =	vld [tilespmem:$0x1FAF0];
	_ =	sdelay $0x1  }
0x33b: {  	v4 =	vadd.f32 v7, v4;
	v7 =	vld [tilespmem:$0x1FAE0]  }
0x33c: {  	v0 =	vadd.f32 v5, v0;
	_ =	sdelay $0x1  }
0x33d: {  	v0 =	vadd.f32 v12, v0;
	v12 =	vld [tilespmem:$0x1FB00];
	_ =	sdelay $0x1  }
0x33e: {  	v14 =	vmul.f32 v61, v7;
	v17 =	vmul.f32 v54, v7;
	v7 =	vld [tilespmem:$0x1FB10]  }
0x33f: {  	v3 =	vadd.f32 v6, v3;
	_ =	sdelay $0x1  }
0x340: {  	v3 =	vadd.f32 v12, v3;
	v12 =	vld [tilespmem:$0x1FB40];
	_ =	sdelay $0x1  }
0x341: {  	v4 =	vadd.f32 v7, v4;
	v7 =	vld [tilespmem:$0x1FB20]  }
0x342: {  	v9 =	vmul.f32 v53, v9;
	_ =	sdelay $0x1  }
0x343: {  	v1 =	vadd.f32 v9, v1;
	v0 =	vadd.f32 v12, v0;
	v12 =	vld [tilespmem:$0x1FB50];
	_ =	sdelay $0x1  }
0x344: {  	v1 =	vadd.f32 v7, v1;
	v7 =	vld [tilespmem:$0x1FB30];
	_ =	sdelay $0x2  }
0x345: {  	v3 =	vadd.f32 v12, v3;
	v12 =	vld [tilespmem:$0x1FB90]  }
0x346: {  	v33 =	vld [tilespmem:$0x1F4B0]  }
0x347: {  	v18 =	vmul.f32 v62, v7;
	v19 =	vmul.f32 v56, v7;
	v7 =	vld [tilespmem:$0x1FB60]  }
0x348: {  	v27 =	vld [tilespmem:$0x1F4C0]  }
0x349: {  	v26 =	vld [tilespmem:$0x1FEF0]  }
0x34a: {  	v12 =	vadd.f32 v12, v0;
	v0 =	vld [tilespmem:$0x1FBA0]  }
0x34b: {  	v28 =	vld [tilespmem:$0x1F4F0]  }
0x34c: {  	v4 =	vadd.f32 v7, v4;
	v7 =	vld [tilespmem:$0x1FB70]  }
0x34d: {  	v25 =	vld [tilespmem:$0x1FE70]  }
0x34e: {  	v6 =	vld [tilespmem:$0x1FAC0]  }
0x34f: {  	v55 =	vmov v23;
	v23 =	vadd.f32 v0, v3;
	v0 =	vld [tilespmem:$0x1FBB0]  }
0x350: {  	v3 =	vld [tilespmem:$0x1FBC0]  }
0x351: {  	p0 =	sne.s32 s20, $0x1;
	v1 =	vadd.f32 v7, v1;
	v7 =	vld [tilespmem:$0x1FB80]  }
.Ltmp0:
0x352: {  	v38 =	vld [tilespmem:$0x1F620];
	(pc) =	sbr.rel @p0 .LBB2_2-.Ltmp0, $4  }
0x353: {  	v57 =	vld [tilespmem:$0x1F630]  }
0x354: {  	v60 =	vadd.s32 $0x8, v60;
	v10 =	vld [tilespmem:$0x1FE90]  }
0x355: {  	v5 =	vmul.f32 v59, v6;
	v9 =	vld [tilespmem:$0x1FAD0];
	v6 =	vmul.f32 v53, v6;
	v0 =	vadd.f32 v0, v4  }
0x356: {  	s20 =	sadd.s32 $0xFFFFFFFF, s20;
	v4 =	vld [tilespmem:$0x1FE80];
	v24 =	vadd.f32 v3, v1;
	v21 =	vmul.f32 v16, v7;
	v22 =	vmul.f32 v63, v7  }
0x357: {  	v3 =	vld [tilespmem:$0x1FDC0]  }
0x358: {  	v7 =	vld [tilespmem:$0x1FD80];
	_ =	sdelay $0x1  }
0x359: {  	v32 =	vld [tilespmem:$0x1FD50];
	v9 =	vadd.f32 v22, v9  }
0x35a: {  	v20 =	vadd.f32 v15, v12  }
0x35b: {  	v4 =	vadd.f32 v21, v4;
	v9 =	vadd.f32 v19, v9;
	v19 =	vld [tilespmem:$0x1FD30]  }
0x35c: {  	v12 =	vadd.f32 v3, v0;
	v3 =	vmul.f32 v16, v7;
	v7 =	vmul.f32 v63, v7;
	_ =	sdelay $0x1  }
0x35d: {  	v4 =	vadd.f32 v18, v4;
	v18 =	vmul.f32 v56, v32;
	v7 =	vadd.f32 v7, v27;
	_ =	sdelay $0x1  }
0x35e: {  	v4 =	vadd.f32 v14, v4;
	v7 =	vadd.f32 v18, v7;
	v14 =	vmul.f32 v54, v19;
	_ =	sdelay $0x1  }
0x35f: {  	v7 =	vadd.f32 v14, v7;
	v14 =	vld [tilespmem:$0x1FD00]  }
0x360: {  	v3 =	vadd.f32 v3, v10;
	v10 =	vmul.f32 v62, v32;
	_ =	sdelay $0x1  }
0x361: {  	v3 =	vadd.f32 v10, v3;
	v10 =	vmul.f32 v61, v19  }
0x362: {  	v9 =	vadd.f32 v17, v9  }
0x363: {  	v3 =	vadd.f32 v10, v3;
	v10 =	vmul.f32 v59, v14;
	v14 =	vmul.f32 v53, v14  }
0x364: {  	v39 =	vadd.f32 v6, v9  }
0x365: {  	v3 =	vadd.f32 v10, v3;
	v6 =	vadd.f32 v14, v7;
	_ =	sdelay $0x1  }
0x366: {  	v2 =	vadd.f32 v2, v3;
	v3 =	vadd.f32 v13, v6;
	v6 =	vld [tilespmem:$0x1FEA0];
	_ =	sdelay $0x2  }
0x367: {  	v4 =	vadd.f32 v5, v4;
	v5 =	vadd.f32 v8, v39;
	_ =	sdelay $0x1  }
0x368: {  	v5 =	vadd.f32 v6, v5;
	v6 =	vld [tilespmem:$0x1FEB0];
	_ =	sdelay $0x4  }
0x369: {  	v2 =	vadd.f32 v6, v2;
	v6 =	vld [tilespmem:$0x1FEC0];
	_ =	sdelay $0x1  }
0x36a: {  	v9 =	vld [tilespmem:$0x1FD90]  }
0x36b: {  	v10 =	vld [tilespmem:$0x1FDA0]  }
0x36c: {  	v7 =	vadd.f32 v42, v2;
	v2 =	vld [tilespmem:$0x1FE60]  }
0x36d: {  	v3 =	vadd.f32 v6, v3;
	v6 =	vld [tilespmem:$0x1FE50]  }
0x36e: {  	v14 =	vld [tilespmem:$0x1FD60]  }
0x36f: {  	v13 =	vld [tilespmem:$0x1FD70];
	_ =	sdelay $0x1  }
0x370: {  	v4 =	vadd.f32 v11, v4;
	v8 =	vmul.f32 v16, v10  }
0x371: {  	v3 =	vadd.f32 v2, v3;
	v2 =	vld [tilespmem:$0x1FDF0];
	v5 =	vadd.f32 v6, v5;
	v6 =	vmul.f32 v16, v9  }
0x372: {  	v15 =	vld [tilespmem:$0x1FE20];
	v4 =	vadd.f32 v34, v4;
	v60 =	vadd.f32 v8, v25  }
0x373: {  	v8 =	vmul.f32 v62, v13;
	v42 =	vadd.f32 v6, v26;
	v6 =	vmul.f32 v62, v14;
	v62 =	vld [tilespmem:$0x1FD40]  }
0x374: {  	v31 =	vld [tilespmem:$0x1FCB0];
	v4 =	vadd.f32 v41, v4  }
0x375: {  	v16 =	vld [tilespmem:$0x1FD10]  }
0x376: {  	v19 =	vadd.f32 v2, v4;
	v2 =	vld [tilespmem:$0x1FE00]  }
0x377: {  	v29 =	vld [tilespmem:$0x1FCA0]  }
0x378: {  	v21 =	vld [tilespmem:$0x1FC00];
	v4 =	vadd.f32 v6, v42;
	v6 =	vmul.f32 v63, v9;
	v9 =	vmul.f32 v61, v62  }
0x379: {  	v32 =	vld [tilespmem:$0x1FD20]  }
0x37a: {  	v18 =	vld [tilespmem:$0x1FBE0];
	v4 =	vadd.f32 v9, v4;
	v9 =	vmul.f32 v59, v16  }
0x37b: {  	v39 =	vld [tilespmem:$0x1FC20];
	v2 =	vadd.f32 v2, v5  }
0x37c: {  	v5 =	vadd.f32 v8, v60;
	v8 =	vmul.f32 v61, v57;
	v4 =	vadd.f32 v9, v4;
	v9 =	vld [tilespmem:$0x1FE30]  }
0x37d: {  	v41 =	vld [tilespmem:$0x1FC40]  }
0x37e: {  	v42 =	vld [tilespmem:$0x1FC50];
	v5 =	vadd.f32 v8, v5;
	v8 =	vmul.f32 v59, v32  }
0x37f: {  	v59 =	vld [tilespmem:$0x1FCC0]  }
0x380: {  	v5 =	vadd.f32 v8, v5;
	v8 =	vmul.f32 v52, v31;
	v52 =	vld [tilespmem:$0x1FC70]  }
0x381: {  	v11 =	vmax.f32 v18, v21;
	v3 =	vadd.f32 v9, v3;
	v9 =	vld [tilespmem:$0x1FED0]  }
0x382: {  	v11 =	vmax.f32 v11, v39;
	v60 =	vld [tilespmem:$0x1FCE0]  }
0x383: {  	v1 =	vld [tilespmem:$0x1FDB0];
	v15 =	vadd.f32 v15, v7;
	v7 =	vmax.f32 v11, v41  }
0x384: {  	v0 =	vld [tilespmem:$0x1FDD0];
	v10 =	vmul.f32 v63, v10;
	v6 =	vadd.f32 v6, v33;
	v7 =	vmax.f32 v7, v42  }
0x385: {  	v5 =	vadd.f32 v8, v5;
	v8 =	vmul.f32 v50, v29;
	v7 =	vmax.f32 v7, v52  }
0x386: {  	v7 =	vmax.f32 v7, v59;
	v4 =	vadd.f32 v9, v4;
	v9 =	vadd.f32 v10, v28;
	v28 =	vld [tilespmem:$0x1FC90]  }
0x387: {  	v5 =	vadd.f32 v8, v5;
	v8 =	vmul.f32 v56, v14;
	v7 =	vmax.f32 v7, v60  }
0x388: {  	v1 =	vadd.f32 v1, v23;
	v14 =	vld [tilespmem:$0x1FBD0];
	v7 =	vmax.f32 v7, v30  }
0x389: {  	v0 =	vadd.f32 v0, v24;
	v6 =	vadd.f32 v8, v6;
	v8 =	vld [tilespmem:$0x1FE40];
	v7 =	vmax.f32 v7, v49  }
0x38a: {  	v34 =	vimm.s32 $0x0;
	v7 =	vmax.f32 v7, v20;
	v4 =	vadd.f32 v55, v4  }
0x38b: {  	v11 =	vmul.f32 v56, v13;
	v7 =	vmax.f32 v7, v12;
	v10 =	vmul.f32 v47, v28  }
0x38c: {  	v62 =	vmul.f32 v54, v62;
	v61 =	vmax.f32 v7, v19;
	v4 =	vadd.f32 v38, v4  }
0x38d: {  	v7 =	vadd.f32 v11, v9;
	v5 =	vadd.f32 v10, v5;
	v10 =	vmul.f32 v44, v14  }
0x38e: {  	v13 =	vadd.f32 v8, v4;
	v4 =	vmax.f32 v61, v15;
	v8 =	vmul.f32 v54, v57  }
0x38f: {  	v17 =	vadd.f32 v10, v5;
	v5 =	vadd.f32 v62, v6;
	v6 =	vmul.f32 v53, v16  }
0x390: {  	v4 =	vmax.f32 v4, v13;
	v63 =	vadd.f32 v8, v7;
	v7 =	vmul.f32 v53, v32  }
0x391: {  	v10 =	vmul.f32 v40, v14;
	v16 =	vmax.f32 v4, v17;
	v5 =	vadd.f32 v6, v5  }
0x392: {  	v4 =	vadd.f32 v7, v63;
	v7 =	vmul.f32 v51, v31;
	vm0 =	veq.f32 v17, v16  }
0x393: {  	vm5 =	veq.f32 v13, v16;
	vm6 =	veq.f32 v15, v16;
	vm7 =	veq.f32 v19, v16  }
0x394: {  	vm8 =	veq.f32 v12, v16;
	vm9 =	veq.f32 v20, v16;
	v6 =	vsel vm0, $0xF, v34  }
0x395: {  	vm10 =	veq.f32 v49, v16;
	vm11 =	veq.f32 v30, v16;
	v6 =	vsel vm5, $0xE, v6  }
0x396: {  	v8 =	vld [tilespmem:$0x1FEE0];
	vm12 =	veq.f32 v60, v16;
	vm13 =	veq.f32 v59, v16;
	v6 =	vsel vm6, $0xD, v6  }
0x397: {  	vm14 =	veq.f32 v52, v16;
	vm15 =	veq.f32 v42, v16;
	v6 =	vsel vm7, $0xC, v6  }
0x398: {  	vm4 =	veq.f32 v41, v16;
	v9 =	vsub.f32 v21, v16;
	v6 =	vsel vm8, $0xB, v6  }
0x399: {  	v14 =	vsub.f32 v59, v16;
	v38 =	vsub.f32 v30, v16;
	v6 =	vsel vm9, $0xA, v6  }
0x39a: {  	v40 =	vsub.f32 v49, v16;
	v51 =	vsub.f32 v15, v16;
	v6 =	vsel vm10, $0x9, v6  }
0x39b: {  	v55 =	vsub.f32 v17, v16;
	v5 =	vadd.f32 v8, v5;
	v6 =	vsel vm11, $0x8, v6  }
0x39c: {  	v4 =	vadd.f32 v7, v4;
	v7 =	vmul.f32 v48, v29;
	v6 =	vsel vm12, $0x7, v6  }
0x39d: {  	v8 =	vsub.f32 v18, v16;
	vm5 =	veq.f32 v39, v16;
	v6 =	vsel vm13, $0x6, v6  }
0x39e: {  	v14 =	vmul.f32 $1.442695020e+00, v14;
	v23 =	vmul.f32 $1.442695020e+00, v40;
	v6 =	vsel vm14, $0x5, v6  }
0x39f: {  	v5 =	vadd.f32 v35, v5;
	v4 =	vadd.f32 v7, v4;
	v6 =	vsel vm15, $0x4, v6  }
0x3a0: {  	v7 =	vmul.f32 v45, v28;
	v33 =	vsel vm4, $0x3, v6;
	v6 =	vmul.f32 $1.442695020e+00, v8  }
0x3a1: {  	vm6 =	veq.f32 v21, v16;
	v45 =	vsub.f32 v20, v16;
	v8 =	vmul.f32 $1.442695020e+00, v9  }
0x3a2: {  	vm7 =	veq.f32 v18, v16;
	v9 =	vsub.f32 v39, v16;
	(erf) = vpow2.f32 v6  }
0x3a3: {  	v5 =	vadd.f32 v37, v5;
	v7 =	vadd.f32 v7, v4;
	(erf) = vpow2.f32 v8  }
0x3a4: {  	v25 =	vmul.f32 $1.442695020e+00, v45;
	v8 =	vmul.f32 $1.442695020e+00, v9;
	v9 =	vsub.f32 v41, v16  }
0x3a5: {  	v7 =	vadd.f32 v10, v7;
	v10 =	vsub.f32 v52, v16;
	v4 =	vsel vm5, $0x2, v33  }
0x3a6: {  	(erf) = vpow2.f32 v8;
	v8 =	vmul.f32 $1.442695020e+00, v9;
	v9 =	vsub.f32 v42, v16  }
0x3a7: {  	v11 =	vmul.f32 $1.442695020e+00, v10;
	v4 =	vsel vm6, $0x1, v4;
	v6 =	vadd.f32 v36, v5  }
0x3a8: {  	v4 =	vsel vm7, $0x0, v4;
	(erf) = vpow2.f32 v8;
	v9 =	vmul.f32 $1.442695020e+00, v9  }
0x3a9: {  	v36 =	vsub.f32 v60, v16;
	vm0 =	veq.s32 v4, $0x0;
	vm8 =	veq.s32 v4, $0x1  }
0x3aa: {  	vm9 =	veq.s32 v4, $0x2;
	vm1 =	veq.s32 v4, $0x3;
	(erf) = vpow2.f32 v9  }
0x3ab: {  	vm10 =	veq.s32 v4, $0x4;
	vm11 =	veq.s32 v4, $0x5;
	v5 =	vsel vm0, $0xFF800000, v18;
	v18 =	vpop (erf)  }
0x3ac: {  	v22 =	vmul.f32 $1.442695020e+00, v36;
	vm12 =	veq.s32 v4, $0x6;
	v35 =	vpop (erf);
	(erf) = vpow2.f32 v11  }
0x3ad: {  	vm13 =	veq.s32 v4, $0x7;
	vm14 =	veq.s32 v4, $0x8;
	vm15 =	veq.s32 v4, $0x9  }
0x3ae: {  	vm4 =	veq.s32 v4, $0xA;
	v18 =	vadd.f32 v35, v18;
	(erf) = vpow2.f32 v14  }
0x3af: {  	vm5 =	veq.s32 v4, $0xB;
	v8 =	vsel vm8, $0xFF800000, v21;
	v9 =	vsel vm9, $0xFF800000, v39;
	v37 =	vpop (erf)  }
0x3b0: {  	v39 =	vmul.f32 $1.442695020e+00, v38;
	(erf) = vpow2.f32 v22;
	v21 =	vadd.f32 v18, v37  }
0x3b1: {  	vm6 =	veq.s32 v4, $0xC;
	vm7 =	veq.s32 v4, $0xD;
	v10 =	vsel vm1, $0xFF800000, v41;
	v41 =	vpop (erf)  }
0x3b2: {  	v26 =	vsel vm15, $0xFF800000, v49;
	(erf) = vpow2.f32 v39;
	v24 =	vadd.f32 v21, v41  }
0x3b3: {  	v20 =	vsel vm4, $0xFF800000, v20;
	v47 =	vsel vm5, $0xFF800000, v12;
	v11 =	vsel vm10, $0xFF800000, v42;
	v42 =	vpop (erf)  }
0x3b4: {  	v12 =	vsub.f32 v12, v16;
	v28 =	vsel vm6, $0xFF800000, v19;
	v24 =	vadd.f32 v24, v42  }
0x3b5: {  	v29 =	vld [tilespmem:$0x1FC10];
	v19 =	vsub.f32 v19, v16;
	v57 =	vsel vm7, $0xFF800000, v15;
	(erf) = vpow2.f32 v23;
	v44 =	vpop (erf)  }
0x3b6: {  	v12 =	vmul.f32 $1.442695020e+00, v12;
	v22 =	vsel vm14, $0xFF800000, v30;
	v30 =	vld [tilespmem:$0x1FBF0];
	v23 =	vadd.f32 v24, v44  }
0x3b7: {  	v31 =	vld [tilespmem:$0x1FC30];
	v19 =	vmul.f32 $1.442695020e+00, v19;
	v49 =	vmax.f32 v5, v8;
	v48 =	vpop (erf);
	(erf) = vpow2.f32 v25  }
0x3b8: {  	v14 =	vsel vm11, $0xFF800000, v52;
	v52 =	vmul.f32 $1.442695020e+00, v51;
	v23 =	vadd.f32 v23, v48  }
0x3b9: {  	v56 =	vld [tilespmem:$0x1FC60];
	v21 =	vsel vm13, $0xFF800000, v60;
	v24 =	vmax.f32 v49, v9;
	v50 =	vpop (erf);
	(erf) = vpow2.f32 v12  }
0x3ba: {  	v60 =	vld [tilespmem:$0x1FC80];
	(erf) = vpow2.f32 v19;
	v19 =	vsub.f32 v13, v16;
	v23 =	vadd.f32 v23, v50  }
0x3bb: {  	v61 =	vld [tilespmem:$0x1FCD0];
	v18 =	vsel vm12, $0xFF800000, v59;
	v54 =	vmax.f32 v30, v29;
	v24 =	vmax.f32 v24, v10;
	v12 =	vpop (erf)  }
0x3bc: {  	v63 =	vld [tilespmem:$0x1FCF0];
	v19 =	vmul.f32 $1.442695020e+00, v19;
	v12 =	vadd.f32 v23, v12;
	v23 =	vmax.f32 v54, v31  }
0x3bd: {  	v24 =	vmax.f32 v24, v11;
	(erf) = vpow2.f32 v52;
	v23 =	vmax.f32 v23, v58  }
0x3be: {  	v53 =	vpop (erf);
	(erf) = vpow2.f32 v19;
	v19 =	vmul.f32 $1.442695020e+00, v55;
	v23 =	vmax.f32 v23, v56  }
0x3bf: {  	v24 =	vmax.f32 v24, v14;
	v12 =	vadd.f32 v12, v53;
	v23 =	vmax.f32 v23, v60  }
0x3c0: {  	v24 =	vmax.f32 v24, v18;
	v59 =	vpop (erf);
	(erf) = vpow2.f32 v19;
	v19 =	vmax.f32 v23, v61  }
0x3c1: {  	v15 =	vmax.f32 v24, v21;
	v12 =	vadd.f32 v12, v59;
	v19 =	vmax.f32 v19, v63  }
0x3c2: {  	vm8 =	veq.s32 v4, $0xE;
	v15 =	vmax.f32 v15, v22;
	v62 =	vpop (erf);
	v19 =	vmax.f32 v19, v43  }
0x3c3: {  	v15 =	vmax.f32 v15, v26;
	v12 =	vadd.f32 v12, v62;
	v19 =	vmax.f32 v19, v46  }
0x3c4: {  	vm9 =	veq.s32 v4, $0xF;
	v15 =	vmax.f32 v15, v20;
	v40 =	vpop (erf);
	v19 =	vmax.f32 v19, v1  }
0x3c5: {  	v15 =	vmax.f32 v15, v47;
	v12 =	vadd.f32 v12, v40;
	v19 =	vmax.f32 v19, v0  }
0x3c6: {  	v13 =	vsel vm8, $0xFF800000, v13;
	v15 =	vmax.f32 v15, v28;
	v41 =	vpop (erf);
	v19 =	vmax.f32 v19, v2  }
0x3c7: {  	v15 =	vmax.f32 v15, v57;
	v12 =	vadd.f32 v12, v41;
	v19 =	vmax.f32 v19, v3  }
0x3c8: {  	v17 =	vsel vm9, $0xFF800000, v17;
	v15 =	vmax.f32 v15, v13;
	v42 =	vpop (erf)  }
0x3c9: {  	v15 =	vmax.f32 v15, v17;
	v23 =	vadd.f32 v12, v42;
	v12 =	vmax.f32 v19, v6  }
0x3ca: {  	v16 =	vsub.f32 v15, v16;
	v12 =	vmax.f32 v12, v7;
	v19 =	vpop (erf)  }
0x3cb: {  	v44 =	vsub.f32 v30, v12;
	v19 =	vadd.f32 v23, v19  }
0x3cc: {  	v16 =	vmul.f32 $1.442695020e+00, v16;
	v45 =	vsub.f32 v29, v12  }
0x3cd: {  	vm0 =	veq.f32 v17, v15;
	v17 =	vmul.f32 $1.442695020e+00, v44;
	(erf) = vrcp.f32 v19  }
0x3ce: {  	v19 =	vsub.f32 v31, v12;
	(erf) = vpow2.f32 v16;
	v16 =	vmul.f32 $1.442695020e+00, v45  }
0x3cf: {  	vm1 =	veq.f32 v13, v15;
	(erf) = vpow2.f32 v17  }
0x3d0: {  	v13 =	vmul.f32 $1.442695020e+00, v19;
	(erf) = vpow2.f32 v16;
	v16 =	vsub.f32 v58, v12;
	_ =	sdelay $0x1  }
0x3d1: {  	(erf) = vpow2.f32 v13;
	v13 =	vmul.f32 $1.442695020e+00, v16;
	v16 =	vsub.f32 v56, v12  }
0x3d2: {  	vm2 =	veq.f32 v57, v15;
	vm4 =	veq.f32 v28, v15;
	vm5 =	veq.f32 v47, v15  }
0x3d3: {  	vm3 =	veq.f32 v7, v12;
	vm10 =	veq.f32 v6, v12;
	v16 =	vmul.f32 $1.442695020e+00, v16  }
0x3d4: {  	vm6 =	veq.f32 v3, v12;
	v19 =	vsub.f32 v60, v12;
	(erf) = vpow2.f32 v13  }
0x3d5: {  	vm11 =	veq.f32 v2, v12;
	v17 =	vsel vm3, $0xF, v34;
	v13 =	vpop (erf);
	(erf) = vpow2.f32 v16  }
0x3d6: {  	vm3 =	veq.f32 v20, v15;
	v20 =	vsub.f32 v61, v12;
	v19 =	vmul.f32 $1.442695020e+00, v19  }
0x3d7: {  	vm7 =	veq.f32 v0, v12;
	vm12 =	veq.f32 v1, v12;
	v48 =	vsub.f32 v63, v12  }
0x3d8: {  	vm13 =	veq.f32 v46, v12;
	v50 =	vsub.f32 v43, v12;
	v20 =	vmul.f32 $1.442695020e+00, v20;
	v16 =	vpop (erf)  }
0x3d9: {  	vm14 =	veq.f32 v43, v12;
	v52 =	vsub.f32 v46, v12;
	(erf) = vpow2.f32 v19;
	v47 =	vpop (erf)  }
0x3da: {  	v17 =	vsel vm10, $0xE, v17;
	(erf) = vpow2.f32 v20;
	v20 =	vmul.f32 $1.442695020e+00, v48;
	v19 =	vpop (erf)  }
0x3db: {  	vm8 =	veq.f32 v63, v12;
	v17 =	vsel vm6, $0xD, v17;
	v19 =	vadd.f32 v19, v47  }
0x3dc: {  	v17 =	vsel vm11, $0xC, v17;
	v49 =	vpop (erf);
	(erf) = vpow2.f32 v20;
	v20 =	vmul.f32 $1.442695020e+00, v50  }
0x3dd: {  	v54 =	vsub.f32 v1, v12;
	v17 =	vsel vm7, $0xB, v17;
	v19 =	vadd.f32 v19, v49;
	v51 =	vpop (erf)  }
0x3de: {  	v17 =	vsel vm12, $0xA, v17;
	v53 =	vpop (erf);
	(erf) = vpow2.f32 v20;
	v20 =	vmul.f32 $1.442695020e+00, v52  }
0x3df: {  	vm15 =	veq.f32 v61, v12;
	v17 =	vsel vm13, $0x9, v17;
	v19 =	vadd.f32 v19, v51  }
0x3e0: {  	vm9 =	veq.f32 v56, v12;
	v55 =	vmul.f32 $1.442695020e+00, v54;
	v17 =	vsel vm14, $0x8, v17  }
0x3e1: {  	v17 =	vsel vm8, $0x7, v17;
	v19 =	vadd.f32 v19, v53;
	(erf) = vpow2.f32 v20  }
0x3e2: {  	vm10 =	veq.f32 v31, v12;
	vm12 =	veq.f32 v60, v12;
	v17 =	vsel vm15, $0x6, v17;
	v20 =	vpop (erf)  }
0x3e3: {  	v17 =	vsel vm12, $0x5, v17;
	(erf) = vpow2.f32 v55;
	v19 =	vadd.f32 v19, v20  }
0x3e4: {  	vm6 =	veq.f32 v26, v15;
	vm13 =	veq.f32 v58, v12;
	v17 =	vsel vm9, $0x4, v17;
	v20 =	vpop (erf)  }
0x3e5: {  	vm11 =	veq.f32 v11, v15;
	v17 =	vsel vm13, $0x3, v17;
	v19 =	vadd.f32 v19, v20  }
0x3e6: {  	vm14 =	veq.f32 v29, v12;
	vm9 =	veq.f32 v18, v15;
	v17 =	vsel vm10, $0x2, v17;
	v18 =	vpop (erf)  }
0x3e7: {  	vm10 =	veq.f32 v30, v12;
	v17 =	vsel vm14, $0x1, v17;
	v18 =	vadd.f32 v19, v18  }
0x3e8: {  	vm13 =	veq.f32 v14, v15;
	v11 =	vsel vm10, $0x0, v17;
	v17 =	vsub.f32 v0, v12;
	v14 =	vpop (erf)  }
0x3e9: {  	vm12 =	veq.f32 v10, v15;
	vm10 =	veq.f32 v9, v15;
	v10 =	vadd.f32 v18, v14  }
0x3ea: {  	vm14 =	veq.s32 v11, $0x0;
	vm15 =	veq.s32 v11, $0x2;
	v17 =	vmul.f32 $1.442695020e+00, v17;
	v14 =	vpop (erf)  }
0x3eb: {  	v9 =	vsel vm14, $0xFF800000, v30;
	vm14 =	veq.s32 v11, $0x1;
	v10 =	vadd.f32 v10, v14  }
0x3ec: {  	(erf) = vpow2.f32 v17;
	v17 =	vsub.f32 v3, v12;
	v18 =	vsel vm15, $0xFF800000, v31;
	v19 =	vpop (erf)  }
0x3ed: {  	vm15 =	veq.s32 v11, $0x5;
	v10 =	vadd.f32 v10, v19;
	v19 =	vsub.f32 v2, v12  }
0x3ee: {  	v17 =	vmul.f32 $1.442695020e+00, v17;
	v14 =	vsel vm14, $0xFF800000, v29;
	vm14 =	veq.s32 v11, $0x3  }
0x3ef: {  	v20 =	vsel vm14, $0xFF800000, v58;
	vm14 =	veq.s32 v11, $0x4;
	v19 =	vmul.f32 $1.442695020e+00, v19  }
0x3f0: {  	v57 =	vsel vm15, $0xFF800000, v60;
	vm15 =	veq.s32 v11, $0xA;
	v56 =	vsel vm14, $0xFF800000, v56  }
0x3f1: {  	vm14 =	veq.s32 v11, $0x6;
	(erf) = vpow2.f32 v19;
	v19 =	vsub.f32 v6, v12  }
0x3f2: {  	v58 =	vsel vm14, $0xFF800000, v61;
	(erf) = vpow2.f32 v17;
	v17 =	vmax.f32 v9, v14  }
0x3f3: {  	vm14 =	veq.s32 v11, $0x7;
	v17 =	vmax.f32 v17, v18;
	v19 =	vmul.f32 $1.442695020e+00, v19  }
0x3f4: {  	v59 =	vsel vm14, $0xFF800000, v63;
	vm14 =	veq.s32 v11, $0x8;
	v17 =	vmax.f32 v17, v20  }
0x3f5: {  	v17 =	vmax.f32 v17, v56;
	(erf) = vpow2.f32 v19;
	v19 =	vsub.f32 v7, v12  }
0x3f6: {  	v1 =	vsel vm15, $0xFF800000, v1;
	v60 =	vsel vm14, $0xFF800000, v43;
	v17 =	vmax.f32 v17, v57  }
0x3f7: {  	vm14 =	veq.s32 v11, $0x9;
	v17 =	vmax.f32 v17, v58;
	v19 =	vmul.f32 $1.442695020e+00, v19  }
0x3f8: {  	v61 =	vsel vm14, $0xFF800000, v46;
	vm14 =	veq.s32 v11, $0xB;
	v17 =	vmax.f32 v17, v59  }
0x3f9: {  	vm15 =	veq.s32 v11, $0xD;
	v0 =	vsel vm14, $0xFF800000, v0;
	v17 =	vmax.f32 v17, v60  }
0x3fa: {  	vm14 =	veq.s32 v11, $0xC;
	(erf) = vpow2.f32 v19;
	v17 =	vmax.f32 v17, v61  }
0x3fb: {  	v3 =	vsel vm15, $0xFF800000, v3;
	v2 =	vsel vm14, $0xFF800000, v2;
	v19 =	vpop (erf);
	v17 =	vmax.f32 v17, v1  }
0x3fc: {  	vm14 =	veq.s32 v11, $0xE;
	v10 =	vadd.f32 v10, v19;
	v17 =	vmax.f32 v17, v0  }
0x3fd: {  	v6 =	vsel vm14, $0xFF800000, v6;
	vm14 =	veq.s32 v11, $0xF;
	v19 =	vpop (erf);
	v17 =	vmax.f32 v17, v2  }
0x3fe: {  	v7 =	vsel vm14, $0xFF800000, v7;
	v10 =	vadd.f32 v10, v19;
	v17 =	vmax.f32 v17, v3  }
0x3ff: {  	vm7 =	veq.f32 v22, v15;
	vm14 =	veq.f32 v8, v15;
	v19 =	vpop (erf);
	v17 =	vmax.f32 v17, v6  }
0x400: {  	v8 =	vsel vm0, $0xF, v34;
	v10 =	vadd.f32 v10, v19;
	v17 =	vmax.f32 v17, v7  }
0x401: {  	vm0 =	veq.f32 v5, v15;
	v62 =	vsel vm1, $0xE, v8;
	vm1 =	veq.f32 v7, v17;
	v7 =	vpop (erf)  }
0x402: {  	v5 =	vsel vm2, $0xD, v62;
	vm15 =	veq.f32 v6, v17;
	v6 =	vadd.f32 v10, v7  }
0x403: {  	vm8 =	veq.f32 v21, v15;
	v5 =	vsel vm4, $0xC, v5;
	vm2 =	veq.f32 v3, v17;
	v3 =	vpop (erf)  }
0x404: {  	vm4 =	veq.f32 v2, v17;
	v7 =	vsub.f32 v17, v12;
	v2 =	vadd.f32 v6, v3  }
0x405: {  	v3 =	vsel vm5, $0xB, v5;
	vm5 =	veq.f32 v0, v17;
	v0 =	vsel vm1, $0xF, v34  }
0x406: {  	v63 =	vmul.f32 $1.442695020e+00, v7;
	vm1 =	veq.f32 v1, v17;
	v0 =	vsel vm15, $0xE, v0  }
0x407: {  	(erf) = vrcp.f32 v2;
	v2 =	vsel vm3, $0xA, v3;
	v0 =	vsel vm2, $0xD, v0  }
0x408: {  	(erf) = vpow2.f32 v63;
	v2 =	vsel vm6, $0x9, v2;
	v0 =	vsel vm4, $0xC, v0  }
0x409: {  	vm15 =	veq.f32 v61, v17;
	v1 =	vsel vm7, $0x8, v2;
	v0 =	vsel vm5, $0xB, v0  }
0x40a: {  	vm6 =	veq.f32 v60, v17;
	v1 =	vsel vm8, $0x7, v1;
	v0 =	vsel vm1, $0xA, v0  }
0x40b: {  	vm7 =	veq.f32 v59, v17;
	v1 =	vsel vm9, $0x6, v1;
	v0 =	vsel vm15, $0x9, v0  }
0x40c: {  	v2 =	vmul.f32 v16, v13;
	v1 =	vsel vm13, $0x5, v1;
	v0 =	vsel vm6, $0x8, v0  }
0x40d: {  	vm8 =	veq.f32 v58, v17;
	v1 =	vsel vm11, $0x4, v1;
	v0 =	vsel vm7, $0x7, v0  }
0x40e: {  	[tilespmem:$0x18050] =	vst v4;
	vm9 =	veq.f32 v57, v17;
	v1 =	vsel vm12, $0x3, v1;
	v0 =	vsel vm8, $0x6, v0  }
0x40f: {  	[tilespmem:$0x18010] =	vst v13;
	vm11 =	veq.f32 v56, v17;
	v1 =	vsel vm10, $0x2, v1;
	v0 =	vsel vm9, $0x5, v0  }
0x410: {  	[tilespmem:$0x18030] =	vst v2;
	vm12 =	veq.f32 v20, v17;
	v1 =	vsel vm14, $0x1, v1;
	v2 =	vpop (erf);
	v0 =	vsel vm11, $0x4, v0  }
0x411: {  	[tilespmem:$0x18060] =	vst v11;
	vm13 =	veq.f32 v18, v17;
	v1 =	vsel vm0, $0x0, v1;
	v3 =	vpop (erf);
	v0 =	vsel vm12, $0x3, v0  }
0x412: {  	vm14 =	veq.f32 v14, v17;
	[tilespmem:$0x18070] =	vst v1;
	v1 =	vmul.f32 v3, v2;
	v0 =	vsel vm13, $0x2, v0  }
0x413: {  	vm15 =	veq.f32 v9, v17;
	[tilespmem:$0x18020] =	vst v2;
	v0 =	vsel vm14, $0x1, v0  }
0x414: {  	[tilespmem:$0x18040] =	vst v1;
	v0 =	vsel vm15, $0x0, v0  }
0x415: {  	[tilespmem:$0x18080] =	vst v0  }
0x416: {  	[hbm4b:s6+s3] =	stream.linear.scatter [tilespmem:s14], [sflag:$0x2], $0x20, $0x38;
	[tilespmem:$0x18090] =	vst v63  }
0x417: {  	_ =	swait.ge [sflag:s15], $0x20  }
0x418: {  	[sflag:s15] =	ssyncset.done $0x0  }
0x419: {  	[sflag:s15] =	ssyncadd.s32 $0xFFFFFFE0  }
0x41a: {  	[hbm4b:s7+s3] =	stream.linear.scatter [tilespmem:s16], [sflag:$0x2], $0x20, $0x38;
	[tilespmem:$0x18090] =	vst v63  }
0x41b: {  	_ =	swait.ge [sflag:s15], $0x20  }
0x41c: {  	[sflag:s15] =	ssyncset.done $0x0  }
0x41d: {  	[sflag:s15] =	ssyncadd.s32 $0xFFFFFFE0  }
0x41e: {  	[hbm4b:s8+s3] =	stream.linear.scatter [tilespmem:s17], [sflag:$0x2], $0x20, $0x38;
	[tilespmem:$0x18090] =	vst v63  }
0x41f: {  	_ =	swait.ge [sflag:s15], $0x20  }
0x420: {  	[sflag:s15] =	ssyncset.done $0x0  }
0x421: {  	[sflag:s15] =	ssyncadd.s32 $0xFFFFFFE0  }
0x422: {  	[hbm4b:s9+s3] =	stream.linear.scatter [tilespmem:s18], [sflag:$0x2], $0x20, $0x38;
	[tilespmem:$0x18090] =	vst v63  }
0x423: {  	_ =	swait.ge [sflag:s15], $0x20  }
0x424: {  	v0 =	vld [tilespmem:$0x1FFF0]  }
0x425: {  	v55 =	vld [tilespmem:$0x1FFE0]  }
0x426: {  	v30 =	vld [tilespmem:$0x1FFB0]  }
0x427: {  	v52 =	vld [tilespmem:$0x1FFD0]  }
0x428: {  	v11 =	vld [tilespmem:$0x1FF70]  }
0x429: {  	v50 =	vld [tilespmem:$0x1FFC0]  }
0x42a: {  	v8 =	vld [tilespmem:$0x1FF60]  }
0x42b: {  	v48 =	vld [tilespmem:$0x1FFA0]  }
0x42c: {  	v14 =	vld [tilespmem:$0x1FF80]  }
0x42d: {  	s19 =	sadd.s32 $0x1, s19;
	v19 =	vld [tilespmem:$0x1FF90]  }
0x42e: {  	p0 =	sne.s32 s19, s10;
	v16 =	vld [tilespmem:$0x1FF40]  }
.Ltmp1:
0x42f: {  	v17 =	vld [tilespmem:$0x1FF50];
	(pc) =	sbr.rel @p0 .LBB2_1-.Ltmp1, $4  }
0x430: {  	v1 =	vld [tilespmem:$0x1FF10]  }
0x431: {  	v12 =	vld [tilespmem:$0x1FF20]  }
0x432: {  	[sflag:s15] =	ssyncset.done $0x0;
	v2 =	vld [tilespmem:$0x1FF00]  }
0x433: {  	v15 =	vld [tilespmem:$0x1FF30];
	[sflag:s15] =	ssyncadd.s32 $0xFFFFFFE0  }
0x434: {  	_ =	sfence.sel $0x180000  }
0x435: {  	[bflag:$0x0] =	sbarrier.arrive $0xFFFF  }
0x436: {  	p0 =	sne.s32 s2, $0x0;
	_ =	strace $0x9000004A  }
0x437: {  	s0 =	sadd.s32 @!p0 $0x100000, s0;
	[bflag:$0x2] =	sbarrier.arrive $0xFFFF  }
0x438: {  	[sflag:s0] =	ssyncadd.tile.s32 @!p0 $0x1;
	_ =	shalt  }
.Lfunc_end2:
_tile_overlayer_lowered:
.L_overlay_start_2:
0x439: {  	(tag) =	ssettag $0x2  }
0x43a: {  	s0 =	rddreg [dreg:$0x0];
	s2 =	stileid.u32  }
0x43b: {  	s1 =	rddreg [dreg:$0x1];
	p0 =	sne.s32 s2, $0x0  }
0x43c: {  	s3 =	rddreg [dreg:$0x2];
	[bflag:$0x3] =	sbarrier.arrive $0xFFFF;
	s2 =	simm.s32 @!p0 $0x1C02  }
0x43d: {  	[timem:s3], [sflag:s2] =	dma.local @!p0 [hbm:s0], s1  }
0x43e: {  	s0 =	simm.s32 @!p0 $0x2  }
0x43f: {  	_ =	swait.ge @!p0 [sflag:s0], s1  }
0x440: {  	s1 =	ssub.s32 @!p0 $0x0, s1;
	[sflag:s0] =	ssyncset.done @!p0 $0x0  }
0x441: {  	[sflag:s0] =	ssyncadd.s32 @!p0 s1  }
0x442: {  	[bflag:$0x3] =	sbarrier.arrive $0xFFFF  }
0x443: {  	_ =	shalt  }

// kernel: sparse-core-data-format-call.cloned.1.call-start
scs
called_computation_lowered:
.L_overlay_start_0:
0x0: {  	s2 =	sld [smem:$0x3FD9]  }
0x1: {  	s3 =	sld [smem:$0x3FFE];
	_ =	sdelay $0x1  }
0x2: {  	s1 =	srdreg.scid  }
0x3: {  	s0 =	sand.u32 $0x1, s1  }
0x4: {  	s18 =	sshll.u32 s0, $0xA;
	s2 =	sadd.s32 s3, s2  }
0x5: {  	s2 =	sadd.s32 s2, s18  }
0x6: {  	[smem:$0x3FC5] =	sst s2  }
0x7: {  	_ = 	snop  }
0x8: {  	s2 =	sld [smem:$0x3FC9];
	(tm) =	ssettm $0x1  }
0x9: {  	s19 =	sld [smem:$0x3FFB];
	_ =	sdelay $0x3  }
0xa: {  	_ =	strace s19  }
0xb: {  	s3 =	sld [smem:$0x3FFC];
	_ =	sdelay $0x3  }
0xc: {  	_ =	strace s3  }
0xd: {  	s3 =	sld [smem:$0x3FFD];
	_ =	sdelay $0x3  }
0xe: {  	_ =	strace s3  }
0xf: {  	_ =	strace $0x8FFFFFFF  }
0x10: {  	s20 =	sld [smem:$0x3FDB];
	_ =	sdelay $0x1  }
0x11: {  	s4 =	simm.s32 $_scs_section_size  }
0x12: {  	s5 =	simm.s32 $_size__tile_overlayer_lowered;
	s6 =	simm.s32 $_tile_overlayer_lowered  }
0x13: {  	s23 =	simm.s32 $0x1BFF;
	s22 =	sshll.u32 s6, $0x1;
	s3 =	sadd.s32 s4, s20  }
0x14: {  	s7 =	simm.s32 $0x0;
	s21 =	sshll.u32 s5, $0x1;
	s5 =	sadd.s32 s22, s3  }
0x15: {  	[timem:s7], [sflag:s23] =	dma.local [hbm:s5], s21  }
0x16: {  	_ =	swait.ge [sflag:s23], s21  }
0x17: {  	s4 =	ssub.s32 $0x0, s21;
	[sflag:s23] =	ssyncset.done $0x0  }
0x18: {  	[sflag:s23] =	ssyncadd.s32 s4;
	_ =	sdelay $0x1  }
0x19: {  	s24 =	simm.s32 $0x1B8B  }
0x1a: {  	_ =	swait.ge [sflag:s24], $0x1  }
0x1b: {  	[sflag:s24] =	ssyncset.done $0x0  }
0x1c: {  	s26 =	simm.s32 $0x1B8E;
	s25 =	sld [smem:$0x3FFE];
	[sflag:s24] =	ssyncadd.s32 $0xFFFFFFFF  }
0x1d: {  	s27 =	simm.s32 $execute0_lowered;
	[smem:$0x3FD2] =	sst s26  }
0x1e: {  	s5 =	sshll.u32 s27, $0x1;
	_ =	strace $0x80000046;
	[dreg:$0x1] =	wrdreg $0xFFFFFFFF  }
0x1f: {  	s28 =	simm.s32 $_size_execute0_lowered;
	s3 =	sadd.s32 s3, s5;
	[dreg:$0x0] =	wrdreg $0x0  }
0x20: {  	s5 =	sshll.u32 s28, $0x1;
	[dreg:$0x2] =	wrdreg s3  }
0x21: {  	[dreg:$0x3] =	wrdreg s5  }
0x22: {  	[dreg:$0x4] =	wrdreg $0xC0  }
0x23: {  	_ =	task [dreg:s7], $0x5FFFF  }
0x24: {  	[dreg:$0x1] =	wrdreg $0xFFFFFFFF  }
0x25: {  	[dreg:$0x0] =	wrdreg $0x60  }
0x26: {  	[dreg:$0x2] =	wrdreg s2  }
0x27: {  	[dreg:$0x3] =	wrdreg s25  }
0x28: {  	[dreg:$0x4] =	wrdreg $0x9  }
0x29: {  	_ =	task.clear_ibuf [dreg:s7], $0x5FFFF;
	_ =	strace $0x90000046  }
0x2a: {  	s29 =	simm.s32 $0x9;
	_ =	strace $0x80000048  }
0x2b: {  	_ =	swait.ge [sflag:s29], $0x1  }
0x2c: {  	[sflag:s29] =	ssyncadd.s32 $0xFFFFFFFF  }
0x2d: {  	_ =	strace $0x90000048  }
0x2e: {  	_ =	sfence  }
0x2f: {  	s30 =	sld [smem:$0x0];
	_ =	sdelay $0x2  }
0x30: {  	s31 =	sshll.u32 s1, $0xD;
	s1 =	sshrl.u32 s1, $0x2  }
0x31: {  	s3 =	sand.u32 $0x4000, s31;
	s1 =	sadd.s32 s1, s30  }
0x32: {  	s0 =	sor.u32 s3, s0;
	s1 =	sshll.u32 s1, $0x11  }
0x33: {  	s0 =	sor.u32 s1, s0  }
0x34: {  	s0 =	sadd.s32 $0x8F2B, s0  }
0x35: {  	[sflag:s0] =	ssyncadd.remote.s32 $0x1  }
0x36: {  	_ =	sfence.sel $0xFFFF  }
0x37: {  	[dreg:$0x0] =	wrdreg $0xFFFFFFFF;
	(pc) =	sbr.abs _section_cstart, $3  }
0x38: {  	[dreg:$0x1] =	wrdreg $0xFFFFFFFF  }
0x39: {  	_ =	task.clear_ibuf [dreg:s7], $0x2FFFF;
	_ =	strace $0x9FFFFFFF  }
0x3a: {  	(tm) =	ssettm $0x7FFFFFFF  }
0x3b: {  	_ =	shalt  }
tec
execute0_lowered:
.L_overlay_start_1:
0x0: {  	(tag) =	ssettag $0x1  }
0x1: {  	s2 =	rddreg [dreg:$0x0]  }
0x2: {  	s1 =	rddreg [dreg:$0x1]  }
0x3: {  	s0 =	rddreg [dreg:$0x2];
	_ =	strace $0x80000047;
	s4 =	srdreg.scid  }
.Ltmp0:
0x4: {  	s6 =	simm.s32 $0x2;
	p0 =	por $0x0, $0x0;
	(pc) =	sbr.rel .LBB1_1-.Ltmp0, $4  }
0x5: {  	s9 =	simm.s32 $0x0;
	s3 =	sadd.s32 $0x1200, s1;
	s5 =	sshll.u32 s4, $0x4  }
0x6: {  	s1 =	stileid.u32;
	s4 =	simm.s32 $0x1;
	s5 =	sand.u32 $0x10, s5  }
0x7: {  	s7 =	simm.s32 $0x0;
	[sflag:s4] =	ssyncpa.u1 $0x0;
	s5 =	sor.u32 s1, s5  }
0x8: {  	[sflag:s6] =	ssyncpa.u1 $0x0;
	s6 =	simm.s32 $0x0;
	s8 =	smov.u32 s5  }
.LBB1_7:
0x9: {  	s11 =	sadd.s32 $0x20, s8  }
0xa: {  	p1 =	slt.u32 s7, $0x2;
	s7 =	sadd.s32 $0x1, s7;
	p2 =	sgt.s32 s11, $0x3FF  }
0xb: {  	s11 =	smov.u32 @p2 s5;
	p2 =	sne.s32 s7, $0x22  }
.Ltmp1:
0xc: {  	_ = 	snop;
	(pc) =	sbr.rel @!p2 .LBB1_8-.Ltmp1, $4  }
0xd: {  	s10 =	simm.s32 @!p1 $0x2  }
0xe: {  	_ =	swait.ge @!p1 [sflag:s10], $0x4000  }
0xf: {  	s9 =	smov.u32 s8;
	[sflag:s10] =	ssyncset.done @!p1 $0x0  }
0x10: {  	p0 =	por !p0, !p0;
	s8 =	smov.u32 s11;
	[sflag:s10] =	ssyncadd.s32 @!p1 $0xFFFFC000  }
.LBB1_1:
0x11: {  	p1 =	sgt.u32 s7, $0x1F  }
0x12: {  	s10 =	sxor.u32 @!p1 $0xFFFFFFFF, s7  }
0x13: {  	s11 =	sshll.u32 @!p1 s8, $0xB;
	s10 =	sshll.u32 @!p1 s10, $0xE  }
0x14: {  	s12 =	simm.s32 @!p1 $0x0;
	s11 =	sadd.s32 @!p1 s2, s11;
	s10 =	sand.u32 @!p1 $0x4000, s10  }
0x15: {  	[tilespmem:s10], [sflag:$0x1] =	stream.linear.gather @!p1 [hbm4b:s11+s12], $0x4000, $0x38;
	[tilespmem:$0x10000] =	vst v63  }
0x16: {  	p1 =	seq.s32 s7, $0x0  }
0x17: {  	p2 =	seq.s32 @!p1 s7, $0x21  }
0x18: {  	p1 =	por p1, p2  }
.Ltmp2:
0x19: {  	_ = 	snop;
	(pc) =	sbr.rel @p1 .LBB1_7-.Ltmp2, $1  }
0x1a: {  	_ =	sdelay $0x3  }
0x1b: {  	s10 =	simm.s32 $0x1;
	_ =	swait.ge [sflag:s4], $0x4000;
	s12 =	sshll.u32 s7, $0xE  }
0x1c: {  	s13 =	simm.s32 $0x0;
	s10 =	simm.s32 @!p0 $0x0;
	[sflag:s4] =	ssyncset.done $0x0  }
0x1d: {  	s12 =	sand.u32 $0x4000, s12;
	s11 =	sshll.u32 s10, $0xE;
	[sflag:s4] =	ssyncadd.s32 $0xFFFFC000  }
0x1e: {  	s12 =	sor.u32 $0x8000, s12;
	s10 =	sor.u32 $0x8040, s11;
	s11 =	sor.u32 $0x40, s11  }
.LBB1_3:
0x1f: {  	v0 =	vmov s11;
	_ =	sdelay $0x3  }
0x20: {  	s15 =	simm.s32 $0x0  }
0x21: {  	v6 =	vld.idx.msk [tilespmem:v0+s15+$0x30 ss:$0x1], $0xffff  }
0x22: {  	v7 =	vld.idx.msk [tilespmem:v0+s15+$0xFFFFFFC0 ss:$0x1], $0xffff  }
0x23: {  	v5 =	vld.idx.msk [tilespmem:v0+s15+$0xFFFFFFD0 ss:$0x1], $0xffff  }
0x24: {  	v4 =	vld.idx.msk [tilespmem:v0+s15+$0xFFFFFFE0 ss:$0x1], $0xffff  }
0x25: {  	v3 =	vld.idx.msk [tilespmem:v0+s15+$0xFFFFFFF0 ss:$0x1], $0xffff  }
0x26: {  	v1 =	vld.idx.msk [tilespmem:v0+s15+$0x0 ss:$0x1], $0xffff  }
0x27: {  	v2 =	vld.idx.msk [tilespmem:v0+s15+$0x10 ss:$0x1], $0xffff;
	[tilespmem:s10+$0x30] =	vst v6  }
0x28: {  	s14 =	simm.s32 $0x80;
	s16 =	simm.s32 $0x400;
	[tilespmem:s10+$0xFFFFFFC0] =	vst v7;
	v6 =	vld.idx.msk [tilespmem:v0+s15+$0x20 ss:$0x1], $0xffff;
	s15 =	smov.u32 s10  }
.LBB1_4:
0x29: {  	p1 =	sne.s32 s16, $0xE00;
	v7 =	vld.idx.msk [tilespmem:v0+s14+$0x30 ss:$0x1], $0xffff;
	[tilespmem:s15+$0xFFFFFFD0] =	vst v5  }
0x2a: {  	v8 =	vld.idx.msk [tilespmem:v0+s14+$0xFFFFFFC0 ss:$0x1], $0xffff;
	[tilespmem:s15+$0xFFFFFFE0] =	vst v4  }
0x2b: {  	v5 =	vld.idx.msk [tilespmem:v0+s14+$0xFFFFFFD0 ss:$0x1], $0xffff;
	[tilespmem:s15+$0xFFFFFFF0] =	vst v3  }
.Ltmp3:
0x2c: {  	v4 =	vld.idx.msk [tilespmem:v0+s14+$0xFFFFFFE0 ss:$0x1], $0xffff;
	[tilespmem:s15+$0x0] =	vst v1;
	(pc) =	sbr.rel @p1 .LBB1_4-.Ltmp3, $4  }
0x2d: {  	v3 =	vld.idx.msk [tilespmem:v0+s14+$0xFFFFFFF0 ss:$0x1], $0xffff;
	[tilespmem:s15+$0x10] =	vst v2  }
0x2e: {  	v1 =	vld.idx.msk [tilespmem:v0+s14+$0x0 ss:$0x1], $0xffff;
	[tilespmem:s15+$0x20] =	vst v6;
	s15 =	sadd.s32 $0x800, s15  }
0x2f: {  	v2 =	vld.idx.msk [tilespmem:v0+s14+$0x10 ss:$0x1], $0xffff;
	[tilespmem:s15+$0x30] =	vst v7  }
0x30: {  	[tilespmem:s15+$0xFFFFFFC0] =	vst v8;
	v6 =	vld.idx.msk [tilespmem:v0+s14+$0x20 ss:$0x1], $0xffff;
	s14 =	sshra.s32 s16, $0x2;
	s16 =	sadd.s32 $0x200, s16  }
0x31: {  	_ =	sdelay $0x2  }
0x32: {  	[tilespmem:s15+$0xFFFFFFD0] =	vst v5  }
0x33: {  	v56 =	vld.idx.msk [tilespmem:v0+s14+$0x30 ss:$0x1], $0xffff;
	[tilespmem:s15+$0xFFFFFFE0] =	vst v4  }
0x34: {  	v57 =	vld.idx.msk [tilespmem:v0+s14+$0xFFFFFFC0 ss:$0x1], $0xffff;
	[tilespmem:s15+$0xFFFFFFF0] =	vst v3  }
0x35: {  	v58 =	vld.idx.msk [tilespmem:v0+s14+$0xFFFFFFD0 ss:$0x1], $0xffff;
	[tilespmem:s15+$0x0] =	vst v1  }
0x36: {  	v59 =	vld.idx.msk [tilespmem:v0+s14+$0xFFFFFFE0 ss:$0x1], $0xffff;
	[tilespmem:s15+$0x10] =	vst v2  }
0x37: {  	v60 =	vld.idx.msk [tilespmem:v0+s14+$0xFFFFFFF0 ss:$0x1], $0xffff;
	s31 =	sadd.s32 $0x800, s15;
	[tilespmem:s15+$0x20] =	vst v6  }
0x38: {  	v61 =	vld.idx.msk [tilespmem:v0+s14+$0x0 ss:$0x1], $0xffff;
	[tilespmem:s31+$0x30] =	vst v56  }
0x39: {  	v62 =	vld.idx.msk [tilespmem:v0+s14+$0x10 ss:$0x1], $0xffff;
	s13 =	sadd.s32 $0x1, s13;
	[tilespmem:s31+$0xFFFFFFC0] =	vst v57  }
0x3a: {  	v63 =	vld.idx.msk [tilespmem:v0+s14+$0x20 ss:$0x1], $0xffff;
	p1 =	sne.s32 s13, $0x10;
	[tilespmem:s31+$0xFFFFFFD0] =	vst v58  }
.Ltmp4:
0x3b: {  	[tilespmem:s31+$0xFFFFFFE0] =	vst v59;
	(pc) =	sbr.rel @p1 .LBB1_3-.Ltmp4, $4  }
0x3c: {  	[tilespmem:s31+$0xFFFFFFF0] =	vst v60  }
0x3d: {  	[tilespmem:s31+$0x0] =	vst v61  }
0x3e: {  	[tilespmem:s31+$0x10] =	vst v62  }
0x3f: {  	s10 =	sadd.s32 $0x80, s10;
	s11 =	sadd.s32 $0x400, s11;
	[tilespmem:s31+$0x20] =	vst v63  }
.Ltmp5:
0x40: {  	(pc) =	sbr.rel .LBB1_7-.Ltmp5, $4  }
0x41: {  	_ = 	snop  }
0x42: {  	s9 =	sshll.u32 s9, $0xB  }
0x43: {  	s9 =	sadd.s32 s3, s9  }
0x44: {  	[hbm4b:s9+s6] =	stream.linear.scatter [tilespmem:s12], [sflag:$0x2], $0x4000, $0x38;
	[tilespmem:$0x10000] =	vst v63  }
.LBB1_8:
0x45: {  	_ =	sfence.sel $0x180000  }
0x46: {  	s2 =	simm.s32 $0x1;
	[bflag:$0x0] =	sbarrier.arrive $0xFFFF  }
0x47: {  	s31 =	simm.s32 $0x2;
	[sflag:s2] =	ssyncpa.u1 $0x1  }
0x48: {  	[sflag:s31] =	ssyncpa.u1 $0x1  }
0x49: {  	p0 =	sne.s32 s1, $0x0;
	_ =	strace $0x90000047  }
0x4a: {  	s0 =	sadd.s32 @!p0 $0x100000, s0;
	[bflag:$0x2] =	sbarrier.arrive $0xFFFF  }
0x4b: {  	[sflag:s0] =	ssyncadd.tile.s32 @!p0 $0x1;
	_ =	shalt  }
.Lfunc_end1:
_tile_overlayer_lowered:
.L_overlay_start_2:
0x4c: {  	(tag) =	ssettag $0x2  }
0x4d: {  	s0 =	rddreg [dreg:$0x0];
	s2 =	stileid.u32  }
0x4e: {  	s1 =	rddreg [dreg:$0x1];
	p0 =	sne.s32 s2, $0x0  }
0x4f: {  	s3 =	rddreg [dreg:$0x2];
	[bflag:$0x3] =	sbarrier.arrive $0xFFFF;
	s2 =	simm.s32 @!p0 $0x1C01  }
0x50: {  	[timem:s3], [sflag:s2] =	dma.local @!p0 [hbm:s0], s1  }
0x51: {  	s0 =	simm.s32 @!p0 $0x1  }
0x52: {  	_ =	swait.ge @!p0 [sflag:s0], s1  }
0x53: {  	s1 =	ssub.s32 @!p0 $0x0, s1;
	[sflag:s0] =	ssyncset.done @!p0 $0x0  }
0x54: {  	[sflag:s0] =	ssyncadd.s32 @!p0 s1  }
0x55: {  	[bflag:$0x3] =	sbarrier.arrive $0xFFFF  }
0x56: {  	_ =	shalt  }

</sc_bundles>
